<compile_context>
chip_gen: v7x
topology: tpu7x:2x2x1
jax: 0.10.2.dev20260603
libtpu: 0.0.44.dev20260713+nightly
codegen_flags: <defaults>
</compile_context>

<pallas_src>
import functools

import jax
import jax.numpy as jnp
from jax import lax
from jax.experimental import pallas as pl
from jax.experimental.pallas import tpu as pltpu
from jax.experimental.pallas import tpu_sc as plsc

_L = 16
_PP = 32
_TC = 128


def _sc_embed(idx_hbm, tablet_hbm, scales_hbm, out_hbm,
              idx_v, buf_a, buf_b, out_v, sc_v, sem_a, sem_b,
              *, b_per_w, d, v_cols):
    n_phases = b_per_w // _PP
    max_tile_start = ((v_cols - 1) // _TC) * _TC

    wid = lax.axis_index("s") * 2 + lax.axis_index("c")
    base = wid * b_per_w

    pltpu.sync_copy(scales_hbm, sc_v)
    pltpu.sync_copy(idx_hbm.at[pl.ds(base, b_per_w)], idx_v)

    lane = lax.iota(jnp.int32, _L)
    lane_pt = lax.shift_right_logical(lane, 3)
    lane_col = lax.bitwise_and(lane, d - 1)
    s = sc_v[...]

    def issue_phase(p, buf, sem):
        for h in range(_PP // _L):
            ids = idx_v[pl.ds(p * _PP + h * _L, _L)]
            starts = lax.shift_left(lax.shift_right_logical(ids, 7), 7)
            for l in range(_L):
                c0 = jnp.sum(jnp.where(lane == l, starts, 0))
                c0 = lax.min(lax.max(c0, 0), max_tile_start)
                c0 = pl.multiple_of(c0, _TC)
                pltpu.async_copy(
                    tablet_hbm.at[:, pl.ds(c0, _TC)],
                    buf.at[:, pl.ds((h * _L + l) * _TC, _TC)],
                    sem,
                )

    def drain_phase(buf, sem):
        pltpu.make_async_copy(
            tablet_hbm.at[:, pl.ds(0, _PP * _TC)], buf, sem
        ).wait()

    def extract_phase(p, buf):
        def body(g, carry):
            slot = lane_pt + g * 2
            ids = plsc.load_gather(idx_v, [p * _PP + slot])
            col = slot * _TC + lax.bitwise_and(ids, _TC - 1)
            v = plsc.load_gather(buf, [lane_col, col])
            out_v[pl.ds(p * _PP * d + g * _L, _L)] = v * s
            return carry

        lax.fori_loop(0, _PP * d // _L, body, 0)

    issue_phase(0, buf_a, sem_a)

    def phase_loop(p, carry):
        even = lax.rem(p, 2) == 0

        @pl.when(even)
        def _():
            @pl.when(p + 1 < n_phases)
            def _():
                issue_phase_dyn(p + 1, buf_b, sem_b)
            drain_phase(buf_a, sem_a)
            extract_phase_dyn(p, buf_a)

        @pl.when(jnp.logical_not(even))
        def _():
            @pl.when(p + 1 < n_phases)
            def _():
                issue_phase_dyn(p + 1, buf_a, sem_a)
            drain_phase(buf_b, sem_b)
            extract_phase_dyn(p, buf_b)

        return carry

    def issue_phase_dyn(p, buf, sem):
        issue_phase(p, buf, sem)

    def extract_phase_dyn(p, buf):
        extract_phase(p, buf)

    lax.fori_loop(0, n_phases, phase_loop, 0)
    pltpu.sync_copy(out_v, out_hbm.at[pl.ds(base * d, b_per_w * d)])


def kernel(point_id, cffs_scaled, cff_scales):
    b = point_id.shape[0]
    v, d = cffs_scaled.shape
    nw = 32
    b_per_w = b // nw

    idx = point_id.astype(jnp.int32)
    tablet = cffs_scaled.T
    scales16 = jnp.tile(cff_scales, _L // d)

    run = pl.kernel(
        functools.partial(_sc_embed, b_per_w=b_per_w, d=d, v_cols=v),
        out_type=jax.ShapeDtypeStruct((b * d,), jnp.float32),
        mesh=plsc.VectorSubcoreMesh(core_axis_name="c", subcore_axis_name="s"),
        compiler_params=pltpu.CompilerParams(needs_layout_passes=False),
        scratch_types=[
            pltpu.VMEM((b_per_w,), jnp.int32),
            pltpu.VMEM((d, _PP * _TC), jnp.float32),
            pltpu.VMEM((d, _PP * _TC), jnp.float32),
            pltpu.VMEM((b_per_w * d,), jnp.float32),
            pltpu.VMEM((_L,), jnp.float32),
            pltpu.SemaphoreType.DMA,
            pltpu.SemaphoreType.DMA,
        ],
    )
    out = run(idx, tablet, scales16)
    return out.reshape(b, d)

# --- scband reference (transcript-rebuilt; emitter-appended) ---
"""Pipeline reference for scband-cffembedding-model-4458176053907 (READ-ONLY COPY).

The authoritative reference and input builder live on the scoring server;
editing this copy changes nothing except your own understanding.
"""

import jax, jax.numpy as jnp
import numpy as np

N_POINTS = 1000000
BATCH = 16384

def setup_inputs(seed: int = 0) -> dict:
    key = jax.random.key(seed)
    k1, k2 = jax.random.split(key)
    point_id = jax.random.randint(k1, (BATCH,), 0, N_POINTS, dtype=jnp.int64 if jax.config.jax_enable_x64 else jnp.int32)
    # learned parameter: cffs_scaled, init 0.05 * randn
    cffs_scaled = 0.05 * jax.random.normal(k2, (N_POINTS, 8), dtype=jnp.float32)
    # buffer: cff_scales
    cff_scales = jnp.asarray([1.0, 0.5, 2.0, 1.5, 0.8, 1.2, 0.3, 2.5], dtype=jnp.float32)
    return {"point_id": point_id, "cffs_scaled": cffs_scaled, "cff_scales": cff_scales}

def reference(point_id, cffs_scaled, cff_scales):
    # c = self.cffs_scaled[point_id]; return c * self.cff_scales
    c = jnp.take(cffs_scaled, point_id, axis=0)
    return c * cff_scales

if __name__ == "__main__":
    import jax
    _d = setup_inputs()
    print(jax.jit(kernel)(*tuple(_d.values())))

</pallas_src>

<mosaic_0001>
#map = affine_map<(d0, d1) -> (0)>
#map1 = affine_map<(d0, d1) -> (0, 0)>
module attributes {stable_mosaic.version = 14 : i64} {
  func.func @_sc_embed(%arg0: i32, %arg1: i32, %arg2: memref<16384xi32, #tpu.memory_space<hbm>>, %arg3: memref<8x1000000xf32, #tpu.memory_space<hbm>>, %arg4: memref<16xf32, #tpu.memory_space<hbm>>, %arg5: memref<131072xf32, #tpu.memory_space<hbm>>, %arg6: memref<512xi32, #tpu.memory_space<vmem>>, %arg7: memref<8x4096xf32, #tpu.memory_space<vmem>>, %arg8: memref<8x4096xf32, #tpu.memory_space<vmem>>, %arg9: memref<4096xf32, #tpu.memory_space<vmem>>, %arg10: memref<16xf32, #tpu.memory_space<vmem>>, %arg11: memref<!tpu.dma_semaphore, #tpu.memory_space<semaphore_mem>>, %arg12: memref<!tpu.dma_semaphore, #tpu.memory_space<semaphore_mem>>) attributes {dimension_semantics = [#tpu.dimension_semantics<core_parallel>, #tpu.dimension_semantics<subcore_parallel>], iteration_bounds = array<i64: 2, 16>, scalar_prefetch = 0 : i64, scratch_operands = 7 : i64, tpu.core_type = #tpu.core_type<sc_vector_subcore>, window_params = [{transform_indices = #map}, {transform_indices = #map1}, {transform_indices = #map}, {transform_indices = #map}]} {
    %mul3A = arith.constant 2 : i32
    %mul3A_0 = arith.muli %arg1, %mul3A : i32
    %add3A = arith.addi %mul3A_0, %arg0 : i32
    %mul3A_1 = arith.constant 512 : i32
    %mul3A_2 = arith.muli %add3A, %mul3A_1 : i32
    "tpu.region"() ({
      %run_scoped3A = tpu.sem_alloc : memref<!tpu.dma_semaphore, #tpu.memory_space<semaphore_mem>>
      tpu.enqueue_dma source(%arg4 : memref<16xf32, #tpu.memory_space<hbm>>) target(%arg10 : memref<16xf32, #tpu.memory_space<vmem>>) target_semaphore(%run_scoped3A : memref<!tpu.dma_semaphore, #tpu.memory_space<semaphore_mem>>)
      tpu.wait_dma2 semaphore(%run_scoped3A : memref<!tpu.dma_semaphore, #tpu.memory_space<semaphore_mem>>) src(%arg4 : memref<16xf32, #tpu.memory_space<hbm>>) dst(%arg10 : memref<16xf32, #tpu.memory_space<vmem>>)
      tpu.yield
    }) : () -> ()
    "tpu.region"() ({
      %run_scoped3A = tpu.sem_alloc : memref<!tpu.dma_semaphore, #tpu.memory_space<semaphore_mem>>
      %dma_start3A_821 = tpu.memref_slice %arg2[%mul3A_2] : memref<16384xi32, #tpu.memory_space<hbm>> -> memref<512xi32, #tpu.memory_space<hbm>>
      %dma_start3A_822 = tpu.memref_slice %arg2[%mul3A_2] : memref<16384xi32, #tpu.memory_space<hbm>> -> memref<512xi32, #tpu.memory_space<hbm>>
      tpu.enqueue_dma source(%dma_start3A_822 : memref<512xi32, #tpu.memory_space<hbm>>) target(%arg6 : memref<512xi32, #tpu.memory_space<vmem>>) target_semaphore(%run_scoped3A : memref<!tpu.dma_semaphore, #tpu.memory_space<semaphore_mem>>)
      %dma_wait3A = tpu.memref_slice %arg2[%mul3A_2] : memref<16384xi32, #tpu.memory_space<hbm>> -> memref<512xi32, #tpu.memory_space<hbm>>
      %dma_wait3A_823 = tpu.memref_slice %arg2[%mul3A_2] : memref<16384xi32, #tpu.memory_space<hbm>> -> memref<512xi32, #tpu.memory_space<hbm>>
      tpu.wait_dma2 semaphore(%run_scoped3A : memref<!tpu.dma_semaphore, #tpu.memory_space<semaphore_mem>>) src(%dma_wait3A_823 : memref<512xi32, #tpu.memory_space<hbm>>) dst(%arg6 : memref<512xi32, #tpu.memory_space<vmem>>)
      tpu.yield
    }) : () -> ()
    %iota3A = tpu.iota {dimensions = array<i32: 0>} : vector<16xi32>
    %shift_right_logical3A = arith.constant 3 : i32
    %shift_right_logical3A_3 = vector.broadcast %shift_right_logical3A : i32 to vector<16xi32>
    %shift_right_logical3A_4 = arith.shrui %iota3A, %shift_right_logical3A_3 : vector<16xi32>
    %and3A = arith.constant 7 : i32
    %and3A_5 = vector.broadcast %and3A : i32 to vector<16xi32>
    %and3A_6 = arith.andi %iota3A, %and3A_5 : vector<16xi32>
    %get3A = arith.constant 0 : index
    %get3A_7 = tpu.vector_load %arg10[%get3A] {strides = array<i32>} : memref<16xf32, #tpu.memory_space<vmem>>, vector<16xf32>,
    %get3A_8 = arith.constant 0 : index
    %get3A_9 = tpu.vector_load %arg6[%get3A_8] {strides = array<i32>} : memref<512xi32, #tpu.memory_space<vmem>>, vector<16xi32>,
    %shift_right_logical3A_10 = arith.constant 7 : i32
    %shift_right_logical3A_11 = vector.broadcast %shift_right_logical3A_10 : i32 to vector<16xi32>
    %shift_right_logical3A_12 = arith.shrui %get3A_9, %shift_right_logical3A_11 : vector<16xi32>
    %shift_left3A = arith.constant 7 : i32
    %shift_left3A_13 = vector.broadcast %shift_left3A : i32 to vector<16xi32>
    %shift_left3A_14 = arith.shli %shift_right_logical3A_12, %shift_left3A_13 : vector<16xi32>
    %eq3A = arith.constant 0 : i32
    %eq3A_15 = vector.broadcast %eq3A : i32 to vector<16xi32>
    %eq3A_16 = arith.cmpi eq, %iota3A, %eq3A_15 : vector<16xi32>
    %jit3A = arith.constant 0 : i32
    %broadcast_in_dim3A = vector.broadcast %jit3A : i32 to vector<16xi32>
    %select_n3A = arith.select %eq3A_16, %shift_left3A_14, %broadcast_in_dim3A : vector<16xi1>, vector<16xi32>
    %reduce_sum3A = arith.constant true
    %reduce_sum3A_17 = vector.broadcast %reduce_sum3A : i1 to vector<16xi1>
    %reduce_sum3A_18 = tpu.scan <sum>, %select_n3A masked %reduce_sum3A_17 : vector<16xi32>, vector<16xi1> -> vector<16xi32>
    %reduce_sum3A_19 = vector.extract %reduce_sum3A_18[15] : i32 from vector<16xi32>
    %max3A = arith.constant 0 : i32
    %max3A_20 = arith.maxsi %reduce_sum3A_19, %max3A : i32
    %min3A = arith.constant 999936 : i32
    %min3A_21 = arith.minsi %max3A_20, %min3A : i32
    %multiple_of3A = tpu.assume_multiple %min3A_21, 128 : i32
    %dma_start3A = arith.constant 0 : i32
    %dma_start3A_22 = arith.constant 0 : i32
    %dma_start3A_23 = tpu.memref_slice %arg7[%dma_start3A, %dma_start3A_22] : memref<8x4096xf32, #tpu.memory_space<vmem>> -> memref<8x128xf32, #tpu.memory_space<vmem>>
    %dma_start3A_24 = arith.constant 0 : i32
    %dma_start3A_25 = tpu.memref_slice %arg3[%dma_start3A_24, %multiple_of3A] : memref<8x1000000xf32, #tpu.memory_space<hbm>> -> memref<8x128xf32, #tpu.memory_space<hbm>>
    %dma_start3A_26 = arith.constant 0 : i32
    %dma_start3A_27 = arith.constant 0 : i32
    %dma_start3A_28 = tpu.memref_slice %arg7[%dma_start3A_26, %dma_start3A_27] : memref<8x4096xf32, #tpu.memory_space<vmem>> -> memref<8x128xf32, #tpu.memory_space<vmem>>
    %dma_start3A_29 = arith.constant 0 : i32
    %dma_start3A_30 = tpu.memref_slice %arg3[%dma_start3A_29, %multiple_of3A] : memref<8x1000000xf32, #tpu.memory_space<hbm>> -> memref<8x128xf32, #tpu.memory_space<hbm>>
    tpu.enqueue_dma source(%dma_start3A_30 : memref<8x128xf32, #tpu.memory_space<hbm>>) target(%dma_start3A_28 : memref<8x128xf32, #tpu.memory_space<vmem>>) target_semaphore(%arg11 : memref<!tpu.dma_semaphore, #tpu.memory_space<semaphore_mem>>)
    %eq3A_31 = arith.constant 1 : i32
    %eq3A_32 = vector.broadcast %eq3A_31 : i32 to vector<16xi32>
    %eq3A_33 = arith.cmpi eq, %iota3A, %eq3A_32 : vector<16xi32>
    %jit3A_34 = arith.constant 0 : i32
    %broadcast_in_dim3A_35 = vector.broadcast %jit3A_34 : i32 to vector<16xi32>
    %select_n3A_36 = arith.select %eq3A_33, %shift_left3A_14, %broadcast_in_dim3A_35 : vector<16xi1>, vector<16xi32>
    %reduce_sum3A_37 = arith.constant true
    %reduce_sum3A_38 = vector.broadcast %reduce_sum3A_37 : i1 to vector<16xi1>
    %reduce_sum3A_39 = tpu.scan <sum>, %select_n3A_36 masked %reduce_sum3A_38 : vector<16xi32>, vector<16xi1> -> vector<16xi32>
    %reduce_sum3A_40 = vector.extract %reduce_sum3A_39[15] : i32 from vector<16xi32>
    %max3A_41 = arith.constant 0 : i32
    %max3A_42 = arith.maxsi %reduce_sum3A_40, %max3A_41 : i32
    %min3A_43 = arith.constant 999936 : i32
    %min3A_44 = arith.minsi %max3A_42, %min3A_43 : i32
    %multiple_of3A_45 = tpu.assume_multiple %min3A_44, 128 : i32
    %dma_start3A_46 = arith.constant 0 : i32
    %dma_start3A_47 = arith.constant 128 : i32
    %dma_start3A_48 = tpu.memref_slice %arg7[%dma_start3A_46, %dma_start3A_47] : memref<8x4096xf32, #tpu.memory_space<vmem>> -> memref<8x128xf32, #tpu.memory_space<vmem>>
    %dma_start3A_49 = arith.constant 0 : i32
    %dma_start3A_50 = tpu.memref_slice %arg3[%dma_start3A_49, %multiple_of3A_45] : memref<8x1000000xf32, #tpu.memory_space<hbm>> -> memref<8x128xf32, #tpu.memory_space<hbm>>
    %dma_start3A_51 = arith.constant 0 : i32
    %dma_start3A_52 = arith.constant 128 : i32
    %dma_start3A_53 = tpu.memref_slice %arg7[%dma_start3A_51, %dma_start3A_52] : memref<8x4096xf32, #tpu.memory_space<vmem>> -> memref<8x128xf32, #tpu.memory_space<vmem>>
    %dma_start3A_54 = arith.constant 0 : i32
    %dma_start3A_55 = tpu.memref_slice %arg3[%dma_start3A_54, %multiple_of3A_45] : memref<8x1000000xf32, #tpu.memory_space<hbm>> -> memref<8x128xf32, #tpu.memory_space<hbm>>
    tpu.enqueue_dma source(%dma_start3A_55 : memref<8x128xf32, #tpu.memory_space<hbm>>) target(%dma_start3A_53 : memref<8x128xf32, #tpu.memory_space<vmem>>) target_semaphore(%arg11 : memref<!tpu.dma_semaphore, #tpu.memory_space<semaphore_mem>>)
    %eq3A_56 = arith.constant 2 : i32
    %eq3A_57 = vector.broadcast %eq3A_56 : i32 to vector<16xi32>
    %eq3A_58 = arith.cmpi eq, %iota3A, %eq3A_57 : vector<16xi32>
    %jit3A_59 = arith.constant 0 : i32
    %broadcast_in_dim3A_60 = vector.broadcast %jit3A_59 : i32 to vector<16xi32>
    %select_n3A_61 = arith.select %eq3A_58, %shift_left3A_14, %broadcast_in_dim3A_60 : vector<16xi1>, vector<16xi32>
    %reduce_sum3A_62 = arith.constant true
    %reduce_sum3A_63 = vector.broadcast %reduce_sum3A_62 : i1 to vector<16xi1>
    %reduce_sum3A_64 = tpu.scan <sum>, %select_n3A_61 masked %reduce_sum3A_63 : vector<16xi32>, vector<16xi1> -> vector<16xi32>
    %reduce_sum3A_65 = vector.extract %reduce_sum3A_64[15] : i32 from vector<16xi32>
    %max3A_66 = arith.constant 0 : i32
    %max3A_67 = arith.maxsi %reduce_sum3A_65, %max3A_66 : i32
    %min3A_68 = arith.constant 999936 : i32
    %min3A_69 = arith.minsi %max3A_67, %min3A_68 : i32
    %multiple_of3A_70 = tpu.assume_multiple %min3A_69, 128 : i32
    %dma_start3A_71 = arith.constant 0 : i32
    %dma_start3A_72 = arith.constant 256 : i32
    %dma_start3A_73 = tpu.memref_slice %arg7[%dma_start3A_71, %dma_start3A_72] : memref<8x4096xf32, #tpu.memory_space<vmem>> -> memref<8x128xf32, #tpu.memory_space<vmem>>
    %dma_start3A_74 = arith.constant 0 : i32
    %dma_start3A_75 = tpu.memref_slice %arg3[%dma_start3A_74, %multiple_of3A_70] : memref<8x1000000xf32, #tpu.memory_space<hbm>> -> memref<8x128xf32, #tpu.memory_space<hbm>>
    %dma_start3A_76 = arith.constant 0 : i32
    %dma_start3A_77 = arith.constant 256 : i32
    %dma_start3A_78 = tpu.memref_slice %arg7[%dma_start3A_76, %dma_start3A_77] : memref<8x4096xf32, #tpu.memory_space<vmem>> -> memref<8x128xf32, #tpu.memory_space<vmem>>
    %dma_start3A_79 = arith.constant 0 : i32
    %dma_start3A_80 = tpu.memref_slice %arg3[%dma_start3A_79, %multiple_of3A_70] : memref<8x1000000xf32, #tpu.memory_space<hbm>> -> memref<8x128xf32, #tpu.memory_space<hbm>>
    tpu.enqueue_dma source(%dma_start3A_80 : memref<8x128xf32, #tpu.memory_space<hbm>>) target(%dma_start3A_78 : memref<8x128xf32, #tpu.memory_space<vmem>>) target_semaphore(%arg11 : memref<!tpu.dma_semaphore, #tpu.memory_space<semaphore_mem>>)
    %eq3A_81 = arith.constant 3 : i32
    %eq3A_82 = vector.broadcast %eq3A_81 : i32 to vector<16xi32>
    %eq3A_83 = arith.cmpi eq, %iota3A, %eq3A_82 : vector<16xi32>
    %jit3A_84 = arith.constant 0 : i32
    %broadcast_in_dim3A_85 = vector.broadcast %jit3A_84 : i32 to vector<16xi32>
    %select_n3A_86 = arith.select %eq3A_83, %shift_left3A_14, %broadcast_in_dim3A_85 : vector<16xi1>, vector<16xi32>
    %reduce_sum3A_87 = arith.constant true
    %reduce_sum3A_88 = vector.broadcast %reduce_sum3A_87 : i1 to vector<16xi1>
    %reduce_sum3A_89 = tpu.scan <sum>, %select_n3A_86 masked %reduce_sum3A_88 : vector<16xi32>, vector<16xi1> -> vector<16xi32>
    %reduce_sum3A_90 = vector.extract %reduce_sum3A_89[15] : i32 from vector<16xi32>
    %max3A_91 = arith.constant 0 : i32
    %max3A_92 = arith.maxsi %reduce_sum3A_90, %max3A_91 : i32
    %min3A_93 = arith.constant 999936 : i32
    %min3A_94 = arith.minsi %max3A_92, %min3A_93 : i32
    %multiple_of3A_95 = tpu.assume_multiple %min3A_94, 128 : i32
    %dma_start3A_96 = arith.constant 0 : i32
    %dma_start3A_97 = arith.constant 384 : i32
    %dma_start3A_98 = tpu.memref_slice %arg7[%dma_start3A_96, %dma_start3A_97] : memref<8x4096xf32, #tpu.memory_space<vmem>> -> memref<8x128xf32, #tpu.memory_space<vmem>>
    %dma_start3A_99 = arith.constant 0 : i32
    %dma_start3A_100 = tpu.memref_slice %arg3[%dma_start3A_99, %multiple_of3A_95] : memref<8x1000000xf32, #tpu.memory_space<hbm>> -> memref<8x128xf32, #tpu.memory_space<hbm>>
    %dma_start3A_101 = arith.constant 0 : i32
    %dma_start3A_102 = arith.constant 384 : i32
    %dma_start3A_103 = tpu.memref_slice %arg7[%dma_start3A_101, %dma_start3A_102] : memref<8x4096xf32, #tpu.memory_space<vmem>> -> memref<8x128xf32, #tpu.memory_space<vmem>>
    %dma_start3A_104 = arith.constant 0 : i32
    %dma_start3A_105 = tpu.memref_slice %arg3[%dma_start3A_104, %multiple_of3A_95] : memref<8x1000000xf32, #tpu.memory_space<hbm>> -> memref<8x128xf32, #tpu.memory_space<hbm>>
    tpu.enqueue_dma source(%dma_start3A_105 : memref<8x128xf32, #tpu.memory_space<hbm>>) target(%dma_start3A_103 : memref<8x128xf32, #tpu.memory_space<vmem>>) target_semaphore(%arg11 : memref<!tpu.dma_semaphore, #tpu.memory_space<semaphore_mem>>)
    %eq3A_106 = arith.constant 4 : i32
    %eq3A_107 = vector.broadcast %eq3A_106 : i32 to vector<16xi32>
    %eq3A_108 = arith.cmpi eq, %iota3A, %eq3A_107 : vector<16xi32>
    %jit3A_109 = arith.constant 0 : i32
    %broadcast_in_dim3A_110 = vector.broadcast %jit3A_109 : i32 to vector<16xi32>
    %select_n3A_111 = arith.select %eq3A_108, %shift_left3A_14, %broadcast_in_dim3A_110 : vector<16xi1>, vector<16xi32>
    %reduce_sum3A_112 = arith.constant true
    %reduce_sum3A_113 = vector.broadcast %reduce_sum3A_112 : i1 to vector<16xi1>
    %reduce_sum3A_114 = tpu.scan <sum>, %select_n3A_111 masked %reduce_sum3A_113 : vector<16xi32>, vector<16xi1> -> vector<16xi32>
    %reduce_sum3A_115 = vector.extract %reduce_sum3A_114[15] : i32 from vector<16xi32>
    %max3A_116 = arith.constant 0 : i32
    %max3A_117 = arith.maxsi %reduce_sum3A_115, %max3A_116 : i32
    %min3A_118 = arith.constant 999936 : i32
    %min3A_119 = arith.minsi %max3A_117, %min3A_118 : i32
    %multiple_of3A_120 = tpu.assume_multiple %min3A_119, 128 : i32
    %dma_start3A_121 = arith.constant 0 : i32
    %dma_start3A_122 = arith.constant 512 : i32
    %dma_start3A_123 = tpu.memref_slice %arg7[%dma_start3A_121, %dma_start3A_122] : memref<8x4096xf32, #tpu.memory_space<vmem>> -> memref<8x128xf32, #tpu.memory_space<vmem>>
    %dma_start3A_124 = arith.constant 0 : i32
    %dma_start3A_125 = tpu.memref_slice %arg3[%dma_start3A_124, %multiple_of3A_120] : memref<8x1000000xf32, #tpu.memory_space<hbm>> -> memref<8x128xf32, #tpu.memory_space<hbm>>
    %dma_start3A_126 = arith.constant 0 : i32
    %dma_start3A_127 = arith.constant 512 : i32
    %dma_start3A_128 = tpu.memref_slice %arg7[%dma_start3A_126, %dma_start3A_127] : memref<8x4096xf32, #tpu.memory_space<vmem>> -> memref<8x128xf32, #tpu.memory_space<vmem>>
    %dma_start3A_129 = arith.constant 0 : i32
    %dma_start3A_130 = tpu.memref_slice %arg3[%dma_start3A_129, %multiple_of3A_120] : memref<8x1000000xf32, #tpu.memory_space<hbm>> -> memref<8x128xf32, #tpu.memory_space<hbm>>
    tpu.enqueue_dma source(%dma_start3A_130 : memref<8x128xf32, #tpu.memory_space<hbm>>) target(%dma_start3A_128 : memref<8x128xf32, #tpu.memory_space<vmem>>) target_semaphore(%arg11 : memref<!tpu.dma_semaphore, #tpu.memory_space<semaphore_mem>>)
    %eq3A_131 = arith.constant 5 : i32
    %eq3A_132 = vector.broadcast %eq3A_131 : i32 to vector<16xi32>
    %eq3A_133 = arith.cmpi eq, %iota3A, %eq3A_132 : vector<16xi32>
    %jit3A_134 = arith.constant 0 : i32
    %broadcast_in_dim3A_135 = vector.broadcast %jit3A_134 : i32 to vector<16xi32>
    %select_n3A_136 = arith.select %eq3A_133, %shift_left3A_14, %broadcast_in_dim3A_135 : vector<16xi1>, vector<16xi32>
    %reduce_sum3A_137 = arith.constant true
    %reduce_sum3A_138 = vector.broadcast %reduce_sum3A_137 : i1 to vector<16xi1>
    %reduce_sum3A_139 = tpu.scan <sum>, %select_n3A_136 masked %reduce_sum3A_138 : vector<16xi32>, vector<16xi1> -> vector<16xi32>
    %reduce_sum3A_140 = vector.extract %reduce_sum3A_139[15] : i32 from vector<16xi32>
    %max3A_141 = arith.constant 0 : i32
    %max3A_142 = arith.maxsi %reduce_sum3A_140, %max3A_141 : i32
    %min3A_143 = arith.constant 999936 : i32
    %min3A_144 = arith.minsi %max3A_142, %min3A_143 : i32
    %multiple_of3A_145 = tpu.assume_multiple %min3A_144, 128 : i32
    %dma_start3A_146 = arith.constant 0 : i32
    %dma_start3A_147 = arith.constant 640 : i32
    %dma_start3A_148 = tpu.memref_slice %arg7[%dma_start3A_146, %dma_start3A_147] : memref<8x4096xf32, #tpu.memory_space<vmem>> -> memref<8x128xf32, #tpu.memory_space<vmem>>
    %dma_start3A_149 = arith.constant 0 : i32
    %dma_start3A_150 = tpu.memref_slice %arg3[%dma_start3A_149, %multiple_of3A_145] : memref<8x1000000xf32, #tpu.memory_space<hbm>> -> memref<8x128xf32, #tpu.memory_space<hbm>>
    %dma_start3A_151 = arith.constant 0 : i32
    %dma_start3A_152 = arith.constant 640 : i32
    %dma_start3A_153 = tpu.memref_slice %arg7[%dma_start3A_151, %dma_start3A_152] : memref<8x4096xf32, #tpu.memory_space<vmem>> -> memref<8x128xf32, #tpu.memory_space<vmem>>
    %dma_start3A_154 = arith.constant 0 : i32
    %dma_start3A_155 = tpu.memref_slice %arg3[%dma_start3A_154, %multiple_of3A_145] : memref<8x1000000xf32, #tpu.memory_space<hbm>> -> memref<8x128xf32, #tpu.memory_space<hbm>>
    tpu.enqueue_dma source(%dma_start3A_155 : memref<8x128xf32, #tpu.memory_space<hbm>>) target(%dma_start3A_153 : memref<8x128xf32, #tpu.memory_space<vmem>>) target_semaphore(%arg11 : memref<!tpu.dma_semaphore, #tpu.memory_space<semaphore_mem>>)
    %eq3A_156 = arith.constant 6 : i32
    %eq3A_157 = vector.broadcast %eq3A_156 : i32 to vector<16xi32>
    %eq3A_158 = arith.cmpi eq, %iota3A, %eq3A_157 : vector<16xi32>
    %jit3A_159 = arith.constant 0 : i32
    %broadcast_in_dim3A_160 = vector.broadcast %jit3A_159 : i32 to vector<16xi32>
    %select_n3A_161 = arith.select %eq3A_158, %shift_left3A_14, %broadcast_in_dim3A_160 : vector<16xi1>, vector<16xi32>
    %reduce_sum3A_162 = arith.constant true
    %reduce_sum3A_163 = vector.broadcast %reduce_sum3A_162 : i1 to vector<16xi1>
    %reduce_sum3A_164 = tpu.scan <sum>, %select_n3A_161 masked %reduce_sum3A_163 : vector<16xi32>, vector<16xi1> -> vector<16xi32>
    %reduce_sum3A_165 = vector.extract %reduce_sum3A_164[15] : i32 from vector<16xi32>
    %max3A_166 = arith.constant 0 : i32
    %max3A_167 = arith.maxsi %reduce_sum3A_165, %max3A_166 : i32
    %min3A_168 = arith.constant 999936 : i32
    %min3A_169 = arith.minsi %max3A_167, %min3A_168 : i32
    %multiple_of3A_170 = tpu.assume_multiple %min3A_169, 128 : i32
    %dma_start3A_171 = arith.constant 0 : i32
    %dma_start3A_172 = arith.constant 768 : i32
    %dma_start3A_173 = tpu.memref_slice %arg7[%dma_start3A_171, %dma_start3A_172] : memref<8x4096xf32, #tpu.memory_space<vmem>> -> memref<8x128xf32, #tpu.memory_space<vmem>>
    %dma_start3A_174 = arith.constant 0 : i32
    %dma_start3A_175 = tpu.memref_slice %arg3[%dma_start3A_174, %multiple_of3A_170] : memref<8x1000000xf32, #tpu.memory_space<hbm>> -> memref<8x128xf32, #tpu.memory_space<hbm>>
    %dma_start3A_176 = arith.constant 0 : i32
    %dma_start3A_177 = arith.constant 768 : i32
    %dma_start3A_178 = tpu.memref_slice %arg7[%dma_start3A_176, %dma_start3A_177] : memref<8x4096xf32, #tpu.memory_space<vmem>> -> memref<8x128xf32, #tpu.memory_space<vmem>>
    %dma_start3A_179 = arith.constant 0 : i32
    %dma_start3A_180 = tpu.memref_slice %arg3[%dma_start3A_179, %multiple_of3A_170] : memref<8x1000000xf32, #tpu.memory_space<hbm>> -> memref<8x128xf32, #tpu.memory_space<hbm>>
    tpu.enqueue_dma source(%dma_start3A_180 : memref<8x128xf32, #tpu.memory_space<hbm>>) target(%dma_start3A_178 : memref<8x128xf32, #tpu.memory_space<vmem>>) target_semaphore(%arg11 : memref<!tpu.dma_semaphore, #tpu.memory_space<semaphore_mem>>)
    %eq3A_181 = arith.constant 7 : i32
    %eq3A_182 = vector.broadcast %eq3A_181 : i32 to vector<16xi32>
    %eq3A_183 = arith.cmpi eq, %iota3A, %eq3A_182 : vector<16xi32>
    %jit3A_184 = arith.constant 0 : i32
    %broadcast_in_dim3A_185 = vector.broadcast %jit3A_184 : i32 to vector<16xi32>
    %select_n3A_186 = arith.select %eq3A_183, %shift_left3A_14, %broadcast_in_dim3A_185 : vector<16xi1>, vector<16xi32>
    %reduce_sum3A_187 = arith.constant true
    %reduce_sum3A_188 = vector.broadcast %reduce_sum3A_187 : i1 to vector<16xi1>
    %reduce_sum3A_189 = tpu.scan <sum>, %select_n3A_186 masked %reduce_sum3A_188 : vector<16xi32>, vector<16xi1> -> vector<16xi32>
    %reduce_sum3A_190 = vector.extract %reduce_sum3A_189[15] : i32 from vector<16xi32>
    %max3A_191 = arith.constant 0 : i32
    %max3A_192 = arith.maxsi %reduce_sum3A_190, %max3A_191 : i32
    %min3A_193 = arith.constant 999936 : i32
    %min3A_194 = arith.minsi %max3A_192, %min3A_193 : i32
    %multiple_of3A_195 = tpu.assume_multiple %min3A_194, 128 : i32
    %dma_start3A_196 = arith.constant 0 : i32
    %dma_start3A_197 = arith.constant 896 : i32
    %dma_start3A_198 = tpu.memref_slice %arg7[%dma_start3A_196, %dma_start3A_197] : memref<8x4096xf32, #tpu.memory_space<vmem>> -> memref<8x128xf32, #tpu.memory_space<vmem>>
    %dma_start3A_199 = arith.constant 0 : i32
    %dma_start3A_200 = tpu.memref_slice %arg3[%dma_start3A_199, %multiple_of3A_195] : memref<8x1000000xf32, #tpu.memory_space<hbm>> -> memref<8x128xf32, #tpu.memory_space<hbm>>
    %dma_start3A_201 = arith.constant 0 : i32
    %dma_start3A_202 = arith.constant 896 : i32
    %dma_start3A_203 = tpu.memref_slice %arg7[%dma_start3A_201, %dma_start3A_202] : memref<8x4096xf32, #tpu.memory_space<vmem>> -> memref<8x128xf32, #tpu.memory_space<vmem>>
    %dma_start3A_204 = arith.constant 0 : i32
    %dma_start3A_205 = tpu.memref_slice %arg3[%dma_start3A_204, %multiple_of3A_195] : memref<8x1000000xf32, #tpu.memory_space<hbm>> -> memref<8x128xf32, #tpu.memory_space<hbm>>
    tpu.enqueue_dma source(%dma_start3A_205 : memref<8x128xf32, #tpu.memory_space<hbm>>) target(%dma_start3A_203 : memref<8x128xf32, #tpu.memory_space<vmem>>) target_semaphore(%arg11 : memref<!tpu.dma_semaphore, #tpu.memory_space<semaphore_mem>>)
    %eq3A_206 = arith.constant 8 : i32
    %eq3A_207 = vector.broadcast %eq3A_206 : i32 to vector<16xi32>
    %eq3A_208 = arith.cmpi eq, %iota3A, %eq3A_207 : vector<16xi32>
    %jit3A_209 = arith.constant 0 : i32
    %broadcast_in_dim3A_210 = vector.broadcast %jit3A_209 : i32 to vector<16xi32>
    %select_n3A_211 = arith.select %eq3A_208, %shift_left3A_14, %broadcast_in_dim3A_210 : vector<16xi1>, vector<16xi32>
    %reduce_sum3A_212 = arith.constant true
    %reduce_sum3A_213 = vector.broadcast %reduce_sum3A_212 : i1 to vector<16xi1>
    %reduce_sum3A_214 = tpu.scan <sum>, %select_n3A_211 masked %reduce_sum3A_213 : vector<16xi32>, vector<16xi1> -> vector<16xi32>
    %reduce_sum3A_215 = vector.extract %reduce_sum3A_214[15] : i32 from vector<16xi32>
    %max3A_216 = arith.constant 0 : i32
    %max3A_217 = arith.maxsi %reduce_sum3A_215, %max3A_216 : i32
    %min3A_218 = arith.constant 999936 : i32
    %min3A_219 = arith.minsi %max3A_217, %min3A_218 : i32
    %multiple_of3A_220 = tpu.assume_multiple %min3A_219, 128 : i32
    %dma_start3A_221 = arith.constant 0 : i32
    %dma_start3A_222 = arith.constant 1024 : i32
    %dma_start3A_223 = tpu.memref_slice %arg7[%dma_start3A_221, %dma_start3A_222] : memref<8x4096xf32, #tpu.memory_space<vmem>> -> memref<8x128xf32, #tpu.memory_space<vmem>>
    %dma_start3A_224 = arith.constant 0 : i32
    %dma_start3A_225 = tpu.memref_slice %arg3[%dma_start3A_224, %multiple_of3A_220] : memref<8x1000000xf32, #tpu.memory_space<hbm>> -> memref<8x128xf32, #tpu.memory_space<hbm>>
    %dma_start3A_226 = arith.constant 0 : i32
    %dma_start3A_227 = arith.constant 1024 : i32
    %dma_start3A_228 = tpu.memref_slice %arg7[%dma_start3A_226, %dma_start3A_227] : memref<8x4096xf32, #tpu.memory_space<vmem>> -> memref<8x128xf32, #tpu.memory_space<vmem>>
    %dma_start3A_229 = arith.constant 0 : i32
    %dma_start3A_230 = tpu.memref_slice %arg3[%dma_start3A_229, %multiple_of3A_220] : memref<8x1000000xf32, #tpu.memory_space<hbm>> -> memref<8x128xf32, #tpu.memory_space<hbm>>
    tpu.enqueue_dma source(%dma_start3A_230 : memref<8x128xf32, #tpu.memory_space<hbm>>) target(%dma_start3A_228 : memref<8x128xf32, #tpu.memory_space<vmem>>) target_semaphore(%arg11 : memref<!tpu.dma_semaphore, #tpu.memory_space<semaphore_mem>>)
    %eq3A_231 = arith.constant 9 : i32
    %eq3A_232 = vector.broadcast %eq3A_231 : i32 to vector<16xi32>
    %eq3A_233 = arith.cmpi eq, %iota3A, %eq3A_232 : vector<16xi32>
    %jit3A_234 = arith.constant 0 : i32
    %broadcast_in_dim3A_235 = vector.broadcast %jit3A_234 : i32 to vector<16xi32>
    %select_n3A_236 = arith.select %eq3A_233, %shift_left3A_14, %broadcast_in_dim3A_235 : vector<16xi1>, vector<16xi32>
    %reduce_sum3A_237 = arith.constant true
    %reduce_sum3A_238 = vector.broadcast %reduce_sum3A_237 : i1 to vector<16xi1>
    %reduce_sum3A_239 = tpu.scan <sum>, %select_n3A_236 masked %reduce_sum3A_238 : vector<16xi32>, vector<16xi1> -> vector<16xi32>
    %reduce_sum3A_240 = vector.extract %reduce_sum3A_239[15] : i32 from vector<16xi32>
    %max3A_241 = arith.constant 0 : i32
    %max3A_242 = arith.maxsi %reduce_sum3A_240, %max3A_241 : i32
    %min3A_243 = arith.constant 999936 : i32
    %min3A_244 = arith.minsi %max3A_242, %min3A_243 : i32
    %multiple_of3A_245 = tpu.assume_multiple %min3A_244, 128 : i32
    %dma_start3A_246 = arith.constant 0 : i32
    %dma_start3A_247 = arith.constant 1152 : i32
    %dma_start3A_248 = tpu.memref_slice %arg7[%dma_start3A_246, %dma_start3A_247] : memref<8x4096xf32, #tpu.memory_space<vmem>> -> memref<8x128xf32, #tpu.memory_space<vmem>>
    %dma_start3A_249 = arith.constant 0 : i32
    %dma_start3A_250 = tpu.memref_slice %arg3[%dma_start3A_249, %multiple_of3A_245] : memref<8x1000000xf32, #tpu.memory_space<hbm>> -> memref<8x128xf32, #tpu.memory_space<hbm>>
    %dma_start3A_251 = arith.constant 0 : i32
    %dma_start3A_252 = arith.constant 1152 : i32
    %dma_start3A_253 = tpu.memref_slice %arg7[%dma_start3A_251, %dma_start3A_252] : memref<8x4096xf32, #tpu.memory_space<vmem>> -> memref<8x128xf32, #tpu.memory_space<vmem>>
    %dma_start3A_254 = arith.constant 0 : i32
    %dma_start3A_255 = tpu.memref_slice %arg3[%dma_start3A_254, %multiple_of3A_245] : memref<8x1000000xf32, #tpu.memory_space<hbm>> -> memref<8x128xf32, #tpu.memory_space<hbm>>
    tpu.enqueue_dma source(%dma_start3A_255 : memref<8x128xf32, #tpu.memory_space<hbm>>) target(%dma_start3A_253 : memref<8x128xf32, #tpu.memory_space<vmem>>) target_semaphore(%arg11 : memref<!tpu.dma_semaphore, #tpu.memory_space<semaphore_mem>>)
    %eq3A_256 = arith.constant 10 : i32
    %eq3A_257 = vector.broadcast %eq3A_256 : i32 to vector<16xi32>
    %eq3A_258 = arith.cmpi eq, %iota3A, %eq3A_257 : vector<16xi32>
    %jit3A_259 = arith.constant 0 : i32
    %broadcast_in_dim3A_260 = vector.broadcast %jit3A_259 : i32 to vector<16xi32>
    %select_n3A_261 = arith.select %eq3A_258, %shift_left3A_14, %broadcast_in_dim3A_260 : vector<16xi1>, vector<16xi32>
    %reduce_sum3A_262 = arith.constant true
    %reduce_sum3A_263 = vector.broadcast %reduce_sum3A_262 : i1 to vector<16xi1>
    %reduce_sum3A_264 = tpu.scan <sum>, %select_n3A_261 masked %reduce_sum3A_263 : vector<16xi32>, vector<16xi1> -> vector<16xi32>
    %reduce_sum3A_265 = vector.extract %reduce_sum3A_264[15] : i32 from vector<16xi32>
    %max3A_266 = arith.constant 0 : i32
    %max3A_267 = arith.maxsi %reduce_sum3A_265, %max3A_266 : i32
    %min3A_268 = arith.constant 999936 : i32
    %min3A_269 = arith.minsi %max3A_267, %min3A_268 : i32
    %multiple_of3A_270 = tpu.assume_multiple %min3A_269, 128 : i32
    %dma_start3A_271 = arith.constant 0 : i32
    %dma_start3A_272 = arith.constant 1280 : i32
    %dma_start3A_273 = tpu.memref_slice %arg7[%dma_start3A_271, %dma_start3A_272] : memref<8x4096xf32, #tpu.memory_space<vmem>> -> memref<8x128xf32, #tpu.memory_space<vmem>>
    %dma_start3A_274 = arith.constant 0 : i32
    %dma_start3A_275 = tpu.memref_slice %arg3[%dma_start3A_274, %multiple_of3A_270] : memref<8x1000000xf32, #tpu.memory_space<hbm>> -> memref<8x128xf32, #tpu.memory_space<hbm>>
    %dma_start3A_276 = arith.constant 0 : i32
    %dma_start3A_277 = arith.constant 1280 : i32
    %dma_start3A_278 = tpu.memref_slice %arg7[%dma_start3A_276, %dma_start3A_277] : memref<8x4096xf32, #tpu.memory_space<vmem>> -> memref<8x128xf32, #tpu.memory_space<vmem>>
    %dma_start3A_279 = arith.constant 0 : i32
    %dma_start3A_280 = tpu.memref_slice %arg3[%dma_start3A_279, %multiple_of3A_270] : memref<8x1000000xf32, #tpu.memory_space<hbm>> -> memref<8x128xf32, #tpu.memory_space<hbm>>
    tpu.enqueue_dma source(%dma_start3A_280 : memref<8x128xf32, #tpu.memory_space<hbm>>) target(%dma_start3A_278 : memref<8x128xf32, #tpu.memory_space<vmem>>) target_semaphore(%arg11 : memref<!tpu.dma_semaphore, #tpu.memory_space<semaphore_mem>>)
    %eq3A_281 = arith.constant 11 : i32
    %eq3A_282 = vector.broadcast %eq3A_281 : i32 to vector<16xi32>
    %eq3A_283 = arith.cmpi eq, %iota3A, %eq3A_282 : vector<16xi32>
    %jit3A_284 = arith.constant 0 : i32
    %broadcast_in_dim3A_285 = vector.broadcast %jit3A_284 : i32 to vector<16xi32>
    %select_n3A_286 = arith.select %eq3A_283, %shift_left3A_14, %broadcast_in_dim3A_285 : vector<16xi1>, vector<16xi32>
    %reduce_sum3A_287 = arith.constant true
    %reduce_sum3A_288 = vector.broadcast %reduce_sum3A_287 : i1 to vector<16xi1>
    %reduce_sum3A_289 = tpu.scan <sum>, %select_n3A_286 masked %reduce_sum3A_288 : vector<16xi32>, vector<16xi1> -> vector<16xi32>
    %reduce_sum3A_290 = vector.extract %reduce_sum3A_289[15] : i32 from vector<16xi32>
    %max3A_291 = arith.constant 0 : i32
    %max3A_292 = arith.maxsi %reduce_sum3A_290, %max3A_291 : i32
    %min3A_293 = arith.constant 999936 : i32
    %min3A_294 = arith.minsi %max3A_292, %min3A_293 : i32
    %multiple_of3A_295 = tpu.assume_multiple %min3A_294, 128 : i32
    %dma_start3A_296 = arith.constant 0 : i32
    %dma_start3A_297 = arith.constant 1408 : i32
    %dma_start3A_298 = tpu.memref_slice %arg7[%dma_start3A_296, %dma_start3A_297] : memref<8x4096xf32, #tpu.memory_space<vmem>> -> memref<8x128xf32, #tpu.memory_space<vmem>>
    %dma_start3A_299 = arith.constant 0 : i32
    %dma_start3A_300 = tpu.memref_slice %arg3[%dma_start3A_299, %multiple_of3A_295] : memref<8x1000000xf32, #tpu.memory_space<hbm>> -> memref<8x128xf32, #tpu.memory_space<hbm>>
    %dma_start3A_301 = arith.constant 0 : i32
    %dma_start3A_302 = arith.constant 1408 : i32
    %dma_start3A_303 = tpu.memref_slice %arg7[%dma_start3A_301, %dma_start3A_302] : memref<8x4096xf32, #tpu.memory_space<vmem>> -> memref<8x128xf32, #tpu.memory_space<vmem>>
    %dma_start3A_304 = arith.constant 0 : i32
    %dma_start3A_305 = tpu.memref_slice %arg3[%dma_start3A_304, %multiple_of3A_295] : memref<8x1000000xf32, #tpu.memory_space<hbm>> -> memref<8x128xf32, #tpu.memory_space<hbm>>
    tpu.enqueue_dma source(%dma_start3A_305 : memref<8x128xf32, #tpu.memory_space<hbm>>) target(%dma_start3A_303 : memref<8x128xf32, #tpu.memory_space<vmem>>) target_semaphore(%arg11 : memref<!tpu.dma_semaphore, #tpu.memory_space<semaphore_mem>>)
    %eq3A_306 = arith.constant 12 : i32
    %eq3A_307 = vector.broadcast %eq3A_306 : i32 to vector<16xi32>
    %eq3A_308 = arith.cmpi eq, %iota3A, %eq3A_307 : vector<16xi32>
    %jit3A_309 = arith.constant 0 : i32
    %broadcast_in_dim3A_310 = vector.broadcast %jit3A_309 : i32 to vector<16xi32>
    %select_n3A_311 = arith.select %eq3A_308, %shift_left3A_14, %broadcast_in_dim3A_310 : vector<16xi1>, vector<16xi32>
    %reduce_sum3A_312 = arith.constant true
    %reduce_sum3A_313 = vector.broadcast %reduce_sum3A_312 : i1 to vector<16xi1>
    %reduce_sum3A_314 = tpu.scan <sum>, %select_n3A_311 masked %reduce_sum3A_313 : vector<16xi32>, vector<16xi1> -> vector<16xi32>
    %reduce_sum3A_315 = vector.extract %reduce_sum3A_314[15] : i32 from vector<16xi32>
    %max3A_316 = arith.constant 0 : i32
    %max3A_317 = arith.maxsi %reduce_sum3A_315, %max3A_316 : i32
    %min3A_318 = arith.constant 999936 : i32
    %min3A_319 = arith.minsi %max3A_317, %min3A_318 : i32
    %multiple_of3A_320 = tpu.assume_multiple %min3A_319, 128 : i32
    %dma_start3A_321 = arith.constant 0 : i32
    %dma_start3A_322 = arith.constant 1536 : i32
    %dma_start3A_323 = tpu.memref_slice %arg7[%dma_start3A_321, %dma_start3A_322] : memref<8x4096xf32, #tpu.memory_space<vmem>> -> memref<8x128xf32, #tpu.memory_space<vmem>>
    %dma_start3A_324 = arith.constant 0 : i32
    %dma_start3A_325 = tpu.memref_slice %arg3[%dma_start3A_324, %multiple_of3A_320] : memref<8x1000000xf32, #tpu.memory_space<hbm>> -> memref<8x128xf32, #tpu.memory_space<hbm>>
    %dma_start3A_326 = arith.constant 0 : i32
    %dma_start3A_327 = arith.constant 1536 : i32
    %dma_start3A_328 = tpu.memref_slice %arg7[%dma_start3A_326, %dma_start3A_327] : memref<8x4096xf32, #tpu.memory_space<vmem>> -> memref<8x128xf32, #tpu.memory_space<vmem>>
    %dma_start3A_329 = arith.constant 0 : i32
    %dma_start3A_330 = tpu.memref_slice %arg3[%dma_start3A_329, %multiple_of3A_320] : memref<8x1000000xf32, #tpu.memory_space<hbm>> -> memref<8x128xf32, #tpu.memory_space<hbm>>
    tpu.enqueue_dma source(%dma_start3A_330 : memref<8x128xf32, #tpu.memory_space<hbm>>) target(%dma_start3A_328 : memref<8x128xf32, #tpu.memory_space<vmem>>) target_semaphore(%arg11 : memref<!tpu.dma_semaphore, #tpu.memory_space<semaphore_mem>>)
    %eq3A_331 = arith.constant 13 : i32
    %eq3A_332 = vector.broadcast %eq3A_331 : i32 to vector<16xi32>
    %eq3A_333 = arith.cmpi eq, %iota3A, %eq3A_332 : vector<16xi32>
    %jit3A_334 = arith.constant 0 : i32
    %broadcast_in_dim3A_335 = vector.broadcast %jit3A_334 : i32 to vector<16xi32>
    %select_n3A_336 = arith.select %eq3A_333, %shift_left3A_14, %broadcast_in_dim3A_335 : vector<16xi1>, vector<16xi32>
    %reduce_sum3A_337 = arith.constant true
    %reduce_sum3A_338 = vector.broadcast %reduce_sum3A_337 : i1 to vector<16xi1>
    %reduce_sum3A_339 = tpu.scan <sum>, %select_n3A_336 masked %reduce_sum3A_338 : vector<16xi32>, vector<16xi1> -> vector<16xi32>
    %reduce_sum3A_340 = vector.extract %reduce_sum3A_339[15] : i32 from vector<16xi32>
    %max3A_341 = arith.constant 0 : i32
    %max3A_342 = arith.maxsi %reduce_sum3A_340, %max3A_341 : i32
    %min3A_343 = arith.constant 999936 : i32
    %min3A_344 = arith.minsi %max3A_342, %min3A_343 : i32
    %multiple_of3A_345 = tpu.assume_multiple %min3A_344, 128 : i32
    %dma_start3A_346 = arith.constant 0 : i32
    %dma_start3A_347 = arith.constant 1664 : i32
    %dma_start3A_348 = tpu.memref_slice %arg7[%dma_start3A_346, %dma_start3A_347] : memref<8x4096xf32, #tpu.memory_space<vmem>> -> memref<8x128xf32, #tpu.memory_space<vmem>>
    %dma_start3A_349 = arith.constant 0 : i32
    %dma_start3A_350 = tpu.memref_slice %arg3[%dma_start3A_349, %multiple_of3A_345] : memref<8x1000000xf32, #tpu.memory_space<hbm>> -> memref<8x128xf32, #tpu.memory_space<hbm>>
    %dma_start3A_351 = arith.constant 0 : i32
    %dma_start3A_352 = arith.constant 1664 : i32
    %dma_start3A_353 = tpu.memref_slice %arg7[%dma_start3A_351, %dma_start3A_352] : memref<8x4096xf32, #tpu.memory_space<vmem>> -> memref<8x128xf32, #tpu.memory_space<vmem>>
    %dma_start3A_354 = arith.constant 0 : i32
    %dma_start3A_355 = tpu.memref_slice %arg3[%dma_start3A_354, %multiple_of3A_345] : memref<8x1000000xf32, #tpu.memory_space<hbm>> -> memref<8x128xf32, #tpu.memory_space<hbm>>
    tpu.enqueue_dma source(%dma_start3A_355 : memref<8x128xf32, #tpu.memory_space<hbm>>) target(%dma_start3A_353 : memref<8x128xf32, #tpu.memory_space<vmem>>) target_semaphore(%arg11 : memref<!tpu.dma_semaphore, #tpu.memory_space<semaphore_mem>>)
    %eq3A_356 = arith.constant 14 : i32
    %eq3A_357 = vector.broadcast %eq3A_356 : i32 to vector<16xi32>
    %eq3A_358 = arith.cmpi eq, %iota3A, %eq3A_357 : vector<16xi32>
    %jit3A_359 = arith.constant 0 : i32
    %broadcast_in_dim3A_360 = vector.broadcast %jit3A_359 : i32 to vector<16xi32>
    %select_n3A_361 = arith.select %eq3A_358, %shift_left3A_14, %broadcast_in_dim3A_360 : vector<16xi1>, vector<16xi32>
    %reduce_sum3A_362 = arith.constant true
    %reduce_sum3A_363 = vector.broadcast %reduce_sum3A_362 : i1 to vector<16xi1>
    %reduce_sum3A_364 = tpu.scan <sum>, %select_n3A_361 masked %reduce_sum3A_363 : vector<16xi32>, vector<16xi1> -> vector<16xi32>
    %reduce_sum3A_365 = vector.extract %reduce_sum3A_364[15] : i32 from vector<16xi32>
    %max3A_366 = arith.constant 0 : i32
    %max3A_367 = arith.maxsi %reduce_sum3A_365, %max3A_366 : i32
    %min3A_368 = arith.constant 999936 : i32
    %min3A_369 = arith.minsi %max3A_367, %min3A_368 : i32
    %multiple_of3A_370 = tpu.assume_multiple %min3A_369, 128 : i32
    %dma_start3A_371 = arith.constant 0 : i32
    %dma_start3A_372 = arith.constant 1792 : i32
    %dma_start3A_373 = tpu.memref_slice %arg7[%dma_start3A_371, %dma_start3A_372] : memref<8x4096xf32, #tpu.memory_space<vmem>> -> memref<8x128xf32, #tpu.memory_space<vmem>>
    %dma_start3A_374 = arith.constant 0 : i32
    %dma_start3A_375 = tpu.memref_slice %arg3[%dma_start3A_374, %multiple_of3A_370] : memref<8x1000000xf32, #tpu.memory_space<hbm>> -> memref<8x128xf32, #tpu.memory_space<hbm>>
    %dma_start3A_376 = arith.constant 0 : i32
    %dma_start3A_377 = arith.constant 1792 : i32
    %dma_start3A_378 = tpu.memref_slice %arg7[%dma_start3A_376, %dma_start3A_377] : memref<8x4096xf32, #tpu.memory_space<vmem>> -> memref<8x128xf32, #tpu.memory_space<vmem>>
    %dma_start3A_379 = arith.constant 0 : i32
    %dma_start3A_380 = tpu.memref_slice %arg3[%dma_start3A_379, %multiple_of3A_370] : memref<8x1000000xf32, #tpu.memory_space<hbm>> -> memref<8x128xf32, #tpu.memory_space<hbm>>
    tpu.enqueue_dma source(%dma_start3A_380 : memref<8x128xf32, #tpu.memory_space<hbm>>) target(%dma_start3A_378 : memref<8x128xf32, #tpu.memory_space<vmem>>) target_semaphore(%arg11 : memref<!tpu.dma_semaphore, #tpu.memory_space<semaphore_mem>>)
    %eq3A_381 = arith.constant 15 : i32
    %eq3A_382 = vector.broadcast %eq3A_381 : i32 to vector<16xi32>
    %eq3A_383 = arith.cmpi eq, %iota3A, %eq3A_382 : vector<16xi32>
    %jit3A_384 = arith.constant 0 : i32
    %broadcast_in_dim3A_385 = vector.broadcast %jit3A_384 : i32 to vector<16xi32>
    %select_n3A_386 = arith.select %eq3A_383, %shift_left3A_14, %broadcast_in_dim3A_385 : vector<16xi1>, vector<16xi32>
    %reduce_sum3A_387 = arith.constant true
    %reduce_sum3A_388 = vector.broadcast %reduce_sum3A_387 : i1 to vector<16xi1>
    %reduce_sum3A_389 = tpu.scan <sum>, %select_n3A_386 masked %reduce_sum3A_388 : vector<16xi32>, vector<16xi1> -> vector<16xi32>
    %reduce_sum3A_390 = vector.extract %reduce_sum3A_389[15] : i32 from vector<16xi32>
    %max3A_391 = arith.constant 0 : i32
    %max3A_392 = arith.maxsi %reduce_sum3A_390, %max3A_391 : i32
    %min3A_393 = arith.constant 999936 : i32
    %min3A_394 = arith.minsi %max3A_392, %min3A_393 : i32
    %multiple_of3A_395 = tpu.assume_multiple %min3A_394, 128 : i32
    %dma_start3A_396 = arith.constant 0 : i32
    %dma_start3A_397 = arith.constant 1920 : i32
    %dma_start3A_398 = tpu.memref_slice %arg7[%dma_start3A_396, %dma_start3A_397] : memref<8x4096xf32, #tpu.memory_space<vmem>> -> memref<8x128xf32, #tpu.memory_space<vmem>>
    %dma_start3A_399 = arith.constant 0 : i32
    %dma_start3A_400 = tpu.memref_slice %arg3[%dma_start3A_399, %multiple_of3A_395] : memref<8x1000000xf32, #tpu.memory_space<hbm>> -> memref<8x128xf32, #tpu.memory_space<hbm>>
    %dma_start3A_401 = arith.constant 0 : i32
    %dma_start3A_402 = arith.constant 1920 : i32
    %dma_start3A_403 = tpu.memref_slice %arg7[%dma_start3A_401, %dma_start3A_402] : memref<8x4096xf32, #tpu.memory_space<vmem>> -> memref<8x128xf32, #tpu.memory_space<vmem>>
    %dma_start3A_404 = arith.constant 0 : i32
    %dma_start3A_405 = tpu.memref_slice %arg3[%dma_start3A_404, %multiple_of3A_395] : memref<8x1000000xf32, #tpu.memory_space<hbm>> -> memref<8x128xf32, #tpu.memory_space<hbm>>
    tpu.enqueue_dma source(%dma_start3A_405 : memref<8x128xf32, #tpu.memory_space<hbm>>) target(%dma_start3A_403 : memref<8x128xf32, #tpu.memory_space<vmem>>) target_semaphore(%arg11 : memref<!tpu.dma_semaphore, #tpu.memory_space<semaphore_mem>>)
    %get3A_406 = arith.constant 16 : index
    %get3A_407 = tpu.vector_load %arg6[%get3A_406] {strides = array<i32>} : memref<512xi32, #tpu.memory_space<vmem>>, vector<16xi32>,
    %shift_right_logical3A_408 = arith.constant 7 : i32
    %shift_right_logical3A_409 = vector.broadcast %shift_right_logical3A_408 : i32 to vector<16xi32>
    %shift_right_logical3A_410 = arith.shrui %get3A_407, %shift_right_logical3A_409 : vector<16xi32>
    %shift_left3A_411 = arith.constant 7 : i32
    %shift_left3A_412 = vector.broadcast %shift_left3A_411 : i32 to vector<16xi32>
    %shift_left3A_413 = arith.shli %shift_right_logical3A_410, %shift_left3A_412 : vector<16xi32>
    %eq3A_414 = arith.constant 0 : i32
    %eq3A_415 = vector.broadcast %eq3A_414 : i32 to vector<16xi32>
    %eq3A_416 = arith.cmpi eq, %iota3A, %eq3A_415 : vector<16xi32>
    %jit3A_417 = arith.constant 0 : i32
    %broadcast_in_dim3A_418 = vector.broadcast %jit3A_417 : i32 to vector<16xi32>
    %select_n3A_419 = arith.select %eq3A_416, %shift_left3A_413, %broadcast_in_dim3A_418 : vector<16xi1>, vector<16xi32>
    %reduce_sum3A_420 = arith.constant true
    %reduce_sum3A_421 = vector.broadcast %reduce_sum3A_420 : i1 to vector<16xi1>
    %reduce_sum3A_422 = tpu.scan <sum>, %select_n3A_419 masked %reduce_sum3A_421 : vector<16xi32>, vector<16xi1> -> vector<16xi32>
    %reduce_sum3A_423 = vector.extract %reduce_sum3A_422[15] : i32 from vector<16xi32>
    %max3A_424 = arith.constant 0 : i32
    %max3A_425 = arith.maxsi %reduce_sum3A_423, %max3A_424 : i32
    %min3A_426 = arith.constant 999936 : i32
    %min3A_427 = arith.minsi %max3A_425, %min3A_426 : i32
    %multiple_of3A_428 = tpu.assume_multiple %min3A_427, 128 : i32
    %dma_start3A_429 = arith.constant 0 : i32
    %dma_start3A_430 = arith.constant 2048 : i32
    %dma_start3A_431 = tpu.memref_slice %arg7[%dma_start3A_429, %dma_start3A_430] : memref<8x4096xf32, #tpu.memory_space<vmem>> -> memref<8x128xf32, #tpu.memory_space<vmem>>
    %dma_start3A_432 = arith.constant 0 : i32
    %dma_start3A_433 = tpu.memref_slice %arg3[%dma_start3A_432, %multiple_of3A_428] : memref<8x1000000xf32, #tpu.memory_space<hbm>> -> memref<8x128xf32, #tpu.memory_space<hbm>>
    %dma_start3A_434 = arith.constant 0 : i32
    %dma_start3A_435 = arith.constant 2048 : i32
    %dma_start3A_436 = tpu.memref_slice %arg7[%dma_start3A_434, %dma_start3A_435] : memref<8x4096xf32, #tpu.memory_space<vmem>> -> memref<8x128xf32, #tpu.memory_space<vmem>>
    %dma_start3A_437 = arith.constant 0 : i32
    %dma_start3A_438 = tpu.memref_slice %arg3[%dma_start3A_437, %multiple_of3A_428] : memref<8x1000000xf32, #tpu.memory_space<hbm>> -> memref<8x128xf32, #tpu.memory_space<hbm>>
    tpu.enqueue_dma source(%dma_start3A_438 : memref<8x128xf32, #tpu.memory_space<hbm>>) target(%dma_start3A_436 : memref<8x128xf32, #tpu.memory_space<vmem>>) target_semaphore(%arg11 : memref<!tpu.dma_semaphore, #tpu.memory_space<semaphore_mem>>)
    %eq3A_439 = arith.constant 1 : i32
    %eq3A_440 = vector.broadcast %eq3A_439 : i32 to vector<16xi32>
    %eq3A_441 = arith.cmpi eq, %iota3A, %eq3A_440 : vector<16xi32>
    %jit3A_442 = arith.constant 0 : i32
    %broadcast_in_dim3A_443 = vector.broadcast %jit3A_442 : i32 to vector<16xi32>
    %select_n3A_444 = arith.select %eq3A_441, %shift_left3A_413, %broadcast_in_dim3A_443 : vector<16xi1>, vector<16xi32>
    %reduce_sum3A_445 = arith.constant true
    %reduce_sum3A_446 = vector.broadcast %reduce_sum3A_445 : i1 to vector<16xi1>
    %reduce_sum3A_447 = tpu.scan <sum>, %select_n3A_444 masked %reduce_sum3A_446 : vector<16xi32>, vector<16xi1> -> vector<16xi32>
    %reduce_sum3A_448 = vector.extract %reduce_sum3A_447[15] : i32 from vector<16xi32>
    %max3A_449 = arith.constant 0 : i32
    %max3A_450 = arith.maxsi %reduce_sum3A_448, %max3A_449 : i32
    %min3A_451 = arith.constant 999936 : i32
    %min3A_452 = arith.minsi %max3A_450, %min3A_451 : i32
    %multiple_of3A_453 = tpu.assume_multiple %min3A_452, 128 : i32
    %dma_start3A_454 = arith.constant 0 : i32
    %dma_start3A_455 = arith.constant 2176 : i32
    %dma_start3A_456 = tpu.memref_slice %arg7[%dma_start3A_454, %dma_start3A_455] : memref<8x4096xf32, #tpu.memory_space<vmem>> -> memref<8x128xf32, #tpu.memory_space<vmem>>
    %dma_start3A_457 = arith.constant 0 : i32
    %dma_start3A_458 = tpu.memref_slice %arg3[%dma_start3A_457, %multiple_of3A_453] : memref<8x1000000xf32, #tpu.memory_space<hbm>> -> memref<8x128xf32, #tpu.memory_space<hbm>>
    %dma_start3A_459 = arith.constant 0 : i32
    %dma_start3A_460 = arith.constant 2176 : i32
    %dma_start3A_461 = tpu.memref_slice %arg7[%dma_start3A_459, %dma_start3A_460] : memref<8x4096xf32, #tpu.memory_space<vmem>> -> memref<8x128xf32, #tpu.memory_space<vmem>>
    %dma_start3A_462 = arith.constant 0 : i32
    %dma_start3A_463 = tpu.memref_slice %arg3[%dma_start3A_462, %multiple_of3A_453] : memref<8x1000000xf32, #tpu.memory_space<hbm>> -> memref<8x128xf32, #tpu.memory_space<hbm>>
    tpu.enqueue_dma source(%dma_start3A_463 : memref<8x128xf32, #tpu.memory_space<hbm>>) target(%dma_start3A_461 : memref<8x128xf32, #tpu.memory_space<vmem>>) target_semaphore(%arg11 : memref<!tpu.dma_semaphore, #tpu.memory_space<semaphore_mem>>)
    %eq3A_464 = arith.constant 2 : i32
    %eq3A_465 = vector.broadcast %eq3A_464 : i32 to vector<16xi32>
    %eq3A_466 = arith.cmpi eq, %iota3A, %eq3A_465 : vector<16xi32>
    %jit3A_467 = arith.constant 0 : i32
    %broadcast_in_dim3A_468 = vector.broadcast %jit3A_467 : i32 to vector<16xi32>
    %select_n3A_469 = arith.select %eq3A_466, %shift_left3A_413, %broadcast_in_dim3A_468 : vector<16xi1>, vector<16xi32>
    %reduce_sum3A_470 = arith.constant true
    %reduce_sum3A_471 = vector.broadcast %reduce_sum3A_470 : i1 to vector<16xi1>
    %reduce_sum3A_472 = tpu.scan <sum>, %select_n3A_469 masked %reduce_sum3A_471 : vector<16xi32>, vector<16xi1> -> vector<16xi32>
    %reduce_sum3A_473 = vector.extract %reduce_sum3A_472[15] : i32 from vector<16xi32>
    %max3A_474 = arith.constant 0 : i32
    %max3A_475 = arith.maxsi %reduce_sum3A_473, %max3A_474 : i32
    %min3A_476 = arith.constant 999936 : i32
    %min3A_477 = arith.minsi %max3A_475, %min3A_476 : i32
    %multiple_of3A_478 = tpu.assume_multiple %min3A_477, 128 : i32
    %dma_start3A_479 = arith.constant 0 : i32
    %dma_start3A_480 = arith.constant 2304 : i32
    %dma_start3A_481 = tpu.memref_slice %arg7[%dma_start3A_479, %dma_start3A_480] : memref<8x4096xf32, #tpu.memory_space<vmem>> -> memref<8x128xf32, #tpu.memory_space<vmem>>
    %dma_start3A_482 = arith.constant 0 : i32
    %dma_start3A_483 = tpu.memref_slice %arg3[%dma_start3A_482, %multiple_of3A_478] : memref<8x1000000xf32, #tpu.memory_space<hbm>> -> memref<8x128xf32, #tpu.memory_space<hbm>>
    %dma_start3A_484 = arith.constant 0 : i32
    %dma_start3A_485 = arith.constant 2304 : i32
    %dma_start3A_486 = tpu.memref_slice %arg7[%dma_start3A_484, %dma_start3A_485] : memref<8x4096xf32, #tpu.memory_space<vmem>> -> memref<8x128xf32, #tpu.memory_space<vmem>>
    %dma_start3A_487 = arith.constant 0 : i32
    %dma_start3A_488 = tpu.memref_slice %arg3[%dma_start3A_487, %multiple_of3A_478] : memref<8x1000000xf32, #tpu.memory_space<hbm>> -> memref<8x128xf32, #tpu.memory_space<hbm>>
    tpu.enqueue_dma source(%dma_start3A_488 : memref<8x128xf32, #tpu.memory_space<hbm>>) target(%dma_start3A_486 : memref<8x128xf32, #tpu.memory_space<vmem>>) target_semaphore(%arg11 : memref<!tpu.dma_semaphore, #tpu.memory_space<semaphore_mem>>)
    %eq3A_489 = arith.constant 3 : i32
    %eq3A_490 = vector.broadcast %eq3A_489 : i32 to vector<16xi32>
    %eq3A_491 = arith.cmpi eq, %iota3A, %eq3A_490 : vector<16xi32>
    %jit3A_492 = arith.constant 0 : i32
    %broadcast_in_dim3A_493 = vector.broadcast %jit3A_492 : i32 to vector<16xi32>
    %select_n3A_494 = arith.select %eq3A_491, %shift_left3A_413, %broadcast_in_dim3A_493 : vector<16xi1>, vector<16xi32>
    %reduce_sum3A_495 = arith.constant true
    %reduce_sum3A_496 = vector.broadcast %reduce_sum3A_495 : i1 to vector<16xi1>
    %reduce_sum3A_497 = tpu.scan <sum>, %select_n3A_494 masked %reduce_sum3A_496 : vector<16xi32>, vector<16xi1> -> vector<16xi32>
    %reduce_sum3A_498 = vector.extract %reduce_sum3A_497[15] : i32 from vector<16xi32>
    %max3A_499 = arith.constant 0 : i32
    %max3A_500 = arith.maxsi %reduce_sum3A_498, %max3A_499 : i32
    %min3A_501 = arith.constant 999936 : i32
    %min3A_502 = arith.minsi %max3A_500, %min3A_501 : i32
    %multiple_of3A_503 = tpu.assume_multiple %min3A_502, 128 : i32
    %dma_start3A_504 = arith.constant 0 : i32
    %dma_start3A_505 = arith.constant 2432 : i32
    %dma_start3A_506 = tpu.memref_slice %arg7[%dma_start3A_504, %dma_start3A_505] : memref<8x4096xf32, #tpu.memory_space<vmem>> -> memref<8x128xf32, #tpu.memory_space<vmem>>
    %dma_start3A_507 = arith.constant 0 : i32
    %dma_start3A_508 = tpu.memref_slice %arg3[%dma_start3A_507, %multiple_of3A_503] : memref<8x1000000xf32, #tpu.memory_space<hbm>> -> memref<8x128xf32, #tpu.memory_space<hbm>>
    %dma_start3A_509 = arith.constant 0 : i32
    %dma_start3A_510 = arith.constant 2432 : i32
    %dma_start3A_511 = tpu.memref_slice %arg7[%dma_start3A_509, %dma_start3A_510] : memref<8x4096xf32, #tpu.memory_space<vmem>> -> memref<8x128xf32, #tpu.memory_space<vmem>>
    %dma_start3A_512 = arith.constant 0 : i32
    %dma_start3A_513 = tpu.memref_slice %arg3[%dma_start3A_512, %multiple_of3A_503] : memref<8x1000000xf32, #tpu.memory_space<hbm>> -> memref<8x128xf32, #tpu.memory_space<hbm>>
    tpu.enqueue_dma source(%dma_start3A_513 : memref<8x128xf32, #tpu.memory_space<hbm>>) target(%dma_start3A_511 : memref<8x128xf32, #tpu.memory_space<vmem>>) target_semaphore(%arg11 : memref<!tpu.dma_semaphore, #tpu.memory_space<semaphore_mem>>)
    %eq3A_514 = arith.constant 4 : i32
    %eq3A_515 = vector.broadcast %eq3A_514 : i32 to vector<16xi32>
    %eq3A_516 = arith.cmpi eq, %iota3A, %eq3A_515 : vector<16xi32>
    %jit3A_517 = arith.constant 0 : i32
    %broadcast_in_dim3A_518 = vector.broadcast %jit3A_517 : i32 to vector<16xi32>
    %select_n3A_519 = arith.select %eq3A_516, %shift_left3A_413, %broadcast_in_dim3A_518 : vector<16xi1>, vector<16xi32>
    %reduce_sum3A_520 = arith.constant true
    %reduce_sum3A_521 = vector.broadcast %reduce_sum3A_520 : i1 to vector<16xi1>
    %reduce_sum3A_522 = tpu.scan <sum>, %select_n3A_519 masked %reduce_sum3A_521 : vector<16xi32>, vector<16xi1> -> vector<16xi32>
    %reduce_sum3A_523 = vector.extract %reduce_sum3A_522[15] : i32 from vector<16xi32>
    %max3A_524 = arith.constant 0 : i32
    %max3A_525 = arith.maxsi %reduce_sum3A_523, %max3A_524 : i32
    %min3A_526 = arith.constant 999936 : i32
    %min3A_527 = arith.minsi %max3A_525, %min3A_526 : i32
    %multiple_of3A_528 = tpu.assume_multiple %min3A_527, 128 : i32
    %dma_start3A_529 = arith.constant 0 : i32
    %dma_start3A_530 = arith.constant 2560 : i32
    %dma_start3A_531 = tpu.memref_slice %arg7[%dma_start3A_529, %dma_start3A_530] : memref<8x4096xf32, #tpu.memory_space<vmem>> -> memref<8x128xf32, #tpu.memory_space<vmem>>
    %dma_start3A_532 = arith.constant 0 : i32
    %dma_start3A_533 = tpu.memref_slice %arg3[%dma_start3A_532, %multiple_of3A_528] : memref<8x1000000xf32, #tpu.memory_space<hbm>> -> memref<8x128xf32, #tpu.memory_space<hbm>>
    %dma_start3A_534 = arith.constant 0 : i32
    %dma_start3A_535 = arith.constant 2560 : i32
    %dma_start3A_536 = tpu.memref_slice %arg7[%dma_start3A_534, %dma_start3A_535] : memref<8x4096xf32, #tpu.memory_space<vmem>> -> memref<8x128xf32, #tpu.memory_space<vmem>>
    %dma_start3A_537 = arith.constant 0 : i32
    %dma_start3A_538 = tpu.memref_slice %arg3[%dma_start3A_537, %multiple_of3A_528] : memref<8x1000000xf32, #tpu.memory_space<hbm>> -> memref<8x128xf32, #tpu.memory_space<hbm>>
    tpu.enqueue_dma source(%dma_start3A_538 : memref<8x128xf32, #tpu.memory_space<hbm>>) target(%dma_start3A_536 : memref<8x128xf32, #tpu.memory_space<vmem>>) target_semaphore(%arg11 : memref<!tpu.dma_semaphore, #tpu.memory_space<semaphore_mem>>)
    %eq3A_539 = arith.constant 5 : i32
    %eq3A_540 = vector.broadcast %eq3A_539 : i32 to vector<16xi32>
    %eq3A_541 = arith.cmpi eq, %iota3A, %eq3A_540 : vector<16xi32>
    %jit3A_542 = arith.constant 0 : i32
    %broadcast_in_dim3A_543 = vector.broadcast %jit3A_542 : i32 to vector<16xi32>
    %select_n3A_544 = arith.select %eq3A_541, %shift_left3A_413, %broadcast_in_dim3A_543 : vector<16xi1>, vector<16xi32>
    %reduce_sum3A_545 = arith.constant true
    %reduce_sum3A_546 = vector.broadcast %reduce_sum3A_545 : i1 to vector<16xi1>
    %reduce_sum3A_547 = tpu.scan <sum>, %select_n3A_544 masked %reduce_sum3A_546 : vector<16xi32>, vector<16xi1> -> vector<16xi32>
    %reduce_sum3A_548 = vector.extract %reduce_sum3A_547[15] : i32 from vector<16xi32>
    %max3A_549 = arith.constant 0 : i32
    %max3A_550 = arith.maxsi %reduce_sum3A_548, %max3A_549 : i32
    %min3A_551 = arith.constant 999936 : i32
    %min3A_552 = arith.minsi %max3A_550, %min3A_551 : i32
    %multiple_of3A_553 = tpu.assume_multiple %min3A_552, 128 : i32
    %dma_start3A_554 = arith.constant 0 : i32
    %dma_start3A_555 = arith.constant 2688 : i32
    %dma_start3A_556 = tpu.memref_slice %arg7[%dma_start3A_554, %dma_start3A_555] : memref<8x4096xf32, #tpu.memory_space<vmem>> -> memref<8x128xf32, #tpu.memory_space<vmem>>
    %dma_start3A_557 = arith.constant 0 : i32
    %dma_start3A_558 = tpu.memref_slice %arg3[%dma_start3A_557, %multiple_of3A_553] : memref<8x1000000xf32, #tpu.memory_space<hbm>> -> memref<8x128xf32, #tpu.memory_space<hbm>>
    %dma_start3A_559 = arith.constant 0 : i32
    %dma_start3A_560 = arith.constant 2688 : i32
    %dma_start3A_561 = tpu.memref_slice %arg7[%dma_start3A_559, %dma_start3A_560] : memref<8x4096xf32, #tpu.memory_space<vmem>> -> memref<8x128xf32, #tpu.memory_space<vmem>>
    %dma_start3A_562 = arith.constant 0 : i32
    %dma_start3A_563 = tpu.memref_slice %arg3[%dma_start3A_562, %multiple_of3A_553] : memref<8x1000000xf32, #tpu.memory_space<hbm>> -> memref<8x128xf32, #tpu.memory_space<hbm>>
    tpu.enqueue_dma source(%dma_start3A_563 : memref<8x128xf32, #tpu.memory_space<hbm>>) target(%dma_start3A_561 : memref<8x128xf32, #tpu.memory_space<vmem>>) target_semaphore(%arg11 : memref<!tpu.dma_semaphore, #tpu.memory_space<semaphore_mem>>)
    %eq3A_564 = arith.constant 6 : i32
    %eq3A_565 = vector.broadcast %eq3A_564 : i32 to vector<16xi32>
    %eq3A_566 = arith.cmpi eq, %iota3A, %eq3A_565 : vector<16xi32>
    %jit3A_567 = arith.constant 0 : i32
    %broadcast_in_dim3A_568 = vector.broadcast %jit3A_567 : i32 to vector<16xi32>
    %select_n3A_569 = arith.select %eq3A_566, %shift_left3A_413, %broadcast_in_dim3A_568 : vector<16xi1>, vector<16xi32>
    %reduce_sum3A_570 = arith.constant true
    %reduce_sum3A_571 = vector.broadcast %reduce_sum3A_570 : i1 to vector<16xi1>
    %reduce_sum3A_572 = tpu.scan <sum>, %select_n3A_569 masked %reduce_sum3A_571 : vector<16xi32>, vector<16xi1> -> vector<16xi32>
    %reduce_sum3A_573 = vector.extract %reduce_sum3A_572[15] : i32 from vector<16xi32>
    %max3A_574 = arith.constant 0 : i32
    %max3A_575 = arith.maxsi %reduce_sum3A_573, %max3A_574 : i32
    %min3A_576 = arith.constant 999936 : i32
    %min3A_577 = arith.minsi %max3A_575, %min3A_576 : i32
    %multiple_of3A_578 = tpu.assume_multiple %min3A_577, 128 : i32
    %dma_start3A_579 = arith.constant 0 : i32
    %dma_start3A_580 = arith.constant 2816 : i32
    %dma_start3A_581 = tpu.memref_slice %arg7[%dma_start3A_579, %dma_start3A_580] : memref<8x4096xf32, #tpu.memory_space<vmem>> -> memref<8x128xf32, #tpu.memory_space<vmem>>
    %dma_start3A_582 = arith.constant 0 : i32
    %dma_start3A_583 = tpu.memref_slice %arg3[%dma_start3A_582, %multiple_of3A_578] : memref<8x1000000xf32, #tpu.memory_space<hbm>> -> memref<8x128xf32, #tpu.memory_space<hbm>>
    %dma_start3A_584 = arith.constant 0 : i32
    %dma_start3A_585 = arith.constant 2816 : i32
    %dma_start3A_586 = tpu.memref_slice %arg7[%dma_start3A_584, %dma_start3A_585] : memref<8x4096xf32, #tpu.memory_space<vmem>> -> memref<8x128xf32, #tpu.memory_space<vmem>>
    %dma_start3A_587 = arith.constant 0 : i32
    %dma_start3A_588 = tpu.memref_slice %arg3[%dma_start3A_587, %multiple_of3A_578] : memref<8x1000000xf32, #tpu.memory_space<hbm>> -> memref<8x128xf32, #tpu.memory_space<hbm>>
    tpu.enqueue_dma source(%dma_start3A_588 : memref<8x128xf32, #tpu.memory_space<hbm>>) target(%dma_start3A_586 : memref<8x128xf32, #tpu.memory_space<vmem>>) target_semaphore(%arg11 : memref<!tpu.dma_semaphore, #tpu.memory_space<semaphore_mem>>)
    %eq3A_589 = arith.constant 7 : i32
    %eq3A_590 = vector.broadcast %eq3A_589 : i32 to vector<16xi32>
    %eq3A_591 = arith.cmpi eq, %iota3A, %eq3A_590 : vector<16xi32>
    %jit3A_592 = arith.constant 0 : i32
    %broadcast_in_dim3A_593 = vector.broadcast %jit3A_592 : i32 to vector<16xi32>
    %select_n3A_594 = arith.select %eq3A_591, %shift_left3A_413, %broadcast_in_dim3A_593 : vector<16xi1>, vector<16xi32>
    %reduce_sum3A_595 = arith.constant true
    %reduce_sum3A_596 = vector.broadcast %reduce_sum3A_595 : i1 to vector<16xi1>
    %reduce_sum3A_597 = tpu.scan <sum>, %select_n3A_594 masked %reduce_sum3A_596 : vector<16xi32>, vector<16xi1> -> vector<16xi32>
    %reduce_sum3A_598 = vector.extract %reduce_sum3A_597[15] : i32 from vector<16xi32>
    %max3A_599 = arith.constant 0 : i32
    %max3A_600 = arith.maxsi %reduce_sum3A_598, %max3A_599 : i32
    %min3A_601 = arith.constant 999936 : i32
    %min3A_602 = arith.minsi %max3A_600, %min3A_601 : i32
    %multiple_of3A_603 = tpu.assume_multiple %min3A_602, 128 : i32
    %dma_start3A_604 = arith.constant 0 : i32
    %dma_start3A_605 = arith.constant 2944 : i32
    %dma_start3A_606 = tpu.memref_slice %arg7[%dma_start3A_604, %dma_start3A_605] : memref<8x4096xf32, #tpu.memory_space<vmem>> -> memref<8x128xf32, #tpu.memory_space<vmem>>
    %dma_start3A_607 = arith.constant 0 : i32
    %dma_start3A_608 = tpu.memref_slice %arg3[%dma_start3A_607, %multiple_of3A_603] : memref<8x1000000xf32, #tpu.memory_space<hbm>> -> memref<8x128xf32, #tpu.memory_space<hbm>>
    %dma_start3A_609 = arith.constant 0 : i32
    %dma_start3A_610 = arith.constant 2944 : i32
    %dma_start3A_611 = tpu.memref_slice %arg7[%dma_start3A_609, %dma_start3A_610] : memref<8x4096xf32, #tpu.memory_space<vmem>> -> memref<8x128xf32, #tpu.memory_space<vmem>>
    %dma_start3A_612 = arith.constant 0 : i32
    %dma_start3A_613 = tpu.memref_slice %arg3[%dma_start3A_612, %multiple_of3A_603] : memref<8x1000000xf32, #tpu.memory_space<hbm>> -> memref<8x128xf32, #tpu.memory_space<hbm>>
    tpu.enqueue_dma source(%dma_start3A_613 : memref<8x128xf32, #tpu.memory_space<hbm>>) target(%dma_start3A_611 : memref<8x128xf32, #tpu.memory_space<vmem>>) target_semaphore(%arg11 : memref<!tpu.dma_semaphore, #tpu.memory_space<semaphore_mem>>)
    %eq3A_614 = arith.constant 8 : i32
    %eq3A_615 = vector.broadcast %eq3A_614 : i32 to vector<16xi32>
    %eq3A_616 = arith.cmpi eq, %iota3A, %eq3A_615 : vector<16xi32>
    %jit3A_617 = arith.constant 0 : i32
    %broadcast_in_dim3A_618 = vector.broadcast %jit3A_617 : i32 to vector<16xi32>
    %select_n3A_619 = arith.select %eq3A_616, %shift_left3A_413, %broadcast_in_dim3A_618 : vector<16xi1>, vector<16xi32>
    %reduce_sum3A_620 = arith.constant true
    %reduce_sum3A_621 = vector.broadcast %reduce_sum3A_620 : i1 to vector<16xi1>
    %reduce_sum3A_622 = tpu.scan <sum>, %select_n3A_619 masked %reduce_sum3A_621 : vector<16xi32>, vector<16xi1> -> vector<16xi32>
    %reduce_sum3A_623 = vector.extract %reduce_sum3A_622[15] : i32 from vector<16xi32>
    %max3A_624 = arith.constant 0 : i32
    %max3A_625 = arith.maxsi %reduce_sum3A_623, %max3A_624 : i32
    %min3A_626 = arith.constant 999936 : i32
    %min3A_627 = arith.minsi %max3A_625, %min3A_626 : i32
    %multiple_of3A_628 = tpu.assume_multiple %min3A_627, 128 : i32
    %dma_start3A_629 = arith.constant 0 : i32
    %dma_start3A_630 = arith.constant 3072 : i32
    %dma_start3A_631 = tpu.memref_slice %arg7[%dma_start3A_629, %dma_start3A_630] : memref<8x4096xf32, #tpu.memory_space<vmem>> -> memref<8x128xf32, #tpu.memory_space<vmem>>
    %dma_start3A_632 = arith.constant 0 : i32
    %dma_start3A_633 = tpu.memref_slice %arg3[%dma_start3A_632, %multiple_of3A_628] : memref<8x1000000xf32, #tpu.memory_space<hbm>> -> memref<8x128xf32, #tpu.memory_space<hbm>>
    %dma_start3A_634 = arith.constant 0 : i32
    %dma_start3A_635 = arith.constant 3072 : i32
    %dma_start3A_636 = tpu.memref_slice %arg7[%dma_start3A_634, %dma_start3A_635] : memref<8x4096xf32, #tpu.memory_space<vmem>> -> memref<8x128xf32, #tpu.memory_space<vmem>>
    %dma_start3A_637 = arith.constant 0 : i32
    %dma_start3A_638 = tpu.memref_slice %arg3[%dma_start3A_637, %multiple_of3A_628] : memref<8x1000000xf32, #tpu.memory_space<hbm>> -> memref<8x128xf32, #tpu.memory_space<hbm>>
    tpu.enqueue_dma source(%dma_start3A_638 : memref<8x128xf32, #tpu.memory_space<hbm>>) target(%dma_start3A_636 : memref<8x128xf32, #tpu.memory_space<vmem>>) target_semaphore(%arg11 : memref<!tpu.dma_semaphore, #tpu.memory_space<semaphore_mem>>)
    %eq3A_639 = arith.constant 9 : i32
    %eq3A_640 = vector.broadcast %eq3A_639 : i32 to vector<16xi32>
    %eq3A_641 = arith.cmpi eq, %iota3A, %eq3A_640 : vector<16xi32>
    %jit3A_642 = arith.constant 0 : i32
    %broadcast_in_dim3A_643 = vector.broadcast %jit3A_642 : i32 to vector<16xi32>
    %select_n3A_644 = arith.select %eq3A_641, %shift_left3A_413, %broadcast_in_dim3A_643 : vector<16xi1>, vector<16xi32>
    %reduce_sum3A_645 = arith.constant true
    %reduce_sum3A_646 = vector.broadcast %reduce_sum3A_645 : i1 to vector<16xi1>
    %reduce_sum3A_647 = tpu.scan <sum>, %select_n3A_644 masked %reduce_sum3A_646 : vector<16xi32>, vector<16xi1> -> vector<16xi32>
    %reduce_sum3A_648 = vector.extract %reduce_sum3A_647[15] : i32 from vector<16xi32>
    %max3A_649 = arith.constant 0 : i32
    %max3A_650 = arith.maxsi %reduce_sum3A_648, %max3A_649 : i32
    %min3A_651 = arith.constant 999936 : i32
    %min3A_652 = arith.minsi %max3A_650, %min3A_651 : i32
    %multiple_of3A_653 = tpu.assume_multiple %min3A_652, 128 : i32
    %dma_start3A_654 = arith.constant 0 : i32
    %dma_start3A_655 = arith.constant 3200 : i32
    %dma_start3A_656 = tpu.memref_slice %arg7[%dma_start3A_654, %dma_start3A_655] : memref<8x4096xf32, #tpu.memory_space<vmem>> -> memref<8x128xf32, #tpu.memory_space<vmem>>
    %dma_start3A_657 = arith.constant 0 : i32
    %dma_start3A_658 = tpu.memref_slice %arg3[%dma_start3A_657, %multiple_of3A_653] : memref<8x1000000xf32, #tpu.memory_space<hbm>> -> memref<8x128xf32, #tpu.memory_space<hbm>>
    %dma_start3A_659 = arith.constant 0 : i32
    %dma_start3A_660 = arith.constant 3200 : i32
    %dma_start3A_661 = tpu.memref_slice %arg7[%dma_start3A_659, %dma_start3A_660] : memref<8x4096xf32, #tpu.memory_space<vmem>> -> memref<8x128xf32, #tpu.memory_space<vmem>>
    %dma_start3A_662 = arith.constant 0 : i32
    %dma_start3A_663 = tpu.memref_slice %arg3[%dma_start3A_662, %multiple_of3A_653] : memref<8x1000000xf32, #tpu.memory_space<hbm>> -> memref<8x128xf32, #tpu.memory_space<hbm>>
    tpu.enqueue_dma source(%dma_start3A_663 : memref<8x128xf32, #tpu.memory_space<hbm>>) target(%dma_start3A_661 : memref<8x128xf32, #tpu.memory_space<vmem>>) target_semaphore(%arg11 : memref<!tpu.dma_semaphore, #tpu.memory_space<semaphore_mem>>)
    %eq3A_664 = arith.constant 10 : i32
    %eq3A_665 = vector.broadcast %eq3A_664 : i32 to vector<16xi32>
    %eq3A_666 = arith.cmpi eq, %iota3A, %eq3A_665 : vector<16xi32>
    %jit3A_667 = arith.constant 0 : i32
    %broadcast_in_dim3A_668 = vector.broadcast %jit3A_667 : i32 to vector<16xi32>
    %select_n3A_669 = arith.select %eq3A_666, %shift_left3A_413, %broadcast_in_dim3A_668 : vector<16xi1>, vector<16xi32>
    %reduce_sum3A_670 = arith.constant true
    %reduce_sum3A_671 = vector.broadcast %reduce_sum3A_670 : i1 to vector<16xi1>
    %reduce_sum3A_672 = tpu.scan <sum>, %select_n3A_669 masked %reduce_sum3A_671 : vector<16xi32>, vector<16xi1> -> vector<16xi32>
    %reduce_sum3A_673 = vector.extract %reduce_sum3A_672[15] : i32 from vector<16xi32>
    %max3A_674 = arith.constant 0 : i32
    %max3A_675 = arith.maxsi %reduce_sum3A_673, %max3A_674 : i32
    %min3A_676 = arith.constant 999936 : i32
    %min3A_677 = arith.minsi %max3A_675, %min3A_676 : i32
    %multiple_of3A_678 = tpu.assume_multiple %min3A_677, 128 : i32
    %dma_start3A_679 = arith.constant 0 : i32
    %dma_start3A_680 = arith.constant 3328 : i32
    %dma_start3A_681 = tpu.memref_slice %arg7[%dma_start3A_679, %dma_start3A_680] : memref<8x4096xf32, #tpu.memory_space<vmem>> -> memref<8x128xf32, #tpu.memory_space<vmem>>
    %dma_start3A_682 = arith.constant 0 : i32
    %dma_start3A_683 = tpu.memref_slice %arg3[%dma_start3A_682, %multiple_of3A_678] : memref<8x1000000xf32, #tpu.memory_space<hbm>> -> memref<8x128xf32, #tpu.memory_space<hbm>>
    %dma_start3A_684 = arith.constant 0 : i32
    %dma_start3A_685 = arith.constant 3328 : i32
    %dma_start3A_686 = tpu.memref_slice %arg7[%dma_start3A_684, %dma_start3A_685] : memref<8x4096xf32, #tpu.memory_space<vmem>> -> memref<8x128xf32, #tpu.memory_space<vmem>>
    %dma_start3A_687 = arith.constant 0 : i32
    %dma_start3A_688 = tpu.memref_slice %arg3[%dma_start3A_687, %multiple_of3A_678] : memref<8x1000000xf32, #tpu.memory_space<hbm>> -> memref<8x128xf32, #tpu.memory_space<hbm>>
    tpu.enqueue_dma source(%dma_start3A_688 : memref<8x128xf32, #tpu.memory_space<hbm>>) target(%dma_start3A_686 : memref<8x128xf32, #tpu.memory_space<vmem>>) target_semaphore(%arg11 : memref<!tpu.dma_semaphore, #tpu.memory_space<semaphore_mem>>)
    %eq3A_689 = arith.constant 11 : i32
    %eq3A_690 = vector.broadcast %eq3A_689 : i32 to vector<16xi32>
    %eq3A_691 = arith.cmpi eq, %iota3A, %eq3A_690 : vector<16xi32>
    %jit3A_692 = arith.constant 0 : i32
    %broadcast_in_dim3A_693 = vector.broadcast %jit3A_692 : i32 to vector<16xi32>
    %select_n3A_694 = arith.select %eq3A_691, %shift_left3A_413, %broadcast_in_dim3A_693 : vector<16xi1>, vector<16xi32>
    %reduce_sum3A_695 = arith.constant true
    %reduce_sum3A_696 = vector.broadcast %reduce_sum3A_695 : i1 to vector<16xi1>
    %reduce_sum3A_697 = tpu.scan <sum>, %select_n3A_694 masked %reduce_sum3A_696 : vector<16xi32>, vector<16xi1> -> vector<16xi32>
    %reduce_sum3A_698 = vector.extract %reduce_sum3A_697[15] : i32 from vector<16xi32>
    %max3A_699 = arith.constant 0 : i32
    %max3A_700 = arith.maxsi %reduce_sum3A_698, %max3A_699 : i32
    %min3A_701 = arith.constant 999936 : i32
    %min3A_702 = arith.minsi %max3A_700, %min3A_701 : i32
    %multiple_of3A_703 = tpu.assume_multiple %min3A_702, 128 : i32
    %dma_start3A_704 = arith.constant 0 : i32
    %dma_start3A_705 = arith.constant 3456 : i32
    %dma_start3A_706 = tpu.memref_slice %arg7[%dma_start3A_704, %dma_start3A_705] : memref<8x4096xf32, #tpu.memory_space<vmem>> -> memref<8x128xf32, #tpu.memory_space<vmem>>
    %dma_start3A_707 = arith.constant 0 : i32
    %dma_start3A_708 = tpu.memref_slice %arg3[%dma_start3A_707, %multiple_of3A_703] : memref<8x1000000xf32, #tpu.memory_space<hbm>> -> memref<8x128xf32, #tpu.memory_space<hbm>>
    %dma_start3A_709 = arith.constant 0 : i32
    %dma_start3A_710 = arith.constant 3456 : i32
    %dma_start3A_711 = tpu.memref_slice %arg7[%dma_start3A_709, %dma_start3A_710] : memref<8x4096xf32, #tpu.memory_space<vmem>> -> memref<8x128xf32, #tpu.memory_space<vmem>>
    %dma_start3A_712 = arith.constant 0 : i32
    %dma_start3A_713 = tpu.memref_slice %arg3[%dma_start3A_712, %multiple_of3A_703] : memref<8x1000000xf32, #tpu.memory_space<hbm>> -> memref<8x128xf32, #tpu.memory_space<hbm>>
    tpu.enqueue_dma source(%dma_start3A_713 : memref<8x128xf32, #tpu.memory_space<hbm>>) target(%dma_start3A_711 : memref<8x128xf32, #tpu.memory_space<vmem>>) target_semaphore(%arg11 : memref<!tpu.dma_semaphore, #tpu.memory_space<semaphore_mem>>)
    %eq3A_714 = arith.constant 12 : i32
    %eq3A_715 = vector.broadcast %eq3A_714 : i32 to vector<16xi32>
    %eq3A_716 = arith.cmpi eq, %iota3A, %eq3A_715 : vector<16xi32>
    %jit3A_717 = arith.constant 0 : i32
    %broadcast_in_dim3A_718 = vector.broadcast %jit3A_717 : i32 to vector<16xi32>
    %select_n3A_719 = arith.select %eq3A_716, %shift_left3A_413, %broadcast_in_dim3A_718 : vector<16xi1>, vector<16xi32>
    %reduce_sum3A_720 = arith.constant true
    %reduce_sum3A_721 = vector.broadcast %reduce_sum3A_720 : i1 to vector<16xi1>
    %reduce_sum3A_722 = tpu.scan <sum>, %select_n3A_719 masked %reduce_sum3A_721 : vector<16xi32>, vector<16xi1> -> vector<16xi32>
    %reduce_sum3A_723 = vector.extract %reduce_sum3A_722[15] : i32 from vector<16xi32>
    %max3A_724 = arith.constant 0 : i32
    %max3A_725 = arith.maxsi %reduce_sum3A_723, %max3A_724 : i32
    %min3A_726 = arith.constant 999936 : i32
    %min3A_727 = arith.minsi %max3A_725, %min3A_726 : i32
    %multiple_of3A_728 = tpu.assume_multiple %min3A_727, 128 : i32
    %dma_start3A_729 = arith.constant 0 : i32
    %dma_start3A_730 = arith.constant 3584 : i32
    %dma_start3A_731 = tpu.memref_slice %arg7[%dma_start3A_729, %dma_start3A_730] : memref<8x4096xf32, #tpu.memory_space<vmem>> -> memref<8x128xf32, #tpu.memory_space<vmem>>
    %dma_start3A_732 = arith.constant 0 : i32
    %dma_start3A_733 = tpu.memref_slice %arg3[%dma_start3A_732, %multiple_of3A_728] : memref<8x1000000xf32, #tpu.memory_space<hbm>> -> memref<8x128xf32, #tpu.memory_space<hbm>>
    %dma_start3A_734 = arith.constant 0 : i32
    %dma_start3A_735 = arith.constant 3584 : i32
    %dma_start3A_736 = tpu.memref_slice %arg7[%dma_start3A_734, %dma_start3A_735] : memref<8x4096xf32, #tpu.memory_space<vmem>> -> memref<8x128xf32, #tpu.memory_space<vmem>>
    %dma_start3A_737 = arith.constant 0 : i32
    %dma_start3A_738 = tpu.memref_slice %arg3[%dma_start3A_737, %multiple_of3A_728] : memref<8x1000000xf32, #tpu.memory_space<hbm>> -> memref<8x128xf32, #tpu.memory_space<hbm>>
    tpu.enqueue_dma source(%dma_start3A_738 : memref<8x128xf32, #tpu.memory_space<hbm>>) target(%dma_start3A_736 : memref<8x128xf32, #tpu.memory_space<vmem>>) target_semaphore(%arg11 : memref<!tpu.dma_semaphore, #tpu.memory_space<semaphore_mem>>)
    %eq3A_739 = arith.constant 13 : i32
    %eq3A_740 = vector.broadcast %eq3A_739 : i32 to vector<16xi32>
    %eq3A_741 = arith.cmpi eq, %iota3A, %eq3A_740 : vector<16xi32>
    %jit3A_742 = arith.constant 0 : i32
    %broadcast_in_dim3A_743 = vector.broadcast %jit3A_742 : i32 to vector<16xi32>
    %select_n3A_744 = arith.select %eq3A_741, %shift_left3A_413, %broadcast_in_dim3A_743 : vector<16xi1>, vector<16xi32>
    %reduce_sum3A_745 = arith.constant true
    %reduce_sum3A_746 = vector.broadcast %reduce_sum3A_745 : i1 to vector<16xi1>
    %reduce_sum3A_747 = tpu.scan <sum>, %select_n3A_744 masked %reduce_sum3A_746 : vector<16xi32>, vector<16xi1> -> vector<16xi32>
    %reduce_sum3A_748 = vector.extract %reduce_sum3A_747[15] : i32 from vector<16xi32>
    %max3A_749 = arith.constant 0 : i32
    %max3A_750 = arith.maxsi %reduce_sum3A_748, %max3A_749 : i32
    %min3A_751 = arith.constant 999936 : i32
    %min3A_752 = arith.minsi %max3A_750, %min3A_751 : i32
    %multiple_of3A_753 = tpu.assume_multiple %min3A_752, 128 : i32
    %dma_start3A_754 = arith.constant 0 : i32
    %dma_start3A_755 = arith.constant 3712 : i32
    %dma_start3A_756 = tpu.memref_slice %arg7[%dma_start3A_754, %dma_start3A_755] : memref<8x4096xf32, #tpu.memory_space<vmem>> -> memref<8x128xf32, #tpu.memory_space<vmem>>
    %dma_start3A_757 = arith.constant 0 : i32
    %dma_start3A_758 = tpu.memref_slice %arg3[%dma_start3A_757, %multiple_of3A_753] : memref<8x1000000xf32, #tpu.memory_space<hbm>> -> memref<8x128xf32, #tpu.memory_space<hbm>>
    %dma_start3A_759 = arith.constant 0 : i32
    %dma_start3A_760 = arith.constant 3712 : i32
    %dma_start3A_761 = tpu.memref_slice %arg7[%dma_start3A_759, %dma_start3A_760] : memref<8x4096xf32, #tpu.memory_space<vmem>> -> memref<8x128xf32, #tpu.memory_space<vmem>>
    %dma_start3A_762 = arith.constant 0 : i32
    %dma_start3A_763 = tpu.memref_slice %arg3[%dma_start3A_762, %multiple_of3A_753] : memref<8x1000000xf32, #tpu.memory_space<hbm>> -> memref<8x128xf32, #tpu.memory_space<hbm>>
    tpu.enqueue_dma source(%dma_start3A_763 : memref<8x128xf32, #tpu.memory_space<hbm>>) target(%dma_start3A_761 : memref<8x128xf32, #tpu.memory_space<vmem>>) target_semaphore(%arg11 : memref<!tpu.dma_semaphore, #tpu.memory_space<semaphore_mem>>)
    %eq3A_764 = arith.constant 14 : i32
    %eq3A_765 = vector.broadcast %eq3A_764 : i32 to vector<16xi32>
    %eq3A_766 = arith.cmpi eq, %iota3A, %eq3A_765 : vector<16xi32>
    %jit3A_767 = arith.constant 0 : i32
    %broadcast_in_dim3A_768 = vector.broadcast %jit3A_767 : i32 to vector<16xi32>
    %select_n3A_769 = arith.select %eq3A_766, %shift_left3A_413, %broadcast_in_dim3A_768 : vector<16xi1>, vector<16xi32>
    %reduce_sum3A_770 = arith.constant true
    %reduce_sum3A_771 = vector.broadcast %reduce_sum3A_770 : i1 to vector<16xi1>
    %reduce_sum3A_772 = tpu.scan <sum>, %select_n3A_769 masked %reduce_sum3A_771 : vector<16xi32>, vector<16xi1> -> vector<16xi32>
    %reduce_sum3A_773 = vector.extract %reduce_sum3A_772[15] : i32 from vector<16xi32>
    %max3A_774 = arith.constant 0 : i32
    %max3A_775 = arith.maxsi %reduce_sum3A_773, %max3A_774 : i32
    %min3A_776 = arith.constant 999936 : i32
    %min3A_777 = arith.minsi %max3A_775, %min3A_776 : i32
    %multiple_of3A_778 = tpu.assume_multiple %min3A_777, 128 : i32
    %dma_start3A_779 = arith.constant 0 : i32
    %dma_start3A_780 = arith.constant 3840 : i32
    %dma_start3A_781 = tpu.memref_slice %arg7[%dma_start3A_779, %dma_start3A_780] : memref<8x4096xf32, #tpu.memory_space<vmem>> -> memref<8x128xf32, #tpu.memory_space<vmem>>
    %dma_start3A_782 = arith.constant 0 : i32
    %dma_start3A_783 = tpu.memref_slice %arg3[%dma_start3A_782, %multiple_of3A_778] : memref<8x1000000xf32, #tpu.memory_space<hbm>> -> memref<8x128xf32, #tpu.memory_space<hbm>>
    %dma_start3A_784 = arith.constant 0 : i32
    %dma_start3A_785 = arith.constant 3840 : i32
    %dma_start3A_786 = tpu.memref_slice %arg7[%dma_start3A_784, %dma_start3A_785] : memref<8x4096xf32, #tpu.memory_space<vmem>> -> memref<8x128xf32, #tpu.memory_space<vmem>>
    %dma_start3A_787 = arith.constant 0 : i32
    %dma_start3A_788 = tpu.memref_slice %arg3[%dma_start3A_787, %multiple_of3A_778] : memref<8x1000000xf32, #tpu.memory_space<hbm>> -> memref<8x128xf32, #tpu.memory_space<hbm>>
    tpu.enqueue_dma source(%dma_start3A_788 : memref<8x128xf32, #tpu.memory_space<hbm>>) target(%dma_start3A_786 : memref<8x128xf32, #tpu.memory_space<vmem>>) target_semaphore(%arg11 : memref<!tpu.dma_semaphore, #tpu.memory_space<semaphore_mem>>)
    %eq3A_789 = arith.constant 15 : i32
    %eq3A_790 = vector.broadcast %eq3A_789 : i32 to vector<16xi32>
    %eq3A_791 = arith.cmpi eq, %iota3A, %eq3A_790 : vector<16xi32>
    %jit3A_792 = arith.constant 0 : i32
    %broadcast_in_dim3A_793 = vector.broadcast %jit3A_792 : i32 to vector<16xi32>
    %select_n3A_794 = arith.select %eq3A_791, %shift_left3A_413, %broadcast_in_dim3A_793 : vector<16xi1>, vector<16xi32>
    %reduce_sum3A_795 = arith.constant true
    %reduce_sum3A_796 = vector.broadcast %reduce_sum3A_795 : i1 to vector<16xi1>
    %reduce_sum3A_797 = tpu.scan <sum>, %select_n3A_794 masked %reduce_sum3A_796 : vector<16xi32>, vector<16xi1> -> vector<16xi32>
    %reduce_sum3A_798 = vector.extract %reduce_sum3A_797[15] : i32 from vector<16xi32>
    %max3A_799 = arith.constant 0 : i32
    %max3A_800 = arith.maxsi %reduce_sum3A_798, %max3A_799 : i32
    %min3A_801 = arith.constant 999936 : i32
    %min3A_802 = arith.minsi %max3A_800, %min3A_801 : i32
    %multiple_of3A_803 = tpu.assume_multiple %min3A_802, 128 : i32
    %dma_start3A_804 = arith.constant 0 : i32
    %dma_start3A_805 = arith.constant 3968 : i32
    %dma_start3A_806 = tpu.memref_slice %arg7[%dma_start3A_804, %dma_start3A_805] : memref<8x4096xf32, #tpu.memory_space<vmem>> -> memref<8x128xf32, #tpu.memory_space<vmem>>
    %dma_start3A_807 = arith.constant 0 : i32
    %dma_start3A_808 = tpu.memref_slice %arg3[%dma_start3A_807, %multiple_of3A_803] : memref<8x1000000xf32, #tpu.memory_space<hbm>> -> memref<8x128xf32, #tpu.memory_space<hbm>>
    %dma_start3A_809 = arith.constant 0 : i32
    %dma_start3A_810 = arith.constant 3968 : i32
    %dma_start3A_811 = tpu.memref_slice %arg7[%dma_start3A_809, %dma_start3A_810] : memref<8x4096xf32, #tpu.memory_space<vmem>> -> memref<8x128xf32, #tpu.memory_space<vmem>>
    %dma_start3A_812 = arith.constant 0 : i32
    %dma_start3A_813 = tpu.memref_slice %arg3[%dma_start3A_812, %multiple_of3A_803] : memref<8x1000000xf32, #tpu.memory_space<hbm>> -> memref<8x128xf32, #tpu.memory_space<hbm>>
    tpu.enqueue_dma source(%dma_start3A_813 : memref<8x128xf32, #tpu.memory_space<hbm>>) target(%dma_start3A_811 : memref<8x128xf32, #tpu.memory_space<vmem>>) target_semaphore(%arg11 : memref<!tpu.dma_semaphore, #tpu.memory_space<semaphore_mem>>)
    %scan3A = arith.constant 0 : i32
    %scan3A_814 = arith.constant 0 : i32
    %scan3A_815 = arith.constant 16 : i32
    %scan3A_816 = arith.addi %scan3A_814, %scan3A_815 : i32
    %scan3A_817 = arith.constant 1 : i32
    scf.for %scan3A_821 = %scan3A_814 to %scan3A_816 step %scan3A_817  : i32 {
      %rem3A = arith.constant 2 : i32
      %rem3A_822 = arith.remsi %scan3A_821, %rem3A : i32
      %eq3A_823 = arith.constant 0 : i32
      %eq3A_824 = arith.cmpi eq, %rem3A_822, %eq3A_823 : i32
      %convert_element_type3A = arith.extui %eq3A_824 : i1 to i32
      %cond3A = arith.constant 0 : i32
      %cond3A_825 = arith.cmpi ne, %convert_element_type3A, %cond3A : i32
      scf.if %cond3A_825 {
        %add3A_830 = arith.constant 1 : i32
        %add3A_831 = arith.addi %scan3A_821, %add3A_830 : i32
        %lt3A = arith.constant 16 : i32
        %lt3A_832 = arith.cmpi slt, %add3A_831, %lt3A : i32
        %convert_element_type3A_833 = arith.extui %lt3A_832 : i1 to i32
        %cond3A_834 = arith.constant 0 : i32
        %cond3A_835 = arith.cmpi ne, %convert_element_type3A_833, %cond3A_834 : i32
        scf.if %cond3A_835 {
          %add3A_847 = arith.constant 1 : i32
          %add3A_848 = arith.addi %scan3A_821, %add3A_847 : i32
          %mul3A_849 = arith.constant 32 : i32
          %mul3A_850 = arith.muli %add3A_848, %mul3A_849 : i32
          %add3A_851 = arith.constant 0 : i32
          %add3A_852 = arith.addi %mul3A_850, %add3A_851 : i32
          %get3A_853 = arith.index_cast %add3A_852 : i32 to index
          %get3A_854 = tpu.vector_load %arg6[%get3A_853] {strides = array<i32>} : memref<512xi32, #tpu.memory_space<vmem>>, vector<16xi32>,
          %shift_right_logical3A_855 = arith.constant 7 : i32
          %shift_right_logical3A_856 = vector.broadcast %shift_right_logical3A_855 : i32 to vector<16xi32>
          %shift_right_logical3A_857 = arith.shrui %get3A_854, %shift_right_logical3A_856 : vector<16xi32>
          %shift_left3A_858 = arith.constant 7 : i32
          %shift_left3A_859 = vector.broadcast %shift_left3A_858 : i32 to vector<16xi32>
          %shift_left3A_860 = arith.shli %shift_right_logical3A_857, %shift_left3A_859 : vector<16xi32>
          %eq3A_861 = arith.constant 0 : i32
          %eq3A_862 = vector.broadcast %eq3A_861 : i32 to vector<16xi32>
          %eq3A_863 = arith.cmpi eq, %iota3A, %eq3A_862 : vector<16xi32>
          %jit3A_864 = arith.constant 0 : i32
          %broadcast_in_dim3A_865 = vector.broadcast %jit3A_864 : i32 to vector<16xi32>
          %select_n3A_866 = arith.select %eq3A_863, %shift_left3A_860, %broadcast_in_dim3A_865 : vector<16xi1>, vector<16xi32>
          %reduce_sum3A_867 = arith.constant true
          %reduce_sum3A_868 = vector.broadcast %reduce_sum3A_867 : i1 to vector<16xi1>
          %reduce_sum3A_869 = tpu.scan <sum>, %select_n3A_866 masked %reduce_sum3A_868 : vector<16xi32>, vector<16xi1> -> vector<16xi32>
          %reduce_sum3A_870 = vector.extract %reduce_sum3A_869[15] : i32 from vector<16xi32>
          %max3A_871 = arith.constant 0 : i32
          %max3A_872 = arith.maxsi %reduce_sum3A_870, %max3A_871 : i32
          %min3A_873 = arith.constant 999936 : i32
          %min3A_874 = arith.minsi %max3A_872, %min3A_873 : i32
          %multiple_of3A_875 = tpu.assume_multiple %min3A_874, 128 : i32
          %dma_start3A_876 = arith.constant 0 : i32
          %dma_start3A_877 = arith.constant 0 : i32
          %dma_start3A_878 = tpu.memref_slice %arg8[%dma_start3A_876, %dma_start3A_877] : memref<8x4096xf32, #tpu.memory_space<vmem>> -> memref<8x128xf32, #tpu.memory_space<vmem>>
          %dma_start3A_879 = arith.constant 0 : i32
          %dma_start3A_880 = tpu.memref_slice %arg3[%dma_start3A_879, %multiple_of3A_875] : memref<8x1000000xf32, #tpu.memory_space<hbm>> -> memref<8x128xf32, #tpu.memory_space<hbm>>
          %dma_start3A_881 = arith.constant 0 : i32
          %dma_start3A_882 = arith.constant 0 : i32
          %dma_start3A_883 = tpu.memref_slice %arg8[%dma_start3A_881, %dma_start3A_882] : memref<8x4096xf32, #tpu.memory_space<vmem>> -> memref<8x128xf32, #tpu.memory_space<vmem>>
          %dma_start3A_884 = arith.constant 0 : i32
          %dma_start3A_885 = tpu.memref_slice %arg3[%dma_start3A_884, %multiple_of3A_875] : memref<8x1000000xf32, #tpu.memory_space<hbm>> -> memref<8x128xf32, #tpu.memory_space<hbm>>
          tpu.enqueue_dma source(%dma_start3A_885 : memref<8x128xf32, #tpu.memory_space<hbm>>) target(%dma_start3A_883 : memref<8x128xf32, #tpu.memory_space<vmem>>) target_semaphore(%arg12 : memref<!tpu.dma_semaphore, #tpu.memory_space<semaphore_mem>>)
          %eq3A_886 = arith.constant 1 : i32
          %eq3A_887 = vector.broadcast %eq3A_886 : i32 to vector<16xi32>
          %eq3A_888 = arith.cmpi eq, %iota3A, %eq3A_887 : vector<16xi32>
          %jit3A_889 = arith.constant 0 : i32
          %broadcast_in_dim3A_890 = vector.broadcast %jit3A_889 : i32 to vector<16xi32>
          %select_n3A_891 = arith.select %eq3A_888, %shift_left3A_860, %broadcast_in_dim3A_890 : vector<16xi1>, vector<16xi32>
          %reduce_sum3A_892 = arith.constant true
          %reduce_sum3A_893 = vector.broadcast %reduce_sum3A_892 : i1 to vector<16xi1>
          %reduce_sum3A_894 = tpu.scan <sum>, %select_n3A_891 masked %reduce_sum3A_893 : vector<16xi32>, vector<16xi1> -> vector<16xi32>
          %reduce_sum3A_895 = vector.extract %reduce_sum3A_894[15] : i32 from vector<16xi32>
          %max3A_896 = arith.constant 0 : i32
          %max3A_897 = arith.maxsi %reduce_sum3A_895, %max3A_896 : i32
          %min3A_898 = arith.constant 999936 : i32
          %min3A_899 = arith.minsi %max3A_897, %min3A_898 : i32
          %multiple_of3A_900 = tpu.assume_multiple %min3A_899, 128 : i32
          %dma_start3A_901 = arith.constant 0 : i32
          %dma_start3A_902 = arith.constant 128 : i32
          %dma_start3A_903 = tpu.memref_slice %arg8[%dma_start3A_901, %dma_start3A_902] : memref<8x4096xf32, #tpu.memory_space<vmem>> -> memref<8x128xf32, #tpu.memory_space<vmem>>
          %dma_start3A_904 = arith.constant 0 : i32
          %dma_start3A_905 = tpu.memref_slice %arg3[%dma_start3A_904, %multiple_of3A_900] : memref<8x1000000xf32, #tpu.memory_space<hbm>> -> memref<8x128xf32, #tpu.memory_space<hbm>>
          %dma_start3A_906 = arith.constant 0 : i32
          %dma_start3A_907 = arith.constant 128 : i32
          %dma_start3A_908 = tpu.memref_slice %arg8[%dma_start3A_906, %dma_start3A_907] : memref<8x4096xf32, #tpu.memory_space<vmem>> -> memref<8x128xf32, #tpu.memory_space<vmem>>
          %dma_start3A_909 = arith.constant 0 : i32
          %dma_start3A_910 = tpu.memref_slice %arg3[%dma_start3A_909, %multiple_of3A_900] : memref<8x1000000xf32, #tpu.memory_space<hbm>> -> memref<8x128xf32, #tpu.memory_space<hbm>>
          tpu.enqueue_dma source(%dma_start3A_910 : memref<8x128xf32, #tpu.memory_space<hbm>>) target(%dma_start3A_908 : memref<8x128xf32, #tpu.memory_space<vmem>>) target_semaphore(%arg12 : memref<!tpu.dma_semaphore, #tpu.memory_space<semaphore_mem>>)
          %eq3A_911 = arith.constant 2 : i32
          %eq3A_912 = vector.broadcast %eq3A_911 : i32 to vector<16xi32>
          %eq3A_913 = arith.cmpi eq, %iota3A, %eq3A_912 : vector<16xi32>
          %jit3A_914 = arith.constant 0 : i32
          %broadcast_in_dim3A_915 = vector.broadcast %jit3A_914 : i32 to vector<16xi32>
          %select_n3A_916 = arith.select %eq3A_913, %shift_left3A_860, %broadcast_in_dim3A_915 : vector<16xi1>, vector<16xi32>
          %reduce_sum3A_917 = arith.constant true
          %reduce_sum3A_918 = vector.broadcast %reduce_sum3A_917 : i1 to vector<16xi1>
          %reduce_sum3A_919 = tpu.scan <sum>, %select_n3A_916 masked %reduce_sum3A_918 : vector<16xi32>, vector<16xi1> -> vector<16xi32>
          %reduce_sum3A_920 = vector.extract %reduce_sum3A_919[15] : i32 from vector<16xi32>
          %max3A_921 = arith.constant 0 : i32
          %max3A_922 = arith.maxsi %reduce_sum3A_920, %max3A_921 : i32
          %min3A_923 = arith.constant 999936 : i32
          %min3A_924 = arith.minsi %max3A_922, %min3A_923 : i32
          %multiple_of3A_925 = tpu.assume_multiple %min3A_924, 128 : i32
          %dma_start3A_926 = arith.constant 0 : i32
          %dma_start3A_927 = arith.constant 256 : i32
          %dma_start3A_928 = tpu.memref_slice %arg8[%dma_start3A_926, %dma_start3A_927] : memref<8x4096xf32, #tpu.memory_space<vmem>> -> memref<8x128xf32, #tpu.memory_space<vmem>>
          %dma_start3A_929 = arith.constant 0 : i32
          %dma_start3A_930 = tpu.memref_slice %arg3[%dma_start3A_929, %multiple_of3A_925] : memref<8x1000000xf32, #tpu.memory_space<hbm>> -> memref<8x128xf32, #tpu.memory_space<hbm>>
          %dma_start3A_931 = arith.constant 0 : i32
          %dma_start3A_932 = arith.constant 256 : i32
          %dma_start3A_933 = tpu.memref_slice %arg8[%dma_start3A_931, %dma_start3A_932] : memref<8x4096xf32, #tpu.memory_space<vmem>> -> memref<8x128xf32, #tpu.memory_space<vmem>>
          %dma_start3A_934 = arith.constant 0 : i32
          %dma_start3A_935 = tpu.memref_slice %arg3[%dma_start3A_934, %multiple_of3A_925] : memref<8x1000000xf32, #tpu.memory_space<hbm>> -> memref<8x128xf32, #tpu.memory_space<hbm>>
          tpu.enqueue_dma source(%dma_start3A_935 : memref<8x128xf32, #tpu.memory_space<hbm>>) target(%dma_start3A_933 : memref<8x128xf32, #tpu.memory_space<vmem>>) target_semaphore(%arg12 : memref<!tpu.dma_semaphore, #tpu.memory_space<semaphore_mem>>)
          %eq3A_936 = arith.constant 3 : i32
          %eq3A_937 = vector.broadcast %eq3A_936 : i32 to vector<16xi32>
          %eq3A_938 = arith.cmpi eq, %iota3A, %eq3A_937 : vector<16xi32>
          %jit3A_939 = arith.constant 0 : i32
          %broadcast_in_dim3A_940 = vector.broadcast %jit3A_939 : i32 to vector<16xi32>
          %select_n3A_941 = arith.select %eq3A_938, %shift_left3A_860, %broadcast_in_dim3A_940 : vector<16xi1>, vector<16xi32>
          %reduce_sum3A_942 = arith.constant true
          %reduce_sum3A_943 = vector.broadcast %reduce_sum3A_942 : i1 to vector<16xi1>
          %reduce_sum3A_944 = tpu.scan <sum>, %select_n3A_941 masked %reduce_sum3A_943 : vector<16xi32>, vector<16xi1> -> vector<16xi32>
          %reduce_sum3A_945 = vector.extract %reduce_sum3A_944[15] : i32 from vector<16xi32>
          %max3A_946 = arith.constant 0 : i32
          %max3A_947 = arith.maxsi %reduce_sum3A_945, %max3A_946 : i32
          %min3A_948 = arith.constant 999936 : i32
          %min3A_949 = arith.minsi %max3A_947, %min3A_948 : i32
          %multiple_of3A_950 = tpu.assume_multiple %min3A_949, 128 : i32
          %dma_start3A_951 = arith.constant 0 : i32
          %dma_start3A_952 = arith.constant 384 : i32
          %dma_start3A_953 = tpu.memref_slice %arg8[%dma_start3A_951, %dma_start3A_952] : memref<8x4096xf32, #tpu.memory_space<vmem>> -> memref<8x128xf32, #tpu.memory_space<vmem>>
          %dma_start3A_954 = arith.constant 0 : i32
          %dma_start3A_955 = tpu.memref_slice %arg3[%dma_start3A_954, %multiple_of3A_950] : memref<8x1000000xf32, #tpu.memory_space<hbm>> -> memref<8x128xf32, #tpu.memory_space<hbm>>
          %dma_start3A_956 = arith.constant 0 : i32
          %dma_start3A_957 = arith.constant 384 : i32
          %dma_start3A_958 = tpu.memref_slice %arg8[%dma_start3A_956, %dma_start3A_957] : memref<8x4096xf32, #tpu.memory_space<vmem>> -> memref<8x128xf32, #tpu.memory_space<vmem>>
          %dma_start3A_959 = arith.constant 0 : i32
          %dma_start3A_960 = tpu.memref_slice %arg3[%dma_start3A_959, %multiple_of3A_950] : memref<8x1000000xf32, #tpu.memory_space<hbm>> -> memref<8x128xf32, #tpu.memory_space<hbm>>
          tpu.enqueue_dma source(%dma_start3A_960 : memref<8x128xf32, #tpu.memory_space<hbm>>) target(%dma_start3A_958 : memref<8x128xf32, #tpu.memory_space<vmem>>) target_semaphore(%arg12 : memref<!tpu.dma_semaphore, #tpu.memory_space<semaphore_mem>>)
          %eq3A_961 = arith.constant 4 : i32
          %eq3A_962 = vector.broadcast %eq3A_961 : i32 to vector<16xi32>
          %eq3A_963 = arith.cmpi eq, %iota3A, %eq3A_962 : vector<16xi32>
          %jit3A_964 = arith.constant 0 : i32
          %broadcast_in_dim3A_965 = vector.broadcast %jit3A_964 : i32 to vector<16xi32>
          %select_n3A_966 = arith.select %eq3A_963, %shift_left3A_860, %broadcast_in_dim3A_965 : vector<16xi1>, vector<16xi32>
          %reduce_sum3A_967 = arith.constant true
          %reduce_sum3A_968 = vector.broadcast %reduce_sum3A_967 : i1 to vector<16xi1>
          %reduce_sum3A_969 = tpu.scan <sum>, %select_n3A_966 masked %reduce_sum3A_968 : vector<16xi32>, vector<16xi1> -> vector<16xi32>
          %reduce_sum3A_970 = vector.extract %reduce_sum3A_969[15] : i32 from vector<16xi32>
          %max3A_971 = arith.constant 0 : i32
          %max3A_972 = arith.maxsi %reduce_sum3A_970, %max3A_971 : i32
          %min3A_973 = arith.constant 999936 : i32
          %min3A_974 = arith.minsi %max3A_972, %min3A_973 : i32
          %multiple_of3A_975 = tpu.assume_multiple %min3A_974, 128 : i32
          %dma_start3A_976 = arith.constant 0 : i32
          %dma_start3A_977 = arith.constant 512 : i32
          %dma_start3A_978 = tpu.memref_slice %arg8[%dma_start3A_976, %dma_start3A_977] : memref<8x4096xf32, #tpu.memory_space<vmem>> -> memref<8x128xf32, #tpu.memory_space<vmem>>
          %dma_start3A_979 = arith.constant 0 : i32
          %dma_start3A_980 = tpu.memref_slice %arg3[%dma_start3A_979, %multiple_of3A_975] : memref<8x1000000xf32, #tpu.memory_space<hbm>> -> memref<8x128xf32, #tpu.memory_space<hbm>>
          %dma_start3A_981 = arith.constant 0 : i32
          %dma_start3A_982 = arith.constant 512 : i32
          %dma_start3A_983 = tpu.memref_slice %arg8[%dma_start3A_981, %dma_start3A_982] : memref<8x4096xf32, #tpu.memory_space<vmem>> -> memref<8x128xf32, #tpu.memory_space<vmem>>
          %dma_start3A_984 = arith.constant 0 : i32
          %dma_start3A_985 = tpu.memref_slice %arg3[%dma_start3A_984, %multiple_of3A_975] : memref<8x1000000xf32, #tpu.memory_space<hbm>> -> memref<8x128xf32, #tpu.memory_space<hbm>>
          tpu.enqueue_dma source(%dma_start3A_985 : memref<8x128xf32, #tpu.memory_space<hbm>>) target(%dma_start3A_983 : memref<8x128xf32, #tpu.memory_space<vmem>>) target_semaphore(%arg12 : memref<!tpu.dma_semaphore, #tpu.memory_space<semaphore_mem>>)
          %eq3A_986 = arith.constant 5 : i32
          %eq3A_987 = vector.broadcast %eq3A_986 : i32 to vector<16xi32>
          %eq3A_988 = arith.cmpi eq, %iota3A, %eq3A_987 : vector<16xi32>
          %jit3A_989 = arith.constant 0 : i32
          %broadcast_in_dim3A_990 = vector.broadcast %jit3A_989 : i32 to vector<16xi32>
          %select_n3A_991 = arith.select %eq3A_988, %shift_left3A_860, %broadcast_in_dim3A_990 : vector<16xi1>, vector<16xi32>
          %reduce_sum3A_992 = arith.constant true
          %reduce_sum3A_993 = vector.broadcast %reduce_sum3A_992 : i1 to vector<16xi1>
          %reduce_sum3A_994 = tpu.scan <sum>, %select_n3A_991 masked %reduce_sum3A_993 : vector<16xi32>, vector<16xi1> -> vector<16xi32>
          %reduce_sum3A_995 = vector.extract %reduce_sum3A_994[15] : i32 from vector<16xi32>
          %max3A_996 = arith.constant 0 : i32
          %max3A_997 = arith.maxsi %reduce_sum3A_995, %max3A_996 : i32
          %min3A_998 = arith.constant 999936 : i32
          %min3A_999 = arith.minsi %max3A_997, %min3A_998 : i32
          %multiple_of3A_1000 = tpu.assume_multiple %min3A_999, 128 : i32
          %dma_start3A_1001 = arith.constant 0 : i32
          %dma_start3A_1002 = arith.constant 640 : i32
          %dma_start3A_1003 = tpu.memref_slice %arg8[%dma_start3A_1001, %dma_start3A_1002] : memref<8x4096xf32, #tpu.memory_space<vmem>> -> memref<8x128xf32, #tpu.memory_space<vmem>>
          %dma_start3A_1004 = arith.constant 0 : i32
          %dma_start3A_1005 = tpu.memref_slice %arg3[%dma_start3A_1004, %multiple_of3A_1000] : memref<8x1000000xf32, #tpu.memory_space<hbm>> -> memref<8x128xf32, #tpu.memory_space<hbm>>
          %dma_start3A_1006 = arith.constant 0 : i32
          %dma_start3A_1007 = arith.constant 640 : i32
          %dma_start3A_1008 = tpu.memref_slice %arg8[%dma_start3A_1006, %dma_start3A_1007] : memref<8x4096xf32, #tpu.memory_space<vmem>> -> memref<8x128xf32, #tpu.memory_space<vmem>>
          %dma_start3A_1009 = arith.constant 0 : i32
          %dma_start3A_1010 = tpu.memref_slice %arg3[%dma_start3A_1009, %multiple_of3A_1000] : memref<8x1000000xf32, #tpu.memory_space<hbm>> -> memref<8x128xf32, #tpu.memory_space<hbm>>
          tpu.enqueue_dma source(%dma_start3A_1010 : memref<8x128xf32, #tpu.memory_space<hbm>>) target(%dma_start3A_1008 : memref<8x128xf32, #tpu.memory_space<vmem>>) target_semaphore(%arg12 : memref<!tpu.dma_semaphore, #tpu.memory_space<semaphore_mem>>)
          %eq3A_1011 = arith.constant 6 : i32
          %eq3A_1012 = vector.broadcast %eq3A_1011 : i32 to vector<16xi32>
          %eq3A_1013 = arith.cmpi eq, %iota3A, %eq3A_1012 : vector<16xi32>
          %jit3A_1014 = arith.constant 0 : i32
          %broadcast_in_dim3A_1015 = vector.broadcast %jit3A_1014 : i32 to vector<16xi32>
          %select_n3A_1016 = arith.select %eq3A_1013, %shift_left3A_860, %broadcast_in_dim3A_1015 : vector<16xi1>, vector<16xi32>
          %reduce_sum3A_1017 = arith.constant true
          %reduce_sum3A_1018 = vector.broadcast %reduce_sum3A_1017 : i1 to vector<16xi1>
          %reduce_sum3A_1019 = tpu.scan <sum>, %select_n3A_1016 masked %reduce_sum3A_1018 : vector<16xi32>, vector<16xi1> -> vector<16xi32>
          %reduce_sum3A_1020 = vector.extract %reduce_sum3A_1019[15] : i32 from vector<16xi32>
          %max3A_1021 = arith.constant 0 : i32
          %max3A_1022 = arith.maxsi %reduce_sum3A_1020, %max3A_1021 : i32
          %min3A_1023 = arith.constant 999936 : i32
          %min3A_1024 = arith.minsi %max3A_1022, %min3A_1023 : i32
          %multiple_of3A_1025 = tpu.assume_multiple %min3A_1024, 128 : i32
          %dma_start3A_1026 = arith.constant 0 : i32
          %dma_start3A_1027 = arith.constant 768 : i32
          %dma_start3A_1028 = tpu.memref_slice %arg8[%dma_start3A_1026, %dma_start3A_1027] : memref<8x4096xf32, #tpu.memory_space<vmem>> -> memref<8x128xf32, #tpu.memory_space<vmem>>
          %dma_start3A_1029 = arith.constant 0 : i32
          %dma_start3A_1030 = tpu.memref_slice %arg3[%dma_start3A_1029, %multiple_of3A_1025] : memref<8x1000000xf32, #tpu.memory_space<hbm>> -> memref<8x128xf32, #tpu.memory_space<hbm>>
          %dma_start3A_1031 = arith.constant 0 : i32
          %dma_start3A_1032 = arith.constant 768 : i32
          %dma_start3A_1033 = tpu.memref_slice %arg8[%dma_start3A_1031, %dma_start3A_1032] : memref<8x4096xf32, #tpu.memory_space<vmem>> -> memref<8x128xf32, #tpu.memory_space<vmem>>
          %dma_start3A_1034 = arith.constant 0 : i32
          %dma_start3A_1035 = tpu.memref_slice %arg3[%dma_start3A_1034, %multiple_of3A_1025] : memref<8x1000000xf32, #tpu.memory_space<hbm>> -> memref<8x128xf32, #tpu.memory_space<hbm>>
          tpu.enqueue_dma source(%dma_start3A_1035 : memref<8x128xf32, #tpu.memory_space<hbm>>) target(%dma_start3A_1033 : memref<8x128xf32, #tpu.memory_space<vmem>>) target_semaphore(%arg12 : memref<!tpu.dma_semaphore, #tpu.memory_space<semaphore_mem>>)
          %eq3A_1036 = arith.constant 7 : i32
          %eq3A_1037 = vector.broadcast %eq3A_1036 : i32 to vector<16xi32>
          %eq3A_1038 = arith.cmpi eq, %iota3A, %eq3A_1037 : vector<16xi32>
          %jit3A_1039 = arith.constant 0 : i32
          %broadcast_in_dim3A_1040 = vector.broadcast %jit3A_1039 : i32 to vector<16xi32>
          %select_n3A_1041 = arith.select %eq3A_1038, %shift_left3A_860, %broadcast_in_dim3A_1040 : vector<16xi1>, vector<16xi32>
          %reduce_sum3A_1042 = arith.constant true
          %reduce_sum3A_1043 = vector.broadcast %reduce_sum3A_1042 : i1 to vector<16xi1>
          %reduce_sum3A_1044 = tpu.scan <sum>, %select_n3A_1041 masked %reduce_sum3A_1043 : vector<16xi32>, vector<16xi1> -> vector<16xi32>
          %reduce_sum3A_1045 = vector.extract %reduce_sum3A_1044[15] : i32 from vector<16xi32>
          %max3A_1046 = arith.constant 0 : i32
          %max3A_1047 = arith.maxsi %reduce_sum3A_1045, %max3A_1046 : i32
          %min3A_1048 = arith.constant 999936 : i32
          %min3A_1049 = arith.minsi %max3A_1047, %min3A_1048 : i32
          %multiple_of3A_1050 = tpu.assume_multiple %min3A_1049, 128 : i32
          %dma_start3A_1051 = arith.constant 0 : i32
          %dma_start3A_1052 = arith.constant 896 : i32
          %dma_start3A_1053 = tpu.memref_slice %arg8[%dma_start3A_1051, %dma_start3A_1052] : memref<8x4096xf32, #tpu.memory_space<vmem>> -> memref<8x128xf32, #tpu.memory_space<vmem>>
          %dma_start3A_1054 = arith.constant 0 : i32
          %dma_start3A_1055 = tpu.memref_slice %arg3[%dma_start3A_1054, %multiple_of3A_1050] : memref<8x1000000xf32, #tpu.memory_space<hbm>> -> memref<8x128xf32, #tpu.memory_space<hbm>>
          %dma_start3A_1056 = arith.constant 0 : i32
          %dma_start3A_1057 = arith.constant 896 : i32
          %dma_start3A_1058 = tpu.memref_slice %arg8[%dma_start3A_1056, %dma_start3A_1057] : memref<8x4096xf32, #tpu.memory_space<vmem>> -> memref<8x128xf32, #tpu.memory_space<vmem>>
          %dma_start3A_1059 = arith.constant 0 : i32
          %dma_start3A_1060 = tpu.memref_slice %arg3[%dma_start3A_1059, %multiple_of3A_1050] : memref<8x1000000xf32, #tpu.memory_space<hbm>> -> memref<8x128xf32, #tpu.memory_space<hbm>>
          tpu.enqueue_dma source(%dma_start3A_1060 : memref<8x128xf32, #tpu.memory_space<hbm>>) target(%dma_start3A_1058 : memref<8x128xf32, #tpu.memory_space<vmem>>) target_semaphore(%arg12 : memref<!tpu.dma_semaphore, #tpu.memory_space<semaphore_mem>>)
          %eq3A_1061 = arith.constant 8 : i32
          %eq3A_1062 = vector.broadcast %eq3A_1061 : i32 to vector<16xi32>
          %eq3A_1063 = arith.cmpi eq, %iota3A, %eq3A_1062 : vector<16xi32>
          %jit3A_1064 = arith.constant 0 : i32
          %broadcast_in_dim3A_1065 = vector.broadcast %jit3A_1064 : i32 to vector<16xi32>
          %select_n3A_1066 = arith.select %eq3A_1063, %shift_left3A_860, %broadcast_in_dim3A_1065 : vector<16xi1>, vector<16xi32>
          %reduce_sum3A_1067 = arith.constant true
          %reduce_sum3A_1068 = vector.broadcast %reduce_sum3A_1067 : i1 to vector<16xi1>
          %reduce_sum3A_1069 = tpu.scan <sum>, %select_n3A_1066 masked %reduce_sum3A_1068 : vector<16xi32>, vector<16xi1> -> vector<16xi32>
          %reduce_sum3A_1070 = vector.extract %reduce_sum3A_1069[15] : i32 from vector<16xi32>
          %max3A_1071 = arith.constant 0 : i32
          %max3A_1072 = arith.maxsi %reduce_sum3A_1070, %max3A_1071 : i32
          %min3A_1073 = arith.constant 999936 : i32
          %min3A_1074 = arith.minsi %max3A_1072, %min3A_1073 : i32
          %multiple_of3A_1075 = tpu.assume_multiple %min3A_1074, 128 : i32
          %dma_start3A_1076 = arith.constant 0 : i32
          %dma_start3A_1077 = arith.constant 1024 : i32
          %dma_start3A_1078 = tpu.memref_slice %arg8[%dma_start3A_1076, %dma_start3A_1077] : memref<8x4096xf32, #tpu.memory_space<vmem>> -> memref<8x128xf32, #tpu.memory_space<vmem>>
          %dma_start3A_1079 = arith.constant 0 : i32
          %dma_start3A_1080 = tpu.memref_slice %arg3[%dma_start3A_1079, %multiple_of3A_1075] : memref<8x1000000xf32, #tpu.memory_space<hbm>> -> memref<8x128xf32, #tpu.memory_space<hbm>>
          %dma_start3A_1081 = arith.constant 0 : i32
          %dma_start3A_1082 = arith.constant 1024 : i32
          %dma_start3A_1083 = tpu.memref_slice %arg8[%dma_start3A_1081, %dma_start3A_1082] : memref<8x4096xf32, #tpu.memory_space<vmem>> -> memref<8x128xf32, #tpu.memory_space<vmem>>
          %dma_start3A_1084 = arith.constant 0 : i32
          %dma_start3A_1085 = tpu.memref_slice %arg3[%dma_start3A_1084, %multiple_of3A_1075] : memref<8x1000000xf32, #tpu.memory_space<hbm>> -> memref<8x128xf32, #tpu.memory_space<hbm>>
          tpu.enqueue_dma source(%dma_start3A_1085 : memref<8x128xf32, #tpu.memory_space<hbm>>) target(%dma_start3A_1083 : memref<8x128xf32, #tpu.memory_space<vmem>>) target_semaphore(%arg12 : memref<!tpu.dma_semaphore, #tpu.memory_space<semaphore_mem>>)
          %eq3A_1086 = arith.constant 9 : i32
          %eq3A_1087 = vector.broadcast %eq3A_1086 : i32 to vector<16xi32>
          %eq3A_1088 = arith.cmpi eq, %iota3A, %eq3A_1087 : vector<16xi32>
          %jit3A_1089 = arith.constant 0 : i32
          %broadcast_in_dim3A_1090 = vector.broadcast %jit3A_1089 : i32 to vector<16xi32>
          %select_n3A_1091 = arith.select %eq3A_1088, %shift_left3A_860, %broadcast_in_dim3A_1090 : vector<16xi1>, vector<16xi32>
          %reduce_sum3A_1092 = arith.constant true
          %reduce_sum3A_1093 = vector.broadcast %reduce_sum3A_1092 : i1 to vector<16xi1>
          %reduce_sum3A_1094 = tpu.scan <sum>, %select_n3A_1091 masked %reduce_sum3A_1093 : vector<16xi32>, vector<16xi1> -> vector<16xi32>
          %reduce_sum3A_1095 = vector.extract %reduce_sum3A_1094[15] : i32 from vector<16xi32>
          %max3A_1096 = arith.constant 0 : i32
          %max3A_1097 = arith.maxsi %reduce_sum3A_1095, %max3A_1096 : i32
          %min3A_1098 = arith.constant 999936 : i32
          %min3A_1099 = arith.minsi %max3A_1097, %min3A_1098 : i32
          %multiple_of3A_1100 = tpu.assume_multiple %min3A_1099, 128 : i32
          %dma_start3A_1101 = arith.constant 0 : i32
          %dma_start3A_1102 = arith.constant 1152 : i32
          %dma_start3A_1103 = tpu.memref_slice %arg8[%dma_start3A_1101, %dma_start3A_1102] : memref<8x4096xf32, #tpu.memory_space<vmem>> -> memref<8x128xf32, #tpu.memory_space<vmem>>
          %dma_start3A_1104 = arith.constant 0 : i32
          %dma_start3A_1105 = tpu.memref_slice %arg3[%dma_start3A_1104, %multiple_of3A_1100] : memref<8x1000000xf32, #tpu.memory_space<hbm>> -> memref<8x128xf32, #tpu.memory_space<hbm>>
          %dma_start3A_1106 = arith.constant 0 : i32
          %dma_start3A_1107 = arith.constant 1152 : i32
          %dma_start3A_1108 = tpu.memref_slice %arg8[%dma_start3A_1106, %dma_start3A_1107] : memref<8x4096xf32, #tpu.memory_space<vmem>> -> memref<8x128xf32, #tpu.memory_space<vmem>>
          %dma_start3A_1109 = arith.constant 0 : i32
          %dma_start3A_1110 = tpu.memref_slice %arg3[%dma_start3A_1109, %multiple_of3A_1100] : memref<8x1000000xf32, #tpu.memory_space<hbm>> -> memref<8x128xf32, #tpu.memory_space<hbm>>
          tpu.enqueue_dma source(%dma_start3A_1110 : memref<8x128xf32, #tpu.memory_space<hbm>>) target(%dma_start3A_1108 : memref<8x128xf32, #tpu.memory_space<vmem>>) target_semaphore(%arg12 : memref<!tpu.dma_semaphore, #tpu.memory_space<semaphore_mem>>)
          %eq3A_1111 = arith.constant 10 : i32
          %eq3A_1112 = vector.broadcast %eq3A_1111 : i32 to vector<16xi32>
          %eq3A_1113 = arith.cmpi eq, %iota3A, %eq3A_1112 : vector<16xi32>
          %jit3A_1114 = arith.constant 0 : i32
          %broadcast_in_dim3A_1115 = vector.broadcast %jit3A_1114 : i32 to vector<16xi32>
          %select_n3A_1116 = arith.select %eq3A_1113, %shift_left3A_860, %broadcast_in_dim3A_1115 : vector<16xi1>, vector<16xi32>
          %reduce_sum3A_1117 = arith.constant true
          %reduce_sum3A_1118 = vector.broadcast %reduce_sum3A_1117 : i1 to vector<16xi1>
          %reduce_sum3A_1119 = tpu.scan <sum>, %select_n3A_1116 masked %reduce_sum3A_1118 : vector<16xi32>, vector<16xi1> -> vector<16xi32>
          %reduce_sum3A_1120 = vector.extract %reduce_sum3A_1119[15] : i32 from vector<16xi32>
          %max3A_1121 = arith.constant 0 : i32
          %max3A_1122 = arith.maxsi %reduce_sum3A_1120, %max3A_1121 : i32
          %min3A_1123 = arith.constant 999936 : i32
          %min3A_1124 = arith.minsi %max3A_1122, %min3A_1123 : i32
          %multiple_of3A_1125 = tpu.assume_multiple %min3A_1124, 128 : i32
          %dma_start3A_1126 = arith.constant 0 : i32
          %dma_start3A_1127 = arith.constant 1280 : i32
          %dma_start3A_1128 = tpu.memref_slice %arg8[%dma_start3A_1126, %dma_start3A_1127] : memref<8x4096xf32, #tpu.memory_space<vmem>> -> memref<8x128xf32, #tpu.memory_space<vmem>>
          %dma_start3A_1129 = arith.constant 0 : i32
          %dma_start3A_1130 = tpu.memref_slice %arg3[%dma_start3A_1129, %multiple_of3A_1125] : memref<8x1000000xf32, #tpu.memory_space<hbm>> -> memref<8x128xf32, #tpu.memory_space<hbm>>
          %dma_start3A_1131 = arith.constant 0 : i32
          %dma_start3A_1132 = arith.constant 1280 : i32
          %dma_start3A_1133 = tpu.memref_slice %arg8[%dma_start3A_1131, %dma_start3A_1132] : memref<8x4096xf32, #tpu.memory_space<vmem>> -> memref<8x128xf32, #tpu.memory_space<vmem>>
          %dma_start3A_1134 = arith.constant 0 : i32
          %dma_start3A_1135 = tpu.memref_slice %arg3[%dma_start3A_1134, %multiple_of3A_1125] : memref<8x1000000xf32, #tpu.memory_space<hbm>> -> memref<8x128xf32, #tpu.memory_space<hbm>>
          tpu.enqueue_dma source(%dma_start3A_1135 : memref<8x128xf32, #tpu.memory_space<hbm>>) target(%dma_start3A_1133 : memref<8x128xf32, #tpu.memory_space<vmem>>) target_semaphore(%arg12 : memref<!tpu.dma_semaphore, #tpu.memory_space<semaphore_mem>>)
          %eq3A_1136 = arith.constant 11 : i32
          %eq3A_1137 = vector.broadcast %eq3A_1136 : i32 to vector<16xi32>
          %eq3A_1138 = arith.cmpi eq, %iota3A, %eq3A_1137 : vector<16xi32>
          %jit3A_1139 = arith.constant 0 : i32
          %broadcast_in_dim3A_1140 = vector.broadcast %jit3A_1139 : i32 to vector<16xi32>
          %select_n3A_1141 = arith.select %eq3A_1138, %shift_left3A_860, %broadcast_in_dim3A_1140 : vector<16xi1>, vector<16xi32>
          %reduce_sum3A_1142 = arith.constant true
          %reduce_sum3A_1143 = vector.broadcast %reduce_sum3A_1142 : i1 to vector<16xi1>
          %reduce_sum3A_1144 = tpu.scan <sum>, %select_n3A_1141 masked %reduce_sum3A_1143 : vector<16xi32>, vector<16xi1> -> vector<16xi32>
          %reduce_sum3A_1145 = vector.extract %reduce_sum3A_1144[15] : i32 from vector<16xi32>
          %max3A_1146 = arith.constant 0 : i32
          %max3A_1147 = arith.maxsi %reduce_sum3A_1145, %max3A_1146 : i32
          %min3A_1148 = arith.constant 999936 : i32
          %min3A_1149 = arith.minsi %max3A_1147, %min3A_1148 : i32
          %multiple_of3A_1150 = tpu.assume_multiple %min3A_1149, 128 : i32
          %dma_start3A_1151 = arith.constant 0 : i32
          %dma_start3A_1152 = arith.constant 1408 : i32
          %dma_start3A_1153 = tpu.memref_slice %arg8[%dma_start3A_1151, %dma_start3A_1152] : memref<8x4096xf32, #tpu.memory_space<vmem>> -> memref<8x128xf32, #tpu.memory_space<vmem>>
          %dma_start3A_1154 = arith.constant 0 : i32
          %dma_start3A_1155 = tpu.memref_slice %arg3[%dma_start3A_1154, %multiple_of3A_1150] : memref<8x1000000xf32, #tpu.memory_space<hbm>> -> memref<8x128xf32, #tpu.memory_space<hbm>>
          %dma_start3A_1156 = arith.constant 0 : i32
          %dma_start3A_1157 = arith.constant 1408 : i32
          %dma_start3A_1158 = tpu.memref_slice %arg8[%dma_start3A_1156, %dma_start3A_1157] : memref<8x4096xf32, #tpu.memory_space<vmem>> -> memref<8x128xf32, #tpu.memory_space<vmem>>
          %dma_start3A_1159 = arith.constant 0 : i32
          %dma_start3A_1160 = tpu.memref_slice %arg3[%dma_start3A_1159, %multiple_of3A_1150] : memref<8x1000000xf32, #tpu.memory_space<hbm>> -> memref<8x128xf32, #tpu.memory_space<hbm>>
          tpu.enqueue_dma source(%dma_start3A_1160 : memref<8x128xf32, #tpu.memory_space<hbm>>) target(%dma_start3A_1158 : memref<8x128xf32, #tpu.memory_space<vmem>>) target_semaphore(%arg12 : memref<!tpu.dma_semaphore, #tpu.memory_space<semaphore_mem>>)
          %eq3A_1161 = arith.constant 12 : i32
          %eq3A_1162 = vector.broadcast %eq3A_1161 : i32 to vector<16xi32>
          %eq3A_1163 = arith.cmpi eq, %iota3A, %eq3A_1162 : vector<16xi32>
          %jit3A_1164 = arith.constant 0 : i32
          %broadcast_in_dim3A_1165 = vector.broadcast %jit3A_1164 : i32 to vector<16xi32>
          %select_n3A_1166 = arith.select %eq3A_1163, %shift_left3A_860, %broadcast_in_dim3A_1165 : vector<16xi1>, vector<16xi32>
          %reduce_sum3A_1167 = arith.constant true
          %reduce_sum3A_1168 = vector.broadcast %reduce_sum3A_1167 : i1 to vector<16xi1>
          %reduce_sum3A_1169 = tpu.scan <sum>, %select_n3A_1166 masked %reduce_sum3A_1168 : vector<16xi32>, vector<16xi1> -> vector<16xi32>
          %reduce_sum3A_1170 = vector.extract %reduce_sum3A_1169[15] : i32 from vector<16xi32>
          %max3A_1171 = arith.constant 0 : i32
          %max3A_1172 = arith.maxsi %reduce_sum3A_1170, %max3A_1171 : i32
          %min3A_1173 = arith.constant 999936 : i32
          %min3A_1174 = arith.minsi %max3A_1172, %min3A_1173 : i32
          %multiple_of3A_1175 = tpu.assume_multiple %min3A_1174, 128 : i32
          %dma_start3A_1176 = arith.constant 0 : i32
          %dma_start3A_1177 = arith.constant 1536 : i32
          %dma_start3A_1178 = tpu.memref_slice %arg8[%dma_start3A_1176, %dma_start3A_1177] : memref<8x4096xf32, #tpu.memory_space<vmem>> -> memref<8x128xf32, #tpu.memory_space<vmem>>
          %dma_start3A_1179 = arith.constant 0 : i32
          %dma_start3A_1180 = tpu.memref_slice %arg3[%dma_start3A_1179, %multiple_of3A_1175] : memref<8x1000000xf32, #tpu.memory_space<hbm>> -> memref<8x128xf32, #tpu.memory_space<hbm>>
          %dma_start3A_1181 = arith.constant 0 : i32
          %dma_start3A_1182 = arith.constant 1536 : i32
          %dma_start3A_1183 = tpu.memref_slice %arg8[%dma_start3A_1181, %dma_start3A_1182] : memref<8x4096xf32, #tpu.memory_space<vmem>> -> memref<8x128xf32, #tpu.memory_space<vmem>>
          %dma_start3A_1184 = arith.constant 0 : i32
          %dma_start3A_1185 = tpu.memref_slice %arg3[%dma_start3A_1184, %multiple_of3A_1175] : memref<8x1000000xf32, #tpu.memory_space<hbm>> -> memref<8x128xf32, #tpu.memory_space<hbm>>
          tpu.enqueue_dma source(%dma_start3A_1185 : memref<8x128xf32, #tpu.memory_space<hbm>>) target(%dma_start3A_1183 : memref<8x128xf32, #tpu.memory_space<vmem>>) target_semaphore(%arg12 : memref<!tpu.dma_semaphore, #tpu.memory_space<semaphore_mem>>)
          %eq3A_1186 = arith.constant 13 : i32
          %eq3A_1187 = vector.broadcast %eq3A_1186 : i32 to vector<16xi32>
          %eq3A_1188 = arith.cmpi eq, %iota3A, %eq3A_1187 : vector<16xi32>
          %jit3A_1189 = arith.constant 0 : i32
          %broadcast_in_dim3A_1190 = vector.broadcast %jit3A_1189 : i32 to vector<16xi32>
          %select_n3A_1191 = arith.select %eq3A_1188, %shift_left3A_860, %broadcast_in_dim3A_1190 : vector<16xi1>, vector<16xi32>
          %reduce_sum3A_1192 = arith.constant true
          %reduce_sum3A_1193 = vector.broadcast %reduce_sum3A_1192 : i1 to vector<16xi1>
          %reduce_sum3A_1194 = tpu.scan <sum>, %select_n3A_1191 masked %reduce_sum3A_1193 : vector<16xi32>, vector<16xi1> -> vector<16xi32>
          %reduce_sum3A_1195 = vector.extract %reduce_sum3A_1194[15] : i32 from vector<16xi32>
          %max3A_1196 = arith.constant 0 : i32
          %max3A_1197 = arith.maxsi %reduce_sum3A_1195, %max3A_1196 : i32
          %min3A_1198 = arith.constant 999936 : i32
          %min3A_1199 = arith.minsi %max3A_1197, %min3A_1198 : i32
          %multiple_of3A_1200 = tpu.assume_multiple %min3A_1199, 128 : i32
          %dma_start3A_1201 = arith.constant 0 : i32
          %dma_start3A_1202 = arith.constant 1664 : i32
          %dma_start3A_1203 = tpu.memref_slice %arg8[%dma_start3A_1201, %dma_start3A_1202] : memref<8x4096xf32, #tpu.memory_space<vmem>> -> memref<8x128xf32, #tpu.memory_space<vmem>>
          %dma_start3A_1204 = arith.constant 0 : i32
          %dma_start3A_1205 = tpu.memref_slice %arg3[%dma_start3A_1204, %multiple_of3A_1200] : memref<8x1000000xf32, #tpu.memory_space<hbm>> -> memref<8x128xf32, #tpu.memory_space<hbm>>
          %dma_start3A_1206 = arith.constant 0 : i32
          %dma_start3A_1207 = arith.constant 1664 : i32
          %dma_start3A_1208 = tpu.memref_slice %arg8[%dma_start3A_1206, %dma_start3A_1207] : memref<8x4096xf32, #tpu.memory_space<vmem>> -> memref<8x128xf32, #tpu.memory_space<vmem>>
          %dma_start3A_1209 = arith.constant 0 : i32
          %dma_start3A_1210 = tpu.memref_slice %arg3[%dma_start3A_1209, %multiple_of3A_1200] : memref<8x1000000xf32, #tpu.memory_space<hbm>> -> memref<8x128xf32, #tpu.memory_space<hbm>>
          tpu.enqueue_dma source(%dma_start3A_1210 : memref<8x128xf32, #tpu.memory_space<hbm>>) target(%dma_start3A_1208 : memref<8x128xf32, #tpu.memory_space<vmem>>) target_semaphore(%arg12 : memref<!tpu.dma_semaphore, #tpu.memory_space<semaphore_mem>>)
          %eq3A_1211 = arith.constant 14 : i32
          %eq3A_1212 = vector.broadcast %eq3A_1211 : i32 to vector<16xi32>
          %eq3A_1213 = arith.cmpi eq, %iota3A, %eq3A_1212 : vector<16xi32>
          %jit3A_1214 = arith.constant 0 : i32
          %broadcast_in_dim3A_1215 = vector.broadcast %jit3A_1214 : i32 to vector<16xi32>
          %select_n3A_1216 = arith.select %eq3A_1213, %shift_left3A_860, %broadcast_in_dim3A_1215 : vector<16xi1>, vector<16xi32>
          %reduce_sum3A_1217 = arith.constant true
          %reduce_sum3A_1218 = vector.broadcast %reduce_sum3A_1217 : i1 to vector<16xi1>
          %reduce_sum3A_1219 = tpu.scan <sum>, %select_n3A_1216 masked %reduce_sum3A_1218 : vector<16xi32>, vector<16xi1> -> vector<16xi32>
          %reduce_sum3A_1220 = vector.extract %reduce_sum3A_1219[15] : i32 from vector<16xi32>
          %max3A_1221 = arith.constant 0 : i32
          %max3A_1222 = arith.maxsi %reduce_sum3A_1220, %max3A_1221 : i32
          %min3A_1223 = arith.constant 999936 : i32
          %min3A_1224 = arith.minsi %max3A_1222, %min3A_1223 : i32
          %multiple_of3A_1225 = tpu.assume_multiple %min3A_1224, 128 : i32
          %dma_start3A_1226 = arith.constant 0 : i32
          %dma_start3A_1227 = arith.constant 1792 : i32
          %dma_start3A_1228 = tpu.memref_slice %arg8[%dma_start3A_1226, %dma_start3A_1227] : memref<8x4096xf32, #tpu.memory_space<vmem>> -> memref<8x128xf32, #tpu.memory_space<vmem>>
          %dma_start3A_1229 = arith.constant 0 : i32
          %dma_start3A_1230 = tpu.memref_slice %arg3[%dma_start3A_1229, %multiple_of3A_1225] : memref<8x1000000xf32, #tpu.memory_space<hbm>> -> memref<8x128xf32, #tpu.memory_space<hbm>>
          %dma_start3A_1231 = arith.constant 0 : i32
          %dma_start3A_1232 = arith.constant 1792 : i32
          %dma_start3A_1233 = tpu.memref_slice %arg8[%dma_start3A_1231, %dma_start3A_1232] : memref<8x4096xf32, #tpu.memory_space<vmem>> -> memref<8x128xf32, #tpu.memory_space<vmem>>
          %dma_start3A_1234 = arith.constant 0 : i32
          %dma_start3A_1235 = tpu.memref_slice %arg3[%dma_start3A_1234, %multiple_of3A_1225] : memref<8x1000000xf32, #tpu.memory_space<hbm>> -> memref<8x128xf32, #tpu.memory_space<hbm>>
          tpu.enqueue_dma source(%dma_start3A_1235 : memref<8x128xf32, #tpu.memory_space<hbm>>) target(%dma_start3A_1233 : memref<8x128xf32, #tpu.memory_space<vmem>>) target_semaphore(%arg12 : memref<!tpu.dma_semaphore, #tpu.memory_space<semaphore_mem>>)
          %eq3A_1236 = arith.constant 15 : i32
          %eq3A_1237 = vector.broadcast %eq3A_1236 : i32 to vector<16xi32>
          %eq3A_1238 = arith.cmpi eq, %iota3A, %eq3A_1237 : vector<16xi32>
          %jit3A_1239 = arith.constant 0 : i32
          %broadcast_in_dim3A_1240 = vector.broadcast %jit3A_1239 : i32 to vector<16xi32>
          %select_n3A_1241 = arith.select %eq3A_1238, %shift_left3A_860, %broadcast_in_dim3A_1240 : vector<16xi1>, vector<16xi32>
          %reduce_sum3A_1242 = arith.constant true
          %reduce_sum3A_1243 = vector.broadcast %reduce_sum3A_1242 : i1 to vector<16xi1>
          %reduce_sum3A_1244 = tpu.scan <sum>, %select_n3A_1241 masked %reduce_sum3A_1243 : vector<16xi32>, vector<16xi1> -> vector<16xi32>
          %reduce_sum3A_1245 = vector.extract %reduce_sum3A_1244[15] : i32 from vector<16xi32>
          %max3A_1246 = arith.constant 0 : i32
          %max3A_1247 = arith.maxsi %reduce_sum3A_1245, %max3A_1246 : i32
          %min3A_1248 = arith.constant 999936 : i32
          %min3A_1249 = arith.minsi %max3A_1247, %min3A_1248 : i32
          %multiple_of3A_1250 = tpu.assume_multiple %min3A_1249, 128 : i32
          %dma_start3A_1251 = arith.constant 0 : i32
          %dma_start3A_1252 = arith.constant 1920 : i32
          %dma_start3A_1253 = tpu.memref_slice %arg8[%dma_start3A_1251, %dma_start3A_1252] : memref<8x4096xf32, #tpu.memory_space<vmem>> -> memref<8x128xf32, #tpu.memory_space<vmem>>
          %dma_start3A_1254 = arith.constant 0 : i32
          %dma_start3A_1255 = tpu.memref_slice %arg3[%dma_start3A_1254, %multiple_of3A_1250] : memref<8x1000000xf32, #tpu.memory_space<hbm>> -> memref<8x128xf32, #tpu.memory_space<hbm>>
          %dma_start3A_1256 = arith.constant 0 : i32
          %dma_start3A_1257 = arith.constant 1920 : i32
          %dma_start3A_1258 = tpu.memref_slice %arg8[%dma_start3A_1256, %dma_start3A_1257] : memref<8x4096xf32, #tpu.memory_space<vmem>> -> memref<8x128xf32, #tpu.memory_space<vmem>>
          %dma_start3A_1259 = arith.constant 0 : i32
          %dma_start3A_1260 = tpu.memref_slice %arg3[%dma_start3A_1259, %multiple_of3A_1250] : memref<8x1000000xf32, #tpu.memory_space<hbm>> -> memref<8x128xf32, #tpu.memory_space<hbm>>
          tpu.enqueue_dma source(%dma_start3A_1260 : memref<8x128xf32, #tpu.memory_space<hbm>>) target(%dma_start3A_1258 : memref<8x128xf32, #tpu.memory_space<vmem>>) target_semaphore(%arg12 : memref<!tpu.dma_semaphore, #tpu.memory_space<semaphore_mem>>)
          %mul3A_1261 = arith.constant 32 : i32
          %mul3A_1262 = arith.muli %add3A_848, %mul3A_1261 : i32
          %add3A_1263 = arith.constant 16 : i32
          %add3A_1264 = arith.addi %mul3A_1262, %add3A_1263 : i32
          %get3A_1265 = arith.index_cast %add3A_1264 : i32 to index
          %get3A_1266 = tpu.vector_load %arg6[%get3A_1265] {strides = array<i32>} : memref<512xi32, #tpu.memory_space<vmem>>, vector<16xi32>,
          %shift_right_logical3A_1267 = arith.constant 7 : i32
          %shift_right_logical3A_1268 = vector.broadcast %shift_right_logical3A_1267 : i32 to vector<16xi32>
          %shift_right_logical3A_1269 = arith.shrui %get3A_1266, %shift_right_logical3A_1268 : vector<16xi32>
          %shift_left3A_1270 = arith.constant 7 : i32
          %shift_left3A_1271 = vector.broadcast %shift_left3A_1270 : i32 to vector<16xi32>
          %shift_left3A_1272 = arith.shli %shift_right_logical3A_1269, %shift_left3A_1271 : vector<16xi32>
          %eq3A_1273 = arith.constant 0 : i32
          %eq3A_1274 = vector.broadcast %eq3A_1273 : i32 to vector<16xi32>
          %eq3A_1275 = arith.cmpi eq, %iota3A, %eq3A_1274 : vector<16xi32>
          %jit3A_1276 = arith.constant 0 : i32
          %broadcast_in_dim3A_1277 = vector.broadcast %jit3A_1276 : i32 to vector<16xi32>
          %select_n3A_1278 = arith.select %eq3A_1275, %shift_left3A_1272, %broadcast_in_dim3A_1277 : vector<16xi1>, vector<16xi32>
          %reduce_sum3A_1279 = arith.constant true
          %reduce_sum3A_1280 = vector.broadcast %reduce_sum3A_1279 : i1 to vector<16xi1>
          %reduce_sum3A_1281 = tpu.scan <sum>, %select_n3A_1278 masked %reduce_sum3A_1280 : vector<16xi32>, vector<16xi1> -> vector<16xi32>
          %reduce_sum3A_1282 = vector.extract %reduce_sum3A_1281[15] : i32 from vector<16xi32>
          %max3A_1283 = arith.constant 0 : i32
          %max3A_1284 = arith.maxsi %reduce_sum3A_1282, %max3A_1283 : i32
          %min3A_1285 = arith.constant 999936 : i32
          %min3A_1286 = arith.minsi %max3A_1284, %min3A_1285 : i32
          %multiple_of3A_1287 = tpu.assume_multiple %min3A_1286, 128 : i32
          %dma_start3A_1288 = arith.constant 0 : i32
          %dma_start3A_1289 = arith.constant 2048 : i32
          %dma_start3A_1290 = tpu.memref_slice %arg8[%dma_start3A_1288, %dma_start3A_1289] : memref<8x4096xf32, #tpu.memory_space<vmem>> -> memref<8x128xf32, #tpu.memory_space<vmem>>
          %dma_start3A_1291 = arith.constant 0 : i32
          %dma_start3A_1292 = tpu.memref_slice %arg3[%dma_start3A_1291, %multiple_of3A_1287] : memref<8x1000000xf32, #tpu.memory_space<hbm>> -> memref<8x128xf32, #tpu.memory_space<hbm>>
          %dma_start3A_1293 = arith.constant 0 : i32
          %dma_start3A_1294 = arith.constant 2048 : i32
          %dma_start3A_1295 = tpu.memref_slice %arg8[%dma_start3A_1293, %dma_start3A_1294] : memref<8x4096xf32, #tpu.memory_space<vmem>> -> memref<8x128xf32, #tpu.memory_space<vmem>>
          %dma_start3A_1296 = arith.constant 0 : i32
          %dma_start3A_1297 = tpu.memref_slice %arg3[%dma_start3A_1296, %multiple_of3A_1287] : memref<8x1000000xf32, #tpu.memory_space<hbm>> -> memref<8x128xf32, #tpu.memory_space<hbm>>
          tpu.enqueue_dma source(%dma_start3A_1297 : memref<8x128xf32, #tpu.memory_space<hbm>>) target(%dma_start3A_1295 : memref<8x128xf32, #tpu.memory_space<vmem>>) target_semaphore(%arg12 : memref<!tpu.dma_semaphore, #tpu.memory_space<semaphore_mem>>)
          %eq3A_1298 = arith.constant 1 : i32
          %eq3A_1299 = vector.broadcast %eq3A_1298 : i32 to vector<16xi32>
          %eq3A_1300 = arith.cmpi eq, %iota3A, %eq3A_1299 : vector<16xi32>
          %jit3A_1301 = arith.constant 0 : i32
          %broadcast_in_dim3A_1302 = vector.broadcast %jit3A_1301 : i32 to vector<16xi32>
          %select_n3A_1303 = arith.select %eq3A_1300, %shift_left3A_1272, %broadcast_in_dim3A_1302 : vector<16xi1>, vector<16xi32>
          %reduce_sum3A_1304 = arith.constant true
          %reduce_sum3A_1305 = vector.broadcast %reduce_sum3A_1304 : i1 to vector<16xi1>
          %reduce_sum3A_1306 = tpu.scan <sum>, %select_n3A_1303 masked %reduce_sum3A_1305 : vector<16xi32>, vector<16xi1> -> vector<16xi32>
          %reduce_sum3A_1307 = vector.extract %reduce_sum3A_1306[15] : i32 from vector<16xi32>
          %max3A_1308 = arith.constant 0 : i32
          %max3A_1309 = arith.maxsi %reduce_sum3A_1307, %max3A_1308 : i32
          %min3A_1310 = arith.constant 999936 : i32
          %min3A_1311 = arith.minsi %max3A_1309, %min3A_1310 : i32
          %multiple_of3A_1312 = tpu.assume_multiple %min3A_1311, 128 : i32
          %dma_start3A_1313 = arith.constant 0 : i32
          %dma_start3A_1314 = arith.constant 2176 : i32
          %dma_start3A_1315 = tpu.memref_slice %arg8[%dma_start3A_1313, %dma_start3A_1314] : memref<8x4096xf32, #tpu.memory_space<vmem>> -> memref<8x128xf32, #tpu.memory_space<vmem>>
          %dma_start3A_1316 = arith.constant 0 : i32
          %dma_start3A_1317 = tpu.memref_slice %arg3[%dma_start3A_1316, %multiple_of3A_1312] : memref<8x1000000xf32, #tpu.memory_space<hbm>> -> memref<8x128xf32, #tpu.memory_space<hbm>>
          %dma_start3A_1318 = arith.constant 0 : i32
          %dma_start3A_1319 = arith.constant 2176 : i32
          %dma_start3A_1320 = tpu.memref_slice %arg8[%dma_start3A_1318, %dma_start3A_1319] : memref<8x4096xf32, #tpu.memory_space<vmem>> -> memref<8x128xf32, #tpu.memory_space<vmem>>
          %dma_start3A_1321 = arith.constant 0 : i32
          %dma_start3A_1322 = tpu.memref_slice %arg3[%dma_start3A_1321, %multiple_of3A_1312] : memref<8x1000000xf32, #tpu.memory_space<hbm>> -> memref<8x128xf32, #tpu.memory_space<hbm>>
          tpu.enqueue_dma source(%dma_start3A_1322 : memref<8x128xf32, #tpu.memory_space<hbm>>) target(%dma_start3A_1320 : memref<8x128xf32, #tpu.memory_space<vmem>>) target_semaphore(%arg12 : memref<!tpu.dma_semaphore, #tpu.memory_space<semaphore_mem>>)
          %eq3A_1323 = arith.constant 2 : i32
          %eq3A_1324 = vector.broadcast %eq3A_1323 : i32 to vector<16xi32>
          %eq3A_1325 = arith.cmpi eq, %iota3A, %eq3A_1324 : vector<16xi32>
          %jit3A_1326 = arith.constant 0 : i32
          %broadcast_in_dim3A_1327 = vector.broadcast %jit3A_1326 : i32 to vector<16xi32>
          %select_n3A_1328 = arith.select %eq3A_1325, %shift_left3A_1272, %broadcast_in_dim3A_1327 : vector<16xi1>, vector<16xi32>
          %reduce_sum3A_1329 = arith.constant true
          %reduce_sum3A_1330 = vector.broadcast %reduce_sum3A_1329 : i1 to vector<16xi1>
          %reduce_sum3A_1331 = tpu.scan <sum>, %select_n3A_1328 masked %reduce_sum3A_1330 : vector<16xi32>, vector<16xi1> -> vector<16xi32>
          %reduce_sum3A_1332 = vector.extract %reduce_sum3A_1331[15] : i32 from vector<16xi32>
          %max3A_1333 = arith.constant 0 : i32
          %max3A_1334 = arith.maxsi %reduce_sum3A_1332, %max3A_1333 : i32
          %min3A_1335 = arith.constant 999936 : i32
          %min3A_1336 = arith.minsi %max3A_1334, %min3A_1335 : i32
          %multiple_of3A_1337 = tpu.assume_multiple %min3A_1336, 128 : i32
          %dma_start3A_1338 = arith.constant 0 : i32
          %dma_start3A_1339 = arith.constant 2304 : i32
          %dma_start3A_1340 = tpu.memref_slice %arg8[%dma_start3A_1338, %dma_start3A_1339] : memref<8x4096xf32, #tpu.memory_space<vmem>> -> memref<8x128xf32, #tpu.memory_space<vmem>>
          %dma_start3A_1341 = arith.constant 0 : i32
          %dma_start3A_1342 = tpu.memref_slice %arg3[%dma_start3A_1341, %multiple_of3A_1337] : memref<8x1000000xf32, #tpu.memory_space<hbm>> -> memref<8x128xf32, #tpu.memory_space<hbm>>
          %dma_start3A_1343 = arith.constant 0 : i32
          %dma_start3A_1344 = arith.constant 2304 : i32
          %dma_start3A_1345 = tpu.memref_slice %arg8[%dma_start3A_1343, %dma_start3A_1344] : memref<8x4096xf32, #tpu.memory_space<vmem>> -> memref<8x128xf32, #tpu.memory_space<vmem>>
          %dma_start3A_1346 = arith.constant 0 : i32
          %dma_start3A_1347 = tpu.memref_slice %arg3[%dma_start3A_1346, %multiple_of3A_1337] : memref<8x1000000xf32, #tpu.memory_space<hbm>> -> memref<8x128xf32, #tpu.memory_space<hbm>>
          tpu.enqueue_dma source(%dma_start3A_1347 : memref<8x128xf32, #tpu.memory_space<hbm>>) target(%dma_start3A_1345 : memref<8x128xf32, #tpu.memory_space<vmem>>) target_semaphore(%arg12 : memref<!tpu.dma_semaphore, #tpu.memory_space<semaphore_mem>>)
          %eq3A_1348 = arith.constant 3 : i32
          %eq3A_1349 = vector.broadcast %eq3A_1348 : i32 to vector<16xi32>
          %eq3A_1350 = arith.cmpi eq, %iota3A, %eq3A_1349 : vector<16xi32>
          %jit3A_1351 = arith.constant 0 : i32
          %broadcast_in_dim3A_1352 = vector.broadcast %jit3A_1351 : i32 to vector<16xi32>
          %select_n3A_1353 = arith.select %eq3A_1350, %shift_left3A_1272, %broadcast_in_dim3A_1352 : vector<16xi1>, vector<16xi32>
          %reduce_sum3A_1354 = arith.constant true
          %reduce_sum3A_1355 = vector.broadcast %reduce_sum3A_1354 : i1 to vector<16xi1>
          %reduce_sum3A_1356 = tpu.scan <sum>, %select_n3A_1353 masked %reduce_sum3A_1355 : vector<16xi32>, vector<16xi1> -> vector<16xi32>
          %reduce_sum3A_1357 = vector.extract %reduce_sum3A_1356[15] : i32 from vector<16xi32>
          %max3A_1358 = arith.constant 0 : i32
          %max3A_1359 = arith.maxsi %reduce_sum3A_1357, %max3A_1358 : i32
          %min3A_1360 = arith.constant 999936 : i32
          %min3A_1361 = arith.minsi %max3A_1359, %min3A_1360 : i32
          %multiple_of3A_1362 = tpu.assume_multiple %min3A_1361, 128 : i32
          %dma_start3A_1363 = arith.constant 0 : i32
          %dma_start3A_1364 = arith.constant 2432 : i32
          %dma_start3A_1365 = tpu.memref_slice %arg8[%dma_start3A_1363, %dma_start3A_1364] : memref<8x4096xf32, #tpu.memory_space<vmem>> -> memref<8x128xf32, #tpu.memory_space<vmem>>
          %dma_start3A_1366 = arith.constant 0 : i32
          %dma_start3A_1367 = tpu.memref_slice %arg3[%dma_start3A_1366, %multiple_of3A_1362] : memref<8x1000000xf32, #tpu.memory_space<hbm>> -> memref<8x128xf32, #tpu.memory_space<hbm>>
          %dma_start3A_1368 = arith.constant 0 : i32
          %dma_start3A_1369 = arith.constant 2432 : i32
          %dma_start3A_1370 = tpu.memref_slice %arg8[%dma_start3A_1368, %dma_start3A_1369] : memref<8x4096xf32, #tpu.memory_space<vmem>> -> memref<8x128xf32, #tpu.memory_space<vmem>>
          %dma_start3A_1371 = arith.constant 0 : i32
          %dma_start3A_1372 = tpu.memref_slice %arg3[%dma_start3A_1371, %multiple_of3A_1362] : memref<8x1000000xf32, #tpu.memory_space<hbm>> -> memref<8x128xf32, #tpu.memory_space<hbm>>
          tpu.enqueue_dma source(%dma_start3A_1372 : memref<8x128xf32, #tpu.memory_space<hbm>>) target(%dma_start3A_1370 : memref<8x128xf32, #tpu.memory_space<vmem>>) target_semaphore(%arg12 : memref<!tpu.dma_semaphore, #tpu.memory_space<semaphore_mem>>)
          %eq3A_1373 = arith.constant 4 : i32
          %eq3A_1374 = vector.broadcast %eq3A_1373 : i32 to vector<16xi32>
          %eq3A_1375 = arith.cmpi eq, %iota3A, %eq3A_1374 : vector<16xi32>
          %jit3A_1376 = arith.constant 0 : i32
          %broadcast_in_dim3A_1377 = vector.broadcast %jit3A_1376 : i32 to vector<16xi32>
          %select_n3A_1378 = arith.select %eq3A_1375, %shift_left3A_1272, %broadcast_in_dim3A_1377 : vector<16xi1>, vector<16xi32>
          %reduce_sum3A_1379 = arith.constant true
          %reduce_sum3A_1380 = vector.broadcast %reduce_sum3A_1379 : i1 to vector<16xi1>
          %reduce_sum3A_1381 = tpu.scan <sum>, %select_n3A_1378 masked %reduce_sum3A_1380 : vector<16xi32>, vector<16xi1> -> vector<16xi32>
          %reduce_sum3A_1382 = vector.extract %reduce_sum3A_1381[15] : i32 from vector<16xi32>
          %max3A_1383 = arith.constant 0 : i32
          %max3A_1384 = arith.maxsi %reduce_sum3A_1382, %max3A_1383 : i32
          %min3A_1385 = arith.constant 999936 : i32
          %min3A_1386 = arith.minsi %max3A_1384, %min3A_1385 : i32
          %multiple_of3A_1387 = tpu.assume_multiple %min3A_1386, 128 : i32
          %dma_start3A_1388 = arith.constant 0 : i32
          %dma_start3A_1389 = arith.constant 2560 : i32
          %dma_start3A_1390 = tpu.memref_slice %arg8[%dma_start3A_1388, %dma_start3A_1389] : memref<8x4096xf32, #tpu.memory_space<vmem>> -> memref<8x128xf32, #tpu.memory_space<vmem>>
          %dma_start3A_1391 = arith.constant 0 : i32
          %dma_start3A_1392 = tpu.memref_slice %arg3[%dma_start3A_1391, %multiple_of3A_1387] : memref<8x1000000xf32, #tpu.memory_space<hbm>> -> memref<8x128xf32, #tpu.memory_space<hbm>>
          %dma_start3A_1393 = arith.constant 0 : i32
          %dma_start3A_1394 = arith.constant 2560 : i32
          %dma_start3A_1395 = tpu.memref_slice %arg8[%dma_start3A_1393, %dma_start3A_1394] : memref<8x4096xf32, #tpu.memory_space<vmem>> -> memref<8x128xf32, #tpu.memory_space<vmem>>
          %dma_start3A_1396 = arith.constant 0 : i32
          %dma_start3A_1397 = tpu.memref_slice %arg3[%dma_start3A_1396, %multiple_of3A_1387] : memref<8x1000000xf32, #tpu.memory_space<hbm>> -> memref<8x128xf32, #tpu.memory_space<hbm>>
          tpu.enqueue_dma source(%dma_start3A_1397 : memref<8x128xf32, #tpu.memory_space<hbm>>) target(%dma_start3A_1395 : memref<8x128xf32, #tpu.memory_space<vmem>>) target_semaphore(%arg12 : memref<!tpu.dma_semaphore, #tpu.memory_space<semaphore_mem>>)
          %eq3A_1398 = arith.constant 5 : i32
          %eq3A_1399 = vector.broadcast %eq3A_1398 : i32 to vector<16xi32>
          %eq3A_1400 = arith.cmpi eq, %iota3A, %eq3A_1399 : vector<16xi32>
          %jit3A_1401 = arith.constant 0 : i32
          %broadcast_in_dim3A_1402 = vector.broadcast %jit3A_1401 : i32 to vector<16xi32>
          %select_n3A_1403 = arith.select %eq3A_1400, %shift_left3A_1272, %broadcast_in_dim3A_1402 : vector<16xi1>, vector<16xi32>
          %reduce_sum3A_1404 = arith.constant true
          %reduce_sum3A_1405 = vector.broadcast %reduce_sum3A_1404 : i1 to vector<16xi1>
          %reduce_sum3A_1406 = tpu.scan <sum>, %select_n3A_1403 masked %reduce_sum3A_1405 : vector<16xi32>, vector<16xi1> -> vector<16xi32>
          %reduce_sum3A_1407 = vector.extract %reduce_sum3A_1406[15] : i32 from vector<16xi32>
          %max3A_1408 = arith.constant 0 : i32
          %max3A_1409 = arith.maxsi %reduce_sum3A_1407, %max3A_1408 : i32
          %min3A_1410 = arith.constant 999936 : i32
          %min3A_1411 = arith.minsi %max3A_1409, %min3A_1410 : i32
          %multiple_of3A_1412 = tpu.assume_multiple %min3A_1411, 128 : i32
          %dma_start3A_1413 = arith.constant 0 : i32
          %dma_start3A_1414 = arith.constant 2688 : i32
          %dma_start3A_1415 = tpu.memref_slice %arg8[%dma_start3A_1413, %dma_start3A_1414] : memref<8x4096xf32, #tpu.memory_space<vmem>> -> memref<8x128xf32, #tpu.memory_space<vmem>>
          %dma_start3A_1416 = arith.constant 0 : i32
          %dma_start3A_1417 = tpu.memref_slice %arg3[%dma_start3A_1416, %multiple_of3A_1412] : memref<8x1000000xf32, #tpu.memory_space<hbm>> -> memref<8x128xf32, #tpu.memory_space<hbm>>
          %dma_start3A_1418 = arith.constant 0 : i32
          %dma_start3A_1419 = arith.constant 2688 : i32
          %dma_start3A_1420 = tpu.memref_slice %arg8[%dma_start3A_1418, %dma_start3A_1419] : memref<8x4096xf32, #tpu.memory_space<vmem>> -> memref<8x128xf32, #tpu.memory_space<vmem>>
          %dma_start3A_1421 = arith.constant 0 : i32
          %dma_start3A_1422 = tpu.memref_slice %arg3[%dma_start3A_1421, %multiple_of3A_1412] : memref<8x1000000xf32, #tpu.memory_space<hbm>> -> memref<8x128xf32, #tpu.memory_space<hbm>>
          tpu.enqueue_dma source(%dma_start3A_1422 : memref<8x128xf32, #tpu.memory_space<hbm>>) target(%dma_start3A_1420 : memref<8x128xf32, #tpu.memory_space<vmem>>) target_semaphore(%arg12 : memref<!tpu.dma_semaphore, #tpu.memory_space<semaphore_mem>>)
          %eq3A_1423 = arith.constant 6 : i32
          %eq3A_1424 = vector.broadcast %eq3A_1423 : i32 to vector<16xi32>
          %eq3A_1425 = arith.cmpi eq, %iota3A, %eq3A_1424 : vector<16xi32>
          %jit3A_1426 = arith.constant 0 : i32
          %broadcast_in_dim3A_1427 = vector.broadcast %jit3A_1426 : i32 to vector<16xi32>
          %select_n3A_1428 = arith.select %eq3A_1425, %shift_left3A_1272, %broadcast_in_dim3A_1427 : vector<16xi1>, vector<16xi32>
          %reduce_sum3A_1429 = arith.constant true
          %reduce_sum3A_1430 = vector.broadcast %reduce_sum3A_1429 : i1 to vector<16xi1>
          %reduce_sum3A_1431 = tpu.scan <sum>, %select_n3A_1428 masked %reduce_sum3A_1430 : vector<16xi32>, vector<16xi1> -> vector<16xi32>
          %reduce_sum3A_1432 = vector.extract %reduce_sum3A_1431[15] : i32 from vector<16xi32>
          %max3A_1433 = arith.constant 0 : i32
          %max3A_1434 = arith.maxsi %reduce_sum3A_1432, %max3A_1433 : i32
          %min3A_1435 = arith.constant 999936 : i32
          %min3A_1436 = arith.minsi %max3A_1434, %min3A_1435 : i32
          %multiple_of3A_1437 = tpu.assume_multiple %min3A_1436, 128 : i32
          %dma_start3A_1438 = arith.constant 0 : i32
          %dma_start3A_1439 = arith.constant 2816 : i32
          %dma_start3A_1440 = tpu.memref_slice %arg8[%dma_start3A_1438, %dma_start3A_1439] : memref<8x4096xf32, #tpu.memory_space<vmem>> -> memref<8x128xf32, #tpu.memory_space<vmem>>
          %dma_start3A_1441 = arith.constant 0 : i32
          %dma_start3A_1442 = tpu.memref_slice %arg3[%dma_start3A_1441, %multiple_of3A_1437] : memref<8x1000000xf32, #tpu.memory_space<hbm>> -> memref<8x128xf32, #tpu.memory_space<hbm>>
          %dma_start3A_1443 = arith.constant 0 : i32
          %dma_start3A_1444 = arith.constant 2816 : i32
          %dma_start3A_1445 = tpu.memref_slice %arg8[%dma_start3A_1443, %dma_start3A_1444] : memref<8x4096xf32, #tpu.memory_space<vmem>> -> memref<8x128xf32, #tpu.memory_space<vmem>>
          %dma_start3A_1446 = arith.constant 0 : i32
          %dma_start3A_1447 = tpu.memref_slice %arg3[%dma_start3A_1446, %multiple_of3A_1437] : memref<8x1000000xf32, #tpu.memory_space<hbm>> -> memref<8x128xf32, #tpu.memory_space<hbm>>
          tpu.enqueue_dma source(%dma_start3A_1447 : memref<8x128xf32, #tpu.memory_space<hbm>>) target(%dma_start3A_1445 : memref<8x128xf32, #tpu.memory_space<vmem>>) target_semaphore(%arg12 : memref<!tpu.dma_semaphore, #tpu.memory_space<semaphore_mem>>)
          %eq3A_1448 = arith.constant 7 : i32
          %eq3A_1449 = vector.broadcast %eq3A_1448 : i32 to vector<16xi32>
          %eq3A_1450 = arith.cmpi eq, %iota3A, %eq3A_1449 : vector<16xi32>
          %jit3A_1451 = arith.constant 0 : i32
          %broadcast_in_dim3A_1452 = vector.broadcast %jit3A_1451 : i32 to vector<16xi32>
          %select_n3A_1453 = arith.select %eq3A_1450, %shift_left3A_1272, %broadcast_in_dim3A_1452 : vector<16xi1>, vector<16xi32>
          %reduce_sum3A_1454 = arith.constant true
          %reduce_sum3A_1455 = vector.broadcast %reduce_sum3A_1454 : i1 to vector<16xi1>
          %reduce_sum3A_1456 = tpu.scan <sum>, %select_n3A_1453 masked %reduce_sum3A_1455 : vector<16xi32>, vector<16xi1> -> vector<16xi32>
          %reduce_sum3A_1457 = vector.extract %reduce_sum3A_1456[15] : i32 from vector<16xi32>
          %max3A_1458 = arith.constant 0 : i32
          %max3A_1459 = arith.maxsi %reduce_sum3A_1457, %max3A_1458 : i32
          %min3A_1460 = arith.constant 999936 : i32
          %min3A_1461 = arith.minsi %max3A_1459, %min3A_1460 : i32
          %multiple_of3A_1462 = tpu.assume_multiple %min3A_1461, 128 : i32
          %dma_start3A_1463 = arith.constant 0 : i32
          %dma_start3A_1464 = arith.constant 2944 : i32
          %dma_start3A_1465 = tpu.memref_slice %arg8[%dma_start3A_1463, %dma_start3A_1464] : memref<8x4096xf32, #tpu.memory_space<vmem>> -> memref<8x128xf32, #tpu.memory_space<vmem>>
          %dma_start3A_1466 = arith.constant 0 : i32
          %dma_start3A_1467 = tpu.memref_slice %arg3[%dma_start3A_1466, %multiple_of3A_1462] : memref<8x1000000xf32, #tpu.memory_space<hbm>> -> memref<8x128xf32, #tpu.memory_space<hbm>>
          %dma_start3A_1468 = arith.constant 0 : i32
          %dma_start3A_1469 = arith.constant 2944 : i32
          %dma_start3A_1470 = tpu.memref_slice %arg8[%dma_start3A_1468, %dma_start3A_1469] : memref<8x4096xf32, #tpu.memory_space<vmem>> -> memref<8x128xf32, #tpu.memory_space<vmem>>
          %dma_start3A_1471 = arith.constant 0 : i32
          %dma_start3A_1472 = tpu.memref_slice %arg3[%dma_start3A_1471, %multiple_of3A_1462] : memref<8x1000000xf32, #tpu.memory_space<hbm>> -> memref<8x128xf32, #tpu.memory_space<hbm>>
          tpu.enqueue_dma source(%dma_start3A_1472 : memref<8x128xf32, #tpu.memory_space<hbm>>) target(%dma_start3A_1470 : memref<8x128xf32, #tpu.memory_space<vmem>>) target_semaphore(%arg12 : memref<!tpu.dma_semaphore, #tpu.memory_space<semaphore_mem>>)
          %eq3A_1473 = arith.constant 8 : i32
          %eq3A_1474 = vector.broadcast %eq3A_1473 : i32 to vector<16xi32>
          %eq3A_1475 = arith.cmpi eq, %iota3A, %eq3A_1474 : vector<16xi32>
          %jit3A_1476 = arith.constant 0 : i32
          %broadcast_in_dim3A_1477 = vector.broadcast %jit3A_1476 : i32 to vector<16xi32>
          %select_n3A_1478 = arith.select %eq3A_1475, %shift_left3A_1272, %broadcast_in_dim3A_1477 : vector<16xi1>, vector<16xi32>
          %reduce_sum3A_1479 = arith.constant true
          %reduce_sum3A_1480 = vector.broadcast %reduce_sum3A_1479 : i1 to vector<16xi1>
          %reduce_sum3A_1481 = tpu.scan <sum>, %select_n3A_1478 masked %reduce_sum3A_1480 : vector<16xi32>, vector<16xi1> -> vector<16xi32>
          %reduce_sum3A_1482 = vector.extract %reduce_sum3A_1481[15] : i32 from vector<16xi32>
          %max3A_1483 = arith.constant 0 : i32
          %max3A_1484 = arith.maxsi %reduce_sum3A_1482, %max3A_1483 : i32
          %min3A_1485 = arith.constant 999936 : i32
          %min3A_1486 = arith.minsi %max3A_1484, %min3A_1485 : i32
          %multiple_of3A_1487 = tpu.assume_multiple %min3A_1486, 128 : i32
          %dma_start3A_1488 = arith.constant 0 : i32
          %dma_start3A_1489 = arith.constant 3072 : i32
          %dma_start3A_1490 = tpu.memref_slice %arg8[%dma_start3A_1488, %dma_start3A_1489] : memref<8x4096xf32, #tpu.memory_space<vmem>> -> memref<8x128xf32, #tpu.memory_space<vmem>>
          %dma_start3A_1491 = arith.constant 0 : i32
          %dma_start3A_1492 = tpu.memref_slice %arg3[%dma_start3A_1491, %multiple_of3A_1487] : memref<8x1000000xf32, #tpu.memory_space<hbm>> -> memref<8x128xf32, #tpu.memory_space<hbm>>
          %dma_start3A_1493 = arith.constant 0 : i32
          %dma_start3A_1494 = arith.constant 3072 : i32
          %dma_start3A_1495 = tpu.memref_slice %arg8[%dma_start3A_1493, %dma_start3A_1494] : memref<8x4096xf32, #tpu.memory_space<vmem>> -> memref<8x128xf32, #tpu.memory_space<vmem>>
          %dma_start3A_1496 = arith.constant 0 : i32
          %dma_start3A_1497 = tpu.memref_slice %arg3[%dma_start3A_1496, %multiple_of3A_1487] : memref<8x1000000xf32, #tpu.memory_space<hbm>> -> memref<8x128xf32, #tpu.memory_space<hbm>>
          tpu.enqueue_dma source(%dma_start3A_1497 : memref<8x128xf32, #tpu.memory_space<hbm>>) target(%dma_start3A_1495 : memref<8x128xf32, #tpu.memory_space<vmem>>) target_semaphore(%arg12 : memref<!tpu.dma_semaphore, #tpu.memory_space<semaphore_mem>>)
          %eq3A_1498 = arith.constant 9 : i32
          %eq3A_1499 = vector.broadcast %eq3A_1498 : i32 to vector<16xi32>
          %eq3A_1500 = arith.cmpi eq, %iota3A, %eq3A_1499 : vector<16xi32>
          %jit3A_1501 = arith.constant 0 : i32
          %broadcast_in_dim3A_1502 = vector.broadcast %jit3A_1501 : i32 to vector<16xi32>
          %select_n3A_1503 = arith.select %eq3A_1500, %shift_left3A_1272, %broadcast_in_dim3A_1502 : vector<16xi1>, vector<16xi32>
          %reduce_sum3A_1504 = arith.constant true
          %reduce_sum3A_1505 = vector.broadcast %reduce_sum3A_1504 : i1 to vector<16xi1>
          %reduce_sum3A_1506 = tpu.scan <sum>, %select_n3A_1503 masked %reduce_sum3A_1505 : vector<16xi32>, vector<16xi1> -> vector<16xi32>
          %reduce_sum3A_1507 = vector.extract %reduce_sum3A_1506[15] : i32 from vector<16xi32>
          %max3A_1508 = arith.constant 0 : i32
          %max3A_1509 = arith.maxsi %reduce_sum3A_1507, %max3A_1508 : i32
          %min3A_1510 = arith.constant 999936 : i32
          %min3A_1511 = arith.minsi %max3A_1509, %min3A_1510 : i32
          %multiple_of3A_1512 = tpu.assume_multiple %min3A_1511, 128 : i32
          %dma_start3A_1513 = arith.constant 0 : i32
          %dma_start3A_1514 = arith.constant 3200 : i32
          %dma_start3A_1515 = tpu.memref_slice %arg8[%dma_start3A_1513, %dma_start3A_1514] : memref<8x4096xf32, #tpu.memory_space<vmem>> -> memref<8x128xf32, #tpu.memory_space<vmem>>
          %dma_start3A_1516 = arith.constant 0 : i32
          %dma_start3A_1517 = tpu.memref_slice %arg3[%dma_start3A_1516, %multiple_of3A_1512] : memref<8x1000000xf32, #tpu.memory_space<hbm>> -> memref<8x128xf32, #tpu.memory_space<hbm>>
          %dma_start3A_1518 = arith.constant 0 : i32
          %dma_start3A_1519 = arith.constant 3200 : i32
          %dma_start3A_1520 = tpu.memref_slice %arg8[%dma_start3A_1518, %dma_start3A_1519] : memref<8x4096xf32, #tpu.memory_space<vmem>> -> memref<8x128xf32, #tpu.memory_space<vmem>>
          %dma_start3A_1521 = arith.constant 0 : i32
          %dma_start3A_1522 = tpu.memref_slice %arg3[%dma_start3A_1521, %multiple_of3A_1512] : memref<8x1000000xf32, #tpu.memory_space<hbm>> -> memref<8x128xf32, #tpu.memory_space<hbm>>
          tpu.enqueue_dma source(%dma_start3A_1522 : memref<8x128xf32, #tpu.memory_space<hbm>>) target(%dma_start3A_1520 : memref<8x128xf32, #tpu.memory_space<vmem>>) target_semaphore(%arg12 : memref<!tpu.dma_semaphore, #tpu.memory_space<semaphore_mem>>)
          %eq3A_1523 = arith.constant 10 : i32
          %eq3A_1524 = vector.broadcast %eq3A_1523 : i32 to vector<16xi32>
          %eq3A_1525 = arith.cmpi eq, %iota3A, %eq3A_1524 : vector<16xi32>
          %jit3A_1526 = arith.constant 0 : i32
          %broadcast_in_dim3A_1527 = vector.broadcast %jit3A_1526 : i32 to vector<16xi32>
          %select_n3A_1528 = arith.select %eq3A_1525, %shift_left3A_1272, %broadcast_in_dim3A_1527 : vector<16xi1>, vector<16xi32>
          %reduce_sum3A_1529 = arith.constant true
          %reduce_sum3A_1530 = vector.broadcast %reduce_sum3A_1529 : i1 to vector<16xi1>
          %reduce_sum3A_1531 = tpu.scan <sum>, %select_n3A_1528 masked %reduce_sum3A_1530 : vector<16xi32>, vector<16xi1> -> vector<16xi32>
          %reduce_sum3A_1532 = vector.extract %reduce_sum3A_1531[15] : i32 from vector<16xi32>
          %max3A_1533 = arith.constant 0 : i32
          %max3A_1534 = arith.maxsi %reduce_sum3A_1532, %max3A_1533 : i32
          %min3A_1535 = arith.constant 999936 : i32
          %min3A_1536 = arith.minsi %max3A_1534, %min3A_1535 : i32
          %multiple_of3A_1537 = tpu.assume_multiple %min3A_1536, 128 : i32
          %dma_start3A_1538 = arith.constant 0 : i32
          %dma_start3A_1539 = arith.constant 3328 : i32
          %dma_start3A_1540 = tpu.memref_slice %arg8[%dma_start3A_1538, %dma_start3A_1539] : memref<8x4096xf32, #tpu.memory_space<vmem>> -> memref<8x128xf32, #tpu.memory_space<vmem>>
          %dma_start3A_1541 = arith.constant 0 : i32
          %dma_start3A_1542 = tpu.memref_slice %arg3[%dma_start3A_1541, %multiple_of3A_1537] : memref<8x1000000xf32, #tpu.memory_space<hbm>> -> memref<8x128xf32, #tpu.memory_space<hbm>>
          %dma_start3A_1543 = arith.constant 0 : i32
          %dma_start3A_1544 = arith.constant 3328 : i32
          %dma_start3A_1545 = tpu.memref_slice %arg8[%dma_start3A_1543, %dma_start3A_1544] : memref<8x4096xf32, #tpu.memory_space<vmem>> -> memref<8x128xf32, #tpu.memory_space<vmem>>
          %dma_start3A_1546 = arith.constant 0 : i32
          %dma_start3A_1547 = tpu.memref_slice %arg3[%dma_start3A_1546, %multiple_of3A_1537] : memref<8x1000000xf32, #tpu.memory_space<hbm>> -> memref<8x128xf32, #tpu.memory_space<hbm>>
          tpu.enqueue_dma source(%dma_start3A_1547 : memref<8x128xf32, #tpu.memory_space<hbm>>) target(%dma_start3A_1545 : memref<8x128xf32, #tpu.memory_space<vmem>>) target_semaphore(%arg12 : memref<!tpu.dma_semaphore, #tpu.memory_space<semaphore_mem>>)
          %eq3A_1548 = arith.constant 11 : i32
          %eq3A_1549 = vector.broadcast %eq3A_1548 : i32 to vector<16xi32>
          %eq3A_1550 = arith.cmpi eq, %iota3A, %eq3A_1549 : vector<16xi32>
          %jit3A_1551 = arith.constant 0 : i32
          %broadcast_in_dim3A_1552 = vector.broadcast %jit3A_1551 : i32 to vector<16xi32>
          %select_n3A_1553 = arith.select %eq3A_1550, %shift_left3A_1272, %broadcast_in_dim3A_1552 : vector<16xi1>, vector<16xi32>
          %reduce_sum3A_1554 = arith.constant true
          %reduce_sum3A_1555 = vector.broadcast %reduce_sum3A_1554 : i1 to vector<16xi1>
          %reduce_sum3A_1556 = tpu.scan <sum>, %select_n3A_1553 masked %reduce_sum3A_1555 : vector<16xi32>, vector<16xi1> -> vector<16xi32>
          %reduce_sum3A_1557 = vector.extract %reduce_sum3A_1556[15] : i32 from vector<16xi32>
          %max3A_1558 = arith.constant 0 : i32
          %max3A_1559 = arith.maxsi %reduce_sum3A_1557, %max3A_1558 : i32
          %min3A_1560 = arith.constant 999936 : i32
          %min3A_1561 = arith.minsi %max3A_1559, %min3A_1560 : i32
          %multiple_of3A_1562 = tpu.assume_multiple %min3A_1561, 128 : i32
          %dma_start3A_1563 = arith.constant 0 : i32
          %dma_start3A_1564 = arith.constant 3456 : i32
          %dma_start3A_1565 = tpu.memref_slice %arg8[%dma_start3A_1563, %dma_start3A_1564] : memref<8x4096xf32, #tpu.memory_space<vmem>> -> memref<8x128xf32, #tpu.memory_space<vmem>>
          %dma_start3A_1566 = arith.constant 0 : i32
          %dma_start3A_1567 = tpu.memref_slice %arg3[%dma_start3A_1566, %multiple_of3A_1562] : memref<8x1000000xf32, #tpu.memory_space<hbm>> -> memref<8x128xf32, #tpu.memory_space<hbm>>
          %dma_start3A_1568 = arith.constant 0 : i32
          %dma_start3A_1569 = arith.constant 3456 : i32
          %dma_start3A_1570 = tpu.memref_slice %arg8[%dma_start3A_1568, %dma_start3A_1569] : memref<8x4096xf32, #tpu.memory_space<vmem>> -> memref<8x128xf32, #tpu.memory_space<vmem>>
          %dma_start3A_1571 = arith.constant 0 : i32
          %dma_start3A_1572 = tpu.memref_slice %arg3[%dma_start3A_1571, %multiple_of3A_1562] : memref<8x1000000xf32, #tpu.memory_space<hbm>> -> memref<8x128xf32, #tpu.memory_space<hbm>>
          tpu.enqueue_dma source(%dma_start3A_1572 : memref<8x128xf32, #tpu.memory_space<hbm>>) target(%dma_start3A_1570 : memref<8x128xf32, #tpu.memory_space<vmem>>) target_semaphore(%arg12 : memref<!tpu.dma_semaphore, #tpu.memory_space<semaphore_mem>>)
          %eq3A_1573 = arith.constant 12 : i32
          %eq3A_1574 = vector.broadcast %eq3A_1573 : i32 to vector<16xi32>
          %eq3A_1575 = arith.cmpi eq, %iota3A, %eq3A_1574 : vector<16xi32>
          %jit3A_1576 = arith.constant 0 : i32
          %broadcast_in_dim3A_1577 = vector.broadcast %jit3A_1576 : i32 to vector<16xi32>
          %select_n3A_1578 = arith.select %eq3A_1575, %shift_left3A_1272, %broadcast_in_dim3A_1577 : vector<16xi1>, vector<16xi32>
          %reduce_sum3A_1579 = arith.constant true
          %reduce_sum3A_1580 = vector.broadcast %reduce_sum3A_1579 : i1 to vector<16xi1>
          %reduce_sum3A_1581 = tpu.scan <sum>, %select_n3A_1578 masked %reduce_sum3A_1580 : vector<16xi32>, vector<16xi1> -> vector<16xi32>
          %reduce_sum3A_1582 = vector.extract %reduce_sum3A_1581[15] : i32 from vector<16xi32>
          %max3A_1583 = arith.constant 0 : i32
          %max3A_1584 = arith.maxsi %reduce_sum3A_1582, %max3A_1583 : i32
          %min3A_1585 = arith.constant 999936 : i32
          %min3A_1586 = arith.minsi %max3A_1584, %min3A_1585 : i32
          %multiple_of3A_1587 = tpu.assume_multiple %min3A_1586, 128 : i32
          %dma_start3A_1588 = arith.constant 0 : i32
          %dma_start3A_1589 = arith.constant 3584 : i32
          %dma_start3A_1590 = tpu.memref_slice %arg8[%dma_start3A_1588, %dma_start3A_1589] : memref<8x4096xf32, #tpu.memory_space<vmem>> -> memref<8x128xf32, #tpu.memory_space<vmem>>
          %dma_start3A_1591 = arith.constant 0 : i32
          %dma_start3A_1592 = tpu.memref_slice %arg3[%dma_start3A_1591, %multiple_of3A_1587] : memref<8x1000000xf32, #tpu.memory_space<hbm>> -> memref<8x128xf32, #tpu.memory_space<hbm>>
          %dma_start3A_1593 = arith.constant 0 : i32
          %dma_start3A_1594 = arith.constant 3584 : i32
          %dma_start3A_1595 = tpu.memref_slice %arg8[%dma_start3A_1593, %dma_start3A_1594] : memref<8x4096xf32, #tpu.memory_space<vmem>> -> memref<8x128xf32, #tpu.memory_space<vmem>>
          %dma_start3A_1596 = arith.constant 0 : i32
          %dma_start3A_1597 = tpu.memref_slice %arg3[%dma_start3A_1596, %multiple_of3A_1587] : memref<8x1000000xf32, #tpu.memory_space<hbm>> -> memref<8x128xf32, #tpu.memory_space<hbm>>
          tpu.enqueue_dma source(%dma_start3A_1597 : memref<8x128xf32, #tpu.memory_space<hbm>>) target(%dma_start3A_1595 : memref<8x128xf32, #tpu.memory_space<vmem>>) target_semaphore(%arg12 : memref<!tpu.dma_semaphore, #tpu.memory_space<semaphore_mem>>)
          %eq3A_1598 = arith.constant 13 : i32
          %eq3A_1599 = vector.broadcast %eq3A_1598 : i32 to vector<16xi32>
          %eq3A_1600 = arith.cmpi eq, %iota3A, %eq3A_1599 : vector<16xi32>
          %jit3A_1601 = arith.constant 0 : i32
          %broadcast_in_dim3A_1602 = vector.broadcast %jit3A_1601 : i32 to vector<16xi32>
          %select_n3A_1603 = arith.select %eq3A_1600, %shift_left3A_1272, %broadcast_in_dim3A_1602 : vector<16xi1>, vector<16xi32>
          %reduce_sum3A_1604 = arith.constant true
          %reduce_sum3A_1605 = vector.broadcast %reduce_sum3A_1604 : i1 to vector<16xi1>
          %reduce_sum3A_1606 = tpu.scan <sum>, %select_n3A_1603 masked %reduce_sum3A_1605 : vector<16xi32>, vector<16xi1> -> vector<16xi32>
          %reduce_sum3A_1607 = vector.extract %reduce_sum3A_1606[15] : i32 from vector<16xi32>
          %max3A_1608 = arith.constant 0 : i32
          %max3A_1609 = arith.maxsi %reduce_sum3A_1607, %max3A_1608 : i32
          %min3A_1610 = arith.constant 999936 : i32
          %min3A_1611 = arith.minsi %max3A_1609, %min3A_1610 : i32
          %multiple_of3A_1612 = tpu.assume_multiple %min3A_1611, 128 : i32
          %dma_start3A_1613 = arith.constant 0 : i32
          %dma_start3A_1614 = arith.constant 3712 : i32
          %dma_start3A_1615 = tpu.memref_slice %arg8[%dma_start3A_1613, %dma_start3A_1614] : memref<8x4096xf32, #tpu.memory_space<vmem>> -> memref<8x128xf32, #tpu.memory_space<vmem>>
          %dma_start3A_1616 = arith.constant 0 : i32
          %dma_start3A_1617 = tpu.memref_slice %arg3[%dma_start3A_1616, %multiple_of3A_1612] : memref<8x1000000xf32, #tpu.memory_space<hbm>> -> memref<8x128xf32, #tpu.memory_space<hbm>>
          %dma_start3A_1618 = arith.constant 0 : i32
          %dma_start3A_1619 = arith.constant 3712 : i32
          %dma_start3A_1620 = tpu.memref_slice %arg8[%dma_start3A_1618, %dma_start3A_1619] : memref<8x4096xf32, #tpu.memory_space<vmem>> -> memref<8x128xf32, #tpu.memory_space<vmem>>
          %dma_start3A_1621 = arith.constant 0 : i32
          %dma_start3A_1622 = tpu.memref_slice %arg3[%dma_start3A_1621, %multiple_of3A_1612] : memref<8x1000000xf32, #tpu.memory_space<hbm>> -> memref<8x128xf32, #tpu.memory_space<hbm>>
          tpu.enqueue_dma source(%dma_start3A_1622 : memref<8x128xf32, #tpu.memory_space<hbm>>) target(%dma_start3A_1620 : memref<8x128xf32, #tpu.memory_space<vmem>>) target_semaphore(%arg12 : memref<!tpu.dma_semaphore, #tpu.memory_space<semaphore_mem>>)
          %eq3A_1623 = arith.constant 14 : i32
          %eq3A_1624 = vector.broadcast %eq3A_1623 : i32 to vector<16xi32>
          %eq3A_1625 = arith.cmpi eq, %iota3A, %eq3A_1624 : vector<16xi32>
          %jit3A_1626 = arith.constant 0 : i32
          %broadcast_in_dim3A_1627 = vector.broadcast %jit3A_1626 : i32 to vector<16xi32>
          %select_n3A_1628 = arith.select %eq3A_1625, %shift_left3A_1272, %broadcast_in_dim3A_1627 : vector<16xi1>, vector<16xi32>
          %reduce_sum3A_1629 = arith.constant true
          %reduce_sum3A_1630 = vector.broadcast %reduce_sum3A_1629 : i1 to vector<16xi1>
          %reduce_sum3A_1631 = tpu.scan <sum>, %select_n3A_1628 masked %reduce_sum3A_1630 : vector<16xi32>, vector<16xi1> -> vector<16xi32>
          %reduce_sum3A_1632 = vector.extract %reduce_sum3A_1631[15] : i32 from vector<16xi32>
          %max3A_1633 = arith.constant 0 : i32
          %max3A_1634 = arith.maxsi %reduce_sum3A_1632, %max3A_1633 : i32
          %min3A_1635 = arith.constant 999936 : i32
          %min3A_1636 = arith.minsi %max3A_1634, %min3A_1635 : i32
          %multiple_of3A_1637 = tpu.assume_multiple %min3A_1636, 128 : i32
          %dma_start3A_1638 = arith.constant 0 : i32
          %dma_start3A_1639 = arith.constant 3840 : i32
          %dma_start3A_1640 = tpu.memref_slice %arg8[%dma_start3A_1638, %dma_start3A_1639] : memref<8x4096xf32, #tpu.memory_space<vmem>> -> memref<8x128xf32, #tpu.memory_space<vmem>>
          %dma_start3A_1641 = arith.constant 0 : i32
          %dma_start3A_1642 = tpu.memref_slice %arg3[%dma_start3A_1641, %multiple_of3A_1637] : memref<8x1000000xf32, #tpu.memory_space<hbm>> -> memref<8x128xf32, #tpu.memory_space<hbm>>
          %dma_start3A_1643 = arith.constant 0 : i32
          %dma_start3A_1644 = arith.constant 3840 : i32
          %dma_start3A_1645 = tpu.memref_slice %arg8[%dma_start3A_1643, %dma_start3A_1644] : memref<8x4096xf32, #tpu.memory_space<vmem>> -> memref<8x128xf32, #tpu.memory_space<vmem>>
          %dma_start3A_1646 = arith.constant 0 : i32
          %dma_start3A_1647 = tpu.memref_slice %arg3[%dma_start3A_1646, %multiple_of3A_1637] : memref<8x1000000xf32, #tpu.memory_space<hbm>> -> memref<8x128xf32, #tpu.memory_space<hbm>>
          tpu.enqueue_dma source(%dma_start3A_1647 : memref<8x128xf32, #tpu.memory_space<hbm>>) target(%dma_start3A_1645 : memref<8x128xf32, #tpu.memory_space<vmem>>) target_semaphore(%arg12 : memref<!tpu.dma_semaphore, #tpu.memory_space<semaphore_mem>>)
          %eq3A_1648 = arith.constant 15 : i32
          %eq3A_1649 = vector.broadcast %eq3A_1648 : i32 to vector<16xi32>
          %eq3A_1650 = arith.cmpi eq, %iota3A, %eq3A_1649 : vector<16xi32>
          %jit3A_1651 = arith.constant 0 : i32
          %broadcast_in_dim3A_1652 = vector.broadcast %jit3A_1651 : i32 to vector<16xi32>
          %select_n3A_1653 = arith.select %eq3A_1650, %shift_left3A_1272, %broadcast_in_dim3A_1652 : vector<16xi1>, vector<16xi32>
          %reduce_sum3A_1654 = arith.constant true
          %reduce_sum3A_1655 = vector.broadcast %reduce_sum3A_1654 : i1 to vector<16xi1>
          %reduce_sum3A_1656 = tpu.scan <sum>, %select_n3A_1653 masked %reduce_sum3A_1655 : vector<16xi32>, vector<16xi1> -> vector<16xi32>
          %reduce_sum3A_1657 = vector.extract %reduce_sum3A_1656[15] : i32 from vector<16xi32>
          %max3A_1658 = arith.constant 0 : i32
          %max3A_1659 = arith.maxsi %reduce_sum3A_1657, %max3A_1658 : i32
          %min3A_1660 = arith.constant 999936 : i32
          %min3A_1661 = arith.minsi %max3A_1659, %min3A_1660 : i32
          %multiple_of3A_1662 = tpu.assume_multiple %min3A_1661, 128 : i32
          %dma_start3A_1663 = arith.constant 0 : i32
          %dma_start3A_1664 = arith.constant 3968 : i32
          %dma_start3A_1665 = tpu.memref_slice %arg8[%dma_start3A_1663, %dma_start3A_1664] : memref<8x4096xf32, #tpu.memory_space<vmem>> -> memref<8x128xf32, #tpu.memory_space<vmem>>
          %dma_start3A_1666 = arith.constant 0 : i32
          %dma_start3A_1667 = tpu.memref_slice %arg3[%dma_start3A_1666, %multiple_of3A_1662] : memref<8x1000000xf32, #tpu.memory_space<hbm>> -> memref<8x128xf32, #tpu.memory_space<hbm>>
          %dma_start3A_1668 = arith.constant 0 : i32
          %dma_start3A_1669 = arith.constant 3968 : i32
          %dma_start3A_1670 = tpu.memref_slice %arg8[%dma_start3A_1668, %dma_start3A_1669] : memref<8x4096xf32, #tpu.memory_space<vmem>> -> memref<8x128xf32, #tpu.memory_space<vmem>>
          %dma_start3A_1671 = arith.constant 0 : i32
          %dma_start3A_1672 = tpu.memref_slice %arg3[%dma_start3A_1671, %multiple_of3A_1662] : memref<8x1000000xf32, #tpu.memory_space<hbm>> -> memref<8x128xf32, #tpu.memory_space<hbm>>
          tpu.enqueue_dma source(%dma_start3A_1672 : memref<8x128xf32, #tpu.memory_space<hbm>>) target(%dma_start3A_1670 : memref<8x128xf32, #tpu.memory_space<vmem>>) target_semaphore(%arg12 : memref<!tpu.dma_semaphore, #tpu.memory_space<semaphore_mem>>)
        } else {
        }
        %dma_wait3A = arith.constant 0 : i32
        %dma_wait3A_836 = arith.constant 0 : i32
        %dma_wait3A_837 = tpu.memref_slice %arg3[%dma_wait3A, %dma_wait3A_836] : memref<8x1000000xf32, #tpu.memory_space<hbm>> -> memref<8x4096xf32, #tpu.memory_space<hbm>>
        %dma_wait3A_838 = arith.constant 0 : i32
        %dma_wait3A_839 = arith.constant 0 : i32
        %dma_wait3A_840 = tpu.memref_slice %arg3[%dma_wait3A_838, %dma_wait3A_839] : memref<8x1000000xf32, #tpu.memory_space<hbm>> -> memref<8x4096xf32, #tpu.memory_space<hbm>>
        tpu.wait_dma2 semaphore(%arg11 : memref<!tpu.dma_semaphore, #tpu.memory_space<semaphore_mem>>) src(%dma_wait3A_840 : memref<8x4096xf32, #tpu.memory_space<hbm>>) dst(%arg7 : memref<8x4096xf32, #tpu.memory_space<vmem>>)
        %scan3A_841 = arith.constant 0 : i32
        %scan3A_842 = arith.constant 0 : i32
        %scan3A_843 = arith.constant 16 : i32
        %scan3A_844 = arith.addi %scan3A_842, %scan3A_843 : i32
        %scan3A_845 = arith.constant 1 : i32
        scf.for %scan3A_847 = %scan3A_842 to %scan3A_844 step %scan3A_845  : i32 {
          %mul3A_848 = arith.constant 2 : i32
          %mul3A_849 = arith.muli %scan3A_847, %mul3A_848 : i32
          %add3A_850 = vector.broadcast %mul3A_849 : i32 to vector<16xi32>
          %add3A_851 = arith.addi %shift_right_logical3A_4, %add3A_850 : vector<16xi32>
          %mul3A_852 = arith.constant 32 : i32
          %mul3A_853 = arith.muli %scan3A_821, %mul3A_852 : i32
          %add3A_854 = vector.broadcast %mul3A_853 : i32 to vector<16xi32>
          %add3A_855 = arith.addi %add3A_854, %add3A_851 : vector<16xi32>
          %gather3A = tpu.vector_load_idx %arg6[%add3A_855] : memref<512xi32, #tpu.memory_space<vmem>>[vector<16xi32>], vector<16xi32>,
          %mul3A_856 = arith.constant 128 : i32
          %mul3A_857 = vector.broadcast %mul3A_856 : i32 to vector<16xi32>
          %mul3A_858 = arith.muli %add3A_851, %mul3A_857 : vector<16xi32>
          %and3A_859 = arith.constant 127 : i32
          %and3A_860 = vector.broadcast %and3A_859 : i32 to vector<16xi32>
          %and3A_861 = arith.andi %gather3A, %and3A_860 : vector<16xi32>
          %add3A_862 = arith.addi %mul3A_858, %and3A_861 : vector<16xi32>
          %gather3A_863 = tpu.vector_load_idx %arg7[%and3A_6, %add3A_862] : memref<8x4096xf32, #tpu.memory_space<vmem>>[vector<16xi32>, vector<16xi32>], vector<16xf32>,
          %mul3A_864 = arith.mulf %gather3A_863, %get3A_7 : vector<16xf32>
          %mul3A_865 = arith.constant 32 : i32
          %mul3A_866 = arith.muli %scan3A_821, %mul3A_865 : i32
          %mul3A_867 = arith.constant 8 : i32
          %mul3A_868 = arith.muli %mul3A_866, %mul3A_867 : i32
          %mul3A_869 = arith.constant 16 : i32
          %mul3A_870 = arith.muli %scan3A_847, %mul3A_869 : i32
          %add3A_871 = arith.addi %mul3A_868, %mul3A_870 : i32
          %swap3A = arith.index_cast %add3A_871 : i32 to index
          %swap3A_872 = tpu.vector_load %arg9[%swap3A] {strides = array<i32>} : memref<4096xf32, #tpu.memory_space<vmem>>, vector<16xf32>,
          tpu.vector_store %arg9[%swap3A], %mul3A_864 {strides = array<i32>} : memref<4096xf32, #tpu.memory_space<vmem>>, vector<16xf32>,
        }
        %scan3A_846 = arith.constant 16 : i32
      } else {
      }
      %not3A = arith.constant true
      %not3A_826 = arith.xori %eq3A_824, %not3A : i1
      %convert_element_type3A_827 = arith.extui %not3A_826 : i1 to i32
      %cond3A_828 = arith.constant 0 : i32
      %cond3A_829 = arith.cmpi ne, %convert_element_type3A_827, %cond3A_828 : i32
      scf.if %cond3A_829 {
        %add3A_830 = arith.constant 1 : i32
        %add3A_831 = arith.addi %scan3A_821, %add3A_830 : i32
        %lt3A = arith.constant 16 : i32
        %lt3A_832 = arith.cmpi slt, %add3A_831, %lt3A : i32
        %convert_element_type3A_833 = arith.extui %lt3A_832 : i1 to i32
        %cond3A_834 = arith.constant 0 : i32
        %cond3A_835 = arith.cmpi ne, %convert_element_type3A_833, %cond3A_834 : i32
        scf.if %cond3A_835 {
          %add3A_847 = arith.constant 1 : i32
          %add3A_848 = arith.addi %scan3A_821, %add3A_847 : i32
          %mul3A_849 = arith.constant 32 : i32
          %mul3A_850 = arith.muli %add3A_848, %mul3A_849 : i32
          %add3A_851 = arith.constant 0 : i32
          %add3A_852 = arith.addi %mul3A_850, %add3A_851 : i32
          %get3A_853 = arith.index_cast %add3A_852 : i32 to index
          %get3A_854 = tpu.vector_load %arg6[%get3A_853] {strides = array<i32>} : memref<512xi32, #tpu.memory_space<vmem>>, vector<16xi32>,
          %shift_right_logical3A_855 = arith.constant 7 : i32
          %shift_right_logical3A_856 = vector.broadcast %shift_right_logical3A_855 : i32 to vector<16xi32>
          %shift_right_logical3A_857 = arith.shrui %get3A_854, %shift_right_logical3A_856 : vector<16xi32>
          %shift_left3A_858 = arith.constant 7 : i32
          %shift_left3A_859 = vector.broadcast %shift_left3A_858 : i32 to vector<16xi32>
          %shift_left3A_860 = arith.shli %shift_right_logical3A_857, %shift_left3A_859 : vector<16xi32>
          %eq3A_861 = arith.constant 0 : i32
          %eq3A_862 = vector.broadcast %eq3A_861 : i32 to vector<16xi32>
          %eq3A_863 = arith.cmpi eq, %iota3A, %eq3A_862 : vector<16xi32>
          %jit3A_864 = arith.constant 0 : i32
          %broadcast_in_dim3A_865 = vector.broadcast %jit3A_864 : i32 to vector<16xi32>
          %select_n3A_866 = arith.select %eq3A_863, %shift_left3A_860, %broadcast_in_dim3A_865 : vector<16xi1>, vector<16xi32>
          %reduce_sum3A_867 = arith.constant true
          %reduce_sum3A_868 = vector.broadcast %reduce_sum3A_867 : i1 to vector<16xi1>
          %reduce_sum3A_869 = tpu.scan <sum>, %select_n3A_866 masked %reduce_sum3A_868 : vector<16xi32>, vector<16xi1> -> vector<16xi32>
          %reduce_sum3A_870 = vector.extract %reduce_sum3A_869[15] : i32 from vector<16xi32>
          %max3A_871 = arith.constant 0 : i32
          %max3A_872 = arith.maxsi %reduce_sum3A_870, %max3A_871 : i32
          %min3A_873 = arith.constant 999936 : i32
          %min3A_874 = arith.minsi %max3A_872, %min3A_873 : i32
          %multiple_of3A_875 = tpu.assume_multiple %min3A_874, 128 : i32
          %dma_start3A_876 = arith.constant 0 : i32
          %dma_start3A_877 = arith.constant 0 : i32
          %dma_start3A_878 = tpu.memref_slice %arg7[%dma_start3A_876, %dma_start3A_877] : memref<8x4096xf32, #tpu.memory_space<vmem>> -> memref<8x128xf32, #tpu.memory_space<vmem>>
          %dma_start3A_879 = arith.constant 0 : i32
          %dma_start3A_880 = tpu.memref_slice %arg3[%dma_start3A_879, %multiple_of3A_875] : memref<8x1000000xf32, #tpu.memory_space<hbm>> -> memref<8x128xf32, #tpu.memory_space<hbm>>
          %dma_start3A_881 = arith.constant 0 : i32
          %dma_start3A_882 = arith.constant 0 : i32
          %dma_start3A_883 = tpu.memref_slice %arg7[%dma_start3A_881, %dma_start3A_882] : memref<8x4096xf32, #tpu.memory_space<vmem>> -> memref<8x128xf32, #tpu.memory_space<vmem>>
          %dma_start3A_884 = arith.constant 0 : i32
          %dma_start3A_885 = tpu.memref_slice %arg3[%dma_start3A_884, %multiple_of3A_875] : memref<8x1000000xf32, #tpu.memory_space<hbm>> -> memref<8x128xf32, #tpu.memory_space<hbm>>
          tpu.enqueue_dma source(%dma_start3A_885 : memref<8x128xf32, #tpu.memory_space<hbm>>) target(%dma_start3A_883 : memref<8x128xf32, #tpu.memory_space<vmem>>) target_semaphore(%arg11 : memref<!tpu.dma_semaphore, #tpu.memory_space<semaphore_mem>>)
          %eq3A_886 = arith.constant 1 : i32
          %eq3A_887 = vector.broadcast %eq3A_886 : i32 to vector<16xi32>
          %eq3A_888 = arith.cmpi eq, %iota3A, %eq3A_887 : vector<16xi32>
          %jit3A_889 = arith.constant 0 : i32
          %broadcast_in_dim3A_890 = vector.broadcast %jit3A_889 : i32 to vector<16xi32>
          %select_n3A_891 = arith.select %eq3A_888, %shift_left3A_860, %broadcast_in_dim3A_890 : vector<16xi1>, vector<16xi32>
          %reduce_sum3A_892 = arith.constant true
          %reduce_sum3A_893 = vector.broadcast %reduce_sum3A_892 : i1 to vector<16xi1>
          %reduce_sum3A_894 = tpu.scan <sum>, %select_n3A_891 masked %reduce_sum3A_893 : vector<16xi32>, vector<16xi1> -> vector<16xi32>
          %reduce_sum3A_895 = vector.extract %reduce_sum3A_894[15] : i32 from vector<16xi32>
          %max3A_896 = arith.constant 0 : i32
          %max3A_897 = arith.maxsi %reduce_sum3A_895, %max3A_896 : i32
          %min3A_898 = arith.constant 999936 : i32
          %min3A_899 = arith.minsi %max3A_897, %min3A_898 : i32
          %multiple_of3A_900 = tpu.assume_multiple %min3A_899, 128 : i32
          %dma_start3A_901 = arith.constant 0 : i32
          %dma_start3A_902 = arith.constant 128 : i32
          %dma_start3A_903 = tpu.memref_slice %arg7[%dma_start3A_901, %dma_start3A_902] : memref<8x4096xf32, #tpu.memory_space<vmem>> -> memref<8x128xf32, #tpu.memory_space<vmem>>
          %dma_start3A_904 = arith.constant 0 : i32
          %dma_start3A_905 = tpu.memref_slice %arg3[%dma_start3A_904, %multiple_of3A_900] : memref<8x1000000xf32, #tpu.memory_space<hbm>> -> memref<8x128xf32, #tpu.memory_space<hbm>>
          %dma_start3A_906 = arith.constant 0 : i32
          %dma_start3A_907 = arith.constant 128 : i32
          %dma_start3A_908 = tpu.memref_slice %arg7[%dma_start3A_906, %dma_start3A_907] : memref<8x4096xf32, #tpu.memory_space<vmem>> -> memref<8x128xf32, #tpu.memory_space<vmem>>
          %dma_start3A_909 = arith.constant 0 : i32
          %dma_start3A_910 = tpu.memref_slice %arg3[%dma_start3A_909, %multiple_of3A_900] : memref<8x1000000xf32, #tpu.memory_space<hbm>> -> memref<8x128xf32, #tpu.memory_space<hbm>>
          tpu.enqueue_dma source(%dma_start3A_910 : memref<8x128xf32, #tpu.memory_space<hbm>>) target(%dma_start3A_908 : memref<8x128xf32, #tpu.memory_space<vmem>>) target_semaphore(%arg11 : memref<!tpu.dma_semaphore, #tpu.memory_space<semaphore_mem>>)
          %eq3A_911 = arith.constant 2 : i32
          %eq3A_912 = vector.broadcast %eq3A_911 : i32 to vector<16xi32>
          %eq3A_913 = arith.cmpi eq, %iota3A, %eq3A_912 : vector<16xi32>
          %jit3A_914 = arith.constant 0 : i32
          %broadcast_in_dim3A_915 = vector.broadcast %jit3A_914 : i32 to vector<16xi32>
          %select_n3A_916 = arith.select %eq3A_913, %shift_left3A_860, %broadcast_in_dim3A_915 : vector<16xi1>, vector<16xi32>
          %reduce_sum3A_917 = arith.constant true
          %reduce_sum3A_918 = vector.broadcast %reduce_sum3A_917 : i1 to vector<16xi1>
          %reduce_sum3A_919 = tpu.scan <sum>, %select_n3A_916 masked %reduce_sum3A_918 : vector<16xi32>, vector<16xi1> -> vector<16xi32>
          %reduce_sum3A_920 = vector.extract %reduce_sum3A_919[15] : i32 from vector<16xi32>
          %max3A_921 = arith.constant 0 : i32
          %max3A_922 = arith.maxsi %reduce_sum3A_920, %max3A_921 : i32
          %min3A_923 = arith.constant 999936 : i32
          %min3A_924 = arith.minsi %max3A_922, %min3A_923 : i32
          %multiple_of3A_925 = tpu.assume_multiple %min3A_924, 128 : i32
          %dma_start3A_926 = arith.constant 0 : i32
          %dma_start3A_927 = arith.constant 256 : i32
          %dma_start3A_928 = tpu.memref_slice %arg7[%dma_start3A_926, %dma_start3A_927] : memref<8x4096xf32, #tpu.memory_space<vmem>> -> memref<8x128xf32, #tpu.memory_space<vmem>>
          %dma_start3A_929 = arith.constant 0 : i32
          %dma_start3A_930 = tpu.memref_slice %arg3[%dma_start3A_929, %multiple_of3A_925] : memref<8x1000000xf32, #tpu.memory_space<hbm>> -> memref<8x128xf32, #tpu.memory_space<hbm>>
          %dma_start3A_931 = arith.constant 0 : i32
          %dma_start3A_932 = arith.constant 256 : i32
          %dma_start3A_933 = tpu.memref_slice %arg7[%dma_start3A_931, %dma_start3A_932] : memref<8x4096xf32, #tpu.memory_space<vmem>> -> memref<8x128xf32, #tpu.memory_space<vmem>>
          %dma_start3A_934 = arith.constant 0 : i32
          %dma_start3A_935 = tpu.memref_slice %arg3[%dma_start3A_934, %multiple_of3A_925] : memref<8x1000000xf32, #tpu.memory_space<hbm>> -> memref<8x128xf32, #tpu.memory_space<hbm>>
          tpu.enqueue_dma source(%dma_start3A_935 : memref<8x128xf32, #tpu.memory_space<hbm>>) target(%dma_start3A_933 : memref<8x128xf32, #tpu.memory_space<vmem>>) target_semaphore(%arg11 : memref<!tpu.dma_semaphore, #tpu.memory_space<semaphore_mem>>)
          %eq3A_936 = arith.constant 3 : i32
          %eq3A_937 = vector.broadcast %eq3A_936 : i32 to vector<16xi32>
          %eq3A_938 = arith.cmpi eq, %iota3A, %eq3A_937 : vector<16xi32>
          %jit3A_939 = arith.constant 0 : i32
          %broadcast_in_dim3A_940 = vector.broadcast %jit3A_939 : i32 to vector<16xi32>
          %select_n3A_941 = arith.select %eq3A_938, %shift_left3A_860, %broadcast_in_dim3A_940 : vector<16xi1>, vector<16xi32>
          %reduce_sum3A_942 = arith.constant true
          %reduce_sum3A_943 = vector.broadcast %reduce_sum3A_942 : i1 to vector<16xi1>
          %reduce_sum3A_944 = tpu.scan <sum>, %select_n3A_941 masked %reduce_sum3A_943 : vector<16xi32>, vector<16xi1> -> vector<16xi32>
          %reduce_sum3A_945 = vector.extract %reduce_sum3A_944[15] : i32 from vector<16xi32>
          %max3A_946 = arith.constant 0 : i32
          %max3A_947 = arith.maxsi %reduce_sum3A_945, %max3A_946 : i32
          %min3A_948 = arith.constant 999936 : i32
          %min3A_949 = arith.minsi %max3A_947, %min3A_948 : i32
          %multiple_of3A_950 = tpu.assume_multiple %min3A_949, 128 : i32
          %dma_start3A_951 = arith.constant 0 : i32
          %dma_start3A_952 = arith.constant 384 : i32
          %dma_start3A_953 = tpu.memref_slice %arg7[%dma_start3A_951, %dma_start3A_952] : memref<8x4096xf32, #tpu.memory_space<vmem>> -> memref<8x128xf32, #tpu.memory_space<vmem>>
          %dma_start3A_954 = arith.constant 0 : i32
          %dma_start3A_955 = tpu.memref_slice %arg3[%dma_start3A_954, %multiple_of3A_950] : memref<8x1000000xf32, #tpu.memory_space<hbm>> -> memref<8x128xf32, #tpu.memory_space<hbm>>
          %dma_start3A_956 = arith.constant 0 : i32
          %dma_start3A_957 = arith.constant 384 : i32
          %dma_start3A_958 = tpu.memref_slice %arg7[%dma_start3A_956, %dma_start3A_957] : memref<8x4096xf32, #tpu.memory_space<vmem>> -> memref<8x128xf32, #tpu.memory_space<vmem>>
          %dma_start3A_959 = arith.constant 0 : i32
          %dma_start3A_960 = tpu.memref_slice %arg3[%dma_start3A_959, %multiple_of3A_950] : memref<8x1000000xf32, #tpu.memory_space<hbm>> -> memref<8x128xf32, #tpu.memory_space<hbm>>
          tpu.enqueue_dma source(%dma_start3A_960 : memref<8x128xf32, #tpu.memory_space<hbm>>) target(%dma_start3A_958 : memref<8x128xf32, #tpu.memory_space<vmem>>) target_semaphore(%arg11 : memref<!tpu.dma_semaphore, #tpu.memory_space<semaphore_mem>>)
          %eq3A_961 = arith.constant 4 : i32
          %eq3A_962 = vector.broadcast %eq3A_961 : i32 to vector<16xi32>
          %eq3A_963 = arith.cmpi eq, %iota3A, %eq3A_962 : vector<16xi32>
          %jit3A_964 = arith.constant 0 : i32
          %broadcast_in_dim3A_965 = vector.broadcast %jit3A_964 : i32 to vector<16xi32>
          %select_n3A_966 = arith.select %eq3A_963, %shift_left3A_860, %broadcast_in_dim3A_965 : vector<16xi1>, vector<16xi32>
          %reduce_sum3A_967 = arith.constant true
          %reduce_sum3A_968 = vector.broadcast %reduce_sum3A_967 : i1 to vector<16xi1>
          %reduce_sum3A_969 = tpu.scan <sum>, %select_n3A_966 masked %reduce_sum3A_968 : vector<16xi32>, vector<16xi1> -> vector<16xi32>
          %reduce_sum3A_970 = vector.extract %reduce_sum3A_969[15] : i32 from vector<16xi32>
          %max3A_971 = arith.constant 0 : i32
          %max3A_972 = arith.maxsi %reduce_sum3A_970, %max3A_971 : i32
          %min3A_973 = arith.constant 999936 : i32
          %min3A_974 = arith.minsi %max3A_972, %min3A_973 : i32
          %multiple_of3A_975 = tpu.assume_multiple %min3A_974, 128 : i32
          %dma_start3A_976 = arith.constant 0 : i32
          %dma_start3A_977 = arith.constant 512 : i32
          %dma_start3A_978 = tpu.memref_slice %arg7[%dma_start3A_976, %dma_start3A_977] : memref<8x4096xf32, #tpu.memory_space<vmem>> -> memref<8x128xf32, #tpu.memory_space<vmem>>
          %dma_start3A_979 = arith.constant 0 : i32
          %dma_start3A_980 = tpu.memref_slice %arg3[%dma_start3A_979, %multiple_of3A_975] : memref<8x1000000xf32, #tpu.memory_space<hbm>> -> memref<8x128xf32, #tpu.memory_space<hbm>>
          %dma_start3A_981 = arith.constant 0 : i32
          %dma_start3A_982 = arith.constant 512 : i32
          %dma_start3A_983 = tpu.memref_slice %arg7[%dma_start3A_981, %dma_start3A_982] : memref<8x4096xf32, #tpu.memory_space<vmem>> -> memref<8x128xf32, #tpu.memory_space<vmem>>
          %dma_start3A_984 = arith.constant 0 : i32
          %dma_start3A_985 = tpu.memref_slice %arg3[%dma_start3A_984, %multiple_of3A_975] : memref<8x1000000xf32, #tpu.memory_space<hbm>> -> memref<8x128xf32, #tpu.memory_space<hbm>>
          tpu.enqueue_dma source(%dma_start3A_985 : memref<8x128xf32, #tpu.memory_space<hbm>>) target(%dma_start3A_983 : memref<8x128xf32, #tpu.memory_space<vmem>>) target_semaphore(%arg11 : memref<!tpu.dma_semaphore, #tpu.memory_space<semaphore_mem>>)
          %eq3A_986 = arith.constant 5 : i32
          %eq3A_987 = vector.broadcast %eq3A_986 : i32 to vector<16xi32>
          %eq3A_988 = arith.cmpi eq, %iota3A, %eq3A_987 : vector<16xi32>
          %jit3A_989 = arith.constant 0 : i32
          %broadcast_in_dim3A_990 = vector.broadcast %jit3A_989 : i32 to vector<16xi32>
          %select_n3A_991 = arith.select %eq3A_988, %shift_left3A_860, %broadcast_in_dim3A_990 : vector<16xi1>, vector<16xi32>
          %reduce_sum3A_992 = arith.constant true
          %reduce_sum3A_993 = vector.broadcast %reduce_sum3A_992 : i1 to vector<16xi1>
          %reduce_sum3A_994 = tpu.scan <sum>, %select_n3A_991 masked %reduce_sum3A_993 : vector<16xi32>, vector<16xi1> -> vector<16xi32>
          %reduce_sum3A_995 = vector.extract %reduce_sum3A_994[15] : i32 from vector<16xi32>
          %max3A_996 = arith.constant 0 : i32
          %max3A_997 = arith.maxsi %reduce_sum3A_995, %max3A_996 : i32
          %min3A_998 = arith.constant 999936 : i32
          %min3A_999 = arith.minsi %max3A_997, %min3A_998 : i32
          %multiple_of3A_1000 = tpu.assume_multiple %min3A_999, 128 : i32
          %dma_start3A_1001 = arith.constant 0 : i32
          %dma_start3A_1002 = arith.constant 640 : i32
          %dma_start3A_1003 = tpu.memref_slice %arg7[%dma_start3A_1001, %dma_start3A_1002] : memref<8x4096xf32, #tpu.memory_space<vmem>> -> memref<8x128xf32, #tpu.memory_space<vmem>>
          %dma_start3A_1004 = arith.constant 0 : i32
          %dma_start3A_1005 = tpu.memref_slice %arg3[%dma_start3A_1004, %multiple_of3A_1000] : memref<8x1000000xf32, #tpu.memory_space<hbm>> -> memref<8x128xf32, #tpu.memory_space<hbm>>
          %dma_start3A_1006 = arith.constant 0 : i32
          %dma_start3A_1007 = arith.constant 640 : i32
          %dma_start3A_1008 = tpu.memref_slice %arg7[%dma_start3A_1006, %dma_start3A_1007] : memref<8x4096xf32, #tpu.memory_space<vmem>> -> memref<8x128xf32, #tpu.memory_space<vmem>>
          %dma_start3A_1009 = arith.constant 0 : i32
          %dma_start3A_1010 = tpu.memref_slice %arg3[%dma_start3A_1009, %multiple_of3A_1000] : memref<8x1000000xf32, #tpu.memory_space<hbm>> -> memref<8x128xf32, #tpu.memory_space<hbm>>
          tpu.enqueue_dma source(%dma_start3A_1010 : memref<8x128xf32, #tpu.memory_space<hbm>>) target(%dma_start3A_1008 : memref<8x128xf32, #tpu.memory_space<vmem>>) target_semaphore(%arg11 : memref<!tpu.dma_semaphore, #tpu.memory_space<semaphore_mem>>)
          %eq3A_1011 = arith.constant 6 : i32
          %eq3A_1012 = vector.broadcast %eq3A_1011 : i32 to vector<16xi32>
          %eq3A_1013 = arith.cmpi eq, %iota3A, %eq3A_1012 : vector<16xi32>
          %jit3A_1014 = arith.constant 0 : i32
          %broadcast_in_dim3A_1015 = vector.broadcast %jit3A_1014 : i32 to vector<16xi32>
          %select_n3A_1016 = arith.select %eq3A_1013, %shift_left3A_860, %broadcast_in_dim3A_1015 : vector<16xi1>, vector<16xi32>
          %reduce_sum3A_1017 = arith.constant true
          %reduce_sum3A_1018 = vector.broadcast %reduce_sum3A_1017 : i1 to vector<16xi1>
          %reduce_sum3A_1019 = tpu.scan <sum>, %select_n3A_1016 masked %reduce_sum3A_1018 : vector<16xi32>, vector<16xi1> -> vector<16xi32>
          %reduce_sum3A_1020 = vector.extract %reduce_sum3A_1019[15] : i32 from vector<16xi32>
          %max3A_1021 = arith.constant 0 : i32
          %max3A_1022 = arith.maxsi %reduce_sum3A_1020, %max3A_1021 : i32
          %min3A_1023 = arith.constant 999936 : i32
          %min3A_1024 = arith.minsi %max3A_1022, %min3A_1023 : i32
          %multiple_of3A_1025 = tpu.assume_multiple %min3A_1024, 128 : i32
          %dma_start3A_1026 = arith.constant 0 : i32
          %dma_start3A_1027 = arith.constant 768 : i32
          %dma_start3A_1028 = tpu.memref_slice %arg7[%dma_start3A_1026, %dma_start3A_1027] : memref<8x4096xf32, #tpu.memory_space<vmem>> -> memref<8x128xf32, #tpu.memory_space<vmem>>
          %dma_start3A_1029 = arith.constant 0 : i32
          %dma_start3A_1030 = tpu.memref_slice %arg3[%dma_start3A_1029, %multiple_of3A_1025] : memref<8x1000000xf32, #tpu.memory_space<hbm>> -> memref<8x128xf32, #tpu.memory_space<hbm>>
          %dma_start3A_1031 = arith.constant 0 : i32
          %dma_start3A_1032 = arith.constant 768 : i32
          %dma_start3A_1033 = tpu.memref_slice %arg7[%dma_start3A_1031, %dma_start3A_1032] : memref<8x4096xf32, #tpu.memory_space<vmem>> -> memref<8x128xf32, #tpu.memory_space<vmem>>
          %dma_start3A_1034 = arith.constant 0 : i32
          %dma_start3A_1035 = tpu.memref_slice %arg3[%dma_start3A_1034, %multiple_of3A_1025] : memref<8x1000000xf32, #tpu.memory_space<hbm>> -> memref<8x128xf32, #tpu.memory_space<hbm>>
          tpu.enqueue_dma source(%dma_start3A_1035 : memref<8x128xf32, #tpu.memory_space<hbm>>) target(%dma_start3A_1033 : memref<8x128xf32, #tpu.memory_space<vmem>>) target_semaphore(%arg11 : memref<!tpu.dma_semaphore, #tpu.memory_space<semaphore_mem>>)
          %eq3A_1036 = arith.constant 7 : i32
          %eq3A_1037 = vector.broadcast %eq3A_1036 : i32 to vector<16xi32>
          %eq3A_1038 = arith.cmpi eq, %iota3A, %eq3A_1037 : vector<16xi32>
          %jit3A_1039 = arith.constant 0 : i32
          %broadcast_in_dim3A_1040 = vector.broadcast %jit3A_1039 : i32 to vector<16xi32>
          %select_n3A_1041 = arith.select %eq3A_1038, %shift_left3A_860, %broadcast_in_dim3A_1040 : vector<16xi1>, vector<16xi32>
          %reduce_sum3A_1042 = arith.constant true
          %reduce_sum3A_1043 = vector.broadcast %reduce_sum3A_1042 : i1 to vector<16xi1>
          %reduce_sum3A_1044 = tpu.scan <sum>, %select_n3A_1041 masked %reduce_sum3A_1043 : vector<16xi32>, vector<16xi1> -> vector<16xi32>
          %reduce_sum3A_1045 = vector.extract %reduce_sum3A_1044[15] : i32 from vector<16xi32>
          %max3A_1046 = arith.constant 0 : i32
          %max3A_1047 = arith.maxsi %reduce_sum3A_1045, %max3A_1046 : i32
          %min3A_1048 = arith.constant 999936 : i32
          %min3A_1049 = arith.minsi %max3A_1047, %min3A_1048 : i32
          %multiple_of3A_1050 = tpu.assume_multiple %min3A_1049, 128 : i32
          %dma_start3A_1051 = arith.constant 0 : i32
          %dma_start3A_1052 = arith.constant 896 : i32
          %dma_start3A_1053 = tpu.memref_slice %arg7[%dma_start3A_1051, %dma_start3A_1052] : memref<8x4096xf32, #tpu.memory_space<vmem>> -> memref<8x128xf32, #tpu.memory_space<vmem>>
          %dma_start3A_1054 = arith.constant 0 : i32
          %dma_start3A_1055 = tpu.memref_slice %arg3[%dma_start3A_1054, %multiple_of3A_1050] : memref<8x1000000xf32, #tpu.memory_space<hbm>> -> memref<8x128xf32, #tpu.memory_space<hbm>>
          %dma_start3A_1056 = arith.constant 0 : i32
          %dma_start3A_1057 = arith.constant 896 : i32
          %dma_start3A_1058 = tpu.memref_slice %arg7[%dma_start3A_1056, %dma_start3A_1057] : memref<8x4096xf32, #tpu.memory_space<vmem>> -> memref<8x128xf32, #tpu.memory_space<vmem>>
          %dma_start3A_1059 = arith.constant 0 : i32
          %dma_start3A_1060 = tpu.memref_slice %arg3[%dma_start3A_1059, %multiple_of3A_1050] : memref<8x1000000xf32, #tpu.memory_space<hbm>> -> memref<8x128xf32, #tpu.memory_space<hbm>>
          tpu.enqueue_dma source(%dma_start3A_1060 : memref<8x128xf32, #tpu.memory_space<hbm>>) target(%dma_start3A_1058 : memref<8x128xf32, #tpu.memory_space<vmem>>) target_semaphore(%arg11 : memref<!tpu.dma_semaphore, #tpu.memory_space<semaphore_mem>>)
          %eq3A_1061 = arith.constant 8 : i32
          %eq3A_1062 = vector.broadcast %eq3A_1061 : i32 to vector<16xi32>
          %eq3A_1063 = arith.cmpi eq, %iota3A, %eq3A_1062 : vector<16xi32>
          %jit3A_1064 = arith.constant 0 : i32
          %broadcast_in_dim3A_1065 = vector.broadcast %jit3A_1064 : i32 to vector<16xi32>
          %select_n3A_1066 = arith.select %eq3A_1063, %shift_left3A_860, %broadcast_in_dim3A_1065 : vector<16xi1>, vector<16xi32>
          %reduce_sum3A_1067 = arith.constant true
          %reduce_sum3A_1068 = vector.broadcast %reduce_sum3A_1067 : i1 to vector<16xi1>
          %reduce_sum3A_1069 = tpu.scan <sum>, %select_n3A_1066 masked %reduce_sum3A_1068 : vector<16xi32>, vector<16xi1> -> vector<16xi32>
          %reduce_sum3A_1070 = vector.extract %reduce_sum3A_1069[15] : i32 from vector<16xi32>
          %max3A_1071 = arith.constant 0 : i32
          %max3A_1072 = arith.maxsi %reduce_sum3A_1070, %max3A_1071 : i32
          %min3A_1073 = arith.constant 999936 : i32
          %min3A_1074 = arith.minsi %max3A_1072, %min3A_1073 : i32
          %multiple_of3A_1075 = tpu.assume_multiple %min3A_1074, 128 : i32
          %dma_start3A_1076 = arith.constant 0 : i32
          %dma_start3A_1077 = arith.constant 1024 : i32
          %dma_start3A_1078 = tpu.memref_slice %arg7[%dma_start3A_1076, %dma_start3A_1077] : memref<8x4096xf32, #tpu.memory_space<vmem>> -> memref<8x128xf32, #tpu.memory_space<vmem>>
          %dma_start3A_1079 = arith.constant 0 : i32
          %dma_start3A_1080 = tpu.memref_slice %arg3[%dma_start3A_1079, %multiple_of3A_1075] : memref<8x1000000xf32, #tpu.memory_space<hbm>> -> memref<8x128xf32, #tpu.memory_space<hbm>>
          %dma_start3A_1081 = arith.constant 0 : i32
          %dma_start3A_1082 = arith.constant 1024 : i32
          %dma_start3A_1083 = tpu.memref_slice %arg7[%dma_start3A_1081, %dma_start3A_1082] : memref<8x4096xf32, #tpu.memory_space<vmem>> -> memref<8x128xf32, #tpu.memory_space<vmem>>
          %dma_start3A_1084 = arith.constant 0 : i32
          %dma_start3A_1085 = tpu.memref_slice %arg3[%dma_start3A_1084, %multiple_of3A_1075] : memref<8x1000000xf32, #tpu.memory_space<hbm>> -> memref<8x128xf32, #tpu.memory_space<hbm>>
          tpu.enqueue_dma source(%dma_start3A_1085 : memref<8x128xf32, #tpu.memory_space<hbm>>) target(%dma_start3A_1083 : memref<8x128xf32, #tpu.memory_space<vmem>>) target_semaphore(%arg11 : memref<!tpu.dma_semaphore, #tpu.memory_space<semaphore_mem>>)
          %eq3A_1086 = arith.constant 9 : i32
          %eq3A_1087 = vector.broadcast %eq3A_1086 : i32 to vector<16xi32>
          %eq3A_1088 = arith.cmpi eq, %iota3A, %eq3A_1087 : vector<16xi32>
          %jit3A_1089 = arith.constant 0 : i32
          %broadcast_in_dim3A_1090 = vector.broadcast %jit3A_1089 : i32 to vector<16xi32>
          %select_n3A_1091 = arith.select %eq3A_1088, %shift_left3A_860, %broadcast_in_dim3A_1090 : vector<16xi1>, vector<16xi32>
          %reduce_sum3A_1092 = arith.constant true
          %reduce_sum3A_1093 = vector.broadcast %reduce_sum3A_1092 : i1 to vector<16xi1>
          %reduce_sum3A_1094 = tpu.scan <sum>, %select_n3A_1091 masked %reduce_sum3A_1093 : vector<16xi32>, vector<16xi1> -> vector<16xi32>
          %reduce_sum3A_1095 = vector.extract %reduce_sum3A_1094[15] : i32 from vector<16xi32>
          %max3A_1096 = arith.constant 0 : i32
          %max3A_1097 = arith.maxsi %reduce_sum3A_1095, %max3A_1096 : i32
          %min3A_1098 = arith.constant 999936 : i32
          %min3A_1099 = arith.minsi %max3A_1097, %min3A_1098 : i32
          %multiple_of3A_1100 = tpu.assume_multiple %min3A_1099, 128 : i32
          %dma_start3A_1101 = arith.constant 0 : i32
          %dma_start3A_1102 = arith.constant 1152 : i32
          %dma_start3A_1103 = tpu.memref_slice %arg7[%dma_start3A_1101, %dma_start3A_1102] : memref<8x4096xf32, #tpu.memory_space<vmem>> -> memref<8x128xf32, #tpu.memory_space<vmem>>
          %dma_start3A_1104 = arith.constant 0 : i32
          %dma_start3A_1105 = tpu.memref_slice %arg3[%dma_start3A_1104, %multiple_of3A_1100] : memref<8x1000000xf32, #tpu.memory_space<hbm>> -> memref<8x128xf32, #tpu.memory_space<hbm>>
          %dma_start3A_1106 = arith.constant 0 : i32
          %dma_start3A_1107 = arith.constant 1152 : i32
          %dma_start3A_1108 = tpu.memref_slice %arg7[%dma_start3A_1106, %dma_start3A_1107] : memref<8x4096xf32, #tpu.memory_space<vmem>> -> memref<8x128xf32, #tpu.memory_space<vmem>>
          %dma_start3A_1109 = arith.constant 0 : i32
          %dma_start3A_1110 = tpu.memref_slice %arg3[%dma_start3A_1109, %multiple_of3A_1100] : memref<8x1000000xf32, #tpu.memory_space<hbm>> -> memref<8x128xf32, #tpu.memory_space<hbm>>
          tpu.enqueue_dma source(%dma_start3A_1110 : memref<8x128xf32, #tpu.memory_space<hbm>>) target(%dma_start3A_1108 : memref<8x128xf32, #tpu.memory_space<vmem>>) target_semaphore(%arg11 : memref<!tpu.dma_semaphore, #tpu.memory_space<semaphore_mem>>)
          %eq3A_1111 = arith.constant 10 : i32
          %eq3A_1112 = vector.broadcast %eq3A_1111 : i32 to vector<16xi32>
          %eq3A_1113 = arith.cmpi eq, %iota3A, %eq3A_1112 : vector<16xi32>
          %jit3A_1114 = arith.constant 0 : i32
          %broadcast_in_dim3A_1115 = vector.broadcast %jit3A_1114 : i32 to vector<16xi32>
          %select_n3A_1116 = arith.select %eq3A_1113, %shift_left3A_860, %broadcast_in_dim3A_1115 : vector<16xi1>, vector<16xi32>
          %reduce_sum3A_1117 = arith.constant true
          %reduce_sum3A_1118 = vector.broadcast %reduce_sum3A_1117 : i1 to vector<16xi1>
          %reduce_sum3A_1119 = tpu.scan <sum>, %select_n3A_1116 masked %reduce_sum3A_1118 : vector<16xi32>, vector<16xi1> -> vector<16xi32>
          %reduce_sum3A_1120 = vector.extract %reduce_sum3A_1119[15] : i32 from vector<16xi32>
          %max3A_1121 = arith.constant 0 : i32
          %max3A_1122 = arith.maxsi %reduce_sum3A_1120, %max3A_1121 : i32
          %min3A_1123 = arith.constant 999936 : i32
          %min3A_1124 = arith.minsi %max3A_1122, %min3A_1123 : i32
          %multiple_of3A_1125 = tpu.assume_multiple %min3A_1124, 128 : i32
          %dma_start3A_1126 = arith.constant 0 : i32
          %dma_start3A_1127 = arith.constant 1280 : i32
          %dma_start3A_1128 = tpu.memref_slice %arg7[%dma_start3A_1126, %dma_start3A_1127] : memref<8x4096xf32, #tpu.memory_space<vmem>> -> memref<8x128xf32, #tpu.memory_space<vmem>>
          %dma_start3A_1129 = arith.constant 0 : i32
          %dma_start3A_1130 = tpu.memref_slice %arg3[%dma_start3A_1129, %multiple_of3A_1125] : memref<8x1000000xf32, #tpu.memory_space<hbm>> -> memref<8x128xf32, #tpu.memory_space<hbm>>
          %dma_start3A_1131 = arith.constant 0 : i32
          %dma_start3A_1132 = arith.constant 1280 : i32
          %dma_start3A_1133 = tpu.memref_slice %arg7[%dma_start3A_1131, %dma_start3A_1132] : memref<8x4096xf32, #tpu.memory_space<vmem>> -> memref<8x128xf32, #tpu.memory_space<vmem>>
          %dma_start3A_1134 = arith.constant 0 : i32
          %dma_start3A_1135 = tpu.memref_slice %arg3[%dma_start3A_1134, %multiple_of3A_1125] : memref<8x1000000xf32, #tpu.memory_space<hbm>> -> memref<8x128xf32, #tpu.memory_space<hbm>>
          tpu.enqueue_dma source(%dma_start3A_1135 : memref<8x128xf32, #tpu.memory_space<hbm>>) target(%dma_start3A_1133 : memref<8x128xf32, #tpu.memory_space<vmem>>) target_semaphore(%arg11 : memref<!tpu.dma_semaphore, #tpu.memory_space<semaphore_mem>>)
          %eq3A_1136 = arith.constant 11 : i32
          %eq3A_1137 = vector.broadcast %eq3A_1136 : i32 to vector<16xi32>
          %eq3A_1138 = arith.cmpi eq, %iota3A, %eq3A_1137 : vector<16xi32>
          %jit3A_1139 = arith.constant 0 : i32
          %broadcast_in_dim3A_1140 = vector.broadcast %jit3A_1139 : i32 to vector<16xi32>
          %select_n3A_1141 = arith.select %eq3A_1138, %shift_left3A_860, %broadcast_in_dim3A_1140 : vector<16xi1>, vector<16xi32>
          %reduce_sum3A_1142 = arith.constant true
          %reduce_sum3A_1143 = vector.broadcast %reduce_sum3A_1142 : i1 to vector<16xi1>
          %reduce_sum3A_1144 = tpu.scan <sum>, %select_n3A_1141 masked %reduce_sum3A_1143 : vector<16xi32>, vector<16xi1> -> vector<16xi32>
          %reduce_sum3A_1145 = vector.extract %reduce_sum3A_1144[15] : i32 from vector<16xi32>
          %max3A_1146 = arith.constant 0 : i32
          %max3A_1147 = arith.maxsi %reduce_sum3A_1145, %max3A_1146 : i32
          %min3A_1148 = arith.constant 999936 : i32
          %min3A_1149 = arith.minsi %max3A_1147, %min3A_1148 : i32
          %multiple_of3A_1150 = tpu.assume_multiple %min3A_1149, 128 : i32
          %dma_start3A_1151 = arith.constant 0 : i32
          %dma_start3A_1152 = arith.constant 1408 : i32
          %dma_start3A_1153 = tpu.memref_slice %arg7[%dma_start3A_1151, %dma_start3A_1152] : memref<8x4096xf32, #tpu.memory_space<vmem>> -> memref<8x128xf32, #tpu.memory_space<vmem>>
          %dma_start3A_1154 = arith.constant 0 : i32
          %dma_start3A_1155 = tpu.memref_slice %arg3[%dma_start3A_1154, %multiple_of3A_1150] : memref<8x1000000xf32, #tpu.memory_space<hbm>> -> memref<8x128xf32, #tpu.memory_space<hbm>>
          %dma_start3A_1156 = arith.constant 0 : i32
          %dma_start3A_1157 = arith.constant 1408 : i32
          %dma_start3A_1158 = tpu.memref_slice %arg7[%dma_start3A_1156, %dma_start3A_1157] : memref<8x4096xf32, #tpu.memory_space<vmem>> -> memref<8x128xf32, #tpu.memory_space<vmem>>
          %dma_start3A_1159 = arith.constant 0 : i32
          %dma_start3A_1160 = tpu.memref_slice %arg3[%dma_start3A_1159, %multiple_of3A_1150] : memref<8x1000000xf32, #tpu.memory_space<hbm>> -> memref<8x128xf32, #tpu.memory_space<hbm>>
          tpu.enqueue_dma source(%dma_start3A_1160 : memref<8x128xf32, #tpu.memory_space<hbm>>) target(%dma_start3A_1158 : memref<8x128xf32, #tpu.memory_space<vmem>>) target_semaphore(%arg11 : memref<!tpu.dma_semaphore, #tpu.memory_space<semaphore_mem>>)
          %eq3A_1161 = arith.constant 12 : i32
          %eq3A_1162 = vector.broadcast %eq3A_1161 : i32 to vector<16xi32>
          %eq3A_1163 = arith.cmpi eq, %iota3A, %eq3A_1162 : vector<16xi32>
          %jit3A_1164 = arith.constant 0 : i32
          %broadcast_in_dim3A_1165 = vector.broadcast %jit3A_1164 : i32 to vector<16xi32>
          %select_n3A_1166 = arith.select %eq3A_1163, %shift_left3A_860, %broadcast_in_dim3A_1165 : vector<16xi1>, vector<16xi32>
          %reduce_sum3A_1167 = arith.constant true
          %reduce_sum3A_1168 = vector.broadcast %reduce_sum3A_1167 : i1 to vector<16xi1>
          %reduce_sum3A_1169 = tpu.scan <sum>, %select_n3A_1166 masked %reduce_sum3A_1168 : vector<16xi32>, vector<16xi1> -> vector<16xi32>
          %reduce_sum3A_1170 = vector.extract %reduce_sum3A_1169[15] : i32 from vector<16xi32>
          %max3A_1171 = arith.constant 0 : i32
          %max3A_1172 = arith.maxsi %reduce_sum3A_1170, %max3A_1171 : i32
          %min3A_1173 = arith.constant 999936 : i32
          %min3A_1174 = arith.minsi %max3A_1172, %min3A_1173 : i32
          %multiple_of3A_1175 = tpu.assume_multiple %min3A_1174, 128 : i32
          %dma_start3A_1176 = arith.constant 0 : i32
          %dma_start3A_1177 = arith.constant 1536 : i32
          %dma_start3A_1178 = tpu.memref_slice %arg7[%dma_start3A_1176, %dma_start3A_1177] : memref<8x4096xf32, #tpu.memory_space<vmem>> -> memref<8x128xf32, #tpu.memory_space<vmem>>
          %dma_start3A_1179 = arith.constant 0 : i32
          %dma_start3A_1180 = tpu.memref_slice %arg3[%dma_start3A_1179, %multiple_of3A_1175] : memref<8x1000000xf32, #tpu.memory_space<hbm>> -> memref<8x128xf32, #tpu.memory_space<hbm>>
          %dma_start3A_1181 = arith.constant 0 : i32
          %dma_start3A_1182 = arith.constant 1536 : i32
          %dma_start3A_1183 = tpu.memref_slice %arg7[%dma_start3A_1181, %dma_start3A_1182] : memref<8x4096xf32, #tpu.memory_space<vmem>> -> memref<8x128xf32, #tpu.memory_space<vmem>>
          %dma_start3A_1184 = arith.constant 0 : i32
          %dma_start3A_1185 = tpu.memref_slice %arg3[%dma_start3A_1184, %multiple_of3A_1175] : memref<8x1000000xf32, #tpu.memory_space<hbm>> -> memref<8x128xf32, #tpu.memory_space<hbm>>
          tpu.enqueue_dma source(%dma_start3A_1185 : memref<8x128xf32, #tpu.memory_space<hbm>>) target(%dma_start3A_1183 : memref<8x128xf32, #tpu.memory_space<vmem>>) target_semaphore(%arg11 : memref<!tpu.dma_semaphore, #tpu.memory_space<semaphore_mem>>)
          %eq3A_1186 = arith.constant 13 : i32
          %eq3A_1187 = vector.broadcast %eq3A_1186 : i32 to vector<16xi32>
          %eq3A_1188 = arith.cmpi eq, %iota3A, %eq3A_1187 : vector<16xi32>
          %jit3A_1189 = arith.constant 0 : i32
          %broadcast_in_dim3A_1190 = vector.broadcast %jit3A_1189 : i32 to vector<16xi32>
          %select_n3A_1191 = arith.select %eq3A_1188, %shift_left3A_860, %broadcast_in_dim3A_1190 : vector<16xi1>, vector<16xi32>
          %reduce_sum3A_1192 = arith.constant true
          %reduce_sum3A_1193 = vector.broadcast %reduce_sum3A_1192 : i1 to vector<16xi1>
          %reduce_sum3A_1194 = tpu.scan <sum>, %select_n3A_1191 masked %reduce_sum3A_1193 : vector<16xi32>, vector<16xi1> -> vector<16xi32>
          %reduce_sum3A_1195 = vector.extract %reduce_sum3A_1194[15] : i32 from vector<16xi32>
          %max3A_1196 = arith.constant 0 : i32
          %max3A_1197 = arith.maxsi %reduce_sum3A_1195, %max3A_1196 : i32
          %min3A_1198 = arith.constant 999936 : i32
          %min3A_1199 = arith.minsi %max3A_1197, %min3A_1198 : i32
          %multiple_of3A_1200 = tpu.assume_multiple %min3A_1199, 128 : i32
          %dma_start3A_1201 = arith.constant 0 : i32
          %dma_start3A_1202 = arith.constant 1664 : i32
          %dma_start3A_1203 = tpu.memref_slice %arg7[%dma_start3A_1201, %dma_start3A_1202] : memref<8x4096xf32, #tpu.memory_space<vmem>> -> memref<8x128xf32, #tpu.memory_space<vmem>>
          %dma_start3A_1204 = arith.constant 0 : i32
          %dma_start3A_1205 = tpu.memref_slice %arg3[%dma_start3A_1204, %multiple_of3A_1200] : memref<8x1000000xf32, #tpu.memory_space<hbm>> -> memref<8x128xf32, #tpu.memory_space<hbm>>
          %dma_start3A_1206 = arith.constant 0 : i32
          %dma_start3A_1207 = arith.constant 1664 : i32
          %dma_start3A_1208 = tpu.memref_slice %arg7[%dma_start3A_1206, %dma_start3A_1207] : memref<8x4096xf32, #tpu.memory_space<vmem>> -> memref<8x128xf32, #tpu.memory_space<vmem>>
          %dma_start3A_1209 = arith.constant 0 : i32
          %dma_start3A_1210 = tpu.memref_slice %arg3[%dma_start3A_1209, %multiple_of3A_1200] : memref<8x1000000xf32, #tpu.memory_space<hbm>> -> memref<8x128xf32, #tpu.memory_space<hbm>>
          tpu.enqueue_dma source(%dma_start3A_1210 : memref<8x128xf32, #tpu.memory_space<hbm>>) target(%dma_start3A_1208 : memref<8x128xf32, #tpu.memory_space<vmem>>) target_semaphore(%arg11 : memref<!tpu.dma_semaphore, #tpu.memory_space<semaphore_mem>>)
          %eq3A_1211 = arith.constant 14 : i32
          %eq3A_1212 = vector.broadcast %eq3A_1211 : i32 to vector<16xi32>
          %eq3A_1213 = arith.cmpi eq, %iota3A, %eq3A_1212 : vector<16xi32>
          %jit3A_1214 = arith.constant 0 : i32
          %broadcast_in_dim3A_1215 = vector.broadcast %jit3A_1214 : i32 to vector<16xi32>
          %select_n3A_1216 = arith.select %eq3A_1213, %shift_left3A_860, %broadcast_in_dim3A_1215 : vector<16xi1>, vector<16xi32>
          %reduce_sum3A_1217 = arith.constant true
          %reduce_sum3A_1218 = vector.broadcast %reduce_sum3A_1217 : i1 to vector<16xi1>
          %reduce_sum3A_1219 = tpu.scan <sum>, %select_n3A_1216 masked %reduce_sum3A_1218 : vector<16xi32>, vector<16xi1> -> vector<16xi32>
          %reduce_sum3A_1220 = vector.extract %reduce_sum3A_1219[15] : i32 from vector<16xi32>
          %max3A_1221 = arith.constant 0 : i32
          %max3A_1222 = arith.maxsi %reduce_sum3A_1220, %max3A_1221 : i32
          %min3A_1223 = arith.constant 999936 : i32
          %min3A_1224 = arith.minsi %max3A_1222, %min3A_1223 : i32
          %multiple_of3A_1225 = tpu.assume_multiple %min3A_1224, 128 : i32
          %dma_start3A_1226 = arith.constant 0 : i32
          %dma_start3A_1227 = arith.constant 1792 : i32
          %dma_start3A_1228 = tpu.memref_slice %arg7[%dma_start3A_1226, %dma_start3A_1227] : memref<8x4096xf32, #tpu.memory_space<vmem>> -> memref<8x128xf32, #tpu.memory_space<vmem>>
          %dma_start3A_1229 = arith.constant 0 : i32
          %dma_start3A_1230 = tpu.memref_slice %arg3[%dma_start3A_1229, %multiple_of3A_1225] : memref<8x1000000xf32, #tpu.memory_space<hbm>> -> memref<8x128xf32, #tpu.memory_space<hbm>>
          %dma_start3A_1231 = arith.constant 0 : i32
          %dma_start3A_1232 = arith.constant 1792 : i32
          %dma_start3A_1233 = tpu.memref_slice %arg7[%dma_start3A_1231, %dma_start3A_1232] : memref<8x4096xf32, #tpu.memory_space<vmem>> -> memref<8x128xf32, #tpu.memory_space<vmem>>
          %dma_start3A_1234 = arith.constant 0 : i32
          %dma_start3A_1235 = tpu.memref_slice %arg3[%dma_start3A_1234, %multiple_of3A_1225] : memref<8x1000000xf32, #tpu.memory_space<hbm>> -> memref<8x128xf32, #tpu.memory_space<hbm>>
          tpu.enqueue_dma source(%dma_start3A_1235 : memref<8x128xf32, #tpu.memory_space<hbm>>) target(%dma_start3A_1233 : memref<8x128xf32, #tpu.memory_space<vmem>>) target_semaphore(%arg11 : memref<!tpu.dma_semaphore, #tpu.memory_space<semaphore_mem>>)
          %eq3A_1236 = arith.constant 15 : i32
          %eq3A_1237 = vector.broadcast %eq3A_1236 : i32 to vector<16xi32>
          %eq3A_1238 = arith.cmpi eq, %iota3A, %eq3A_1237 : vector<16xi32>
          %jit3A_1239 = arith.constant 0 : i32
          %broadcast_in_dim3A_1240 = vector.broadcast %jit3A_1239 : i32 to vector<16xi32>
          %select_n3A_1241 = arith.select %eq3A_1238, %shift_left3A_860, %broadcast_in_dim3A_1240 : vector<16xi1>, vector<16xi32>
          %reduce_sum3A_1242 = arith.constant true
          %reduce_sum3A_1243 = vector.broadcast %reduce_sum3A_1242 : i1 to vector<16xi1>
          %reduce_sum3A_1244 = tpu.scan <sum>, %select_n3A_1241 masked %reduce_sum3A_1243 : vector<16xi32>, vector<16xi1> -> vector<16xi32>
          %reduce_sum3A_1245 = vector.extract %reduce_sum3A_1244[15] : i32 from vector<16xi32>
          %max3A_1246 = arith.constant 0 : i32
          %max3A_1247 = arith.maxsi %reduce_sum3A_1245, %max3A_1246 : i32
          %min3A_1248 = arith.constant 999936 : i32
          %min3A_1249 = arith.minsi %max3A_1247, %min3A_1248 : i32
          %multiple_of3A_1250 = tpu.assume_multiple %min3A_1249, 128 : i32
          %dma_start3A_1251 = arith.constant 0 : i32
          %dma_start3A_1252 = arith.constant 1920 : i32
          %dma_start3A_1253 = tpu.memref_slice %arg7[%dma_start3A_1251, %dma_start3A_1252] : memref<8x4096xf32, #tpu.memory_space<vmem>> -> memref<8x128xf32, #tpu.memory_space<vmem>>
          %dma_start3A_1254 = arith.constant 0 : i32
          %dma_start3A_1255 = tpu.memref_slice %arg3[%dma_start3A_1254, %multiple_of3A_1250] : memref<8x1000000xf32, #tpu.memory_space<hbm>> -> memref<8x128xf32, #tpu.memory_space<hbm>>
          %dma_start3A_1256 = arith.constant 0 : i32
          %dma_start3A_1257 = arith.constant 1920 : i32
          %dma_start3A_1258 = tpu.memref_slice %arg7[%dma_start3A_1256, %dma_start3A_1257] : memref<8x4096xf32, #tpu.memory_space<vmem>> -> memref<8x128xf32, #tpu.memory_space<vmem>>
          %dma_start3A_1259 = arith.constant 0 : i32
          %dma_start3A_1260 = tpu.memref_slice %arg3[%dma_start3A_1259, %multiple_of3A_1250] : memref<8x1000000xf32, #tpu.memory_space<hbm>> -> memref<8x128xf32, #tpu.memory_space<hbm>>
          tpu.enqueue_dma source(%dma_start3A_1260 : memref<8x128xf32, #tpu.memory_space<hbm>>) target(%dma_start3A_1258 : memref<8x128xf32, #tpu.memory_space<vmem>>) target_semaphore(%arg11 : memref<!tpu.dma_semaphore, #tpu.memory_space<semaphore_mem>>)
          %mul3A_1261 = arith.constant 32 : i32
          %mul3A_1262 = arith.muli %add3A_848, %mul3A_1261 : i32
          %add3A_1263 = arith.constant 16 : i32
          %add3A_1264 = arith.addi %mul3A_1262, %add3A_1263 : i32
          %get3A_1265 = arith.index_cast %add3A_1264 : i32 to index
          %get3A_1266 = tpu.vector_load %arg6[%get3A_1265] {strides = array<i32>} : memref<512xi32, #tpu.memory_space<vmem>>, vector<16xi32>,
          %shift_right_logical3A_1267 = arith.constant 7 : i32
          %shift_right_logical3A_1268 = vector.broadcast %shift_right_logical3A_1267 : i32 to vector<16xi32>
          %shift_right_logical3A_1269 = arith.shrui %get3A_1266, %shift_right_logical3A_1268 : vector<16xi32>
          %shift_left3A_1270 = arith.constant 7 : i32
          %shift_left3A_1271 = vector.broadcast %shift_left3A_1270 : i32 to vector<16xi32>
          %shift_left3A_1272 = arith.shli %shift_right_logical3A_1269, %shift_left3A_1271 : vector<16xi32>
          %eq3A_1273 = arith.constant 0 : i32
          %eq3A_1274 = vector.broadcast %eq3A_1273 : i32 to vector<16xi32>
          %eq3A_1275 = arith.cmpi eq, %iota3A, %eq3A_1274 : vector<16xi32>
          %jit3A_1276 = arith.constant 0 : i32
          %broadcast_in_dim3A_1277 = vector.broadcast %jit3A_1276 : i32 to vector<16xi32>
          %select_n3A_1278 = arith.select %eq3A_1275, %shift_left3A_1272, %broadcast_in_dim3A_1277 : vector<16xi1>, vector<16xi32>
          %reduce_sum3A_1279 = arith.constant true
          %reduce_sum3A_1280 = vector.broadcast %reduce_sum3A_1279 : i1 to vector<16xi1>
          %reduce_sum3A_1281 = tpu.scan <sum>, %select_n3A_1278 masked %reduce_sum3A_1280 : vector<16xi32>, vector<16xi1> -> vector<16xi32>
          %reduce_sum3A_1282 = vector.extract %reduce_sum3A_1281[15] : i32 from vector<16xi32>
          %max3A_1283 = arith.constant 0 : i32
          %max3A_1284 = arith.maxsi %reduce_sum3A_1282, %max3A_1283 : i32
          %min3A_1285 = arith.constant 999936 : i32
          %min3A_1286 = arith.minsi %max3A_1284, %min3A_1285 : i32
          %multiple_of3A_1287 = tpu.assume_multiple %min3A_1286, 128 : i32
          %dma_start3A_1288 = arith.constant 0 : i32
          %dma_start3A_1289 = arith.constant 2048 : i32
          %dma_start3A_1290 = tpu.memref_slice %arg7[%dma_start3A_1288, %dma_start3A_1289] : memref<8x4096xf32, #tpu.memory_space<vmem>> -> memref<8x128xf32, #tpu.memory_space<vmem>>
          %dma_start3A_1291 = arith.constant 0 : i32
          %dma_start3A_1292 = tpu.memref_slice %arg3[%dma_start3A_1291, %multiple_of3A_1287] : memref<8x1000000xf32, #tpu.memory_space<hbm>> -> memref<8x128xf32, #tpu.memory_space<hbm>>
          %dma_start3A_1293 = arith.constant 0 : i32
          %dma_start3A_1294 = arith.constant 2048 : i32
          %dma_start3A_1295 = tpu.memref_slice %arg7[%dma_start3A_1293, %dma_start3A_1294] : memref<8x4096xf32, #tpu.memory_space<vmem>> -> memref<8x128xf32, #tpu.memory_space<vmem>>
          %dma_start3A_1296 = arith.constant 0 : i32
          %dma_start3A_1297 = tpu.memref_slice %arg3[%dma_start3A_1296, %multiple_of3A_1287] : memref<8x1000000xf32, #tpu.memory_space<hbm>> -> memref<8x128xf32, #tpu.memory_space<hbm>>
          tpu.enqueue_dma source(%dma_start3A_1297 : memref<8x128xf32, #tpu.memory_space<hbm>>) target(%dma_start3A_1295 : memref<8x128xf32, #tpu.memory_space<vmem>>) target_semaphore(%arg11 : memref<!tpu.dma_semaphore, #tpu.memory_space<semaphore_mem>>)
          %eq3A_1298 = arith.constant 1 : i32
          %eq3A_1299 = vector.broadcast %eq3A_1298 : i32 to vector<16xi32>
          %eq3A_1300 = arith.cmpi eq, %iota3A, %eq3A_1299 : vector<16xi32>
          %jit3A_1301 = arith.constant 0 : i32
          %broadcast_in_dim3A_1302 = vector.broadcast %jit3A_1301 : i32 to vector<16xi32>
          %select_n3A_1303 = arith.select %eq3A_1300, %shift_left3A_1272, %broadcast_in_dim3A_1302 : vector<16xi1>, vector<16xi32>
          %reduce_sum3A_1304 = arith.constant true
          %reduce_sum3A_1305 = vector.broadcast %reduce_sum3A_1304 : i1 to vector<16xi1>
          %reduce_sum3A_1306 = tpu.scan <sum>, %select_n3A_1303 masked %reduce_sum3A_1305 : vector<16xi32>, vector<16xi1> -> vector<16xi32>
          %reduce_sum3A_1307 = vector.extract %reduce_sum3A_1306[15] : i32 from vector<16xi32>
          %max3A_1308 = arith.constant 0 : i32
          %max3A_1309 = arith.maxsi %reduce_sum3A_1307, %max3A_1308 : i32
          %min3A_1310 = arith.constant 999936 : i32
          %min3A_1311 = arith.minsi %max3A_1309, %min3A_1310 : i32
          %multiple_of3A_1312 = tpu.assume_multiple %min3A_1311, 128 : i32
          %dma_start3A_1313 = arith.constant 0 : i32
          %dma_start3A_1314 = arith.constant 2176 : i32
          %dma_start3A_1315 = tpu.memref_slice %arg7[%dma_start3A_1313, %dma_start3A_1314] : memref<8x4096xf32, #tpu.memory_space<vmem>> -> memref<8x128xf32, #tpu.memory_space<vmem>>
          %dma_start3A_1316 = arith.constant 0 : i32
          %dma_start3A_1317 = tpu.memref_slice %arg3[%dma_start3A_1316, %multiple_of3A_1312] : memref<8x1000000xf32, #tpu.memory_space<hbm>> -> memref<8x128xf32, #tpu.memory_space<hbm>>
          %dma_start3A_1318 = arith.constant 0 : i32
          %dma_start3A_1319 = arith.constant 2176 : i32
          %dma_start3A_1320 = tpu.memref_slice %arg7[%dma_start3A_1318, %dma_start3A_1319] : memref<8x4096xf32, #tpu.memory_space<vmem>> -> memref<8x128xf32, #tpu.memory_space<vmem>>
          %dma_start3A_1321 = arith.constant 0 : i32
          %dma_start3A_1322 = tpu.memref_slice %arg3[%dma_start3A_1321, %multiple_of3A_1312] : memref<8x1000000xf32, #tpu.memory_space<hbm>> -> memref<8x128xf32, #tpu.memory_space<hbm>>
          tpu.enqueue_dma source(%dma_start3A_1322 : memref<8x128xf32, #tpu.memory_space<hbm>>) target(%dma_start3A_1320 : memref<8x128xf32, #tpu.memory_space<vmem>>) target_semaphore(%arg11 : memref<!tpu.dma_semaphore, #tpu.memory_space<semaphore_mem>>)
          %eq3A_1323 = arith.constant 2 : i32
          %eq3A_1324 = vector.broadcast %eq3A_1323 : i32 to vector<16xi32>
          %eq3A_1325 = arith.cmpi eq, %iota3A, %eq3A_1324 : vector<16xi32>
          %jit3A_1326 = arith.constant 0 : i32
          %broadcast_in_dim3A_1327 = vector.broadcast %jit3A_1326 : i32 to vector<16xi32>
          %select_n3A_1328 = arith.select %eq3A_1325, %shift_left3A_1272, %broadcast_in_dim3A_1327 : vector<16xi1>, vector<16xi32>
          %reduce_sum3A_1329 = arith.constant true
          %reduce_sum3A_1330 = vector.broadcast %reduce_sum3A_1329 : i1 to vector<16xi1>
          %reduce_sum3A_1331 = tpu.scan <sum>, %select_n3A_1328 masked %reduce_sum3A_1330 : vector<16xi32>, vector<16xi1> -> vector<16xi32>
          %reduce_sum3A_1332 = vector.extract %reduce_sum3A_1331[15] : i32 from vector<16xi32>
          %max3A_1333 = arith.constant 0 : i32
          %max3A_1334 = arith.maxsi %reduce_sum3A_1332, %max3A_1333 : i32
          %min3A_1335 = arith.constant 999936 : i32
          %min3A_1336 = arith.minsi %max3A_1334, %min3A_1335 : i32
          %multiple_of3A_1337 = tpu.assume_multiple %min3A_1336, 128 : i32
          %dma_start3A_1338 = arith.constant 0 : i32
          %dma_start3A_1339 = arith.constant 2304 : i32
          %dma_start3A_1340 = tpu.memref_slice %arg7[%dma_start3A_1338, %dma_start3A_1339] : memref<8x4096xf32, #tpu.memory_space<vmem>> -> memref<8x128xf32, #tpu.memory_space<vmem>>
          %dma_start3A_1341 = arith.constant 0 : i32
          %dma_start3A_1342 = tpu.memref_slice %arg3[%dma_start3A_1341, %multiple_of3A_1337] : memref<8x1000000xf32, #tpu.memory_space<hbm>> -> memref<8x128xf32, #tpu.memory_space<hbm>>
          %dma_start3A_1343 = arith.constant 0 : i32
          %dma_start3A_1344 = arith.constant 2304 : i32
          %dma_start3A_1345 = tpu.memref_slice %arg7[%dma_start3A_1343, %dma_start3A_1344] : memref<8x4096xf32, #tpu.memory_space<vmem>> -> memref<8x128xf32, #tpu.memory_space<vmem>>
          %dma_start3A_1346 = arith.constant 0 : i32
          %dma_start3A_1347 = tpu.memref_slice %arg3[%dma_start3A_1346, %multiple_of3A_1337] : memref<8x1000000xf32, #tpu.memory_space<hbm>> -> memref<8x128xf32, #tpu.memory_space<hbm>>
          tpu.enqueue_dma source(%dma_start3A_1347 : memref<8x128xf32, #tpu.memory_space<hbm>>) target(%dma_start3A_1345 : memref<8x128xf32, #tpu.memory_space<vmem>>) target_semaphore(%arg11 : memref<!tpu.dma_semaphore, #tpu.memory_space<semaphore_mem>>)
          %eq3A_1348 = arith.constant 3 : i32
          %eq3A_1349 = vector.broadcast %eq3A_1348 : i32 to vector<16xi32>
          %eq3A_1350 = arith.cmpi eq, %iota3A, %eq3A_1349 : vector<16xi32>
          %jit3A_1351 = arith.constant 0 : i32
          %broadcast_in_dim3A_1352 = vector.broadcast %jit3A_1351 : i32 to vector<16xi32>
          %select_n3A_1353 = arith.select %eq3A_1350, %shift_left3A_1272, %broadcast_in_dim3A_1352 : vector<16xi1>, vector<16xi32>
          %reduce_sum3A_1354 = arith.constant true
          %reduce_sum3A_1355 = vector.broadcast %reduce_sum3A_1354 : i1 to vector<16xi1>
          %reduce_sum3A_1356 = tpu.scan <sum>, %select_n3A_1353 masked %reduce_sum3A_1355 : vector<16xi32>, vector<16xi1> -> vector<16xi32>
          %reduce_sum3A_1357 = vector.extract %reduce_sum3A_1356[15] : i32 from vector<16xi32>
          %max3A_1358 = arith.constant 0 : i32
          %max3A_1359 = arith.maxsi %reduce_sum3A_1357, %max3A_1358 : i32
          %min3A_1360 = arith.constant 999936 : i32
          %min3A_1361 = arith.minsi %max3A_1359, %min3A_1360 : i32
          %multiple_of3A_1362 = tpu.assume_multiple %min3A_1361, 128 : i32
          %dma_start3A_1363 = arith.constant 0 : i32
          %dma_start3A_1364 = arith.constant 2432 : i32
          %dma_start3A_1365 = tpu.memref_slice %arg7[%dma_start3A_1363, %dma_start3A_1364] : memref<8x4096xf32, #tpu.memory_space<vmem>> -> memref<8x128xf32, #tpu.memory_space<vmem>>
          %dma_start3A_1366 = arith.constant 0 : i32
          %dma_start3A_1367 = tpu.memref_slice %arg3[%dma_start3A_1366, %multiple_of3A_1362] : memref<8x1000000xf32, #tpu.memory_space<hbm>> -> memref<8x128xf32, #tpu.memory_space<hbm>>
          %dma_start3A_1368 = arith.constant 0 : i32
          %dma_start3A_1369 = arith.constant 2432 : i32
          %dma_start3A_1370 = tpu.memref_slice %arg7[%dma_start3A_1368, %dma_start3A_1369] : memref<8x4096xf32, #tpu.memory_space<vmem>> -> memref<8x128xf32, #tpu.memory_space<vmem>>
          %dma_start3A_1371 = arith.constant 0 : i32
          %dma_start3A_1372 = tpu.memref_slice %arg3[%dma_start3A_1371, %multiple_of3A_1362] : memref<8x1000000xf32, #tpu.memory_space<hbm>> -> memref<8x128xf32, #tpu.memory_space<hbm>>
          tpu.enqueue_dma source(%dma_start3A_1372 : memref<8x128xf32, #tpu.memory_space<hbm>>) target(%dma_start3A_1370 : memref<8x128xf32, #tpu.memory_space<vmem>>) target_semaphore(%arg11 : memref<!tpu.dma_semaphore, #tpu.memory_space<semaphore_mem>>)
          %eq3A_1373 = arith.constant 4 : i32
          %eq3A_1374 = vector.broadcast %eq3A_1373 : i32 to vector<16xi32>
          %eq3A_1375 = arith.cmpi eq, %iota3A, %eq3A_1374 : vector<16xi32>
          %jit3A_1376 = arith.constant 0 : i32
          %broadcast_in_dim3A_1377 = vector.broadcast %jit3A_1376 : i32 to vector<16xi32>
          %select_n3A_1378 = arith.select %eq3A_1375, %shift_left3A_1272, %broadcast_in_dim3A_1377 : vector<16xi1>, vector<16xi32>
          %reduce_sum3A_1379 = arith.constant true
          %reduce_sum3A_1380 = vector.broadcast %reduce_sum3A_1379 : i1 to vector<16xi1>
          %reduce_sum3A_1381 = tpu.scan <sum>, %select_n3A_1378 masked %reduce_sum3A_1380 : vector<16xi32>, vector<16xi1> -> vector<16xi32>
          %reduce_sum3A_1382 = vector.extract %reduce_sum3A_1381[15] : i32 from vector<16xi32>
          %max3A_1383 = arith.constant 0 : i32
          %max3A_1384 = arith.maxsi %reduce_sum3A_1382, %max3A_1383 : i32
          %min3A_1385 = arith.constant 999936 : i32
          %min3A_1386 = arith.minsi %max3A_1384, %min3A_1385 : i32
          %multiple_of3A_1387 = tpu.assume_multiple %min3A_1386, 128 : i32
          %dma_start3A_1388 = arith.constant 0 : i32
          %dma_start3A_1389 = arith.constant 2560 : i32
          %dma_start3A_1390 = tpu.memref_slice %arg7[%dma_start3A_1388, %dma_start3A_1389] : memref<8x4096xf32, #tpu.memory_space<vmem>> -> memref<8x128xf32, #tpu.memory_space<vmem>>
          %dma_start3A_1391 = arith.constant 0 : i32
          %dma_start3A_1392 = tpu.memref_slice %arg3[%dma_start3A_1391, %multiple_of3A_1387] : memref<8x1000000xf32, #tpu.memory_space<hbm>> -> memref<8x128xf32, #tpu.memory_space<hbm>>
          %dma_start3A_1393 = arith.constant 0 : i32
          %dma_start3A_1394 = arith.constant 2560 : i32
          %dma_start3A_1395 = tpu.memref_slice %arg7[%dma_start3A_1393, %dma_start3A_1394] : memref<8x4096xf32, #tpu.memory_space<vmem>> -> memref<8x128xf32, #tpu.memory_space<vmem>>
          %dma_start3A_1396 = arith.constant 0 : i32
          %dma_start3A_1397 = tpu.memref_slice %arg3[%dma_start3A_1396, %multiple_of3A_1387] : memref<8x1000000xf32, #tpu.memory_space<hbm>> -> memref<8x128xf32, #tpu.memory_space<hbm>>
          tpu.enqueue_dma source(%dma_start3A_1397 : memref<8x128xf32, #tpu.memory_space<hbm>>) target(%dma_start3A_1395 : memref<8x128xf32, #tpu.memory_space<vmem>>) target_semaphore(%arg11 : memref<!tpu.dma_semaphore, #tpu.memory_space<semaphore_mem>>)
          %eq3A_1398 = arith.constant 5 : i32
          %eq3A_1399 = vector.broadcast %eq3A_1398 : i32 to vector<16xi32>
          %eq3A_1400 = arith.cmpi eq, %iota3A, %eq3A_1399 : vector<16xi32>
          %jit3A_1401 = arith.constant 0 : i32
          %broadcast_in_dim3A_1402 = vector.broadcast %jit3A_1401 : i32 to vector<16xi32>
          %select_n3A_1403 = arith.select %eq3A_1400, %shift_left3A_1272, %broadcast_in_dim3A_1402 : vector<16xi1>, vector<16xi32>
          %reduce_sum3A_1404 = arith.constant true
          %reduce_sum3A_1405 = vector.broadcast %reduce_sum3A_1404 : i1 to vector<16xi1>
          %reduce_sum3A_1406 = tpu.scan <sum>, %select_n3A_1403 masked %reduce_sum3A_1405 : vector<16xi32>, vector<16xi1> -> vector<16xi32>
          %reduce_sum3A_1407 = vector.extract %reduce_sum3A_1406[15] : i32 from vector<16xi32>
          %max3A_1408 = arith.constant 0 : i32
          %max3A_1409 = arith.maxsi %reduce_sum3A_1407, %max3A_1408 : i32
          %min3A_1410 = arith.constant 999936 : i32
          %min3A_1411 = arith.minsi %max3A_1409, %min3A_1410 : i32
          %multiple_of3A_1412 = tpu.assume_multiple %min3A_1411, 128 : i32
          %dma_start3A_1413 = arith.constant 0 : i32
          %dma_start3A_1414 = arith.constant 2688 : i32
          %dma_start3A_1415 = tpu.memref_slice %arg7[%dma_start3A_1413, %dma_start3A_1414] : memref<8x4096xf32, #tpu.memory_space<vmem>> -> memref<8x128xf32, #tpu.memory_space<vmem>>
          %dma_start3A_1416 = arith.constant 0 : i32
          %dma_start3A_1417 = tpu.memref_slice %arg3[%dma_start3A_1416, %multiple_of3A_1412] : memref<8x1000000xf32, #tpu.memory_space<hbm>> -> memref<8x128xf32, #tpu.memory_space<hbm>>
          %dma_start3A_1418 = arith.constant 0 : i32
          %dma_start3A_1419 = arith.constant 2688 : i32
          %dma_start3A_1420 = tpu.memref_slice %arg7[%dma_start3A_1418, %dma_start3A_1419] : memref<8x4096xf32, #tpu.memory_space<vmem>> -> memref<8x128xf32, #tpu.memory_space<vmem>>
          %dma_start3A_1421 = arith.constant 0 : i32
          %dma_start3A_1422 = tpu.memref_slice %arg3[%dma_start3A_1421, %multiple_of3A_1412] : memref<8x1000000xf32, #tpu.memory_space<hbm>> -> memref<8x128xf32, #tpu.memory_space<hbm>>
          tpu.enqueue_dma source(%dma_start3A_1422 : memref<8x128xf32, #tpu.memory_space<hbm>>) target(%dma_start3A_1420 : memref<8x128xf32, #tpu.memory_space<vmem>>) target_semaphore(%arg11 : memref<!tpu.dma_semaphore, #tpu.memory_space<semaphore_mem>>)
          %eq3A_1423 = arith.constant 6 : i32
          %eq3A_1424 = vector.broadcast %eq3A_1423 : i32 to vector<16xi32>
          %eq3A_1425 = arith.cmpi eq, %iota3A, %eq3A_1424 : vector<16xi32>
          %jit3A_1426 = arith.constant 0 : i32
          %broadcast_in_dim3A_1427 = vector.broadcast %jit3A_1426 : i32 to vector<16xi32>
          %select_n3A_1428 = arith.select %eq3A_1425, %shift_left3A_1272, %broadcast_in_dim3A_1427 : vector<16xi1>, vector<16xi32>
          %reduce_sum3A_1429 = arith.constant true
          %reduce_sum3A_1430 = vector.broadcast %reduce_sum3A_1429 : i1 to vector<16xi1>
          %reduce_sum3A_1431 = tpu.scan <sum>, %select_n3A_1428 masked %reduce_sum3A_1430 : vector<16xi32>, vector<16xi1> -> vector<16xi32>
          %reduce_sum3A_1432 = vector.extract %reduce_sum3A_1431[15] : i32 from vector<16xi32>
          %max3A_1433 = arith.constant 0 : i32
          %max3A_1434 = arith.maxsi %reduce_sum3A_1432, %max3A_1433 : i32
          %min3A_1435 = arith.constant 999936 : i32
          %min3A_1436 = arith.minsi %max3A_1434, %min3A_1435 : i32
          %multiple_of3A_1437 = tpu.assume_multiple %min3A_1436, 128 : i32
          %dma_start3A_1438 = arith.constant 0 : i32
          %dma_start3A_1439 = arith.constant 2816 : i32
          %dma_start3A_1440 = tpu.memref_slice %arg7[%dma_start3A_1438, %dma_start3A_1439] : memref<8x4096xf32, #tpu.memory_space<vmem>> -> memref<8x128xf32, #tpu.memory_space<vmem>>
          %dma_start3A_1441 = arith.constant 0 : i32
          %dma_start3A_1442 = tpu.memref_slice %arg3[%dma_start3A_1441, %multiple_of3A_1437] : memref<8x1000000xf32, #tpu.memory_space<hbm>> -> memref<8x128xf32, #tpu.memory_space<hbm>>
          %dma_start3A_1443 = arith.constant 0 : i32
          %dma_start3A_1444 = arith.constant 2816 : i32
          %dma_start3A_1445 = tpu.memref_slice %arg7[%dma_start3A_1443, %dma_start3A_1444] : memref<8x4096xf32, #tpu.memory_space<vmem>> -> memref<8x128xf32, #tpu.memory_space<vmem>>
          %dma_start3A_1446 = arith.constant 0 : i32
          %dma_start3A_1447 = tpu.memref_slice %arg3[%dma_start3A_1446, %multiple_of3A_1437] : memref<8x1000000xf32, #tpu.memory_space<hbm>> -> memref<8x128xf32, #tpu.memory_space<hbm>>
          tpu.enqueue_dma source(%dma_start3A_1447 : memref<8x128xf32, #tpu.memory_space<hbm>>) target(%dma_start3A_1445 : memref<8x128xf32, #tpu.memory_space<vmem>>) target_semaphore(%arg11 : memref<!tpu.dma_semaphore, #tpu.memory_space<semaphore_mem>>)
          %eq3A_1448 = arith.constant 7 : i32
          %eq3A_1449 = vector.broadcast %eq3A_1448 : i32 to vector<16xi32>
          %eq3A_1450 = arith.cmpi eq, %iota3A, %eq3A_1449 : vector<16xi32>
          %jit3A_1451 = arith.constant 0 : i32
          %broadcast_in_dim3A_1452 = vector.broadcast %jit3A_1451 : i32 to vector<16xi32>
          %select_n3A_1453 = arith.select %eq3A_1450, %shift_left3A_1272, %broadcast_in_dim3A_1452 : vector<16xi1>, vector<16xi32>
          %reduce_sum3A_1454 = arith.constant true
          %reduce_sum3A_1455 = vector.broadcast %reduce_sum3A_1454 : i1 to vector<16xi1>
          %reduce_sum3A_1456 = tpu.scan <sum>, %select_n3A_1453 masked %reduce_sum3A_1455 : vector<16xi32>, vector<16xi1> -> vector<16xi32>
          %reduce_sum3A_1457 = vector.extract %reduce_sum3A_1456[15] : i32 from vector<16xi32>
          %max3A_1458 = arith.constant 0 : i32
          %max3A_1459 = arith.maxsi %reduce_sum3A_1457, %max3A_1458 : i32
          %min3A_1460 = arith.constant 999936 : i32
          %min3A_1461 = arith.minsi %max3A_1459, %min3A_1460 : i32
          %multiple_of3A_1462 = tpu.assume_multiple %min3A_1461, 128 : i32
          %dma_start3A_1463 = arith.constant 0 : i32
          %dma_start3A_1464 = arith.constant 2944 : i32
          %dma_start3A_1465 = tpu.memref_slice %arg7[%dma_start3A_1463, %dma_start3A_1464] : memref<8x4096xf32, #tpu.memory_space<vmem>> -> memref<8x128xf32, #tpu.memory_space<vmem>>
          %dma_start3A_1466 = arith.constant 0 : i32
          %dma_start3A_1467 = tpu.memref_slice %arg3[%dma_start3A_1466, %multiple_of3A_1462] : memref<8x1000000xf32, #tpu.memory_space<hbm>> -> memref<8x128xf32, #tpu.memory_space<hbm>>
          %dma_start3A_1468 = arith.constant 0 : i32
          %dma_start3A_1469 = arith.constant 2944 : i32
          %dma_start3A_1470 = tpu.memref_slice %arg7[%dma_start3A_1468, %dma_start3A_1469] : memref<8x4096xf32, #tpu.memory_space<vmem>> -> memref<8x128xf32, #tpu.memory_space<vmem>>
          %dma_start3A_1471 = arith.constant 0 : i32
          %dma_start3A_1472 = tpu.memref_slice %arg3[%dma_start3A_1471, %multiple_of3A_1462] : memref<8x1000000xf32, #tpu.memory_space<hbm>> -> memref<8x128xf32, #tpu.memory_space<hbm>>
          tpu.enqueue_dma source(%dma_start3A_1472 : memref<8x128xf32, #tpu.memory_space<hbm>>) target(%dma_start3A_1470 : memref<8x128xf32, #tpu.memory_space<vmem>>) target_semaphore(%arg11 : memref<!tpu.dma_semaphore, #tpu.memory_space<semaphore_mem>>)
          %eq3A_1473 = arith.constant 8 : i32
          %eq3A_1474 = vector.broadcast %eq3A_1473 : i32 to vector<16xi32>
          %eq3A_1475 = arith.cmpi eq, %iota3A, %eq3A_1474 : vector<16xi32>
          %jit3A_1476 = arith.constant 0 : i32
          %broadcast_in_dim3A_1477 = vector.broadcast %jit3A_1476 : i32 to vector<16xi32>
          %select_n3A_1478 = arith.select %eq3A_1475, %shift_left3A_1272, %broadcast_in_dim3A_1477 : vector<16xi1>, vector<16xi32>
          %reduce_sum3A_1479 = arith.constant true
          %reduce_sum3A_1480 = vector.broadcast %reduce_sum3A_1479 : i1 to vector<16xi1>
          %reduce_sum3A_1481 = tpu.scan <sum>, %select_n3A_1478 masked %reduce_sum3A_1480 : vector<16xi32>, vector<16xi1> -> vector<16xi32>
          %reduce_sum3A_1482 = vector.extract %reduce_sum3A_1481[15] : i32 from vector<16xi32>
          %max3A_1483 = arith.constant 0 : i32
          %max3A_1484 = arith.maxsi %reduce_sum3A_1482, %max3A_1483 : i32
          %min3A_1485 = arith.constant 999936 : i32
          %min3A_1486 = arith.minsi %max3A_1484, %min3A_1485 : i32
          %multiple_of3A_1487 = tpu.assume_multiple %min3A_1486, 128 : i32
          %dma_start3A_1488 = arith.constant 0 : i32
          %dma_start3A_1489 = arith.constant 3072 : i32
          %dma_start3A_1490 = tpu.memref_slice %arg7[%dma_start3A_1488, %dma_start3A_1489] : memref<8x4096xf32, #tpu.memory_space<vmem>> -> memref<8x128xf32, #tpu.memory_space<vmem>>
          %dma_start3A_1491 = arith.constant 0 : i32
          %dma_start3A_1492 = tpu.memref_slice %arg3[%dma_start3A_1491, %multiple_of3A_1487] : memref<8x1000000xf32, #tpu.memory_space<hbm>> -> memref<8x128xf32, #tpu.memory_space<hbm>>
          %dma_start3A_1493 = arith.constant 0 : i32
          %dma_start3A_1494 = arith.constant 3072 : i32
          %dma_start3A_1495 = tpu.memref_slice %arg7[%dma_start3A_1493, %dma_start3A_1494] : memref<8x4096xf32, #tpu.memory_space<vmem>> -> memref<8x128xf32, #tpu.memory_space<vmem>>
          %dma_start3A_1496 = arith.constant 0 : i32
          %dma_start3A_1497 = tpu.memref_slice %arg3[%dma_start3A_1496, %multiple_of3A_1487] : memref<8x1000000xf32, #tpu.memory_space<hbm>> -> memref<8x128xf32, #tpu.memory_space<hbm>>
          tpu.enqueue_dma source(%dma_start3A_1497 : memref<8x128xf32, #tpu.memory_space<hbm>>) target(%dma_start3A_1495 : memref<8x128xf32, #tpu.memory_space<vmem>>) target_semaphore(%arg11 : memref<!tpu.dma_semaphore, #tpu.memory_space<semaphore_mem>>)
          %eq3A_1498 = arith.constant 9 : i32
          %eq3A_1499 = vector.broadcast %eq3A_1498 : i32 to vector<16xi32>
          %eq3A_1500 = arith.cmpi eq, %iota3A, %eq3A_1499 : vector<16xi32>
          %jit3A_1501 = arith.constant 0 : i32
          %broadcast_in_dim3A_1502 = vector.broadcast %jit3A_1501 : i32 to vector<16xi32>
          %select_n3A_1503 = arith.select %eq3A_1500, %shift_left3A_1272, %broadcast_in_dim3A_1502 : vector<16xi1>, vector<16xi32>
          %reduce_sum3A_1504 = arith.constant true
          %reduce_sum3A_1505 = vector.broadcast %reduce_sum3A_1504 : i1 to vector<16xi1>
          %reduce_sum3A_1506 = tpu.scan <sum>, %select_n3A_1503 masked %reduce_sum3A_1505 : vector<16xi32>, vector<16xi1> -> vector<16xi32>
          %reduce_sum3A_1507 = vector.extract %reduce_sum3A_1506[15] : i32 from vector<16xi32>
          %max3A_1508 = arith.constant 0 : i32
          %max3A_1509 = arith.maxsi %reduce_sum3A_1507, %max3A_1508 : i32
          %min3A_1510 = arith.constant 999936 : i32
          %min3A_1511 = arith.minsi %max3A_1509, %min3A_1510 : i32
          %multiple_of3A_1512 = tpu.assume_multiple %min3A_1511, 128 : i32
          %dma_start3A_1513 = arith.constant 0 : i32
          %dma_start3A_1514 = arith.constant 3200 : i32
          %dma_start3A_1515 = tpu.memref_slice %arg7[%dma_start3A_1513, %dma_start3A_1514] : memref<8x4096xf32, #tpu.memory_space<vmem>> -> memref<8x128xf32, #tpu.memory_space<vmem>>
          %dma_start3A_1516 = arith.constant 0 : i32
          %dma_start3A_1517 = tpu.memref_slice %arg3[%dma_start3A_1516, %multiple_of3A_1512] : memref<8x1000000xf32, #tpu.memory_space<hbm>> -> memref<8x128xf32, #tpu.memory_space<hbm>>
          %dma_start3A_1518 = arith.constant 0 : i32
          %dma_start3A_1519 = arith.constant 3200 : i32
          %dma_start3A_1520 = tpu.memref_slice %arg7[%dma_start3A_1518, %dma_start3A_1519] : memref<8x4096xf32, #tpu.memory_space<vmem>> -> memref<8x128xf32, #tpu.memory_space<vmem>>
          %dma_start3A_1521 = arith.constant 0 : i32
          %dma_start3A_1522 = tpu.memref_slice %arg3[%dma_start3A_1521, %multiple_of3A_1512] : memref<8x1000000xf32, #tpu.memory_space<hbm>> -> memref<8x128xf32, #tpu.memory_space<hbm>>
          tpu.enqueue_dma source(%dma_start3A_1522 : memref<8x128xf32, #tpu.memory_space<hbm>>) target(%dma_start3A_1520 : memref<8x128xf32, #tpu.memory_space<vmem>>) target_semaphore(%arg11 : memref<!tpu.dma_semaphore, #tpu.memory_space<semaphore_mem>>)
          %eq3A_1523 = arith.constant 10 : i32
          %eq3A_1524 = vector.broadcast %eq3A_1523 : i32 to vector<16xi32>
          %eq3A_1525 = arith.cmpi eq, %iota3A, %eq3A_1524 : vector<16xi32>
          %jit3A_1526 = arith.constant 0 : i32
          %broadcast_in_dim3A_1527 = vector.broadcast %jit3A_1526 : i32 to vector<16xi32>
          %select_n3A_1528 = arith.select %eq3A_1525, %shift_left3A_1272, %broadcast_in_dim3A_1527 : vector<16xi1>, vector<16xi32>
          %reduce_sum3A_1529 = arith.constant true
          %reduce_sum3A_1530 = vector.broadcast %reduce_sum3A_1529 : i1 to vector<16xi1>
          %reduce_sum3A_1531 = tpu.scan <sum>, %select_n3A_1528 masked %reduce_sum3A_1530 : vector<16xi32>, vector<16xi1> -> vector<16xi32>
          %reduce_sum3A_1532 = vector.extract %reduce_sum3A_1531[15] : i32 from vector<16xi32>
          %max3A_1533 = arith.constant 0 : i32
          %max3A_1534 = arith.maxsi %reduce_sum3A_1532, %max3A_1533 : i32
          %min3A_1535 = arith.constant 999936 : i32
          %min3A_1536 = arith.minsi %max3A_1534, %min3A_1535 : i32
          %multiple_of3A_1537 = tpu.assume_multiple %min3A_1536, 128 : i32
          %dma_start3A_1538 = arith.constant 0 : i32
          %dma_start3A_1539 = arith.constant 3328 : i32
          %dma_start3A_1540 = tpu.memref_slice %arg7[%dma_start3A_1538, %dma_start3A_1539] : memref<8x4096xf32, #tpu.memory_space<vmem>> -> memref<8x128xf32, #tpu.memory_space<vmem>>
          %dma_start3A_1541 = arith.constant 0 : i32
          %dma_start3A_1542 = tpu.memref_slice %arg3[%dma_start3A_1541, %multiple_of3A_1537] : memref<8x1000000xf32, #tpu.memory_space<hbm>> -> memref<8x128xf32, #tpu.memory_space<hbm>>
          %dma_start3A_1543 = arith.constant 0 : i32
          %dma_start3A_1544 = arith.constant 3328 : i32
          %dma_start3A_1545 = tpu.memref_slice %arg7[%dma_start3A_1543, %dma_start3A_1544] : memref<8x4096xf32, #tpu.memory_space<vmem>> -> memref<8x128xf32, #tpu.memory_space<vmem>>
          %dma_start3A_1546 = arith.constant 0 : i32
          %dma_start3A_1547 = tpu.memref_slice %arg3[%dma_start3A_1546, %multiple_of3A_1537] : memref<8x1000000xf32, #tpu.memory_space<hbm>> -> memref<8x128xf32, #tpu.memory_space<hbm>>
          tpu.enqueue_dma source(%dma_start3A_1547 : memref<8x128xf32, #tpu.memory_space<hbm>>) target(%dma_start3A_1545 : memref<8x128xf32, #tpu.memory_space<vmem>>) target_semaphore(%arg11 : memref<!tpu.dma_semaphore, #tpu.memory_space<semaphore_mem>>)
          %eq3A_1548 = arith.constant 11 : i32
          %eq3A_1549 = vector.broadcast %eq3A_1548 : i32 to vector<16xi32>
          %eq3A_1550 = arith.cmpi eq, %iota3A, %eq3A_1549 : vector<16xi32>
          %jit3A_1551 = arith.constant 0 : i32
          %broadcast_in_dim3A_1552 = vector.broadcast %jit3A_1551 : i32 to vector<16xi32>
          %select_n3A_1553 = arith.select %eq3A_1550, %shift_left3A_1272, %broadcast_in_dim3A_1552 : vector<16xi1>, vector<16xi32>
          %reduce_sum3A_1554 = arith.constant true
          %reduce_sum3A_1555 = vector.broadcast %reduce_sum3A_1554 : i1 to vector<16xi1>
          %reduce_sum3A_1556 = tpu.scan <sum>, %select_n3A_1553 masked %reduce_sum3A_1555 : vector<16xi32>, vector<16xi1> -> vector<16xi32>
          %reduce_sum3A_1557 = vector.extract %reduce_sum3A_1556[15] : i32 from vector<16xi32>
          %max3A_1558 = arith.constant 0 : i32
          %max3A_1559 = arith.maxsi %reduce_sum3A_1557, %max3A_1558 : i32
          %min3A_1560 = arith.constant 999936 : i32
          %min3A_1561 = arith.minsi %max3A_1559, %min3A_1560 : i32
          %multiple_of3A_1562 = tpu.assume_multiple %min3A_1561, 128 : i32
          %dma_start3A_1563 = arith.constant 0 : i32
          %dma_start3A_1564 = arith.constant 3456 : i32
          %dma_start3A_1565 = tpu.memref_slice %arg7[%dma_start3A_1563, %dma_start3A_1564] : memref<8x4096xf32, #tpu.memory_space<vmem>> -> memref<8x128xf32, #tpu.memory_space<vmem>>
          %dma_start3A_1566 = arith.constant 0 : i32
          %dma_start3A_1567 = tpu.memref_slice %arg3[%dma_start3A_1566, %multiple_of3A_1562] : memref<8x1000000xf32, #tpu.memory_space<hbm>> -> memref<8x128xf32, #tpu.memory_space<hbm>>
          %dma_start3A_1568 = arith.constant 0 : i32
          %dma_start3A_1569 = arith.constant 3456 : i32
          %dma_start3A_1570 = tpu.memref_slice %arg7[%dma_start3A_1568, %dma_start3A_1569] : memref<8x4096xf32, #tpu.memory_space<vmem>> -> memref<8x128xf32, #tpu.memory_space<vmem>>
          %dma_start3A_1571 = arith.constant 0 : i32
          %dma_start3A_1572 = tpu.memref_slice %arg3[%dma_start3A_1571, %multiple_of3A_1562] : memref<8x1000000xf32, #tpu.memory_space<hbm>> -> memref<8x128xf32, #tpu.memory_space<hbm>>
          tpu.enqueue_dma source(%dma_start3A_1572 : memref<8x128xf32, #tpu.memory_space<hbm>>) target(%dma_start3A_1570 : memref<8x128xf32, #tpu.memory_space<vmem>>) target_semaphore(%arg11 : memref<!tpu.dma_semaphore, #tpu.memory_space<semaphore_mem>>)
          %eq3A_1573 = arith.constant 12 : i32
          %eq3A_1574 = vector.broadcast %eq3A_1573 : i32 to vector<16xi32>
          %eq3A_1575 = arith.cmpi eq, %iota3A, %eq3A_1574 : vector<16xi32>
          %jit3A_1576 = arith.constant 0 : i32
          %broadcast_in_dim3A_1577 = vector.broadcast %jit3A_1576 : i32 to vector<16xi32>
          %select_n3A_1578 = arith.select %eq3A_1575, %shift_left3A_1272, %broadcast_in_dim3A_1577 : vector<16xi1>, vector<16xi32>
          %reduce_sum3A_1579 = arith.constant true
          %reduce_sum3A_1580 = vector.broadcast %reduce_sum3A_1579 : i1 to vector<16xi1>
          %reduce_sum3A_1581 = tpu.scan <sum>, %select_n3A_1578 masked %reduce_sum3A_1580 : vector<16xi32>, vector<16xi1> -> vector<16xi32>
          %reduce_sum3A_1582 = vector.extract %reduce_sum3A_1581[15] : i32 from vector<16xi32>
          %max3A_1583 = arith.constant 0 : i32
          %max3A_1584 = arith.maxsi %reduce_sum3A_1582, %max3A_1583 : i32
          %min3A_1585 = arith.constant 999936 : i32
          %min3A_1586 = arith.minsi %max3A_1584, %min3A_1585 : i32
          %multiple_of3A_1587 = tpu.assume_multiple %min3A_1586, 128 : i32
          %dma_start3A_1588 = arith.constant 0 : i32
          %dma_start3A_1589 = arith.constant 3584 : i32
          %dma_start3A_1590 = tpu.memref_slice %arg7[%dma_start3A_1588, %dma_start3A_1589] : memref<8x4096xf32, #tpu.memory_space<vmem>> -> memref<8x128xf32, #tpu.memory_space<vmem>>
          %dma_start3A_1591 = arith.constant 0 : i32
          %dma_start3A_1592 = tpu.memref_slice %arg3[%dma_start3A_1591, %multiple_of3A_1587] : memref<8x1000000xf32, #tpu.memory_space<hbm>> -> memref<8x128xf32, #tpu.memory_space<hbm>>
          %dma_start3A_1593 = arith.constant 0 : i32
          %dma_start3A_1594 = arith.constant 3584 : i32
          %dma_start3A_1595 = tpu.memref_slice %arg7[%dma_start3A_1593, %dma_start3A_1594] : memref<8x4096xf32, #tpu.memory_space<vmem>> -> memref<8x128xf32, #tpu.memory_space<vmem>>
          %dma_start3A_1596 = arith.constant 0 : i32
          %dma_start3A_1597 = tpu.memref_slice %arg3[%dma_start3A_1596, %multiple_of3A_1587] : memref<8x1000000xf32, #tpu.memory_space<hbm>> -> memref<8x128xf32, #tpu.memory_space<hbm>>
          tpu.enqueue_dma source(%dma_start3A_1597 : memref<8x128xf32, #tpu.memory_space<hbm>>) target(%dma_start3A_1595 : memref<8x128xf32, #tpu.memory_space<vmem>>) target_semaphore(%arg11 : memref<!tpu.dma_semaphore, #tpu.memory_space<semaphore_mem>>)
          %eq3A_1598 = arith.constant 13 : i32
          %eq3A_1599 = vector.broadcast %eq3A_1598 : i32 to vector<16xi32>
          %eq3A_1600 = arith.cmpi eq, %iota3A, %eq3A_1599 : vector<16xi32>
          %jit3A_1601 = arith.constant 0 : i32
          %broadcast_in_dim3A_1602 = vector.broadcast %jit3A_1601 : i32 to vector<16xi32>
          %select_n3A_1603 = arith.select %eq3A_1600, %shift_left3A_1272, %broadcast_in_dim3A_1602 : vector<16xi1>, vector<16xi32>
          %reduce_sum3A_1604 = arith.constant true
          %reduce_sum3A_1605 = vector.broadcast %reduce_sum3A_1604 : i1 to vector<16xi1>
          %reduce_sum3A_1606 = tpu.scan <sum>, %select_n3A_1603 masked %reduce_sum3A_1605 : vector<16xi32>, vector<16xi1> -> vector<16xi32>
          %reduce_sum3A_1607 = vector.extract %reduce_sum3A_1606[15] : i32 from vector<16xi32>
          %max3A_1608 = arith.constant 0 : i32
          %max3A_1609 = arith.maxsi %reduce_sum3A_1607, %max3A_1608 : i32
          %min3A_1610 = arith.constant 999936 : i32
          %min3A_1611 = arith.minsi %max3A_1609, %min3A_1610 : i32
          %multiple_of3A_1612 = tpu.assume_multiple %min3A_1611, 128 : i32
          %dma_start3A_1613 = arith.constant 0 : i32
          %dma_start3A_1614 = arith.constant 3712 : i32
          %dma_start3A_1615 = tpu.memref_slice %arg7[%dma_start3A_1613, %dma_start3A_1614] : memref<8x4096xf32, #tpu.memory_space<vmem>> -> memref<8x128xf32, #tpu.memory_space<vmem>>
          %dma_start3A_1616 = arith.constant 0 : i32
          %dma_start3A_1617 = tpu.memref_slice %arg3[%dma_start3A_1616, %multiple_of3A_1612] : memref<8x1000000xf32, #tpu.memory_space<hbm>> -> memref<8x128xf32, #tpu.memory_space<hbm>>
          %dma_start3A_1618 = arith.constant 0 : i32
          %dma_start3A_1619 = arith.constant 3712 : i32
          %dma_start3A_1620 = tpu.memref_slice %arg7[%dma_start3A_1618, %dma_start3A_1619] : memref<8x4096xf32, #tpu.memory_space<vmem>> -> memref<8x128xf32, #tpu.memory_space<vmem>>
          %dma_start3A_1621 = arith.constant 0 : i32
          %dma_start3A_1622 = tpu.memref_slice %arg3[%dma_start3A_1621, %multiple_of3A_1612] : memref<8x1000000xf32, #tpu.memory_space<hbm>> -> memref<8x128xf32, #tpu.memory_space<hbm>>
          tpu.enqueue_dma source(%dma_start3A_1622 : memref<8x128xf32, #tpu.memory_space<hbm>>) target(%dma_start3A_1620 : memref<8x128xf32, #tpu.memory_space<vmem>>) target_semaphore(%arg11 : memref<!tpu.dma_semaphore, #tpu.memory_space<semaphore_mem>>)
          %eq3A_1623 = arith.constant 14 : i32
          %eq3A_1624 = vector.broadcast %eq3A_1623 : i32 to vector<16xi32>
          %eq3A_1625 = arith.cmpi eq, %iota3A, %eq3A_1624 : vector<16xi32>
          %jit3A_1626 = arith.constant 0 : i32
          %broadcast_in_dim3A_1627 = vector.broadcast %jit3A_1626 : i32 to vector<16xi32>
          %select_n3A_1628 = arith.select %eq3A_1625, %shift_left3A_1272, %broadcast_in_dim3A_1627 : vector<16xi1>, vector<16xi32>
          %reduce_sum3A_1629 = arith.constant true
          %reduce_sum3A_1630 = vector.broadcast %reduce_sum3A_1629 : i1 to vector<16xi1>
          %reduce_sum3A_1631 = tpu.scan <sum>, %select_n3A_1628 masked %reduce_sum3A_1630 : vector<16xi32>, vector<16xi1> -> vector<16xi32>
          %reduce_sum3A_1632 = vector.extract %reduce_sum3A_1631[15] : i32 from vector<16xi32>
          %max3A_1633 = arith.constant 0 : i32
          %max3A_1634 = arith.maxsi %reduce_sum3A_1632, %max3A_1633 : i32
          %min3A_1635 = arith.constant 999936 : i32
          %min3A_1636 = arith.minsi %max3A_1634, %min3A_1635 : i32
          %multiple_of3A_1637 = tpu.assume_multiple %min3A_1636, 128 : i32
          %dma_start3A_1638 = arith.constant 0 : i32
          %dma_start3A_1639 = arith.constant 3840 : i32
          %dma_start3A_1640 = tpu.memref_slice %arg7[%dma_start3A_1638, %dma_start3A_1639] : memref<8x4096xf32, #tpu.memory_space<vmem>> -> memref<8x128xf32, #tpu.memory_space<vmem>>
          %dma_start3A_1641 = arith.constant 0 : i32
          %dma_start3A_1642 = tpu.memref_slice %arg3[%dma_start3A_1641, %multiple_of3A_1637] : memref<8x1000000xf32, #tpu.memory_space<hbm>> -> memref<8x128xf32, #tpu.memory_space<hbm>>
          %dma_start3A_1643 = arith.constant 0 : i32
          %dma_start3A_1644 = arith.constant 3840 : i32
          %dma_start3A_1645 = tpu.memref_slice %arg7[%dma_start3A_1643, %dma_start3A_1644] : memref<8x4096xf32, #tpu.memory_space<vmem>> -> memref<8x128xf32, #tpu.memory_space<vmem>>
          %dma_start3A_1646 = arith.constant 0 : i32
          %dma_start3A_1647 = tpu.memref_slice %arg3[%dma_start3A_1646, %multiple_of3A_1637] : memref<8x1000000xf32, #tpu.memory_space<hbm>> -> memref<8x128xf32, #tpu.memory_space<hbm>>
          tpu.enqueue_dma source(%dma_start3A_1647 : memref<8x128xf32, #tpu.memory_space<hbm>>) target(%dma_start3A_1645 : memref<8x128xf32, #tpu.memory_space<vmem>>) target_semaphore(%arg11 : memref<!tpu.dma_semaphore, #tpu.memory_space<semaphore_mem>>)
          %eq3A_1648 = arith.constant 15 : i32
          %eq3A_1649 = vector.broadcast %eq3A_1648 : i32 to vector<16xi32>
          %eq3A_1650 = arith.cmpi eq, %iota3A, %eq3A_1649 : vector<16xi32>
          %jit3A_1651 = arith.constant 0 : i32
          %broadcast_in_dim3A_1652 = vector.broadcast %jit3A_1651 : i32 to vector<16xi32>
          %select_n3A_1653 = arith.select %eq3A_1650, %shift_left3A_1272, %broadcast_in_dim3A_1652 : vector<16xi1>, vector<16xi32>
          %reduce_sum3A_1654 = arith.constant true
          %reduce_sum3A_1655 = vector.broadcast %reduce_sum3A_1654 : i1 to vector<16xi1>
          %reduce_sum3A_1656 = tpu.scan <sum>, %select_n3A_1653 masked %reduce_sum3A_1655 : vector<16xi32>, vector<16xi1> -> vector<16xi32>
          %reduce_sum3A_1657 = vector.extract %reduce_sum3A_1656[15] : i32 from vector<16xi32>
          %max3A_1658 = arith.constant 0 : i32
          %max3A_1659 = arith.maxsi %reduce_sum3A_1657, %max3A_1658 : i32
          %min3A_1660 = arith.constant 999936 : i32
          %min3A_1661 = arith.minsi %max3A_1659, %min3A_1660 : i32
          %multiple_of3A_1662 = tpu.assume_multiple %min3A_1661, 128 : i32
          %dma_start3A_1663 = arith.constant 0 : i32
          %dma_start3A_1664 = arith.constant 3968 : i32
          %dma_start3A_1665 = tpu.memref_slice %arg7[%dma_start3A_1663, %dma_start3A_1664] : memref<8x4096xf32, #tpu.memory_space<vmem>> -> memref<8x128xf32, #tpu.memory_space<vmem>>
          %dma_start3A_1666 = arith.constant 0 : i32
          %dma_start3A_1667 = tpu.memref_slice %arg3[%dma_start3A_1666, %multiple_of3A_1662] : memref<8x1000000xf32, #tpu.memory_space<hbm>> -> memref<8x128xf32, #tpu.memory_space<hbm>>
          %dma_start3A_1668 = arith.constant 0 : i32
          %dma_start3A_1669 = arith.constant 3968 : i32
          %dma_start3A_1670 = tpu.memref_slice %arg7[%dma_start3A_1668, %dma_start3A_1669] : memref<8x4096xf32, #tpu.memory_space<vmem>> -> memref<8x128xf32, #tpu.memory_space<vmem>>
          %dma_start3A_1671 = arith.constant 0 : i32
          %dma_start3A_1672 = tpu.memref_slice %arg3[%dma_start3A_1671, %multiple_of3A_1662] : memref<8x1000000xf32, #tpu.memory_space<hbm>> -> memref<8x128xf32, #tpu.memory_space<hbm>>
          tpu.enqueue_dma source(%dma_start3A_1672 : memref<8x128xf32, #tpu.memory_space<hbm>>) target(%dma_start3A_1670 : memref<8x128xf32, #tpu.memory_space<vmem>>) target_semaphore(%arg11 : memref<!tpu.dma_semaphore, #tpu.memory_space<semaphore_mem>>)
        } else {
        }
        %dma_wait3A = arith.constant 0 : i32
        %dma_wait3A_836 = arith.constant 0 : i32
        %dma_wait3A_837 = tpu.memref_slice %arg3[%dma_wait3A, %dma_wait3A_836] : memref<8x1000000xf32, #tpu.memory_space<hbm>> -> memref<8x4096xf32, #tpu.memory_space<hbm>>
        %dma_wait3A_838 = arith.constant 0 : i32
        %dma_wait3A_839 = arith.constant 0 : i32
        %dma_wait3A_840 = tpu.memref_slice %arg3[%dma_wait3A_838, %dma_wait3A_839] : memref<8x1000000xf32, #tpu.memory_space<hbm>> -> memref<8x4096xf32, #tpu.memory_space<hbm>>
        tpu.wait_dma2 semaphore(%arg12 : memref<!tpu.dma_semaphore, #tpu.memory_space<semaphore_mem>>) src(%dma_wait3A_840 : memref<8x4096xf32, #tpu.memory_space<hbm>>) dst(%arg8 : memref<8x4096xf32, #tpu.memory_space<vmem>>)
        %scan3A_841 = arith.constant 0 : i32
        %scan3A_842 = arith.constant 0 : i32
        %scan3A_843 = arith.constant 16 : i32
        %scan3A_844 = arith.addi %scan3A_842, %scan3A_843 : i32
        %scan3A_845 = arith.constant 1 : i32
        scf.for %scan3A_847 = %scan3A_842 to %scan3A_844 step %scan3A_845  : i32 {
          %mul3A_848 = arith.constant 2 : i32
          %mul3A_849 = arith.muli %scan3A_847, %mul3A_848 : i32
          %add3A_850 = vector.broadcast %mul3A_849 : i32 to vector<16xi32>
          %add3A_851 = arith.addi %shift_right_logical3A_4, %add3A_850 : vector<16xi32>
          %mul3A_852 = arith.constant 32 : i32
          %mul3A_853 = arith.muli %scan3A_821, %mul3A_852 : i32
          %add3A_854 = vector.broadcast %mul3A_853 : i32 to vector<16xi32>
          %add3A_855 = arith.addi %add3A_854, %add3A_851 : vector<16xi32>
          %gather3A = tpu.vector_load_idx %arg6[%add3A_855] : memref<512xi32, #tpu.memory_space<vmem>>[vector<16xi32>], vector<16xi32>,
          %mul3A_856 = arith.constant 128 : i32
          %mul3A_857 = vector.broadcast %mul3A_856 : i32 to vector<16xi32>
          %mul3A_858 = arith.muli %add3A_851, %mul3A_857 : vector<16xi32>
          %and3A_859 = arith.constant 127 : i32
          %and3A_860 = vector.broadcast %and3A_859 : i32 to vector<16xi32>
          %and3A_861 = arith.andi %gather3A, %and3A_860 : vector<16xi32>
          %add3A_862 = arith.addi %mul3A_858, %and3A_861 : vector<16xi32>
          %gather3A_863 = tpu.vector_load_idx %arg8[%and3A_6, %add3A_862] : memref<8x4096xf32, #tpu.memory_space<vmem>>[vector<16xi32>, vector<16xi32>], vector<16xf32>,
          %mul3A_864 = arith.mulf %gather3A_863, %get3A_7 : vector<16xf32>
          %mul3A_865 = arith.constant 32 : i32
          %mul3A_866 = arith.muli %scan3A_821, %mul3A_865 : i32
          %mul3A_867 = arith.constant 8 : i32
          %mul3A_868 = arith.muli %mul3A_866, %mul3A_867 : i32
          %mul3A_869 = arith.constant 16 : i32
          %mul3A_870 = arith.muli %scan3A_847, %mul3A_869 : i32
          %add3A_871 = arith.addi %mul3A_868, %mul3A_870 : i32
          %swap3A = arith.index_cast %add3A_871 : i32 to index
          %swap3A_872 = tpu.vector_load %arg9[%swap3A] {strides = array<i32>} : memref<4096xf32, #tpu.memory_space<vmem>>, vector<16xf32>,
          tpu.vector_store %arg9[%swap3A], %mul3A_864 {strides = array<i32>} : memref<4096xf32, #tpu.memory_space<vmem>>, vector<16xf32>,
        }
        %scan3A_846 = arith.constant 16 : i32
      } else {
      }
    }
    %scan3A_818 = arith.constant 16 : i32
    %mul3A_819 = arith.constant 8 : i32
    %mul3A_820 = arith.muli %mul3A_2, %mul3A_819 : i32
    "tpu.region"() ({
      %run_scoped3A = tpu.sem_alloc : memref<!tpu.dma_semaphore, #tpu.memory_space<semaphore_mem>>
      %dma_start3A_821 = tpu.memref_slice %arg5[%mul3A_820] : memref<131072xf32, #tpu.memory_space<hbm>> -> memref<4096xf32, #tpu.memory_space<hbm>>
      %dma_start3A_822 = tpu.memref_slice %arg5[%mul3A_820] : memref<131072xf32, #tpu.memory_space<hbm>> -> memref<4096xf32, #tpu.memory_space<hbm>>
      tpu.enqueue_dma source(%arg9 : memref<4096xf32, #tpu.memory_space<vmem>>) target(%dma_start3A_822 : memref<4096xf32, #tpu.memory_space<hbm>>) target_semaphore(%run_scoped3A : memref<!tpu.dma_semaphore, #tpu.memory_space<semaphore_mem>>)
      %dma_wait3A = tpu.memref_slice %arg5[%mul3A_820] : memref<131072xf32, #tpu.memory_space<hbm>> -> memref<4096xf32, #tpu.memory_space<hbm>>
      %dma_wait3A_823 = tpu.memref_slice %arg5[%mul3A_820] : memref<131072xf32, #tpu.memory_space<hbm>> -> memref<4096xf32, #tpu.memory_space<hbm>>
      tpu.wait_dma2 semaphore(%run_scoped3A : memref<!tpu.dma_semaphore, #tpu.memory_space<semaphore_mem>>) src(%arg9 : memref<4096xf32, #tpu.memory_space<vmem>>) dst(%dma_wait3A_823 : memref<4096xf32, #tpu.memory_space<hbm>>)
      tpu.yield
    }) : () -> ()
    return
  }
}

</mosaic_0001>

<sc_bundles>
// kernel: kernel.3.cloned.1.call-start
scs
__scs_entry_jumppad:
0x0: {  	(pc) =	sbr.rel $0x88, $3  }
0x1: {  	(tag) =	ssettag $0x0;
	lr =	simm.s32 $0x1  }
0x2: {  	[smem:$0x3F9E] =	sst lr;
	_ =	strace $0xD0000000  }
0x3: {  	_ = 	snop  }
0x4: {  	_ = 	snop  }
0x5: {  	_ = 	snop  }
0x6: {  	_ = 	snop  }
0x7: {  	_ = 	snop  }
__scs_overlays_trampoline_lowered:
0x8: {  	[smem:$0x3FAD] =	sst s0  }
0x9: {  	[smem:$0x3FAE] =	sst s1  }
0xa: {  	[smem:$0x3FAF] =	sst s2  }
0xb: {  	[smem:$0x3FB0] =	sst s3  }
0xc: {  	[smem:$0x3FB1] =	sst s4  }
0xd: {  	[smem:$0x3FB2] =	sst s5  }
0xe: {  	[smem:$0x3FB3] =	sst s6  }
0xf: {  	[smem:$0x3FB4] =	sst s7  }
0x10: {  	[smem:$0x3FB5] =	sst s8  }
0x11: {  	[smem:$0x3FB6] =	sst s9;
	s0 =	simm.s32 @!p0 $0x0  }
0x12: {  	s1 =	sld [smem:$0x3F9C];
	s0 =	simm.s32 @p0 $0x1  }
0x13: {  	[smem:$0x3FB7] =	sst s0;
	s0 =	simm.s32 @!p1 $0x0  }
0x14: {  	s2 =	sld [smem:$0x3F9B];
	s0 =	simm.s32 @p1 $0x1  }
0x15: {  	[smem:$0x3FB8] =	sst s0;
	s0 =	simm.s32 @!p2 $0x0  }
0x16: {  	s3 =	sld [smem:$0x3FDB];
	s0 =	simm.s32 @p2 $0x1  }
0x17: {  	s4 =	simm.s32 $0x1BF5;
	[smem:$0x3FBA] =	sst s0  }
0x18: {  	s0 =	sld [smem:$0x3F9D];
	_ =	swait.ge [sflag:s4], $0x0  }
0x19: {  	s7 =	sld [smem:$0x3F9E]  }
0x1a: {  	s8 =	sadd.s32 $0xFFFFE003, lr  }
0x1b: {  	s9 =	sadd.s32 $0xFFFFFEF7, lr;
	s5 =	simm.s32 $0xFFFFFFFF;
	p2 =	slt.u32 s8, $0xFFFFF086  }
0x1c: {  	p1 =	slt.u32 s9, $0xF7A;
	s5 =	simm.s32 @!p2 $0x0  }
0x1d: {  	s5 =	simm.s32 @p1 $0x1;
	p0 =	seq.s32 s7, s2  }
0x1e: {  	s7 =	smul.u32 @!p0 $0xF7A, s2;
	p2 =	seq.s32 @!p0 s5, $0x0  }
0x1f: {  	s9 =	smul.u32 $0xF7A, s1;
	s8 =	simm.s32 @!p0 $0x1BF5;
	p2 =	por !p2, p0  }
0x20: {  	[sflag:s8] =	ssyncset.s32 @!p0 $0xFFFFF086;
	s6 =	sadd.s32 @!p0 s3, s7;
	s7 =	simm.s32 @!p0 $0x108  }
0x21: {  	s3 =	sadd.s32 s3, s9;
	s6 =	sadd.s32 @!p0 $0x88, s6;
	s7 =	simm.s32 @p2 $0x1082  }
0x22: {  	[simem:s7], [sflag:s8] =	dma.local @!p0 [hbm:s6], $0xF7A  }
0x23: {  	s9 =	sor.u32 $0xD0000000, s2;
	s6 =	simm.s32 $0x108;
	_ =	swait.ge @!p0 [sflag:s8], $0x0  }
0x24: {  	s3 =	sadd.s32 $0x88, s3;
	s6 =	simm.s32 @!p1 $0x1082;
	[sflag:s4] =	ssyncset.s32 $0xFFFFF086  }
0x25: {  	[simem:s6], [sflag:s4] =	dma.local [hbm:s3], $0xF7A  }
0x26: {  	[smem:$0x3F9E] =	sst s1;
	(tag) =	ssettag s2;
	_ =	strace s9  }
0x27: {  	s1 =	sld [smem:$0x3FAE]  }
0x28: {  	s2 =	sld [smem:$0x3FAF]  }
0x29: {  	s4 =	sld [smem:$0x3FB1]  }
0x2a: {  	p0 =	seq.s32 s5, $0x0;
	s5 =	sld [smem:$0x3FB2]  }
0x2b: {  	s6 =	sld [smem:$0x3FB3]  }
0x2c: {  	s7 =	sld [smem:$0x3FB4]  }
0x2d: {  	s3 =	simm.s32 $0x108;
	s8 =	sld [smem:$0x3FB5]  }
0x2e: {  	s3 =	simm.s32 @!p0 $0x1082;
	s9 =	sld [smem:$0x3FB6]  }
0x2f: {  	lr =	sadd.s32 s0, s3;
	s0 =	sld [smem:$0x3FAD]  }
0x30: {  	s3 =	sld [smem:$0x3FB0]  }
0x31: {  	[smem:$0x3FB9] =	sst s10  }
0x32: {  	s10 =	sld [smem:$0x3FB7];
	_ =	sdelay $0x3  }
0x33: {  	p0 =	seq.s32 s10, $0x1;
	s10 =	sld [smem:$0x3FB9];
	_ =	sdelay $0x3  }
0x34: {  	[smem:$0x3FB9] =	sst s10  }
0x35: {  	s10 =	sld [smem:$0x3FB8];
	_ =	sdelay $0x3  }
0x36: {  	p1 =	seq.s32 s10, $0x1;
	s10 =	sld [smem:$0x3FB9];
	_ =	sdelay $0x3  }
0x37: {  	[smem:$0x3FB9] =	sst s10  }
0x38: {  	s10 =	sld [smem:$0x3FBA]  }
0x39: {  	_ = 	snop;
	(pc) =	sbr.ind lr, $3  }
0x3a: {  	_ = 	snop  }
0x3b: {  	_ = 	snop  }
0x3c: {  	p2 =	seq.s32 s10, $0x1;
	s10 =	sld [smem:$0x3FB9]  }
0x3d: {  	_ =	shalt  }
0x3e: {  	_ =	shalt  }
0x3f: {  	_ =	shalt  }
0x40: {  	_ =	shalt  }
0x41: {  	_ =	shalt  }
0x42: {  	_ =	shalt  }
0x43: {  	_ =	shalt  }
0x44: {  	_ =	shalt  }
0x45: {  	_ =	shalt  }
0x46: {  	_ =	shalt  }
0x47: {  	_ =	shalt  }
0x48: {  	_ =	shalt  }
0x49: {  	_ =	shalt  }
0x4a: {  	_ =	shalt  }
0x4b: {  	_ =	shalt  }
0x4c: {  	_ =	shalt  }
0x4d: {  	_ =	shalt  }
0x4e: {  	_ =	shalt  }
0x4f: {  	_ =	shalt  }
0x50: {  	_ =	shalt  }
0x51: {  	_ =	shalt  }
0x52: {  	_ =	shalt  }
0x53: {  	_ =	shalt  }
0x54: {  	_ =	shalt  }
0x55: {  	_ =	shalt  }
0x56: {  	_ =	shalt  }
0x57: {  	_ =	shalt  }
0x58: {  	_ =	shalt  }
0x59: {  	_ =	shalt  }
0x5a: {  	_ =	shalt  }
0x5b: {  	_ =	shalt  }
0x5c: {  	_ =	shalt  }
0x5d: {  	_ =	shalt  }
0x5e: {  	_ =	shalt  }
0x5f: {  	_ =	shalt  }
0x60: {  	_ =	shalt  }
0x61: {  	_ =	shalt  }
0x62: {  	_ =	shalt  }
0x63: {  	_ =	shalt  }
0x64: {  	_ =	shalt  }
0x65: {  	_ =	shalt  }
0x66: {  	_ =	shalt  }
0x67: {  	_ =	shalt  }
0x68: {  	_ =	shalt  }
0x69: {  	_ =	shalt  }
0x6a: {  	_ =	shalt  }
0x6b: {  	_ =	shalt  }
0x6c: {  	_ =	shalt  }
0x6d: {  	_ =	shalt  }
0x6e: {  	_ =	shalt  }
0x6f: {  	_ =	shalt  }
0x70: {  	_ =	shalt  }
0x71: {  	_ =	shalt  }
0x72: {  	_ =	shalt  }
0x73: {  	_ =	shalt  }
0x74: {  	_ =	shalt  }
0x75: {  	_ =	shalt  }
0x76: {  	_ =	shalt  }
0x77: {  	_ =	shalt  }
0x78: {  	_ =	shalt  }
0x79: {  	_ =	shalt  }
0x7a: {  	_ =	shalt  }
0x7b: {  	_ =	shalt  }
0x7c: {  	_ =	shalt  }
0x7d: {  	_ =	shalt  }
0x7e: {  	_ =	shalt  }
0x7f: {  	_ =	shalt  }
0x80: {  	_ =	shalt  }
0x81: {  	_ =	shalt  }
0x82: {  	_ =	shalt  }
0x83: {  	_ =	shalt  }
0x84: {  	_ =	shalt  }
0x85: {  	_ =	shalt  }
0x86: {  	_ =	shalt  }
0x87: {  	_ =	shalt  }
.Lfunc_end0:
.L_simem_size_0:
called_computation_lowered:
.L_overlay_start_0:
0x88: {  	s2 =	sld [smem:$0x3FD9]  }
0x89: {  	s3 =	sld [smem:$0x3FFE];
	_ =	sdelay $0x1  }
0x8a: {  	s1 =	srdreg.scid  }
0x8b: {  	s0 =	sand.u32 $0x1, s1  }
0x8c: {  	s17 =	sshll.u32 s0, $0xA;
	s2 =	sadd.s32 s3, s2  }
0x8d: {  	s2 =	sadd.s32 s2, s17  }
0x8e: {  	[smem:$0x3FC5] =	sst s2  }
0x8f: {  	_ = 	snop  }
0x90: {  	s2 =	sld [smem:$0x3FC9]  }
0x91: {  	s18 =	sld [smem:$0x3FC8]  }
0x92: {  	s4 =	sld [smem:$0x3FD0];
	(tm) =	ssettm $0x1  }
0x93: {  	s5 =	sld [smem:$0x3FFB];
	_ =	sdelay $0x3  }
0x94: {  	_ =	strace s5  }
0x95: {  	s5 =	sld [smem:$0x3FFC];
	_ =	sdelay $0x3  }
0x96: {  	_ =	strace s5  }
0x97: {  	s5 =	sld [smem:$0x3FFD];
	_ =	sdelay $0x3  }
0x98: {  	_ =	strace s5  }
0x99: {  	_ =	strace $0x8FFFFFFF  }
0x9a: {  	s19 =	sld [smem:$0x3FDB];
	_ =	sdelay $0x1  }
0x9b: {  	s6 =	simm.s32 $_scs_section_size  }
0x9c: {  	s7 =	simm.s32 $_size__tile_overlayer_lowered;
	s8 =	simm.s32 $_tile_overlayer_lowered  }
0x9d: {  	s22 =	simm.s32 $0x1BFF;
	s21 =	sshll.u32 s8, $0x1;
	s5 =	sadd.s32 s6, s19  }
0x9e: {  	s9 =	simm.s32 $0x0;
	s20 =	sshll.u32 s7, $0x1;
	s7 =	sadd.s32 s21, s5  }
0x9f: {  	[timem:s9], [sflag:s22] =	dma.local [hbm:s7], s20  }
0xa0: {  	_ =	swait.ge [sflag:s22], s20  }
0xa1: {  	s6 =	ssub.s32 $0x0, s20;
	[sflag:s22] =	ssyncset.done $0x0  }
0xa2: {  	[sflag:s22] =	ssyncadd.s32 s6;
	_ =	sdelay $0x1  }
0xa3: {  	s23 =	simm.s32 $0x1B8B  }
0xa4: {  	_ =	swait.ge [sflag:s23], $0x1  }
0xa5: {  	[sflag:s23] =	ssyncset.done $0x0  }
0xa6: {  	s25 =	simm.s32 $0x1B8E;
	s24 =	sld [smem:$0x3FFE];
	[sflag:s23] =	ssyncadd.s32 $0xFFFFFFFF  }
0xa7: {  	s26 =	simm.s32 $execute0_lowered;
	[smem:$0x3FD2] =	sst s25  }
0xa8: {  	s7 =	sshll.u32 s26, $0x1;
	_ =	strace $0x80000046;
	[dreg:$0x1] =	wrdreg $0xFFFFFFFF  }
0xa9: {  	s28 =	simm.s32 $_size_execute0_lowered;
	s5 =	sadd.s32 s5, s7;
	[dreg:$0x0] =	wrdreg $0x0  }
0xaa: {  	s7 =	sshll.u32 s28, $0x1;
	[dreg:$0x2] =	wrdreg s5  }
0xab: {  	[dreg:$0x3] =	wrdreg s7  }
0xac: {  	[dreg:$0x4] =	wrdreg $0xC0  }
0xad: {  	_ =	task [dreg:s9], $0x5FFFF  }
0xae: {  	[dreg:$0x1] =	wrdreg $0xFFFFFFFF  }
0xaf: {  	[dreg:$0x0] =	wrdreg $0x60  }
0xb0: {  	[dreg:$0x2] =	wrdreg s2  }
0xb1: {  	[dreg:$0x3] =	wrdreg s18  }
0xb2: {  	[dreg:$0x4] =	wrdreg s24  }
0xb3: {  	[dreg:$0x5] =	wrdreg s4  }
0xb4: {  	[dreg:$0x6] =	wrdreg $0x9  }
0xb5: {  	_ =	task.clear_ibuf [dreg:s9], $0x7FFFF;
	_ =	strace $0x90000046  }
0xb6: {  	s29 =	simm.s32 $0x9;
	_ =	strace $0x80000048  }
0xb7: {  	_ =	swait.ge [sflag:s29], $0x1  }
0xb8: {  	[sflag:s29] =	ssyncadd.s32 $0xFFFFFFFF  }
0xb9: {  	_ =	strace $0x90000048  }
0xba: {  	_ =	sfence  }
0xbb: {  	s30 =	sld [smem:$0x0];
	_ =	sdelay $0x2  }
0xbc: {  	s31 =	sshll.u32 s1, $0xD;
	s1 =	sshrl.u32 s1, $0x2  }
0xbd: {  	s3 =	sand.u32 $0x4000, s31;
	s1 =	sadd.s32 s1, s30  }
0xbe: {  	s0 =	sor.u32 s3, s0;
	s1 =	sshll.u32 s1, $0x11  }
0xbf: {  	s0 =	sor.u32 s1, s0  }
0xc0: {  	s0 =	sadd.s32 $0x8F2B, s0  }
0xc1: {  	[sflag:s0] =	ssyncadd.remote.s32 $0x1  }
0xc2: {  	_ =	sfence.sel $0xFFFF  }
0xc3: {  	[dreg:$0x0] =	wrdreg $0xFFFFFFFF;
	(pc) =	sbr.abs _section_cstart, $3  }
0xc4: {  	[dreg:$0x1] =	wrdreg $0xFFFFFFFF  }
0xc5: {  	_ =	task.clear_ibuf [dreg:s9], $0x2FFFF;
	_ =	strace $0x9FFFFFFF  }
0xc6: {  	(tm) =	ssettm $0x7FFFFFFF  }
0xc7: {  	_ =	shalt  }
tec
execute0_lowered:
.L_overlay_start_1:
0x0: {  	(tag) =	ssettag $0x1  }
0x1: {  	s0 =	rddreg [dreg:$0x0]  }
0x2: {  	s1 =	rddreg [dreg:$0x1]  }
0x3: {  	s2 =	rddreg [dreg:$0x2]  }
0x4: {  	s4 =	rddreg [dreg:$0x3]  }
0x5: {  	s3 =	simm.s32 $0x0;
	s5 =	srdreg.scid;
	s6 =	stileid.u32  }
0x6: {  	s10 =	simm.s32 $0x200;
	s14 =	simm.s32 $0x8200;
	s29 =	simm.s32 $0xBA00  }
0x7: {  	s30 =	simm.s32 $0xBE00;
	s31 =	simm.s32 $0xC200;
	s8 =	simm.s32 $0xCE00  }
0x8: {  	s9 =	simm.s32 $0xE200;
	s11 =	simm.s32 $0xE600;
	s12 =	simm.s32 $0xEA00  }
0x9: {  	s13 =	simm.s32 $0xEE00;
	s15 =	simm.s32 $0xF200;
	s16 =	simm.s32 $0xF600  }
0xa: {  	s17 =	simm.s32 $0xFA00;
	s18 =	simm.s32 $0xFE00;
	s19 =	simm.s32 $0x1  }
0xb: {  	s20 =	simm.s32 $0x2;
	s23 =	simm.s32 $0x0;
	[smem:$0x7FF] =	sst s3  }
0xc: {  	s5 =	sand.u32 $0x1, s5;
	s6 =	sshll.u32 s6, $0x1;
	s2 =	sadd.s32 $0x400, s2  }
0xd: {  	_ =	strace $0x80000047;
	s7 =	ssub.s32 $0x2, s5;
	s5 =	sor.u32 s5, s6  }
0xe: {  	vm0 =	vmmov $0x1;
	vm1 =	vcmask $0x308;
	vm2 =	vcmask $0x70C;
	[dreg:$0x5] =	wrdreg s2;
	s25 =	sshrl.u32 s7, $0x1;
	s6 =	sshll.u32 s5, $0x6  }
.Ltmp0:
0xf: {  	vm3 =	vcmask $0xB10;
	vm4 =	vcmask $0xF14;
	vm5 =	vcmask $0x1318;
	s26 =	sshll.u32 s5, $0x9;
	s5 =	simm.s32 $0xD600;
	(pc) =	sbr.rel .LBB2_1-.Ltmp0, $4  }
0x10: {  	vm6 =	vcmask $0x171C;
	vm7 =	vcmask $0x1B20;
	vm8 =	vcmask $0x1F24;
	s2 =	ssub.s32 s7, s25;
	s0 =	sadd.s32 s0, s6;
	s6 =	simm.s32 $0xDA00  }
0x11: {  	vm9 =	vcmask $0x2328;
	vm10 =	vcmask $0x272C;
	vm11 =	vcmask $0x2B30;
	s7 =	simm.s32 $0xDE00;
	[dreg:$0x6] =	wrdreg s0;
	s0 =	sadd.s32 s4, s26  }
0x12: {  	vm12 =	vcmask $0x2F34;
	vm13 =	vcmask $0x3338;
	v0 =	vlaneseq.u32;
	s28 =	smax.u32 s2, $0x1;
	s2 =	simm.s32 $0xCA00;
	[dreg:$0x7] =	wrdreg s0  }
0x13: {  	vm14 =	vcmask $0x373C;
	vm15 =	vmmov $0x7fff;
	v1 =	vshrl.u32 v0, $0x3;
	s4 =	simm.s32 $0xD200;
	[dreg:$0x8] =	wrdreg s28;
	s0 =	simm.s32 $0xC600  }
.LBB2_12:
0x14: {  	s21 =	rddreg [dreg:$0x7];
	s22 =	simm.s32 $0x10200;
	s26 =	simm.s32 $0x3  }
0x15: {  	[hbm4b:s21+s3] =	stream.linear.scatter [tilespmem:s22], [sflag:$0x3], $0x1000, $0x38;
	[tilespmem:$0x11280] =	vst v63  }
0x16: {  	_ =	swait.ge [sflag:s26], $0x1000  }
0x17: {  	s23 =	rddreg [dreg:$0x9]  }
0x18: {  	s28 =	rddreg [dreg:$0x8];
	s23 =	sadd.s32 $0x1, s23  }
0x19: {  	p0 =	sne.s32 s23, s28  }
.Ltmp1:
0x1a: {  	_ = 	snop;
	(pc) =	sbr.rel @!p0 .LBB2_13-.Ltmp1, $3  }
0x1b: {  	_ =	sdelay $0x1  }
0x1c: {  	[sflag:s26] =	ssyncset.done $0x0  }
0x1d: {  	[sflag:s26] =	ssyncadd.s32 $0xFFFFF000  }
.LBB2_1:
0x1e: {  	[dreg:$0x9] =	wrdreg s23  }
0x1f: {  	s21 =	rddreg [dreg:$0x5];
	s25 =	simm.s32 $0x3;
	s22 =	simm.s32 $0x11200  }
0x20: {  	[tilespmem:s22], [sflag:$0x3] =	stream.linear.gather [hbm4b:s21+s3], $0x80, $0x38;
	[tilespmem:$0x11280] =	vst v63  }
0x21: {  	_ =	swait.ge [sflag:s25], $0x80  }
0x22: {  	[sflag:s25] =	ssyncset.done $0x0  }
0x23: {  	s26 =	rddreg [dreg:$0x6];
	[sflag:s25] =	ssyncadd.s32 $0xFFFFFF80  }
0x24: {  	[tilespmem:s3], [sflag:$0x3] =	stream.linear.gather [hbm4b:s26+s3], $0x200, $0x38;
	[tilespmem:$0x11280] =	vst v63  }
0x25: {  	_ =	swait.ge [sflag:s25], $0x200  }
0x26: {  	[sflag:s25] =	ssyncset.done $0x0  }
0x27: {  	[sflag:s25] =	ssyncadd.s32 $0xFFFFFE00  }
0x28: {  	v2 =	vld [tilespmem:$0x0];
	_ =	sdelay $0x4  }
0x29: {  	v3 =	vand.u32 $0xFFFFFF80, v2  }
0x2a: {  	v2 =	vnsel vm0, $0x0, v3  }
0x2b: {  	(xrf0) =	vadd.scan.msk.s32 $0xffff, v2;
	_ =	sdelay $0x5  }
0x2c: {  	v4 =	vsel vm1, $0x0, v3;
	v2, _, _ =	vpop (xrf0)  }
0x2d: {  	(xrf0) =	vadd.scan.msk.s32 $0xffff, v4;
	(v2sf) =	vpush v2, $0xF;
	_ =	sdelay $0x5  }
0x2e: {  	v18 =	vsel vm2, $0x0, v3;
	v2, _, _ =	vpop (xrf0)  }
0x2f: {  	(xrf0) =	vadd.scan.msk.s32 $0xffff, v18;
	(v2sf) =	vpush v2, $0xF;
	_ =	sdelay $0x5  }
0x30: {  	v19 =	vsel vm3, $0x0, v3;
	v2, _, _ =	vpop (xrf0)  }
0x31: {  	(xrf0) =	vadd.scan.msk.s32 $0xffff, v19;
	(v2sf) =	vpush v2, $0xF  }
0x32: {  	s21 =	spop (v2sf)  }
0x33: {  	p0 =	sgt.s32 s21, $0x0  }
0x34: {  	s21 =	simm.s32 @!p0 $0x0  }
0x35: {  	s21 =	smin.u32 s21, $0xF4200  }
0x36: {  	s21 =	sand.u32 $0xFFF80, s21  }
0x37: {  	v4, _, _ =	vpop (xrf0);
	s21 =	sadd.s32 s1, s21  }
0x38: {  	v20 =	vsel vm4, $0x0, v3;
	v2 =	vld [tilespmem:$0x11200];
	(v2sf) =	vpush v4, $0xF;
	[tilespmem:s10], [sflag:$0x1] =	stream.linear.gather [hbm4b:s21+s3], $0x400, $0x38  }
0x39: {  	(xrf0) =	vadd.scan.msk.s32 $0xffff, v20;
	s21 =	spop (v2sf)  }
0x3a: {  	p0 =	sgt.s32 s21, $0x0  }
0x3b: {  	s21 =	simm.s32 @!p0 $0x0  }
0x3c: {  	s21 =	smin.u32 s21, $0xF4200  }
0x3d: {  	s21 =	sand.u32 $0xFFF80, s21  }
0x3e: {  	s28 =	simm.s32 $0x600;
	s21 =	sadd.s32 s1, s21  }
0x3f: {  	v5 =	vsel vm5, $0x0, v3;
	v4, _, _ =	vpop (xrf0);
	[tilespmem:s28], [sflag:$0x1] =	stream.linear.gather [hbm4b:s21+s3], $0x400, $0x38;
	[tilespmem:$0x11280] =	vst v63  }
0x40: {  	(xrf0) =	vadd.scan.msk.s32 $0xffff, v5;
	(v2sf) =	vpush v4, $0xF;
	s21 =	spop (v2sf)  }
0x41: {  	p0 =	sgt.s32 s21, $0x0  }
0x42: {  	s21 =	simm.s32 @!p0 $0x0  }
0x43: {  	s21 =	smin.u32 s21, $0xF4200  }
0x44: {  	s21 =	sand.u32 $0xFFF80, s21  }
0x45: {  	s23 =	simm.s32 $0xA00;
	s21 =	sadd.s32 s1, s21  }
0x46: {  	v22 =	vsel vm6, $0x0, v3;
	v21, _, _ =	vpop (xrf0);
	[tilespmem:s23], [sflag:$0x1] =	stream.linear.gather [hbm4b:s21+s3], $0x400, $0x38;
	[tilespmem:$0x11280] =	vst v63  }
0x47: {  	(xrf0) =	vadd.scan.msk.s32 $0xffff, v22;
	s21 =	spop (v2sf);
	(v2sf) =	vpush v21, $0xF;
	_ =	sdelay $0x1  }
0x48: {  	p0 =	sgt.s32 s21, $0x0  }
0x49: {  	s21 =	simm.s32 @!p0 $0x0  }
0x4a: {  	s21 =	smin.u32 s21, $0xF4200  }
0x4b: {  	v24 =	vsel vm7, $0x0, v3;
	s21 =	sand.u32 $0xFFF80, s21  }
0x4c: {  	s24 =	simm.s32 $0xE00;
	v23, _, _ =	vpop (xrf0);
	(xrf0) =	vadd.scan.msk.s32 $0xffff, v24;
	s21 =	sadd.s32 s1, s21  }
0x4d: {  	(v2sf) =	vpush v23, $0xF;
	[tilespmem:s24], [sflag:$0x1] =	stream.linear.gather [hbm4b:s21+s3], $0x400, $0x38;
	[tilespmem:$0x11280] =	vst v63  }
0x4e: {  	s21 =	spop (v2sf)  }
0x4f: {  	p0 =	sgt.s32 s21, $0x0  }
0x50: {  	s21 =	simm.s32 @!p0 $0x0  }
0x51: {  	s21 =	smin.u32 s21, $0xF4200  }
0x52: {  	s21 =	sand.u32 $0xFFF80, s21  }
0x53: {  	s25 =	simm.s32 $0x1200;
	v25, _, _ =	vpop (xrf0);
	s21 =	sadd.s32 s1, s21  }
0x54: {  	v26 =	vsel vm8, $0x0, v3;
	(v2sf) =	vpush v25, $0xF;
	[tilespmem:s25], [sflag:$0x1] =	stream.linear.gather [hbm4b:s21+s3], $0x400, $0x38;
	[tilespmem:$0x11280] =	vst v63  }
0x55: {  	(xrf0) =	vadd.scan.msk.s32 $0xffff, v26;
	s21 =	spop (v2sf)  }
0x56: {  	p0 =	sgt.s32 s21, $0x0  }
0x57: {  	s21 =	simm.s32 @!p0 $0x0  }
0x58: {  	s21 =	smin.u32 s21, $0xF4200  }
0x59: {  	s21 =	sand.u32 $0xFFF80, s21  }
0x5a: {  	s26 =	simm.s32 $0x1600;
	s21 =	sadd.s32 s1, s21  }
0x5b: {  	v27 =	vsel vm9, $0x0, v3;
	v4, _, _ =	vpop (xrf0);
	[tilespmem:s26], [sflag:$0x1] =	stream.linear.gather [hbm4b:s21+s3], $0x400, $0x38;
	[tilespmem:$0x11280] =	vst v63  }
0x5c: {  	(xrf0) =	vadd.scan.msk.s32 $0xffff, v27;
	(v2sf) =	vpush v4, $0xF;
	s21 =	spop (v2sf)  }
0x5d: {  	p0 =	sgt.s32 s21, $0x0  }
0x5e: {  	s21 =	simm.s32 @!p0 $0x0  }
0x5f: {  	s21 =	smin.u32 s21, $0xF4200  }
0x60: {  	s21 =	sand.u32 $0xFFF80, s21  }
0x61: {  	s28 =	simm.s32 $0x1A00;
	s21 =	sadd.s32 s1, s21  }
0x62: {  	v29 =	vsel vm10, $0x0, v3;
	v28, _, _ =	vpop (xrf0);
	[tilespmem:s28], [sflag:$0x1] =	stream.linear.gather [hbm4b:s21+s3], $0x400, $0x38;
	[tilespmem:$0x11280] =	vst v63  }
0x63: {  	(xrf0) =	vadd.scan.msk.s32 $0xffff, v29;
	s21 =	spop (v2sf);
	(v2sf) =	vpush v28, $0xF;
	_ =	sdelay $0x1  }
0x64: {  	p0 =	sgt.s32 s21, $0x0  }
0x65: {  	s21 =	simm.s32 @!p0 $0x0  }
0x66: {  	s21 =	smin.u32 s21, $0xF4200  }
0x67: {  	v31 =	vsel vm11, $0x0, v3;
	s21 =	sand.u32 $0xFFF80, s21  }
0x68: {  	s23 =	simm.s32 $0x1E00;
	v30, _, _ =	vpop (xrf0);
	(xrf0) =	vadd.scan.msk.s32 $0xffff, v31;
	s21 =	sadd.s32 s1, s21  }
0x69: {  	(v2sf) =	vpush v30, $0xF;
	[tilespmem:s23], [sflag:$0x1] =	stream.linear.gather [hbm4b:s21+s3], $0x400, $0x38;
	[tilespmem:$0x11280] =	vst v63  }
0x6a: {  	s21 =	spop (v2sf)  }
0x6b: {  	p0 =	sgt.s32 s21, $0x0  }
0x6c: {  	s21 =	simm.s32 @!p0 $0x0  }
0x6d: {  	s21 =	smin.u32 s21, $0xF4200  }
0x6e: {  	s21 =	sand.u32 $0xFFF80, s21  }
0x6f: {  	s24 =	simm.s32 $0x2200;
	v32, _, _ =	vpop (xrf0);
	s21 =	sadd.s32 s1, s21  }
0x70: {  	v33 =	vsel vm12, $0x0, v3;
	(v2sf) =	vpush v32, $0xF;
	[tilespmem:s24], [sflag:$0x1] =	stream.linear.gather [hbm4b:s21+s3], $0x400, $0x38;
	[tilespmem:$0x11280] =	vst v63  }
0x71: {  	(xrf0) =	vadd.scan.msk.s32 $0xffff, v33;
	s21 =	spop (v2sf)  }
0x72: {  	p0 =	sgt.s32 s21, $0x0  }
0x73: {  	s21 =	simm.s32 @!p0 $0x0  }
0x74: {  	s21 =	smin.u32 s21, $0xF4200  }
0x75: {  	s21 =	sand.u32 $0xFFF80, s21  }
0x76: {  	s25 =	simm.s32 $0x2600;
	s21 =	sadd.s32 s1, s21  }
0x77: {  	v34 =	vsel vm13, $0x0, v3;
	v4, _, _ =	vpop (xrf0);
	[tilespmem:s25], [sflag:$0x1] =	stream.linear.gather [hbm4b:s21+s3], $0x400, $0x38;
	[tilespmem:$0x11280] =	vst v63  }
0x78: {  	(xrf0) =	vadd.scan.msk.s32 $0xffff, v34;
	(v2sf) =	vpush v4, $0xF;
	s21 =	spop (v2sf)  }
0x79: {  	p0 =	sgt.s32 s21, $0x0  }
0x7a: {  	s21 =	simm.s32 @!p0 $0x0  }
0x7b: {  	s21 =	smin.u32 s21, $0xF4200  }
0x7c: {  	s21 =	sand.u32 $0xFFF80, s21  }
0x7d: {  	s26 =	simm.s32 $0x2A00;
	s21 =	sadd.s32 s1, s21  }
0x7e: {  	v36 =	vsel vm14, $0x0, v3;
	v35, _, _ =	vpop (xrf0);
	[tilespmem:s26], [sflag:$0x1] =	stream.linear.gather [hbm4b:s21+s3], $0x400, $0x38;
	[tilespmem:$0x11280] =	vst v63  }
0x7f: {  	(xrf0) =	vadd.scan.msk.s32 $0xffff, v36;
	s21 =	spop (v2sf);
	(v2sf) =	vpush v35, $0xF;
	_ =	sdelay $0x1  }
0x80: {  	p0 =	sgt.s32 s21, $0x0  }
0x81: {  	s21 =	simm.s32 @!p0 $0x0  }
0x82: {  	s21 =	smin.u32 s21, $0xF4200  }
0x83: {  	v3 =	vsel vm15, $0x0, v3;
	s21 =	sand.u32 $0xFFF80, s21  }
0x84: {  	s28 =	simm.s32 $0x2E00;
	v37, _, _ =	vpop (xrf0);
	(xrf0) =	vadd.scan.msk.s32 $0xffff, v3;
	s21 =	sadd.s32 s1, s21  }
0x85: {  	(v2sf) =	vpush v37, $0xF;
	[tilespmem:s28], [sflag:$0x1] =	stream.linear.gather [hbm4b:s21+s3], $0x400, $0x38;
	[tilespmem:$0x11280] =	vst v63  }
0x86: {  	s21 =	spop (v2sf)  }
0x87: {  	p0 =	sgt.s32 s21, $0x0  }
0x88: {  	s21 =	simm.s32 @!p0 $0x0  }
0x89: {  	s21 =	smin.u32 s21, $0xF4200  }
0x8a: {  	s21 =	sand.u32 $0xFFF80, s21  }
0x8b: {  	s23 =	simm.s32 $0x3200;
	v3, _, _ =	vpop (xrf0);
	s21 =	sadd.s32 s1, s21  }
0x8c: {  	(v2sf) =	vpush v3, $0xF;
	[tilespmem:s23], [sflag:$0x1] =	stream.linear.gather [hbm4b:s21+s3], $0x400, $0x38;
	[tilespmem:$0x11280] =	vst v63  }
0x8d: {  	s21 =	spop (v2sf)  }
0x8e: {  	p0 =	sgt.s32 s21, $0x0  }
0x8f: {  	s21 =	simm.s32 @!p0 $0x0  }
0x90: {  	s21 =	smin.u32 s21, $0xF4200  }
0x91: {  	s21 =	sand.u32 $0xFFF80, s21  }
0x92: {  	s24 =	simm.s32 $0x3600;
	s21 =	sadd.s32 s1, s21  }
0x93: {  	[tilespmem:s24], [sflag:$0x1] =	stream.linear.gather [hbm4b:s21+s3], $0x400, $0x38;
	[tilespmem:$0x11280] =	vst v63  }
0x94: {  	s21 =	spop (v2sf)  }
0x95: {  	p0 =	sgt.s32 s21, $0x0  }
0x96: {  	s21 =	simm.s32 @!p0 $0x0  }
0x97: {  	s21 =	smin.u32 s21, $0xF4200  }
0x98: {  	s21 =	sand.u32 $0xFFF80, s21  }
0x99: {  	s25 =	simm.s32 $0x3A00;
	s21 =	sadd.s32 s1, s21  }
0x9a: {  	[tilespmem:s25], [sflag:$0x1] =	stream.linear.gather [hbm4b:s21+s3], $0x400, $0x38;
	[tilespmem:$0x11280] =	vst v63  }
0x9b: {  	s21 =	spop (v2sf)  }
0x9c: {  	p0 =	sgt.s32 s21, $0x0  }
0x9d: {  	s21 =	simm.s32 @!p0 $0x0  }
0x9e: {  	s21 =	smin.u32 s21, $0xF4200  }
0x9f: {  	s21 =	sand.u32 $0xFFF80, s21  }
0xa0: {  	s26 =	simm.s32 $0x3E00;
	s21 =	sadd.s32 s1, s21  }
0xa1: {  	[tilespmem:s26], [sflag:$0x1] =	stream.linear.gather [hbm4b:s21+s3], $0x400, $0x38;
	[tilespmem:$0x11280] =	vst v63  }
0xa2: {  	v3 =	vld [tilespmem:$0x10];
	_ =	sdelay $0x4  }
0xa3: {  	v3 =	vand.u32 $0xFFFFFF80, v3  }
0xa4: {  	v38 =	vnsel vm0, $0x0, v3  }
0xa5: {  	(xrf0) =	vadd.scan.msk.s32 $0xffff, v38;
	_ =	sdelay $0x5  }
0xa6: {  	v39 =	vsel vm1, $0x0, v3;
	v4, _, _ =	vpop (xrf0)  }
0xa7: {  	(xrf0) =	vadd.scan.msk.s32 $0xffff, v39;
	(v2sf) =	vpush v4, $0xF;
	_ =	sdelay $0x5  }
0xa8: {  	v41 =	vsel vm2, $0x0, v3;
	v40, _, _ =	vpop (xrf0)  }
0xa9: {  	(xrf0) =	vadd.scan.msk.s32 $0xffff, v41;
	(v2sf) =	vpush v40, $0xF;
	_ =	sdelay $0x5  }
0xaa: {  	v43 =	vsel vm3, $0x0, v3;
	v42, _, _ =	vpop (xrf0)  }
0xab: {  	(xrf0) =	vadd.scan.msk.s32 $0xffff, v43;
	(v2sf) =	vpush v42, $0xF  }
0xac: {  	s21 =	spop (v2sf)  }
0xad: {  	p0 =	sgt.s32 s21, $0x0  }
0xae: {  	s21 =	simm.s32 @!p0 $0x0  }
0xaf: {  	s21 =	smin.u32 s21, $0xF4200  }
0xb0: {  	s21 =	sand.u32 $0xFFF80, s21  }
0xb1: {  	s28 =	simm.s32 $0x4200;
	v44, _, _ =	vpop (xrf0);
	s21 =	sadd.s32 s1, s21  }
0xb2: {  	v45 =	vsel vm4, $0x0, v3;
	(v2sf) =	vpush v44, $0xF;
	[tilespmem:s28], [sflag:$0x1] =	stream.linear.gather [hbm4b:s21+s3], $0x400, $0x38;
	[tilespmem:$0x11280] =	vst v63  }
0xb3: {  	(xrf0) =	vadd.scan.msk.s32 $0xffff, v45;
	s21 =	spop (v2sf)  }
0xb4: {  	p0 =	sgt.s32 s21, $0x0  }
0xb5: {  	s21 =	simm.s32 @!p0 $0x0  }
0xb6: {  	s21 =	smin.u32 s21, $0xF4200  }
0xb7: {  	s21 =	sand.u32 $0xFFF80, s21  }
0xb8: {  	s23 =	simm.s32 $0x4600;
	s21 =	sadd.s32 s1, s21  }
0xb9: {  	v46 =	vsel vm5, $0x0, v3;
	v4, _, _ =	vpop (xrf0);
	[tilespmem:s23], [sflag:$0x1] =	stream.linear.gather [hbm4b:s21+s3], $0x400, $0x38;
	[tilespmem:$0x11280] =	vst v63  }
0xba: {  	(xrf0) =	vadd.scan.msk.s32 $0xffff, v46;
	(v2sf) =	vpush v4, $0xF;
	s21 =	spop (v2sf)  }
0xbb: {  	p0 =	sgt.s32 s21, $0x0  }
0xbc: {  	s21 =	simm.s32 @!p0 $0x0  }
0xbd: {  	s21 =	smin.u32 s21, $0xF4200  }
0xbe: {  	s21 =	sand.u32 $0xFFF80, s21  }
0xbf: {  	s24 =	simm.s32 $0x4A00;
	s21 =	sadd.s32 s1, s21  }
0xc0: {  	v48 =	vsel vm6, $0x0, v3;
	v47, _, _ =	vpop (xrf0);
	[tilespmem:s24], [sflag:$0x1] =	stream.linear.gather [hbm4b:s21+s3], $0x400, $0x38;
	[tilespmem:$0x11280] =	vst v63  }
0xc1: {  	(xrf0) =	vadd.scan.msk.s32 $0xffff, v48;
	s21 =	spop (v2sf);
	(v2sf) =	vpush v47, $0xF;
	_ =	sdelay $0x1  }
0xc2: {  	p0 =	sgt.s32 s21, $0x0  }
0xc3: {  	s21 =	simm.s32 @!p0 $0x0  }
0xc4: {  	s21 =	smin.u32 s21, $0xF4200  }
0xc5: {  	v50 =	vsel vm7, $0x0, v3;
	s21 =	sand.u32 $0xFFF80, s21  }
0xc6: {  	s25 =	simm.s32 $0x4E00;
	v49, _, _ =	vpop (xrf0);
	(xrf0) =	vadd.scan.msk.s32 $0xffff, v50;
	s21 =	sadd.s32 s1, s21  }
0xc7: {  	(v2sf) =	vpush v49, $0xF;
	[tilespmem:s25], [sflag:$0x1] =	stream.linear.gather [hbm4b:s21+s3], $0x400, $0x38;
	[tilespmem:$0x11280] =	vst v63  }
0xc8: {  	s21 =	spop (v2sf)  }
0xc9: {  	p0 =	sgt.s32 s21, $0x0  }
0xca: {  	s21 =	simm.s32 @!p0 $0x0  }
0xcb: {  	s21 =	smin.u32 s21, $0xF4200  }
0xcc: {  	s21 =	sand.u32 $0xFFF80, s21  }
0xcd: {  	s26 =	simm.s32 $0x5200;
	v51, _, _ =	vpop (xrf0);
	s21 =	sadd.s32 s1, s21  }
0xce: {  	v52 =	vsel vm8, $0x0, v3;
	(v2sf) =	vpush v51, $0xF;
	[tilespmem:s26], [sflag:$0x1] =	stream.linear.gather [hbm4b:s21+s3], $0x400, $0x38;
	[tilespmem:$0x11280] =	vst v63  }
0xcf: {  	(xrf0) =	vadd.scan.msk.s32 $0xffff, v52;
	s21 =	spop (v2sf)  }
0xd0: {  	p0 =	sgt.s32 s21, $0x0  }
0xd1: {  	s21 =	simm.s32 @!p0 $0x0  }
0xd2: {  	s21 =	smin.u32 s21, $0xF4200  }
0xd3: {  	s21 =	sand.u32 $0xFFF80, s21  }
0xd4: {  	s28 =	simm.s32 $0x5600;
	s21 =	sadd.s32 s1, s21  }
0xd5: {  	v53 =	vsel vm9, $0x0, v3;
	v4, _, _ =	vpop (xrf0);
	[tilespmem:s28], [sflag:$0x1] =	stream.linear.gather [hbm4b:s21+s3], $0x400, $0x38;
	[tilespmem:$0x11280] =	vst v63  }
0xd6: {  	(xrf0) =	vadd.scan.msk.s32 $0xffff, v53;
	(v2sf) =	vpush v4, $0xF;
	s21 =	spop (v2sf)  }
0xd7: {  	p0 =	sgt.s32 s21, $0x0  }
0xd8: {  	s21 =	simm.s32 @!p0 $0x0  }
0xd9: {  	s21 =	smin.u32 s21, $0xF4200  }
0xda: {  	s21 =	sand.u32 $0xFFF80, s21  }
0xdb: {  	s23 =	simm.s32 $0x5A00;
	s21 =	sadd.s32 s1, s21  }
0xdc: {  	v55 =	vsel vm10, $0x0, v3;
	v54, _, _ =	vpop (xrf0);
	[tilespmem:s23], [sflag:$0x1] =	stream.linear.gather [hbm4b:s21+s3], $0x400, $0x38;
	[tilespmem:$0x11280] =	vst v63  }
0xdd: {  	(xrf0) =	vadd.scan.msk.s32 $0xffff, v55;
	s21 =	spop (v2sf);
	(v2sf) =	vpush v54, $0xF;
	_ =	sdelay $0x1  }
0xde: {  	p0 =	sgt.s32 s21, $0x0  }
0xdf: {  	s21 =	simm.s32 @!p0 $0x0  }
0xe0: {  	s21 =	smin.u32 s21, $0xF4200  }
0xe1: {  	v57 =	vsel vm11, $0x0, v3;
	s21 =	sand.u32 $0xFFF80, s21  }
0xe2: {  	s24 =	simm.s32 $0x5E00;
	v56, _, _ =	vpop (xrf0);
	(xrf0) =	vadd.scan.msk.s32 $0xffff, v57;
	s21 =	sadd.s32 s1, s21  }
0xe3: {  	(v2sf) =	vpush v56, $0xF;
	[tilespmem:s24], [sflag:$0x1] =	stream.linear.gather [hbm4b:s21+s3], $0x400, $0x38;
	[tilespmem:$0x11280] =	vst v63  }
0xe4: {  	s21 =	spop (v2sf)  }
0xe5: {  	p0 =	sgt.s32 s21, $0x0  }
0xe6: {  	s21 =	simm.s32 @!p0 $0x0  }
0xe7: {  	s21 =	smin.u32 s21, $0xF4200  }
0xe8: {  	v59 =	vsel vm12, $0x0, v3;
	s21 =	sand.u32 $0xFFF80, s21  }
0xe9: {  	s25 =	simm.s32 $0x6200;
	v58, _, _ =	vpop (xrf0);
	(xrf0) =	vadd.scan.msk.s32 $0xffff, v59;
	s21 =	sadd.s32 s1, s21  }
0xea: {  	(v2sf) =	vpush v58, $0xF;
	[tilespmem:s25], [sflag:$0x1] =	stream.linear.gather [hbm4b:s21+s3], $0x400, $0x38;
	[tilespmem:$0x11280] =	vst v63  }
0xeb: {  	s21 =	spop (v2sf)  }
0xec: {  	p0 =	sgt.s32 s21, $0x0  }
0xed: {  	s21 =	simm.s32 @!p0 $0x0  }
0xee: {  	s21 =	smin.u32 s21, $0xF4200  }
0xef: {  	v60 =	vsel vm13, $0x0, v3;
	s21 =	sand.u32 $0xFFF80, s21  }
0xf0: {  	s26 =	simm.s32 $0x6600;
	v4, _, _ =	vpop (xrf0);
	(xrf0) =	vadd.scan.msk.s32 $0xffff, v60;
	s21 =	sadd.s32 s1, s21  }
0xf1: {  	(v2sf) =	vpush v4, $0xF;
	[tilespmem:s26], [sflag:$0x1] =	stream.linear.gather [hbm4b:s21+s3], $0x400, $0x38;
	[tilespmem:$0x11280] =	vst v63  }
0xf2: {  	s21 =	spop (v2sf)  }
0xf3: {  	p0 =	sgt.s32 s21, $0x0  }
0xf4: {  	s21 =	simm.s32 @!p0 $0x0  }
0xf5: {  	s21 =	smin.u32 s21, $0xF4200  }
0xf6: {  	v62 =	vsel vm14, $0x0, v3;
	s21 =	sand.u32 $0xFFF80, s21  }
0xf7: {  	s28 =	simm.s32 $0x6A00;
	v61, _, _ =	vpop (xrf0);
	(xrf0) =	vadd.scan.msk.s32 $0xffff, v62;
	s21 =	sadd.s32 s1, s21  }
0xf8: {  	(v2sf) =	vpush v61, $0xF;
	[tilespmem:s28], [sflag:$0x1] =	stream.linear.gather [hbm4b:s21+s3], $0x400, $0x38;
	[tilespmem:$0x11280] =	vst v63  }
0xf9: {  	s21 =	spop (v2sf)  }
0xfa: {  	p0 =	sgt.s32 s21, $0x0  }
0xfb: {  	s21 =	simm.s32 @!p0 $0x0  }
0xfc: {  	s21 =	smin.u32 s21, $0xF4200  }
0xfd: {  	v3 =	vsel vm15, $0x0, v3;
	s21 =	sand.u32 $0xFFF80, s21  }
0xfe: {  	s23 =	simm.s32 $0x6E00;
	v63, _, _ =	vpop (xrf0);
	(xrf0) =	vadd.scan.msk.s32 $0xffff, v3;
	s21 =	sadd.s32 s1, s21  }
0xff: {  	(v2sf) =	vpush v63, $0xF;
	[tilespmem:s23], [sflag:$0x1] =	stream.linear.gather [hbm4b:s21+s3], $0x400, $0x38;
	[tilespmem:$0x11280] =	vst v63  }
0x100: {  	s21 =	spop (v2sf)  }
0x101: {  	p0 =	sgt.s32 s21, $0x0  }
0x102: {  	s21 =	simm.s32 @!p0 $0x0  }
0x103: {  	s21 =	smin.u32 s21, $0xF4200  }
0x104: {  	s21 =	sand.u32 $0xFFF80, s21  }
0x105: {  	s24 =	simm.s32 $0x7200;
	v3, _, _ =	vpop (xrf0);
	s21 =	sadd.s32 s1, s21  }
0x106: {  	(v2sf) =	vpush v3, $0xF;
	[tilespmem:s24], [sflag:$0x1] =	stream.linear.gather [hbm4b:s21+s3], $0x400, $0x38;
	[tilespmem:$0x11280] =	vst v63  }
0x107: {  	s21 =	spop (v2sf)  }
0x108: {  	p0 =	sgt.s32 s21, $0x0  }
0x109: {  	s21 =	simm.s32 @!p0 $0x0  }
0x10a: {  	s21 =	smin.u32 s21, $0xF4200  }
0x10b: {  	s21 =	sand.u32 $0xFFF80, s21  }
0x10c: {  	s25 =	simm.s32 $0x7600;
	s21 =	sadd.s32 s1, s21  }
0x10d: {  	[tilespmem:s25], [sflag:$0x1] =	stream.linear.gather [hbm4b:s21+s3], $0x400, $0x38;
	[tilespmem:$0x11280] =	vst v63  }
0x10e: {  	s21 =	spop (v2sf)  }
0x10f: {  	p0 =	sgt.s32 s21, $0x0  }
0x110: {  	s21 =	simm.s32 @!p0 $0x0  }
0x111: {  	s21 =	smin.u32 s21, $0xF4200  }
0x112: {  	s21 =	sand.u32 $0xFFF80, s21  }
0x113: {  	s26 =	simm.s32 $0x7A00;
	s21 =	sadd.s32 s1, s21  }
0x114: {  	[tilespmem:s26], [sflag:$0x1] =	stream.linear.gather [hbm4b:s21+s3], $0x400, $0x38;
	[tilespmem:$0x11280] =	vst v63  }
0x115: {  	s21 =	spop (v2sf)  }
0x116: {  	p0 =	sgt.s32 s21, $0x0  }
0x117: {  	s21 =	simm.s32 @!p0 $0x0  }
.Ltmp2:
0x118: {  	s21 =	smin.u32 s21, $0xF4200;
	(pc) =	sbr.rel .LBB2_2-.Ltmp2, $4  }
0x119: {  	s21 =	sand.u32 $0xFFF80, s21  }
0x11a: {  	s28 =	simm.s32 $0x7E00;
	s21 =	sadd.s32 s1, s21  }
0x11b: {  	[tilespmem:s28], [sflag:$0x1] =	stream.linear.gather [hbm4b:s21+s3], $0x400, $0x38;
	[tilespmem:$0x11280] =	vst v63  }
0x11c: {  	s21 =	simm.s32 $0x0  }
.LBB2_10:
0x11d: {  	s25 =	sand.u32 $0x80, s22  }
0x11e: {  	v5 =	vmul.f32 v7, v2;
	s26 =	sand.u32 $0x70, s22;
	s25 =	sadd.s32 s25, s23  }
0x11f: {  	s25 =	sadd.s32 s26, s25  }
0x120: {  	[tilespmem:s25+$0x0] =	vst v5  }
0x121: {  	v5 =	vld.idx.msk [tilespmem:v6+s3+$0x0], $0xffff;
	_ =	sdelay $0x2  }
0x122: {  	v63 =	vmov s24  }
0x123: {  	v6 =	vshll.u32 v63, $0xA  }
0x124: {  	v3 =	vor.u32 v3, v6;
	v5 =	vand.u32 $0x7F, v5  }
0x125: {  	v3 =	vor.u32 v5, v3  }
0x126: {  	v3 =	vor.u32 v4, v3;
	_ =	sdelay $0x4  }
0x127: {  	v3 =	vld.idx.msk [tilespmem:v3+s14+$0x0], $0xffff;
	_ =	sdelay $0x2  }
0x128: {  	s25 =	sadd.s32 $0x10, s22  }
0x129: {  	s26 =	sand.u32 $0x80, s25  }
0x12a: {  	s22 =	sand.u32 $0x70, s25;
	s28 =	sadd.s32 s26, s23;
	v3 =	vmul.f32 v3, v2  }
0x12b: {  	s22 =	sadd.s32 s22, s28  }
0x12c: {  	[tilespmem:s22+$0x0] =	vst v3  }
.LBB2_11:
0x12d: {  	s21 =	sadd.s32 $0x1, s21  }
0x12e: {  	p0 =	sne.s32 s21, $0x10  }
.Ltmp3:
0x12f: {  	_ = 	snop;
	(pc) =	sbr.rel @!p0 .LBB2_12-.Ltmp3, $1  }
0x130: {  	_ =	sdelay $0x3  }
.LBB2_2:
0x131: {  	s22 =	sand.u32 $0x1, s21  }
0x132: {  	p0 =	seq.s32 s22, $0x1  }
.Ltmp4:
0x133: {  	_ = 	snop;
	(pc) =	sbr.rel @p0 .LBB2_6-.Ltmp4, $1  }
0x134: {  	_ =	sdelay $0x3  }
0x135: {  	s23 =	sshll.u32 s21, $0x5  }
0x136: {  	v3 =	vld [tilespmem:s23+$0x20];
	_ =	sdelay $0x4  }
0x137: {  	v3 =	vand.u32 $0xFFFFFF80, v3  }
0x138: {  	v4 =	vnsel vm0, $0x0, v3  }
0x139: {  	(xrf0) =	vadd.scan.msk.s32 $0xffff, v4;
	_ =	sdelay $0x5  }
0x13a: {  	v5 =	vsel vm1, $0x0, v3;
	v4, _, _ =	vpop (xrf0)  }
0x13b: {  	(xrf0) =	vadd.scan.msk.s32 $0xffff, v5;
	(v2sf) =	vpush v4, $0xF;
	_ =	sdelay $0x5  }
0x13c: {  	v5 =	vsel vm2, $0x0, v3;
	v4, _, _ =	vpop (xrf0)  }
0x13d: {  	(xrf0) =	vadd.scan.msk.s32 $0xffff, v5;
	(v2sf) =	vpush v4, $0xF;
	_ =	sdelay $0x5  }
0x13e: {  	v5 =	vsel vm3, $0x0, v3;
	v4, _, _ =	vpop (xrf0)  }
0x13f: {  	(xrf0) =	vadd.scan.msk.s32 $0xffff, v5;
	(v2sf) =	vpush v4, $0xF  }
0x140: {  	s22 =	spop (v2sf)  }
0x141: {  	p0 =	sgt.s32 s22, $0x0  }
0x142: {  	s22 =	simm.s32 @!p0 $0x0  }
0x143: {  	s22 =	smin.u32 s22, $0xF4200  }
0x144: {  	s22 =	sand.u32 $0xFFF80, s22  }
0x145: {  	v4, _, _ =	vpop (xrf0);
	s24 =	sadd.s32 s1, s22;
	s22 =	simm.s32 $0x0  }
0x146: {  	(v2sf) =	vpush v4, $0xF;
	v4 =	vsel vm4, $0x0, v3;
	[tilespmem:s14], [sflag:$0x2] =	stream.linear.gather [hbm4b:s24+s22], $0x400, $0x38;
	[tilespmem:$0x11280] =	vst v63  }
0x147: {  	(xrf0) =	vadd.scan.msk.s32 $0xffff, v4;
	s24 =	spop (v2sf)  }
0x148: {  	p0 =	sgt.s32 s24, $0x0  }
0x149: {  	s24 =	simm.s32 @!p0 $0x0  }
0x14a: {  	s24 =	smin.u32 s24, $0xF4200  }
0x14b: {  	s24 =	sand.u32 $0xFFF80, s24  }
0x14c: {  	s25 =	simm.s32 $0x8600;
	s24 =	sadd.s32 s1, s24  }
0x14d: {  	v5 =	vsel vm5, $0x0, v3;
	v4, _, _ =	vpop (xrf0);
	[tilespmem:s25], [sflag:$0x2] =	stream.linear.gather [hbm4b:s24+s22], $0x400, $0x38;
	[tilespmem:$0x11280] =	vst v63  }
0x14e: {  	(xrf0) =	vadd.scan.msk.s32 $0xffff, v5;
	(v2sf) =	vpush v4, $0xF;
	s24 =	spop (v2sf)  }
0x14f: {  	p0 =	sgt.s32 s24, $0x0  }
0x150: {  	s24 =	simm.s32 @!p0 $0x0  }
0x151: {  	s24 =	smin.u32 s24, $0xF4200  }
0x152: {  	s24 =	sand.u32 $0xFFF80, s24  }
0x153: {  	s28 =	simm.s32 $0x8A00;
	s24 =	sadd.s32 s1, s24  }
0x154: {  	v5 =	vsel vm6, $0x0, v3;
	v4, _, _ =	vpop (xrf0);
	[tilespmem:s28], [sflag:$0x2] =	stream.linear.gather [hbm4b:s24+s22], $0x400, $0x38;
	[tilespmem:$0x11280] =	vst v63  }
0x155: {  	(xrf0) =	vadd.scan.msk.s32 $0xffff, v5;
	s24 =	spop (v2sf);
	(v2sf) =	vpush v4, $0xF;
	_ =	sdelay $0x1  }
0x156: {  	p0 =	sgt.s32 s24, $0x0  }
0x157: {  	s24 =	simm.s32 @!p0 $0x0  }
0x158: {  	s24 =	smin.u32 s24, $0xF4200  }
0x159: {  	v5 =	vsel vm7, $0x0, v3;
	s24 =	sand.u32 $0xFFF80, s24  }
0x15a: {  	s26 =	simm.s32 $0x8E00;
	v4, _, _ =	vpop (xrf0);
	(xrf0) =	vadd.scan.msk.s32 $0xffff, v5;
	s24 =	sadd.s32 s1, s24  }
0x15b: {  	(v2sf) =	vpush v4, $0xF;
	[tilespmem:s26], [sflag:$0x2] =	stream.linear.gather [hbm4b:s24+s22], $0x400, $0x38;
	[tilespmem:$0x11280] =	vst v63  }
0x15c: {  	s24 =	spop (v2sf)  }
0x15d: {  	p0 =	sgt.s32 s24, $0x0  }
0x15e: {  	s24 =	simm.s32 @!p0 $0x0  }
0x15f: {  	s24 =	smin.u32 s24, $0xF4200  }
0x160: {  	s24 =	sand.u32 $0xFFF80, s24  }
0x161: {  	s28 =	simm.s32 $0x9200;
	v4, _, _ =	vpop (xrf0);
	s24 =	sadd.s32 s1, s24  }
0x162: {  	(v2sf) =	vpush v4, $0xF;
	v4 =	vsel vm8, $0x0, v3;
	[tilespmem:s28], [sflag:$0x2] =	stream.linear.gather [hbm4b:s24+s22], $0x400, $0x38;
	[tilespmem:$0x11280] =	vst v63  }
0x163: {  	(xrf0) =	vadd.scan.msk.s32 $0xffff, v4;
	s24 =	spop (v2sf)  }
0x164: {  	p0 =	sgt.s32 s24, $0x0  }
0x165: {  	s24 =	simm.s32 @!p0 $0x0  }
0x166: {  	s24 =	smin.u32 s24, $0xF4200  }
0x167: {  	s24 =	sand.u32 $0xFFF80, s24  }
0x168: {  	s26 =	simm.s32 $0x9600;
	s24 =	sadd.s32 s1, s24  }
0x169: {  	v5 =	vsel vm9, $0x0, v3;
	v4, _, _ =	vpop (xrf0);
	[tilespmem:s26], [sflag:$0x2] =	stream.linear.gather [hbm4b:s24+s22], $0x400, $0x38;
	[tilespmem:$0x11280] =	vst v63  }
0x16a: {  	(xrf0) =	vadd.scan.msk.s32 $0xffff, v5;
	(v2sf) =	vpush v4, $0xF;
	s24 =	spop (v2sf)  }
0x16b: {  	p0 =	sgt.s32 s24, $0x0  }
0x16c: {  	s24 =	simm.s32 @!p0 $0x0  }
0x16d: {  	s24 =	smin.u32 s24, $0xF4200  }
0x16e: {  	s24 =	sand.u32 $0xFFF80, s24  }
0x16f: {  	s28 =	simm.s32 $0x9A00;
	s24 =	sadd.s32 s1, s24  }
0x170: {  	v5 =	vsel vm10, $0x0, v3;
	v4, _, _ =	vpop (xrf0);
	[tilespmem:s28], [sflag:$0x2] =	stream.linear.gather [hbm4b:s24+s22], $0x400, $0x38;
	[tilespmem:$0x11280] =	vst v63  }
0x171: {  	(xrf0) =	vadd.scan.msk.s32 $0xffff, v5;
	s24 =	spop (v2sf);
	(v2sf) =	vpush v4, $0xF;
	_ =	sdelay $0x1  }
0x172: {  	p0 =	sgt.s32 s24, $0x0  }
0x173: {  	s24 =	simm.s32 @!p0 $0x0  }
0x174: {  	s24 =	smin.u32 s24, $0xF4200  }
0x175: {  	v5 =	vsel vm11, $0x0, v3;
	s24 =	sand.u32 $0xFFF80, s24  }
0x176: {  	s26 =	simm.s32 $0x9E00;
	v4, _, _ =	vpop (xrf0);
	(xrf0) =	vadd.scan.msk.s32 $0xffff, v5;
	s24 =	sadd.s32 s1, s24  }
0x177: {  	(v2sf) =	vpush v4, $0xF;
	[tilespmem:s26], [sflag:$0x2] =	stream.linear.gather [hbm4b:s24+s22], $0x400, $0x38;
	[tilespmem:$0x11280] =	vst v63  }
0x178: {  	s24 =	spop (v2sf)  }
0x179: {  	p0 =	sgt.s32 s24, $0x0  }
0x17a: {  	s24 =	simm.s32 @!p0 $0x0  }
0x17b: {  	s24 =	smin.u32 s24, $0xF4200  }
0x17c: {  	s24 =	sand.u32 $0xFFF80, s24  }
0x17d: {  	s28 =	simm.s32 $0xA200;
	v4, _, _ =	vpop (xrf0);
	s24 =	sadd.s32 s1, s24  }
0x17e: {  	(v2sf) =	vpush v4, $0xF;
	v4 =	vsel vm12, $0x0, v3;
	[tilespmem:s28], [sflag:$0x2] =	stream.linear.gather [hbm4b:s24+s22], $0x400, $0x38;
	[tilespmem:$0x11280] =	vst v63  }
0x17f: {  	(xrf0) =	vadd.scan.msk.s32 $0xffff, v4;
	s24 =	spop (v2sf)  }
0x180: {  	p0 =	sgt.s32 s24, $0x0  }
0x181: {  	s24 =	simm.s32 @!p0 $0x0  }
0x182: {  	s24 =	smin.u32 s24, $0xF4200  }
0x183: {  	s24 =	sand.u32 $0xFFF80, s24  }
0x184: {  	s26 =	simm.s32 $0xA600;
	s24 =	sadd.s32 s1, s24  }
0x185: {  	v5 =	vsel vm13, $0x0, v3;
	v4, _, _ =	vpop (xrf0);
	[tilespmem:s26], [sflag:$0x2] =	stream.linear.gather [hbm4b:s24+s22], $0x400, $0x38;
	[tilespmem:$0x11280] =	vst v63  }
0x186: {  	(xrf0) =	vadd.scan.msk.s32 $0xffff, v5;
	(v2sf) =	vpush v4, $0xF;
	s24 =	spop (v2sf)  }
0x187: {  	p0 =	sgt.s32 s24, $0x0  }
0x188: {  	s24 =	simm.s32 @!p0 $0x0  }
0x189: {  	s24 =	smin.u32 s24, $0xF4200  }
0x18a: {  	s24 =	sand.u32 $0xFFF80, s24  }
0x18b: {  	s28 =	simm.s32 $0xAA00;
	s24 =	sadd.s32 s1, s24  }
0x18c: {  	v5 =	vsel vm14, $0x0, v3;
	v4, _, _ =	vpop (xrf0);
	[tilespmem:s28], [sflag:$0x2] =	stream.linear.gather [hbm4b:s24+s22], $0x400, $0x38;
	[tilespmem:$0x11280] =	vst v63  }
0x18d: {  	(xrf0) =	vadd.scan.msk.s32 $0xffff, v5;
	s24 =	spop (v2sf);
	(v2sf) =	vpush v4, $0xF;
	_ =	sdelay $0x1  }
0x18e: {  	p0 =	sgt.s32 s24, $0x0  }
0x18f: {  	s24 =	simm.s32 @!p0 $0x0  }
0x190: {  	s24 =	smin.u32 s24, $0xF4200  }
0x191: {  	v3 =	vsel vm15, $0x0, v3;
	s24 =	sand.u32 $0xFFF80, s24  }
0x192: {  	s26 =	simm.s32 $0xAE00;
	v4, _, _ =	vpop (xrf0);
	(xrf0) =	vadd.scan.msk.s32 $0xffff, v3;
	s24 =	sadd.s32 s1, s24  }
0x193: {  	(v2sf) =	vpush v4, $0xF;
	[tilespmem:s26], [sflag:$0x2] =	stream.linear.gather [hbm4b:s24+s22], $0x400, $0x38;
	[tilespmem:$0x11280] =	vst v63  }
0x194: {  	s24 =	spop (v2sf)  }
0x195: {  	p0 =	sgt.s32 s24, $0x0  }
0x196: {  	s24 =	simm.s32 @!p0 $0x0  }
0x197: {  	s24 =	smin.u32 s24, $0xF4200  }
0x198: {  	s24 =	sand.u32 $0xFFF80, s24  }
0x199: {  	s28 =	simm.s32 $0xB200;
	v3, _, _ =	vpop (xrf0);
	s24 =	sadd.s32 s1, s24  }
0x19a: {  	(v2sf) =	vpush v3, $0xF;
	[tilespmem:s28], [sflag:$0x2] =	stream.linear.gather [hbm4b:s24+s22], $0x400, $0x38;
	[tilespmem:$0x11280] =	vst v63  }
0x19b: {  	s24 =	spop (v2sf)  }
0x19c: {  	p0 =	sgt.s32 s24, $0x0  }
0x19d: {  	s24 =	simm.s32 @!p0 $0x0  }
0x19e: {  	s24 =	smin.u32 s24, $0xF4200  }
0x19f: {  	s24 =	sand.u32 $0xFFF80, s24  }
0x1a0: {  	s26 =	simm.s32 $0xB600;
	s24 =	sadd.s32 s1, s24  }
0x1a1: {  	[tilespmem:s26], [sflag:$0x2] =	stream.linear.gather [hbm4b:s24+s22], $0x400, $0x38;
	[tilespmem:$0x11280] =	vst v63  }
0x1a2: {  	s24 =	spop (v2sf)  }
0x1a3: {  	p0 =	sgt.s32 s24, $0x0  }
0x1a4: {  	s24 =	simm.s32 @!p0 $0x0  }
0x1a5: {  	s24 =	smin.u32 s24, $0xF4200  }
0x1a6: {  	s24 =	sand.u32 $0xFFF80, s24  }
0x1a7: {  	s24 =	sadd.s32 s1, s24  }
0x1a8: {  	[tilespmem:s29], [sflag:$0x2] =	stream.linear.gather [hbm4b:s24+s22], $0x400, $0x38;
	[tilespmem:$0x11280] =	vst v63  }
0x1a9: {  	s24 =	spop (v2sf)  }
0x1aa: {  	p0 =	sgt.s32 s24, $0x0  }
0x1ab: {  	s24 =	simm.s32 @!p0 $0x0  }
0x1ac: {  	s24 =	smin.u32 s24, $0xF4200  }
0x1ad: {  	s24 =	sand.u32 $0xFFF80, s24  }
0x1ae: {  	s24 =	sadd.s32 s1, s24  }
0x1af: {  	[tilespmem:s30], [sflag:$0x2] =	stream.linear.gather [hbm4b:s24+s22], $0x400, $0x38;
	[tilespmem:$0x11280] =	vst v63  }
0x1b0: {  	v3 =	vld [tilespmem:s23+$0x30];
	_ =	sdelay $0x4  }
0x1b1: {  	v3 =	vand.u32 $0xFFFFFF80, v3  }
0x1b2: {  	v4 =	vnsel vm0, $0x0, v3  }
0x1b3: {  	(xrf0) =	vadd.scan.msk.s32 $0xffff, v4;
	_ =	sdelay $0x5  }
0x1b4: {  	v4, _, _ =	vpop (xrf0)  }
0x1b5: {  	(v2sf) =	vpush v4, $0xF;
	v4 =	vsel vm1, $0x0, v3  }
0x1b6: {  	(xrf0) =	vadd.scan.msk.s32 $0xffff, v4;
	_ =	sdelay $0x5  }
0x1b7: {  	v5 =	vsel vm2, $0x0, v3;
	v4, _, _ =	vpop (xrf0)  }
0x1b8: {  	(xrf0) =	vadd.scan.msk.s32 $0xffff, v5;
	(v2sf) =	vpush v4, $0xF;
	_ =	sdelay $0x5  }
0x1b9: {  	v5 =	vsel vm3, $0x0, v3;
	v4, _, _ =	vpop (xrf0)  }
0x1ba: {  	(xrf0) =	vadd.scan.msk.s32 $0xffff, v5;
	(v2sf) =	vpush v4, $0xF  }
0x1bb: {  	s24 =	spop (v2sf)  }
0x1bc: {  	p0 =	sgt.s32 s24, $0x0  }
0x1bd: {  	s24 =	simm.s32 @!p0 $0x0  }
0x1be: {  	s24 =	smin.u32 s24, $0xF4200  }
0x1bf: {  	v5 =	vsel vm4, $0x0, v3;
	s24 =	sand.u32 $0xFFF80, s24  }
0x1c0: {  	v4, _, _ =	vpop (xrf0);
	(xrf0) =	vadd.scan.msk.s32 $0xffff, v5;
	s24 =	sadd.s32 s1, s24  }
0x1c1: {  	(v2sf) =	vpush v4, $0xF;
	[tilespmem:s31], [sflag:$0x2] =	stream.linear.gather [hbm4b:s24+s22], $0x400, $0x38;
	[tilespmem:$0x11280] =	vst v63  }
0x1c2: {  	s24 =	spop (v2sf)  }
0x1c3: {  	p0 =	sgt.s32 s24, $0x0  }
0x1c4: {  	s24 =	simm.s32 @!p0 $0x0  }
0x1c5: {  	s24 =	smin.u32 s24, $0xF4200  }
0x1c6: {  	s24 =	sand.u32 $0xFFF80, s24  }
0x1c7: {  	v4, _, _ =	vpop (xrf0);
	s24 =	sadd.s32 s1, s24  }
0x1c8: {  	(v2sf) =	vpush v4, $0xF;
	v4 =	vsel vm5, $0x0, v3;
	[tilespmem:s0], [sflag:$0x2] =	stream.linear.gather [hbm4b:s24+s22], $0x400, $0x38;
	[tilespmem:$0x11280] =	vst v63  }
0x1c9: {  	(xrf0) =	vadd.scan.msk.s32 $0xffff, v4;
	s24 =	spop (v2sf)  }
0x1ca: {  	p0 =	sgt.s32 s24, $0x0  }
0x1cb: {  	s24 =	simm.s32 @!p0 $0x0  }
0x1cc: {  	s24 =	smin.u32 s24, $0xF4200  }
0x1cd: {  	s24 =	sand.u32 $0xFFF80, s24  }
0x1ce: {  	s24 =	sadd.s32 s1, s24  }
0x1cf: {  	v5 =	vsel vm6, $0x0, v3;
	v4, _, _ =	vpop (xrf0);
	[tilespmem:s2], [sflag:$0x2] =	stream.linear.gather [hbm4b:s24+s22], $0x400, $0x38;
	[tilespmem:$0x11280] =	vst v63  }
0x1d0: {  	(xrf0) =	vadd.scan.msk.s32 $0xffff, v5;
	(v2sf) =	vpush v4, $0xF;
	s24 =	spop (v2sf)  }
0x1d1: {  	p0 =	sgt.s32 s24, $0x0  }
0x1d2: {  	s24 =	simm.s32 @!p0 $0x0  }
0x1d3: {  	s24 =	smin.u32 s24, $0xF4200  }
0x1d4: {  	s24 =	sand.u32 $0xFFF80, s24  }
0x1d5: {  	s24 =	sadd.s32 s1, s24  }
0x1d6: {  	v5 =	vsel vm7, $0x0, v3;
	v4, _, _ =	vpop (xrf0);
	[tilespmem:s8], [sflag:$0x2] =	stream.linear.gather [hbm4b:s24+s22], $0x400, $0x38;
	[tilespmem:$0x11280] =	vst v63  }
0x1d7: {  	(xrf0) =	vadd.scan.msk.s32 $0xffff, v5;
	s24 =	spop (v2sf);
	(v2sf) =	vpush v4, $0xF;
	_ =	sdelay $0x1  }
0x1d8: {  	p0 =	sgt.s32 s24, $0x0  }
0x1d9: {  	s24 =	simm.s32 @!p0 $0x0  }
0x1da: {  	s24 =	smin.u32 s24, $0xF4200  }
0x1db: {  	v5 =	vsel vm8, $0x0, v3;
	s24 =	sand.u32 $0xFFF80, s24  }
0x1dc: {  	v4, _, _ =	vpop (xrf0);
	(xrf0) =	vadd.scan.msk.s32 $0xffff, v5;
	s24 =	sadd.s32 s1, s24  }
0x1dd: {  	(v2sf) =	vpush v4, $0xF;
	[tilespmem:s4], [sflag:$0x2] =	stream.linear.gather [hbm4b:s24+s22], $0x400, $0x38;
	[tilespmem:$0x11280] =	vst v63  }
0x1de: {  	s24 =	spop (v2sf)  }
0x1df: {  	p0 =	sgt.s32 s24, $0x0  }
0x1e0: {  	s24 =	simm.s32 @!p0 $0x0  }
0x1e1: {  	s24 =	smin.u32 s24, $0xF4200  }
0x1e2: {  	s24 =	sand.u32 $0xFFF80, s24  }
0x1e3: {  	v4, _, _ =	vpop (xrf0);
	s24 =	sadd.s32 s1, s24  }
0x1e4: {  	(v2sf) =	vpush v4, $0xF;
	v4 =	vsel vm9, $0x0, v3;
	[tilespmem:s5], [sflag:$0x2] =	stream.linear.gather [hbm4b:s24+s22], $0x400, $0x38;
	[tilespmem:$0x11280] =	vst v63  }
0x1e5: {  	(xrf0) =	vadd.scan.msk.s32 $0xffff, v4;
	s24 =	spop (v2sf)  }
0x1e6: {  	p0 =	sgt.s32 s24, $0x0  }
0x1e7: {  	s24 =	simm.s32 @!p0 $0x0  }
0x1e8: {  	s24 =	smin.u32 s24, $0xF4200  }
0x1e9: {  	s24 =	sand.u32 $0xFFF80, s24  }
0x1ea: {  	s24 =	sadd.s32 s1, s24  }
0x1eb: {  	v5 =	vsel vm10, $0x0, v3;
	v4, _, _ =	vpop (xrf0);
	[tilespmem:s6], [sflag:$0x2] =	stream.linear.gather [hbm4b:s24+s22], $0x400, $0x38;
	[tilespmem:$0x11280] =	vst v63  }
0x1ec: {  	(xrf0) =	vadd.scan.msk.s32 $0xffff, v5;
	(v2sf) =	vpush v4, $0xF;
	s24 =	spop (v2sf)  }
0x1ed: {  	p0 =	sgt.s32 s24, $0x0  }
0x1ee: {  	s24 =	simm.s32 @!p0 $0x0  }
0x1ef: {  	s24 =	smin.u32 s24, $0xF4200  }
0x1f0: {  	s24 =	sand.u32 $0xFFF80, s24  }
0x1f1: {  	s24 =	sadd.s32 s1, s24  }
0x1f2: {  	v5 =	vsel vm11, $0x0, v3;
	v4, _, _ =	vpop (xrf0);
	[tilespmem:s7], [sflag:$0x2] =	stream.linear.gather [hbm4b:s24+s22], $0x400, $0x38;
	[tilespmem:$0x11280] =	vst v63  }
0x1f3: {  	(xrf0) =	vadd.scan.msk.s32 $0xffff, v5;
	s24 =	spop (v2sf);
	(v2sf) =	vpush v4, $0xF;
	_ =	sdelay $0x1  }
0x1f4: {  	p0 =	sgt.s32 s24, $0x0  }
0x1f5: {  	s24 =	simm.s32 @!p0 $0x0  }
0x1f6: {  	s24 =	smin.u32 s24, $0xF4200  }
0x1f7: {  	v5 =	vsel vm12, $0x0, v3;
	s24 =	sand.u32 $0xFFF80, s24  }
0x1f8: {  	(xrf0) =	vadd.scan.msk.s32 $0xffff, v5;
	v4, _, _ =	vpop (xrf0);
	s24 =	sadd.s32 s1, s24  }
0x1f9: {  	(v2sf) =	vpush v4, $0xF;
	[tilespmem:s9], [sflag:$0x2] =	stream.linear.gather [hbm4b:s24+s22], $0x400, $0x38;
	[tilespmem:$0x11280] =	vst v63  }
0x1fa: {  	s24 =	spop (v2sf)  }
0x1fb: {  	v4 =	vsel vm13, $0x0, v3;
	p0 =	sgt.s32 s24, $0x0  }
0x1fc: {  	(xrf0) =	vadd.scan.msk.s32 $0xffff, v4;
	s24 =	simm.s32 @!p0 $0x0  }
0x1fd: {  	s24 =	smin.u32 s24, $0xF4200  }
0x1fe: {  	s24 =	sand.u32 $0xFFF80, s24  }
0x1ff: {  	v4, _, _ =	vpop (xrf0);
	s24 =	sadd.s32 s1, s24  }
0x200: {  	(v2sf) =	vpush v4, $0xF;
	[tilespmem:s11], [sflag:$0x2] =	stream.linear.gather [hbm4b:s24+s22], $0x400, $0x38;
	[tilespmem:$0x11280] =	vst v63  }
0x201: {  	v4 =	vsel vm14, $0x0, v3;
	s24 =	spop (v2sf)  }
0x202: {  	(xrf0) =	vadd.scan.msk.s32 $0xffff, v4;
	v5, _, _ =	vpop (xrf0);
	p0 =	sgt.s32 s24, $0x0  }
0x203: {  	(v2sf) =	vpush v5, $0xF;
	s24 =	simm.s32 @!p0 $0x0  }
0x204: {  	s24 =	smin.u32 s24, $0xF4200  }
0x205: {  	s24 =	sand.u32 $0xFFF80, s24  }
0x206: {  	s24 =	sadd.s32 s1, s24  }
0x207: {  	[tilespmem:s12], [sflag:$0x2] =	stream.linear.gather [hbm4b:s24+s22], $0x400, $0x38;
	[tilespmem:$0x11280] =	vst v63  }
0x208: {  	v4, _, _ =	vpop (xrf0);
	s24 =	spop (v2sf)  }
0x209: {  	v3 =	vsel vm15, $0x0, v3;
	(v2sf) =	vpush v4, $0xF;
	p0 =	sgt.s32 s24, $0x0  }
0x20a: {  	(xrf0) =	vadd.scan.msk.s32 $0xffff, v3;
	s24 =	simm.s32 @!p0 $0x0  }
0x20b: {  	s24 =	smin.u32 s24, $0xF4200  }
0x20c: {  	s24 =	sand.u32 $0xFFF80, s24  }
0x20d: {  	s24 =	sadd.s32 s1, s24  }
0x20e: {  	[tilespmem:s13], [sflag:$0x2] =	stream.linear.gather [hbm4b:s24+s22], $0x400, $0x38;
	[tilespmem:$0x11280] =	vst v63  }
0x20f: {  	s24 =	spop (v2sf)  }
0x210: {  	v3, _, _ =	vpop (xrf0);
	p0 =	sgt.s32 s24, $0x0  }
0x211: {  	(v2sf) =	vpush v3, $0xF;
	s24 =	simm.s32 @!p0 $0x0  }
0x212: {  	s24 =	smin.u32 s24, $0xF4200;
	s25 =	spop (v2sf)  }
0x213: {  	s24 =	sand.u32 $0xFFF80, s24;
	p0 =	sgt.s32 s25, $0x0  }
0x214: {  	s24 =	sadd.s32 s1, s24;
	s25 =	simm.s32 @!p0 $0x0  }
0x215: {  	[tilespmem:s15], [sflag:$0x2] =	stream.linear.gather [hbm4b:s24+s22], $0x400, $0x38;
	[tilespmem:$0x11280] =	vst v63  }
0x216: {  	s28 =	smin.u32 s25, $0xF4200  }
0x217: {  	s24 =	sand.u32 $0xFFF80, s28  }
0x218: {  	s24 =	sadd.s32 s1, s24;
	s25 =	spop (v2sf)  }
0x219: {  	[tilespmem:s16], [sflag:$0x2] =	stream.linear.gather [hbm4b:s24+s22], $0x400, $0x38;
	[tilespmem:$0x11280] =	vst v63  }
0x21a: {  	p0 =	sgt.s32 s25, $0x0  }
0x21b: {  	s25 =	simm.s32 @!p0 $0x0  }
0x21c: {  	s25 =	smin.u32 s25, $0xF4200  }
0x21d: {  	s24 =	sand.u32 $0xFFF80, s25  }
0x21e: {  	s24 =	sadd.s32 s1, s24  }
0x21f: {  	[tilespmem:s17], [sflag:$0x2] =	stream.linear.gather [hbm4b:s24+s22], $0x400, $0x38;
	[tilespmem:$0x11280] =	vst v63  }
0x220: {  	s24 =	spop (v2sf)  }
0x221: {  	p0 =	sgt.s32 s24, $0x0  }
0x222: {  	s24 =	simm.s32 @!p0 $0x0  }
0x223: {  	s24 =	smin.u32 s24, $0xF4200  }
0x224: {  	v4 =	vor.u32 s23, v1;
	s24 =	sand.u32 $0xFFF80, s24  }
0x225: {  	v3 =	vor.u32 s22, v4;
	s26 =	sadd.s32 s1, s24  }
0x226: {  	[tilespmem:s18], [sflag:$0x2] =	stream.linear.gather [hbm4b:s26+s22], $0x400, $0x38;
	[tilespmem:$0x11280] =	vst v63  }
0x227: {  	_ =	swait.ge [sflag:s19], $0x8000  }
0x228: {  	[sflag:s19] =	ssyncset.done $0x0  }
0x229: {  	[sflag:s19] =	ssyncadd.s32 $0xFFFF8000  }
0x22a: {  	v5 =	vld.idx.msk [tilespmem:v3+s3+$0x0], $0xffff;
	_ =	sdelay $0x2  }
0x22b: {  	v6 =	vmov s22;
	v3 =	vmul.u32 $0x400, v1  }
0x22c: {  	v7 =	vand.u32 $0x7, v0;
	v6 =	vshll.u32 v6, $0xA  }
0x22d: {  	v6 =	vor.u32 v3, v6;
	v8 =	vand.u32 $0x7F, v5;
	v5 =	vmul.u32 $0x80, v7  }
0x22e: {  	v6 =	vor.u32 v8, v6  }
0x22f: {  	v6 =	vor.u32 v5, v6;
	_ =	sdelay $0x4  }
0x230: {  	v7 =	vld.idx.msk [tilespmem:v6+s10+$0x0], $0xffff  }
0x231: {  	s28 =	sshll.u32 s21, $0x8  }
0x232: {  	s23 =	sand.u32 $0x3FFFFF00, s28;
	s24 =	simm.s32 $0x2  }
0x233: {  	s23 =	sadd.s32 $0x10200, s23;
	s25 =	simm.s32 $0x4;
	v6 =	vor.u32 s24, v4  }
.LBB2_4:
0x234: {  	p0 =	seq.s32 s25, $0x1E;
	s26 =	sand.u32 $0x80, s22  }
0x235: {  	v7 =	vmul.f32 v7, v2;
	s28 =	sand.u32 $0x70, s22;
	s26 =	sadd.s32 s26, s23  }
0x236: {  	s26 =	sadd.s32 s28, s26  }
0x237: {  	[tilespmem:s26+$0x0] =	vst v7  }
0x238: {  	v6 =	vld.idx.msk [tilespmem:v6+s3+$0x0], $0xffff;
	_ =	sdelay $0x3  }
0x239: {  	v7 =	vmov s24;
	s24 =	smov.u32 s25  }
0x23a: {  	v7 =	vshll.u32 v7, $0xA  }
0x23b: {  	v7 =	vor.u32 v3, v7;
	v6 =	vand.u32 $0x7F, v6  }
0x23c: {  	v6 =	vor.u32 v6, v7  }
0x23d: {  	v6 =	vor.u32 v5, v6;
	_ =	sdelay $0x4  }
.Ltmp5:
0x23e: {  	v7 =	vld.idx.msk [tilespmem:v6+s10+$0x0], $0xffff;
	(pc) =	sbr.rel @!p0 .LBB2_4-.Ltmp5, $2  }
0x23f: {  	_ =	sdelay $0x2  }
0x240: {  	s22 =	sadd.s32 $0x10, s22;
	s25 =	sadd.s32 $0x2, s25;
	v6 =	vor.u32 s24, v4  }
0x241: {  	s25 =	sand.u32 $0x80, s22  }
0x242: {  	v4 =	vmul.f32 v7, v2;
	s26 =	sand.u32 $0x70, s22;
	s25 =	sadd.s32 s25, s23  }
0x243: {  	s25 =	sadd.s32 s26, s25  }
0x244: {  	[tilespmem:s25+$0x0] =	vst v4  }
0x245: {  	v4 =	vld.idx.msk [tilespmem:v6+s3+$0x0], $0xffff;
	_ =	sdelay $0x2  }
0x246: {  	v63 =	vmov s24  }
0x247: {  	v6 =	vshll.u32 v63, $0xA  }
0x248: {  	v3 =	vor.u32 v3, v6;
	v4 =	vand.u32 $0x7F, v4  }
0x249: {  	v3 =	vor.u32 v4, v3  }
0x24a: {  	v3 =	vor.u32 v5, v3;
	_ =	sdelay $0x4  }
0x24b: {  	v3 =	vld.idx.msk [tilespmem:v3+s10+$0x0], $0xffff;
	_ =	sdelay $0x2  }
.Ltmp6:
0x24c: {  	s25 =	sadd.s32 $0x10, s22;
	(pc) =	sbr.rel .LBB2_11-.Ltmp6, $4  }
0x24d: {  	s26 =	sand.u32 $0x80, s25  }
0x24e: {  	s22 =	sand.u32 $0x70, s25;
	s28 =	sadd.s32 s26, s23;
	v3 =	vmul.f32 v3, v2  }
0x24f: {  	s22 =	sadd.s32 s22, s28  }
0x250: {  	[tilespmem:s22+$0x0] =	vst v3  }
.LBB2_6:
0x251: {  	p0 =	seq.s32 s21, $0xF  }
.Ltmp7:
0x252: {  	_ = 	snop;
	(pc) =	sbr.rel @p0 .LBB2_8-.Ltmp7, $1  }
0x253: {  	_ =	sdelay $0x3  }
0x254: {  	s22 =	sshll.u32 s21, $0x5  }
0x255: {  	s22 =	sand.u32 $0x3FFFFFE0, s22  }
0x256: {  	v3 =	vld [tilespmem:s22+$0x20];
	_ =	sdelay $0x4  }
0x257: {  	v3 =	vand.u32 $0xFFFFFF80, v3  }
0x258: {  	v4 =	vnsel vm0, $0x0, v3  }
0x259: {  	(xrf0) =	vadd.scan.msk.s32 $0xffff, v4;
	_ =	sdelay $0x5  }
0x25a: {  	v5 =	vsel vm1, $0x0, v3;
	v4, _, _ =	vpop (xrf0)  }
0x25b: {  	(xrf0) =	vadd.scan.msk.s32 $0xffff, v5;
	(v2sf) =	vpush v4, $0xF;
	_ =	sdelay $0x5  }
0x25c: {  	v15 =	vsel vm2, $0x0, v3;
	v14, _, _ =	vpop (xrf0)  }
0x25d: {  	(xrf0) =	vadd.scan.msk.s32 $0xffff, v15;
	(v2sf) =	vpush v14, $0xF;
	_ =	sdelay $0x5  }
0x25e: {  	v17 =	vsel vm3, $0x0, v3;
	v16, _, _ =	vpop (xrf0)  }
0x25f: {  	(xrf0) =	vadd.scan.msk.s32 $0xffff, v17;
	(v2sf) =	vpush v16, $0xF  }
0x260: {  	s23 =	spop (v2sf)  }
0x261: {  	p0 =	sgt.s32 s23, $0x0  }
0x262: {  	s23 =	simm.s32 @!p0 $0x0  }
0x263: {  	s23 =	smin.u32 s23, $0xF4200  }
0x264: {  	s23 =	sand.u32 $0xFFF80, s23  }
0x265: {  	v18, _, _ =	vpop (xrf0);
	s23 =	sadd.s32 s1, s23  }
0x266: {  	v19 =	vsel vm4, $0x0, v3;
	(v2sf) =	vpush v18, $0xF;
	[tilespmem:s10], [sflag:$0x1] =	stream.linear.gather [hbm4b:s23+s3], $0x400, $0x38;
	[tilespmem:$0x11280] =	vst v63  }
0x267: {  	(xrf0) =	vadd.scan.msk.s32 $0xffff, v19;
	s23 =	spop (v2sf)  }
0x268: {  	p0 =	sgt.s32 s23, $0x0  }
0x269: {  	s23 =	simm.s32 @!p0 $0x0  }
0x26a: {  	s23 =	smin.u32 s23, $0xF4200  }
0x26b: {  	s23 =	sand.u32 $0xFFF80, s23  }
0x26c: {  	s24 =	simm.s32 $0x600;
	s23 =	sadd.s32 s1, s23  }
0x26d: {  	v20 =	vsel vm5, $0x0, v3;
	v4, _, _ =	vpop (xrf0);
	[tilespmem:s24], [sflag:$0x1] =	stream.linear.gather [hbm4b:s23+s3], $0x400, $0x38;
	[tilespmem:$0x11280] =	vst v63  }
0x26e: {  	(xrf0) =	vadd.scan.msk.s32 $0xffff, v20;
	(v2sf) =	vpush v4, $0xF;
	s23 =	spop (v2sf)  }
0x26f: {  	p0 =	sgt.s32 s23, $0x0  }
0x270: {  	s23 =	simm.s32 @!p0 $0x0  }
0x271: {  	s23 =	smin.u32 s23, $0xF4200  }
0x272: {  	s23 =	sand.u32 $0xFFF80, s23  }
0x273: {  	s26 =	simm.s32 $0xA00;
	s23 =	sadd.s32 s1, s23  }
0x274: {  	v22 =	vsel vm6, $0x0, v3;
	v21, _, _ =	vpop (xrf0);
	[tilespmem:s26], [sflag:$0x1] =	stream.linear.gather [hbm4b:s23+s3], $0x400, $0x38;
	[tilespmem:$0x11280] =	vst v63  }
0x275: {  	(xrf0) =	vadd.scan.msk.s32 $0xffff, v22;
	s23 =	spop (v2sf);
	(v2sf) =	vpush v21, $0xF;
	_ =	sdelay $0x1  }
0x276: {  	p0 =	sgt.s32 s23, $0x0  }
0x277: {  	s23 =	simm.s32 @!p0 $0x0  }
0x278: {  	s23 =	smin.u32 s23, $0xF4200  }
0x279: {  	v24 =	vsel vm7, $0x0, v3;
	s23 =	sand.u32 $0xFFF80, s23  }
0x27a: {  	s28 =	simm.s32 $0xE00;
	v23, _, _ =	vpop (xrf0);
	(xrf0) =	vadd.scan.msk.s32 $0xffff, v24;
	s23 =	sadd.s32 s1, s23  }
0x27b: {  	(v2sf) =	vpush v23, $0xF;
	[tilespmem:s28], [sflag:$0x1] =	stream.linear.gather [hbm4b:s23+s3], $0x400, $0x38;
	[tilespmem:$0x11280] =	vst v63  }
0x27c: {  	s23 =	spop (v2sf)  }
0x27d: {  	p0 =	sgt.s32 s23, $0x0  }
0x27e: {  	s23 =	simm.s32 @!p0 $0x0  }
0x27f: {  	s23 =	smin.u32 s23, $0xF4200  }
0x280: {  	s23 =	sand.u32 $0xFFF80, s23  }
0x281: {  	s25 =	simm.s32 $0x1200;
	v25, _, _ =	vpop (xrf0);
	s23 =	sadd.s32 s1, s23  }
0x282: {  	v26 =	vsel vm8, $0x0, v3;
	(v2sf) =	vpush v25, $0xF;
	[tilespmem:s25], [sflag:$0x1] =	stream.linear.gather [hbm4b:s23+s3], $0x400, $0x38;
	[tilespmem:$0x11280] =	vst v63  }
0x283: {  	(xrf0) =	vadd.scan.msk.s32 $0xffff, v26;
	s23 =	spop (v2sf)  }
0x284: {  	p0 =	sgt.s32 s23, $0x0  }
0x285: {  	s23 =	simm.s32 @!p0 $0x0  }
0x286: {  	s23 =	smin.u32 s23, $0xF4200  }
0x287: {  	s23 =	sand.u32 $0xFFF80, s23  }
0x288: {  	s26 =	simm.s32 $0x1600;
	s23 =	sadd.s32 s1, s23  }
0x289: {  	v27 =	vsel vm9, $0x0, v3;
	v4, _, _ =	vpop (xrf0);
	[tilespmem:s26], [sflag:$0x1] =	stream.linear.gather [hbm4b:s23+s3], $0x400, $0x38;
	[tilespmem:$0x11280] =	vst v63  }
0x28a: {  	(xrf0) =	vadd.scan.msk.s32 $0xffff, v27;
	(v2sf) =	vpush v4, $0xF;
	s23 =	spop (v2sf)  }
0x28b: {  	p0 =	sgt.s32 s23, $0x0  }
0x28c: {  	s23 =	simm.s32 @!p0 $0x0  }
0x28d: {  	s23 =	smin.u32 s23, $0xF4200  }
0x28e: {  	s23 =	sand.u32 $0xFFF80, s23  }
0x28f: {  	s28 =	simm.s32 $0x1A00;
	s23 =	sadd.s32 s1, s23  }
0x290: {  	v29 =	vsel vm10, $0x0, v3;
	v28, _, _ =	vpop (xrf0);
	[tilespmem:s28], [sflag:$0x1] =	stream.linear.gather [hbm4b:s23+s3], $0x400, $0x38;
	[tilespmem:$0x11280] =	vst v63  }
0x291: {  	(xrf0) =	vadd.scan.msk.s32 $0xffff, v29;
	s23 =	spop (v2sf);
	(v2sf) =	vpush v28, $0xF;
	_ =	sdelay $0x1  }
0x292: {  	p0 =	sgt.s32 s23, $0x0  }
0x293: {  	s23 =	simm.s32 @!p0 $0x0  }
0x294: {  	s23 =	smin.u32 s23, $0xF4200  }
0x295: {  	v31 =	vsel vm11, $0x0, v3;
	s23 =	sand.u32 $0xFFF80, s23  }
0x296: {  	s25 =	simm.s32 $0x1E00;
	v30, _, _ =	vpop (xrf0);
	(xrf0) =	vadd.scan.msk.s32 $0xffff, v31;
	s23 =	sadd.s32 s1, s23  }
0x297: {  	(v2sf) =	vpush v30, $0xF;
	[tilespmem:s25], [sflag:$0x1] =	stream.linear.gather [hbm4b:s23+s3], $0x400, $0x38;
	[tilespmem:$0x11280] =	vst v63  }
0x298: {  	s23 =	spop (v2sf)  }
0x299: {  	p0 =	sgt.s32 s23, $0x0  }
0x29a: {  	s23 =	simm.s32 @!p0 $0x0  }
0x29b: {  	s23 =	smin.u32 s23, $0xF4200  }
0x29c: {  	s23 =	sand.u32 $0xFFF80, s23  }
0x29d: {  	s26 =	simm.s32 $0x2200;
	v32, _, _ =	vpop (xrf0);
	s23 =	sadd.s32 s1, s23  }
0x29e: {  	v33 =	vsel vm12, $0x0, v3;
	(v2sf) =	vpush v32, $0xF;
	[tilespmem:s26], [sflag:$0x1] =	stream.linear.gather [hbm4b:s23+s3], $0x400, $0x38;
	[tilespmem:$0x11280] =	vst v63  }
0x29f: {  	(xrf0) =	vadd.scan.msk.s32 $0xffff, v33;
	s23 =	spop (v2sf)  }
0x2a0: {  	p0 =	sgt.s32 s23, $0x0  }
0x2a1: {  	s23 =	simm.s32 @!p0 $0x0  }
0x2a2: {  	s23 =	smin.u32 s23, $0xF4200  }
0x2a3: {  	s23 =	sand.u32 $0xFFF80, s23  }
0x2a4: {  	s28 =	simm.s32 $0x2600;
	s23 =	sadd.s32 s1, s23  }
0x2a5: {  	v34 =	vsel vm13, $0x0, v3;
	v4, _, _ =	vpop (xrf0);
	[tilespmem:s28], [sflag:$0x1] =	stream.linear.gather [hbm4b:s23+s3], $0x400, $0x38;
	[tilespmem:$0x11280] =	vst v63  }
0x2a6: {  	(xrf0) =	vadd.scan.msk.s32 $0xffff, v34;
	(v2sf) =	vpush v4, $0xF;
	s23 =	spop (v2sf)  }
0x2a7: {  	p0 =	sgt.s32 s23, $0x0  }
0x2a8: {  	s23 =	simm.s32 @!p0 $0x0  }
0x2a9: {  	s23 =	smin.u32 s23, $0xF4200  }
0x2aa: {  	s23 =	sand.u32 $0xFFF80, s23  }
0x2ab: {  	s25 =	simm.s32 $0x2A00;
	s23 =	sadd.s32 s1, s23  }
0x2ac: {  	v36 =	vsel vm14, $0x0, v3;
	v35, _, _ =	vpop (xrf0);
	[tilespmem:s25], [sflag:$0x1] =	stream.linear.gather [hbm4b:s23+s3], $0x400, $0x38;
	[tilespmem:$0x11280] =	vst v63  }
0x2ad: {  	(xrf0) =	vadd.scan.msk.s32 $0xffff, v36;
	s23 =	spop (v2sf);
	(v2sf) =	vpush v35, $0xF;
	_ =	sdelay $0x1  }
0x2ae: {  	p0 =	sgt.s32 s23, $0x0  }
0x2af: {  	s23 =	simm.s32 @!p0 $0x0  }
0x2b0: {  	s23 =	smin.u32 s23, $0xF4200  }
0x2b1: {  	v3 =	vsel vm15, $0x0, v3;
	s23 =	sand.u32 $0xFFF80, s23  }
0x2b2: {  	s26 =	simm.s32 $0x2E00;
	v37, _, _ =	vpop (xrf0);
	(xrf0) =	vadd.scan.msk.s32 $0xffff, v3;
	s23 =	sadd.s32 s1, s23  }
0x2b3: {  	(v2sf) =	vpush v37, $0xF;
	[tilespmem:s26], [sflag:$0x1] =	stream.linear.gather [hbm4b:s23+s3], $0x400, $0x38;
	[tilespmem:$0x11280] =	vst v63  }
0x2b4: {  	s23 =	spop (v2sf)  }
0x2b5: {  	p0 =	sgt.s32 s23, $0x0  }
0x2b6: {  	s23 =	simm.s32 @!p0 $0x0  }
0x2b7: {  	s23 =	smin.u32 s23, $0xF4200  }
0x2b8: {  	s23 =	sand.u32 $0xFFF80, s23  }
0x2b9: {  	s28 =	simm.s32 $0x3200;
	v3, _, _ =	vpop (xrf0);
	s23 =	sadd.s32 s1, s23  }
0x2ba: {  	(v2sf) =	vpush v3, $0xF;
	[tilespmem:s28], [sflag:$0x1] =	stream.linear.gather [hbm4b:s23+s3], $0x400, $0x38;
	[tilespmem:$0x11280] =	vst v63  }
0x2bb: {  	s23 =	spop (v2sf)  }
0x2bc: {  	p0 =	sgt.s32 s23, $0x0  }
0x2bd: {  	s23 =	simm.s32 @!p0 $0x0  }
0x2be: {  	s23 =	smin.u32 s23, $0xF4200  }
0x2bf: {  	s23 =	sand.u32 $0xFFF80, s23  }
0x2c0: {  	s25 =	simm.s32 $0x3600;
	s23 =	sadd.s32 s1, s23  }
0x2c1: {  	[tilespmem:s25], [sflag:$0x1] =	stream.linear.gather [hbm4b:s23+s3], $0x400, $0x38;
	[tilespmem:$0x11280] =	vst v63  }
0x2c2: {  	s23 =	spop (v2sf)  }
0x2c3: {  	p0 =	sgt.s32 s23, $0x0  }
0x2c4: {  	s23 =	simm.s32 @!p0 $0x0  }
0x2c5: {  	s23 =	smin.u32 s23, $0xF4200  }
0x2c6: {  	s23 =	sand.u32 $0xFFF80, s23  }
0x2c7: {  	s26 =	simm.s32 $0x3A00;
	s23 =	sadd.s32 s1, s23  }
0x2c8: {  	[tilespmem:s26], [sflag:$0x1] =	stream.linear.gather [hbm4b:s23+s3], $0x400, $0x38;
	[tilespmem:$0x11280] =	vst v63  }
0x2c9: {  	s23 =	spop (v2sf)  }
0x2ca: {  	p0 =	sgt.s32 s23, $0x0  }
0x2cb: {  	s23 =	simm.s32 @!p0 $0x0  }
0x2cc: {  	s23 =	smin.u32 s23, $0xF4200  }
0x2cd: {  	s23 =	sand.u32 $0xFFF80, s23  }
0x2ce: {  	s28 =	simm.s32 $0x3E00;
	s23 =	sadd.s32 s1, s23  }
0x2cf: {  	[tilespmem:s28], [sflag:$0x1] =	stream.linear.gather [hbm4b:s23+s3], $0x400, $0x38;
	[tilespmem:$0x11280] =	vst v63  }
0x2d0: {  	v3 =	vld [tilespmem:s22+$0x30];
	_ =	sdelay $0x4  }
0x2d1: {  	v3 =	vand.u32 $0xFFFFFF80, v3  }
0x2d2: {  	v38 =	vnsel vm0, $0x0, v3  }
0x2d3: {  	(xrf0) =	vadd.scan.msk.s32 $0xffff, v38;
	_ =	sdelay $0x5  }
0x2d4: {  	v39 =	vsel vm1, $0x0, v3;
	v4, _, _ =	vpop (xrf0)  }
0x2d5: {  	(xrf0) =	vadd.scan.msk.s32 $0xffff, v39;
	(v2sf) =	vpush v4, $0xF;
	_ =	sdelay $0x5  }
0x2d6: {  	v41 =	vsel vm2, $0x0, v3;
	v40, _, _ =	vpop (xrf0)  }
0x2d7: {  	(xrf0) =	vadd.scan.msk.s32 $0xffff, v41;
	(v2sf) =	vpush v40, $0xF;
	_ =	sdelay $0x5  }
0x2d8: {  	v43 =	vsel vm3, $0x0, v3;
	v42, _, _ =	vpop (xrf0)  }
0x2d9: {  	(xrf0) =	vadd.scan.msk.s32 $0xffff, v43;
	(v2sf) =	vpush v42, $0xF  }
0x2da: {  	s22 =	spop (v2sf)  }
0x2db: {  	p0 =	sgt.s32 s22, $0x0  }
0x2dc: {  	s22 =	simm.s32 @!p0 $0x0  }
0x2dd: {  	s22 =	smin.u32 s22, $0xF4200  }
0x2de: {  	s22 =	sand.u32 $0xFFF80, s22  }
0x2df: {  	s24 =	simm.s32 $0x4200;
	v44, _, _ =	vpop (xrf0);
	s22 =	sadd.s32 s1, s22  }
0x2e0: {  	v45 =	vsel vm4, $0x0, v3;
	(v2sf) =	vpush v44, $0xF;
	[tilespmem:s24], [sflag:$0x1] =	stream.linear.gather [hbm4b:s22+s3], $0x400, $0x38;
	[tilespmem:$0x11280] =	vst v63  }
0x2e1: {  	(xrf0) =	vadd.scan.msk.s32 $0xffff, v45;
	s22 =	spop (v2sf)  }
0x2e2: {  	p0 =	sgt.s32 s22, $0x0  }
0x2e3: {  	s22 =	simm.s32 @!p0 $0x0  }
0x2e4: {  	s22 =	smin.u32 s22, $0xF4200  }
0x2e5: {  	s22 =	sand.u32 $0xFFF80, s22  }
0x2e6: {  	s25 =	simm.s32 $0x4600;
	s22 =	sadd.s32 s1, s22  }
0x2e7: {  	v46 =	vsel vm5, $0x0, v3;
	v4, _, _ =	vpop (xrf0);
	[tilespmem:s25], [sflag:$0x1] =	stream.linear.gather [hbm4b:s22+s3], $0x400, $0x38;
	[tilespmem:$0x11280] =	vst v63  }
0x2e8: {  	(xrf0) =	vadd.scan.msk.s32 $0xffff, v46;
	(v2sf) =	vpush v4, $0xF;
	s22 =	spop (v2sf)  }
0x2e9: {  	p0 =	sgt.s32 s22, $0x0  }
0x2ea: {  	s22 =	simm.s32 @!p0 $0x0  }
0x2eb: {  	s22 =	smin.u32 s22, $0xF4200  }
0x2ec: {  	s22 =	sand.u32 $0xFFF80, s22  }
0x2ed: {  	s26 =	simm.s32 $0x4A00;
	s22 =	sadd.s32 s1, s22  }
0x2ee: {  	v48 =	vsel vm6, $0x0, v3;
	v47, _, _ =	vpop (xrf0);
	[tilespmem:s26], [sflag:$0x1] =	stream.linear.gather [hbm4b:s22+s3], $0x400, $0x38;
	[tilespmem:$0x11280] =	vst v63  }
0x2ef: {  	(xrf0) =	vadd.scan.msk.s32 $0xffff, v48;
	s22 =	spop (v2sf);
	(v2sf) =	vpush v47, $0xF;
	_ =	sdelay $0x1  }
0x2f0: {  	p0 =	sgt.s32 s22, $0x0  }
0x2f1: {  	s22 =	simm.s32 @!p0 $0x0  }
0x2f2: {  	s22 =	smin.u32 s22, $0xF4200  }
0x2f3: {  	v50 =	vsel vm7, $0x0, v3;
	s22 =	sand.u32 $0xFFF80, s22  }
0x2f4: {  	s28 =	simm.s32 $0x4E00;
	v49, _, _ =	vpop (xrf0);
	(xrf0) =	vadd.scan.msk.s32 $0xffff, v50;
	s22 =	sadd.s32 s1, s22  }
0x2f5: {  	(v2sf) =	vpush v49, $0xF;
	[tilespmem:s28], [sflag:$0x1] =	stream.linear.gather [hbm4b:s22+s3], $0x400, $0x38;
	[tilespmem:$0x11280] =	vst v63  }
0x2f6: {  	s22 =	spop (v2sf)  }
0x2f7: {  	p0 =	sgt.s32 s22, $0x0  }
0x2f8: {  	s22 =	simm.s32 @!p0 $0x0  }
0x2f9: {  	s22 =	smin.u32 s22, $0xF4200  }
0x2fa: {  	s22 =	sand.u32 $0xFFF80, s22  }
0x2fb: {  	s24 =	simm.s32 $0x5200;
	v51, _, _ =	vpop (xrf0);
	s22 =	sadd.s32 s1, s22  }
0x2fc: {  	v52 =	vsel vm8, $0x0, v3;
	(v2sf) =	vpush v51, $0xF;
	[tilespmem:s24], [sflag:$0x1] =	stream.linear.gather [hbm4b:s22+s3], $0x400, $0x38;
	[tilespmem:$0x11280] =	vst v63  }
0x2fd: {  	(xrf0) =	vadd.scan.msk.s32 $0xffff, v52;
	s22 =	spop (v2sf)  }
0x2fe: {  	p0 =	sgt.s32 s22, $0x0  }
0x2ff: {  	s22 =	simm.s32 @!p0 $0x0  }
0x300: {  	s22 =	smin.u32 s22, $0xF4200  }
0x301: {  	s22 =	sand.u32 $0xFFF80, s22  }
0x302: {  	s25 =	simm.s32 $0x5600;
	s22 =	sadd.s32 s1, s22  }
0x303: {  	v53 =	vsel vm9, $0x0, v3;
	v4, _, _ =	vpop (xrf0);
	[tilespmem:s25], [sflag:$0x1] =	stream.linear.gather [hbm4b:s22+s3], $0x400, $0x38;
	[tilespmem:$0x11280] =	vst v63  }
0x304: {  	(xrf0) =	vadd.scan.msk.s32 $0xffff, v53;
	(v2sf) =	vpush v4, $0xF;
	s22 =	spop (v2sf)  }
0x305: {  	p0 =	sgt.s32 s22, $0x0  }
0x306: {  	s22 =	simm.s32 @!p0 $0x0  }
0x307: {  	s22 =	smin.u32 s22, $0xF4200  }
0x308: {  	s22 =	sand.u32 $0xFFF80, s22  }
0x309: {  	s26 =	simm.s32 $0x5A00;
	s22 =	sadd.s32 s1, s22  }
0x30a: {  	v55 =	vsel vm10, $0x0, v3;
	v54, _, _ =	vpop (xrf0);
	[tilespmem:s26], [sflag:$0x1] =	stream.linear.gather [hbm4b:s22+s3], $0x400, $0x38;
	[tilespmem:$0x11280] =	vst v63  }
0x30b: {  	(xrf0) =	vadd.scan.msk.s32 $0xffff, v55;
	s22 =	spop (v2sf);
	(v2sf) =	vpush v54, $0xF;
	_ =	sdelay $0x1  }
0x30c: {  	p0 =	sgt.s32 s22, $0x0  }
0x30d: {  	s22 =	simm.s32 @!p0 $0x0  }
0x30e: {  	s22 =	smin.u32 s22, $0xF4200  }
0x30f: {  	v57 =	vsel vm11, $0x0, v3;
	s22 =	sand.u32 $0xFFF80, s22  }
0x310: {  	s28 =	simm.s32 $0x5E00;
	v56, _, _ =	vpop (xrf0);
	(xrf0) =	vadd.scan.msk.s32 $0xffff, v57;
	s22 =	sadd.s32 s1, s22  }
0x311: {  	(v2sf) =	vpush v56, $0xF;
	[tilespmem:s28], [sflag:$0x1] =	stream.linear.gather [hbm4b:s22+s3], $0x400, $0x38;
	[tilespmem:$0x11280] =	vst v63  }
0x312: {  	s22 =	spop (v2sf)  }
0x313: {  	p0 =	sgt.s32 s22, $0x0  }
0x314: {  	s22 =	simm.s32 @!p0 $0x0  }
0x315: {  	s22 =	smin.u32 s22, $0xF4200  }
0x316: {  	v59 =	vsel vm12, $0x0, v3;
	s22 =	sand.u32 $0xFFF80, s22  }
0x317: {  	s24 =	simm.s32 $0x6200;
	v58, _, _ =	vpop (xrf0);
	(xrf0) =	vadd.scan.msk.s32 $0xffff, v59;
	s22 =	sadd.s32 s1, s22  }
0x318: {  	(v2sf) =	vpush v58, $0xF;
	[tilespmem:s24], [sflag:$0x1] =	stream.linear.gather [hbm4b:s22+s3], $0x400, $0x38;
	[tilespmem:$0x11280] =	vst v63  }
0x319: {  	s22 =	spop (v2sf)  }
0x31a: {  	p0 =	sgt.s32 s22, $0x0  }
0x31b: {  	s22 =	simm.s32 @!p0 $0x0  }
0x31c: {  	s22 =	smin.u32 s22, $0xF4200  }
0x31d: {  	v60 =	vsel vm13, $0x0, v3;
	s22 =	sand.u32 $0xFFF80, s22  }
0x31e: {  	s25 =	simm.s32 $0x6600;
	v4, _, _ =	vpop (xrf0);
	(xrf0) =	vadd.scan.msk.s32 $0xffff, v60;
	s22 =	sadd.s32 s1, s22  }
0x31f: {  	(v2sf) =	vpush v4, $0xF;
	[tilespmem:s25], [sflag:$0x1] =	stream.linear.gather [hbm4b:s22+s3], $0x400, $0x38;
	[tilespmem:$0x11280] =	vst v63  }
0x320: {  	s22 =	spop (v2sf)  }
0x321: {  	p0 =	sgt.s32 s22, $0x0  }
0x322: {  	s22 =	simm.s32 @!p0 $0x0  }
0x323: {  	s22 =	smin.u32 s22, $0xF4200  }
0x324: {  	v62 =	vsel vm14, $0x0, v3;
	s22 =	sand.u32 $0xFFF80, s22  }
0x325: {  	s26 =	simm.s32 $0x6A00;
	v61, _, _ =	vpop (xrf0);
	(xrf0) =	vadd.scan.msk.s32 $0xffff, v62;
	s22 =	sadd.s32 s1, s22  }
0x326: {  	(v2sf) =	vpush v61, $0xF;
	[tilespmem:s26], [sflag:$0x1] =	stream.linear.gather [hbm4b:s22+s3], $0x400, $0x38;
	[tilespmem:$0x11280] =	vst v63  }
0x327: {  	s22 =	spop (v2sf)  }
0x328: {  	p0 =	sgt.s32 s22, $0x0  }
0x329: {  	s22 =	simm.s32 @!p0 $0x0  }
0x32a: {  	s22 =	smin.u32 s22, $0xF4200  }
0x32b: {  	v3 =	vsel vm15, $0x0, v3;
	s22 =	sand.u32 $0xFFF80, s22  }
0x32c: {  	s28 =	simm.s32 $0x6E00;
	v63, _, _ =	vpop (xrf0);
	(xrf0) =	vadd.scan.msk.s32 $0xffff, v3;
	s22 =	sadd.s32 s1, s22  }
0x32d: {  	(v2sf) =	vpush v63, $0xF;
	[tilespmem:s28], [sflag:$0x1] =	stream.linear.gather [hbm4b:s22+s3], $0x400, $0x38;
	[tilespmem:$0x11280] =	vst v63  }
0x32e: {  	s22 =	spop (v2sf)  }
0x32f: {  	p0 =	sgt.s32 s22, $0x0  }
0x330: {  	s22 =	simm.s32 @!p0 $0x0  }
0x331: {  	s22 =	smin.u32 s22, $0xF4200  }
0x332: {  	s22 =	sand.u32 $0xFFF80, s22  }
0x333: {  	s24 =	simm.s32 $0x7200;
	v3, _, _ =	vpop (xrf0);
	s22 =	sadd.s32 s1, s22  }
0x334: {  	(v2sf) =	vpush v3, $0xF;
	[tilespmem:s24], [sflag:$0x1] =	stream.linear.gather [hbm4b:s22+s3], $0x400, $0x38;
	[tilespmem:$0x11280] =	vst v63  }
0x335: {  	s22 =	spop (v2sf)  }
0x336: {  	p0 =	sgt.s32 s22, $0x0  }
0x337: {  	s22 =	simm.s32 @!p0 $0x0  }
0x338: {  	s22 =	smin.u32 s22, $0xF4200  }
0x339: {  	s22 =	sand.u32 $0xFFF80, s22  }
0x33a: {  	s25 =	simm.s32 $0x7600;
	s22 =	sadd.s32 s1, s22  }
0x33b: {  	[tilespmem:s25], [sflag:$0x1] =	stream.linear.gather [hbm4b:s22+s3], $0x400, $0x38;
	[tilespmem:$0x11280] =	vst v63  }
0x33c: {  	s22 =	spop (v2sf)  }
0x33d: {  	p0 =	sgt.s32 s22, $0x0  }
0x33e: {  	s22 =	simm.s32 @!p0 $0x0  }
0x33f: {  	s22 =	smin.u32 s22, $0xF4200  }
0x340: {  	s22 =	sand.u32 $0xFFF80, s22  }
0x341: {  	s26 =	simm.s32 $0x7A00;
	s22 =	sadd.s32 s1, s22  }
0x342: {  	[tilespmem:s26], [sflag:$0x1] =	stream.linear.gather [hbm4b:s22+s3], $0x400, $0x38;
	[tilespmem:$0x11280] =	vst v63  }
0x343: {  	s22 =	spop (v2sf)  }
0x344: {  	p0 =	sgt.s32 s22, $0x0  }
0x345: {  	s22 =	simm.s32 @!p0 $0x0  }
0x346: {  	s22 =	smin.u32 s22, $0xF4200  }
0x347: {  	s22 =	sand.u32 $0xFFF80, s22  }
0x348: {  	s28 =	simm.s32 $0x7E00;
	s22 =	sadd.s32 s1, s22  }
0x349: {  	[tilespmem:s28], [sflag:$0x1] =	stream.linear.gather [hbm4b:s22+s3], $0x400, $0x38;
	[tilespmem:$0x11280] =	vst v63  }
.LBB2_8:
0x34a: {  	s22 =	sshll.u32 s21, $0x5  }
0x34b: {  	v5 =	vor.u32 s22, v1;
	s22 =	simm.s32 $0x0  }
0x34c: {  	v3 =	vor.u32 s22, v5;
	_ =	sdelay $0x1  }
0x34d: {  	_ =	swait.ge [sflag:s20], $0x8000  }
0x34e: {  	[sflag:s20] =	ssyncset.done $0x0  }
0x34f: {  	[sflag:s20] =	ssyncadd.s32 $0xFFFF8000  }
0x350: {  	v4 =	vld.idx.msk [tilespmem:v3+s3+$0x0], $0xffff;
	_ =	sdelay $0x2  }
0x351: {  	v6 =	vmov s22;
	v3 =	vmul.u32 $0x400, v1  }
0x352: {  	v7 =	vand.u32 $0x7, v0;
	v6 =	vshll.u32 v6, $0xA  }
0x353: {  	v6 =	vor.u32 v3, v6;
	v8 =	vand.u32 $0x7F, v4;
	v4 =	vmul.u32 $0x80, v7  }
0x354: {  	v6 =	vor.u32 v8, v6  }
0x355: {  	v6 =	vor.u32 v4, v6;
	_ =	sdelay $0x4  }
0x356: {  	v7 =	vld.idx.msk [tilespmem:v6+s14+$0x0], $0xffff  }
0x357: {  	s23 =	sshll.u32 s21, $0x8  }
0x358: {  	s24 =	simm.s32 $0x2;
	s23 =	sand.u32 $0x3FFFFF00, s23  }
0x359: {  	s25 =	simm.s32 $0x4;
	s23 =	sadd.s32 $0x10200, s23;
	v6 =	vor.u32 s24, v5  }
.LBB2_9:
0x35a: {  	p0 =	sne.s32 s25, $0x1E;
	s26 =	sand.u32 $0x80, s22  }
0x35b: {  	v7 =	vmul.f32 v7, v2;
	s28 =	sand.u32 $0x70, s22;
	s26 =	sadd.s32 s26, s23  }
0x35c: {  	s26 =	sadd.s32 s28, s26  }
0x35d: {  	[tilespmem:s26+$0x0] =	vst v7  }
0x35e: {  	v6 =	vld.idx.msk [tilespmem:v6+s3+$0x0], $0xffff;
	_ =	sdelay $0x3  }
0x35f: {  	v7 =	vmov s24;
	s24 =	smov.u32 s25  }
0x360: {  	v7 =	vshll.u32 v7, $0xA  }
0x361: {  	v7 =	vor.u32 v3, v7;
	v6 =	vand.u32 $0x7F, v6  }
0x362: {  	v6 =	vor.u32 v6, v7  }
0x363: {  	v6 =	vor.u32 v4, v6;
	_ =	sdelay $0x4  }
.Ltmp8:
0x364: {  	v7 =	vld.idx.msk [tilespmem:v6+s14+$0x0], $0xffff;
	(pc) =	sbr.rel @p0 .LBB2_9-.Ltmp8, $2  }
0x365: {  	_ =	sdelay $0x2  }
0x366: {  	s22 =	sadd.s32 $0x10, s22;
	s25 =	sadd.s32 $0x2, s25;
	v6 =	vor.u32 s24, v5  }
.Ltmp9:
0x367: {  	_ = 	snop;
	(pc) =	sbr.rel .LBB2_10-.Ltmp9, $1  }
0x368: {  	_ =	sdelay $0x3  }
.LBB2_13:
0x369: {  	_ =	sfence.sel $0x180000  }
0x36a: {  	[bflag:$0x0] =	sbarrier.arrive $0xFFFF  }
0x36b: {  	_ =	strace $0x90000047  }
0x36c: {  	s0 =	stileid.u32;
	[bflag:$0x2] =	sbarrier.arrive $0xFFFF  }
0x36d: {  	p0 =	sne.s32 s0, $0x0;
	s0 =	rddreg [dreg:$0x4]  }
0x36e: {  	s0 =	sadd.s32 @!p0 $0x100000, s0  }
0x36f: {  	[sflag:s0] =	ssyncadd.tile.s32 @!p0 $0x1;
	_ =	shalt  }
.Lfunc_end2:
_tile_overlayer_lowered:
.L_overlay_start_2:
0x370: {  	(tag) =	ssettag $0x2  }
0x371: {  	s0 =	rddreg [dreg:$0x0];
	s2 =	stileid.u32  }
0x372: {  	s1 =	rddreg [dreg:$0x1];
	p0 =	sne.s32 s2, $0x0  }
0x373: {  	s3 =	rddreg [dreg:$0x2];
	[bflag:$0x3] =	sbarrier.arrive $0xFFFF;
	s2 =	simm.s32 @!p0 $0x1C03  }
0x374: {  	[timem:s3], [sflag:s2] =	dma.local @!p0 [hbm:s0], s1  }
0x375: {  	s0 =	simm.s32 @!p0 $0x3  }
0x376: {  	_ =	swait.ge @!p0 [sflag:s0], s1  }
0x377: {  	s1 =	ssub.s32 @!p0 $0x0, s1;
	[sflag:s0] =	ssyncset.done @!p0 $0x0  }
0x378: {  	[sflag:s0] =	ssyncadd.s32 @!p0 s1  }
0x379: {  	[bflag:$0x3] =	sbarrier.arrive $0xFFFF  }
0x37a: {  	_ =	shalt  }

</sc_bundles>
